<compile_context>
chip_gen: v7x
topology: tpu7x:2x2x1
jax: 0.10.2.dev20260603
libtpu: 0.0.44.dev20260713+nightly
codegen_flags: <defaults>
</compile_context>

<pallas_src>
import functools

import jax
import jax.numpy as jnp
from jax import lax
from jax.experimental import pallas as pl
from jax.experimental.pallas import tpu as pltpu
from jax.experimental.pallas import tpu_sc as plsc

N = 10000
E = 320000
D = 128

NC, NS, LANES = 2, 16, 16
NW = NC * NS
CHUNK = 128
N_PAD = 10112
ROWS_PER_TILE = N_PAD // NS
CNT_W = 16

NBUF = 4
_N_CHUNKS = -(-E // CHUNK)
_CPT = -(-_N_CHUNKS // (NS * NBUF)) * NBUF
E_PAD = _CPT * NS * CHUNK


DH = D // NC


def _make_agg(with_cnt: bool):
    mesh = plsc.VectorSubcoreMesh(core_axis_name="c", subcore_axis_name="s")
    agg_ty = jax.ShapeDtypeStruct((NC, N_PAD, DH), jnp.float32)
    if with_cnt:
        out_type = [agg_ty,
                    jax.ShapeDtypeStruct((NC, N_PAD, CNT_W), jnp.float32)]
    else:
        out_type = agg_ty
    scratch_types = [
        pltpu.VMEM((_CPT, CHUNK), jnp.int32),
        pltpu.VMEM((_CPT, CHUNK), jnp.int32),
        [pltpu.VMEM((CHUNK,), jnp.int32) for _ in range(NBUF)],
        [pltpu.VMEM((CHUNK,), jnp.int32) for _ in range(NBUF)],
        [pltpu.VMEM((CHUNK, DH), jnp.float32) for _ in range(NBUF)],
        pltpu.VMEM((CHUNK, CNT_W), jnp.float32),
        pltpu.VMEM((CHUNK, CNT_W), jnp.float32),
        pltpu.VMEM_SHARED((N_PAD, DH), jnp.float32),
        pltpu.VMEM_SHARED((N_PAD, CNT_W), jnp.float32),
        [pltpu.SemaphoreType.DMA for _ in range(NBUF)],
        [pltpu.SemaphoreType.DMA for _ in range(NBUF)],
        pltpu.SemaphoreType.DMA,
    ]

    def body(x0_hbm, x1_hbm, src_hbm, dst_hbm, *rest):
        if with_cnt:
            out_hbm, cnt_hbm = rest[0], rest[1]
            rest = rest[2:]
        else:
            out_hbm = rest[0]
            cnt_hbm = None
            rest = rest[1:]
        (srcs_v, dsts_v, src_v, dst_v, rows, ones_v, zc_v, acc_sh, cnt_sh,
         gsem, ssem, csem) = rest

        c = lax.axis_index("c")
        s = lax.axis_index("s")
        chunk0 = s * _CPT

        pltpu.sync_copy(src_hbm.at[pl.ds(chunk0, _CPT)], srcs_v)
        pltpu.sync_copy(dst_hbm.at[pl.ds(chunk0, _CPT)], dsts_v)

        def _fill_row(i, _):
            for k in range(DH // LANES):
                rows[0][i, pl.ds(k * LANES, LANES)] = jnp.zeros((LANES,), jnp.float32)
            for k in range(CNT_W // LANES):
                ones_v[i, pl.ds(k * LANES, LANES)] = jnp.ones((LANES,), jnp.float32)
                zc_v[i, pl.ds(k * LANES, LANES)] = jnp.zeros((LANES,), jnp.float32)
            return 0
        lax.fori_loop(0, CHUNK, _fill_row, 0)

        base_r = s * ROWS_PER_TILE
        n_full = ROWS_PER_TILE // CHUNK
        rem = ROWS_PER_TILE - n_full * CHUNK
        def _zero_acc(i, _):
            pltpu.sync_copy(rows[0], acc_sh.at[pl.ds(base_r + i * CHUNK, CHUNK)])
            pltpu.sync_copy(zc_v, cnt_sh.at[pl.ds(base_r + i * CHUNK, CHUNK)])
            return 0
        lax.fori_loop(0, n_full, _zero_acc, 0)
        if rem:
            pltpu.sync_copy(rows[0].at[pl.ds(0, rem)],
                            acc_sh.at[pl.ds(base_r + n_full * CHUNK, rem)])
            pltpu.sync_copy(zc_v.at[pl.ds(0, rem)],
                            cnt_sh.at[pl.ds(base_r + n_full * CHUNK, rem)])

        plsc.subcore_barrier()

        def _gissue(j, b):
            for k in range(CHUNK // LANES):
                src_v[b][pl.ds(k * LANES, LANES)] = srcs_v[j, pl.ds(k * LANES, LANES)]
            @pl.when(c == 0)
            def _():
                pltpu.async_copy(x0_hbm.at[src_v[b]], rows[b], gsem[b])
            @pl.when(c == 1)
            def _():
                pltpu.async_copy(x1_hbm.at[src_v[b]], rows[b], gsem[b])

        for b in range(NBUF):
            _gissue(b, b)

        def _round(i, _):
            for b in range(NBUF):
                j = i * NBUF + b
                for k in range(CHUNK // LANES):
                    dst_v[b][pl.ds(k * LANES, LANES)] = dsts_v[j, pl.ds(k * LANES, LANES)]
                pltpu.make_async_copy(x0_hbm.at[src_v[b]], rows[b],
                                      gsem[b]).wait()
                pltpu.sync_copy(rows[b], acc_sh.at[dst_v[b]], add=True)
                if with_cnt:
                    @pl.when((j < _CPT // 2) == (c == 0))
                    def _():
                        pltpu.sync_copy(ones_v, cnt_sh.at[dst_v[b]], add=True)
                @pl.when(j + NBUF < _CPT)
                def _():
                    _gissue(j + NBUF, b)
            return 0
        lax.fori_loop(0, _CPT // NBUF, _round, 0)

        plsc.subcore_barrier()

        pltpu.sync_copy(acc_sh.at[pl.ds(base_r, ROWS_PER_TILE)],
                        out_hbm.at[c, pl.ds(base_r, ROWS_PER_TILE)])
        if with_cnt:
            pltpu.sync_copy(cnt_sh.at[pl.ds(base_r, ROWS_PER_TILE)],
                            cnt_hbm.at[c, pl.ds(base_r, ROWS_PER_TILE)])

    return pl.kernel(body, out_type=out_type, mesh=mesh,
                     scratch_types=scratch_types,
                     compiler_params=pltpu.CompilerParams(
                         use_tc_tiling_on_sc=False))


_agg_with_cnt = _make_agg(True)
_agg_no_cnt = _make_agg(False)

_ROWS_BLK = 1264


def _dense_body(parts_ref, cnt_ref, xa_ref, xb_ref, wn_ref, ws_ref, b_ref,
                *out_refs, act):
    agg = jnp.concatenate([parts_ref[0], parts_ref[1]], axis=1)
    cnt = cnt_ref[0, :, 0:1] + cnt_ref[1, :, 0:1]
    mean = agg / jnp.maximum(cnt, 1.0)
    xcat = jnp.concatenate([xa_ref[...], xb_ref[...]], axis=1)
    y = (jnp.dot(mean, wn_ref[...], preferred_element_type=jnp.float32)
         + jnp.dot(xcat, ws_ref[...], preferred_element_type=jnp.float32)
         + b_ref[...])
    if act == "elu":
        h = jnp.where(y > 0, y, jnp.exp(jnp.minimum(y, 0.0)) - 1.0)
        out_refs[0][...] = h[:, :DH]
        out_refs[1][...] = h[:, DH:]
    else:
        m = jnp.max(y, axis=1, keepdims=True)
        lse = jnp.log(jnp.sum(jnp.exp(y - m), axis=1, keepdims=True)) + m
        out_refs[0][...] = y - lse


def _dense(parts, cnt, xa, xb, w_neigh, w_self, b, act):
    grid = N_PAD // _ROWS_BLK
    if act == "elu":
        out_specs = [pl.BlockSpec((_ROWS_BLK, DH), lambda i: (i, 0)),
                     pl.BlockSpec((_ROWS_BLK, DH), lambda i: (i, 0))]
        out_shape = [jax.ShapeDtypeStruct((N_PAD, DH), jnp.float32),
                     jax.ShapeDtypeStruct((N_PAD, DH), jnp.float32)]
    else:
        out_specs = pl.BlockSpec((_ROWS_BLK, D), lambda i: (i, 0))
        out_shape = jax.ShapeDtypeStruct((N_PAD, D), jnp.float32)
    return pl.pallas_call(
        functools.partial(_dense_body, act=act),
        grid=(grid,),
        in_specs=[
            pl.BlockSpec((NC, _ROWS_BLK, DH), lambda i: (0, i, 0)),
            pl.BlockSpec((NC, _ROWS_BLK, CNT_W), lambda i: (0, i, 0)),
            pl.BlockSpec((_ROWS_BLK, DH), lambda i: (i, 0)),
            pl.BlockSpec((_ROWS_BLK, DH), lambda i: (i, 0)),
            pl.BlockSpec((D, D), lambda i: (0, 0)),
            pl.BlockSpec((D, D), lambda i: (0, 0)),
            pl.BlockSpec((1, D), lambda i: (0, 0)),
        ],
        out_specs=out_specs,
        out_shape=out_shape,
    )(parts, cnt, xa, xb, w_neigh, w_self, b)


def kernel(x, edge_index, W1_neigh, W1_self, b1, W2_neigh, W2_self, b2):
    src = edge_index[0]
    dst = edge_index[1]
    pad = E_PAD - E
    src_p = jnp.concatenate([src, jnp.zeros((pad,), jnp.int32)]).reshape(-1, CHUNK)
    dst_p = jnp.concatenate([dst, jnp.full((pad,), N, jnp.int32)]).reshape(-1, CHUNK)
    x0 = jnp.pad(x[:, :DH], ((0, N_PAD - N), (0, 0)))
    x1 = jnp.pad(x[:, DH:], ((0, N_PAD - N), (0, 0)))

    parts1, cnt = _agg_with_cnt(x0, x1, src_p, dst_p)
    h0, h1 = _dense(parts1, cnt, x0, x1, W1_neigh, W1_self,
                    b1.reshape(1, D), "elu")
    parts2 = _agg_no_cnt(h0, h1, src_p, dst_p)
    out = _dense(parts2, cnt, h0, h1, W2_neigh, W2_self,
                 b2.reshape(1, D), "lsm")
    return out[:N]

# --- scband reference (transcript-rebuilt; emitter-appended) ---
"""Pipeline reference for scband-sage-gat-2319282340413 (READ-ONLY COPY).

The authoritative reference and input builder live on the scoring server;
editing this copy changes nothing except your own understanding.
"""

import jax, jax.numpy as jnp
import numpy as np

N = 10000
E = 320000
D = 128
H = 128
C = 128


def _sage_conv(x, src, dst, W_neigh, W_self, b, num_nodes):
    # PyG SAGEConv (aggr='mean', root_weight=True, normalize=False):
    # out_i = lin_l(mean_{j in N(i)} x_j) + lin_r(x_i); lin_l carries the bias.
    msg = jnp.take(x, src, axis=0)                                   # gather  [E, d]
    agg = jax.ops.segment_sum(msg, dst, num_segments=num_nodes)      # scatter-add [N, d]
    cnt = jax.ops.segment_sum(jnp.ones((src.shape[0],), jnp.float32), dst, num_segments=num_nodes)
    mean = agg / jnp.clip(cnt, 1.0, None)[:, None]
    return mean @ W_neigh + x @ W_self + b


def setup_inputs(seed: int = 0) -> dict:
    key = jax.random.key(seed)
    ks = jax.random.split(key, 9)
    x = jax.random.normal(ks[0], (N, D), dtype=jnp.float32)
    edge_index = jax.random.randint(ks[1], (2, E), 0, N, dtype=jnp.int32)
    s1 = 1.0 / np.sqrt(D)
    s2 = 1.0 / np.sqrt(H)
    W1_neigh = jax.random.normal(ks[2], (D, H), dtype=jnp.float32) * s1
    W1_self = jax.random.normal(ks[3], (D, H), dtype=jnp.float32) * s1
    b1 = jnp.zeros((H,), jnp.float32)
    W2_neigh = jax.random.normal(ks[4], (H, C), dtype=jnp.float32) * s2
    W2_self = jax.random.normal(ks[5], (H, C), dtype=jnp.float32) * s2
    b2 = jnp.zeros((C,), jnp.float32)
    return {"x": x, "edge_index": edge_index, "W1_neigh": W1_neigh, "W1_self": W1_self, "b1": b1,
            "W2_neigh": W2_neigh, "W2_self": W2_self, "b2": b2}


def reference(x, edge_index, W1_neigh, W1_self, b1, W2_neigh, W2_self, b2):
    # eval mode: F.dropout(p=0.6, training=False) is the identity
    src = edge_index[0]
    dst = edge_index[1]
    h = _sage_conv(x, src, dst, W1_neigh, W1_self, b1, N)
    h = jax.nn.elu(h)
    out = _sage_conv(h, src, dst, W2_neigh, W2_self, b2, N)
    return jax.nn.log_softmax(out, axis=1)

if __name__ == "__main__":
    import jax
    _d = setup_inputs()
    print(jax.jit(kernel)(*tuple(_d.values())))

</pallas_src>

<mosaic_0001>
#map = affine_map<(d0, d1) -> (0, 0)>
#map1 = affine_map<(d0, d1) -> (0, 0, 0)>
module attributes {stable_mosaic.version = 14 : i64} {
  func.func @body(%arg0: i32, %arg1: i32, %arg2: memref<10112x64xf32, #tpu.memory_space<hbm>>, %arg3: memref<10112x64xf32, #tpu.memory_space<hbm>>, %arg4: memref<2560x128xi32, #tpu.memory_space<hbm>>, %arg5: memref<2560x128xi32, #tpu.memory_space<hbm>>, %arg6: memref<2x10112x64xf32, #tpu.memory_space<hbm>>, %arg7: memref<2x10112x16xf32, #tpu.memory_space<hbm>>, %arg8: memref<160x128xi32, #tpu.memory_space<vmem>>, %arg9: memref<160x128xi32, #tpu.memory_space<vmem>>, %arg10: memref<128xi32, #tpu.memory_space<vmem>>, %arg11: memref<128xi32, #tpu.memory_space<vmem>>, %arg12: memref<128xi32, #tpu.memory_space<vmem>>, %arg13: memref<128xi32, #tpu.memory_space<vmem>>, %arg14: memref<128xi32, #tpu.memory_space<vmem>>, %arg15: memref<128xi32, #tpu.memory_space<vmem>>, %arg16: memref<128xi32, #tpu.memory_space<vmem>>, %arg17: memref<128xi32, #tpu.memory_space<vmem>>, %arg18: memref<128x64xf32, #tpu.memory_space<vmem>>, %arg19: memref<128x64xf32, #tpu.memory_space<vmem>>, %arg20: memref<128x64xf32, #tpu.memory_space<vmem>>, %arg21: memref<128x64xf32, #tpu.memory_space<vmem>>, %arg22: memref<128x16xf32, #tpu.memory_space<vmem>>, %arg23: memref<128x16xf32, #tpu.memory_space<vmem>>, %arg24: memref<10112x64xf32, #tpu.memory_space<vmem_shared>>, %arg25: memref<10112x16xf32, #tpu.memory_space<vmem_shared>>, %arg26: memref<!tpu.dma_semaphore, #tpu.memory_space<semaphore_mem>>, %arg27: memref<!tpu.dma_semaphore, #tpu.memory_space<semaphore_mem>>, %arg28: memref<!tpu.dma_semaphore, #tpu.memory_space<semaphore_mem>>, %arg29: memref<!tpu.dma_semaphore, #tpu.memory_space<semaphore_mem>>, %arg30: memref<!tpu.dma_semaphore, #tpu.memory_space<semaphore_mem>>, %arg31: memref<!tpu.dma_semaphore, #tpu.memory_space<semaphore_mem>>, %arg32: memref<!tpu.dma_semaphore, #tpu.memory_space<semaphore_mem>>, %arg33: memref<!tpu.dma_semaphore, #tpu.memory_space<semaphore_mem>>, %arg34: memref<!tpu.dma_semaphore, #tpu.memory_space<semaphore_mem>>) attributes {dimension_semantics = [#tpu.dimension_semantics<core_parallel>, #tpu.dimension_semantics<subcore_parallel>], iteration_bounds = array<i64: 2, 16>, scalar_prefetch = 0 : i64, scratch_operands = 27 : i64, tpu.core_type = #tpu.core_type<sc_vector_subcore>, window_params = [{transform_indices = #map}, {transform_indices = #map}, {transform_indices = #map}, {transform_indices = #map}, {transform_indices = #map1}, {transform_indices = #map1}]} {
    %mul3A = arith.constant 160 : i32
    %mul3A_0 = arith.muli %arg1, %mul3A : i32
    "tpu.region"() ({
      %run_scoped3A = tpu.sem_alloc : memref<!tpu.dma_semaphore, #tpu.memory_space<semaphore_mem>>
      %dma_start3A = arith.constant 0 : i32
      %dma_start3A_350 = tpu.memref_slice %arg4[%mul3A_0, %dma_start3A] : memref<2560x128xi32, #tpu.memory_space<hbm>> -> memref<160x128xi32, #tpu.memory_space<hbm>>
      %dma_start3A_351 = arith.constant 0 : i32
      %dma_start3A_352 = tpu.memref_slice %arg4[%mul3A_0, %dma_start3A_351] : memref<2560x128xi32, #tpu.memory_space<hbm>> -> memref<160x128xi32, #tpu.memory_space<hbm>>
      tpu.enqueue_dma source(%dma_start3A_352 : memref<160x128xi32, #tpu.memory_space<hbm>>) target(%arg8 : memref<160x128xi32, #tpu.memory_space<vmem>>) target_semaphore(%run_scoped3A : memref<!tpu.dma_semaphore, #tpu.memory_space<semaphore_mem>>)
      %dma_wait3A = arith.constant 0 : i32
      %dma_wait3A_353 = tpu.memref_slice %arg4[%mul3A_0, %dma_wait3A] : memref<2560x128xi32, #tpu.memory_space<hbm>> -> memref<160x128xi32, #tpu.memory_space<hbm>>
      %dma_wait3A_354 = arith.constant 0 : i32
      %dma_wait3A_355 = tpu.memref_slice %arg4[%mul3A_0, %dma_wait3A_354] : memref<2560x128xi32, #tpu.memory_space<hbm>> -> memref<160x128xi32, #tpu.memory_space<hbm>>
      tpu.wait_dma2 semaphore(%run_scoped3A : memref<!tpu.dma_semaphore, #tpu.memory_space<semaphore_mem>>) src(%dma_wait3A_355 : memref<160x128xi32, #tpu.memory_space<hbm>>) dst(%arg8 : memref<160x128xi32, #tpu.memory_space<vmem>>)
      tpu.yield
    }) : () -> ()
    "tpu.region"() ({
      %run_scoped3A = tpu.sem_alloc : memref<!tpu.dma_semaphore, #tpu.memory_space<semaphore_mem>>
      %dma_start3A = arith.constant 0 : i32
      %dma_start3A_350 = tpu.memref_slice %arg5[%mul3A_0, %dma_start3A] : memref<2560x128xi32, #tpu.memory_space<hbm>> -> memref<160x128xi32, #tpu.memory_space<hbm>>
      %dma_start3A_351 = arith.constant 0 : i32
      %dma_start3A_352 = tpu.memref_slice %arg5[%mul3A_0, %dma_start3A_351] : memref<2560x128xi32, #tpu.memory_space<hbm>> -> memref<160x128xi32, #tpu.memory_space<hbm>>
      tpu.enqueue_dma source(%dma_start3A_352 : memref<160x128xi32, #tpu.memory_space<hbm>>) target(%arg9 : memref<160x128xi32, #tpu.memory_space<vmem>>) target_semaphore(%run_scoped3A : memref<!tpu.dma_semaphore, #tpu.memory_space<semaphore_mem>>)
      %dma_wait3A = arith.constant 0 : i32
      %dma_wait3A_353 = tpu.memref_slice %arg5[%mul3A_0, %dma_wait3A] : memref<2560x128xi32, #tpu.memory_space<hbm>> -> memref<160x128xi32, #tpu.memory_space<hbm>>
      %dma_wait3A_354 = arith.constant 0 : i32
      %dma_wait3A_355 = tpu.memref_slice %arg5[%mul3A_0, %dma_wait3A_354] : memref<2560x128xi32, #tpu.memory_space<hbm>> -> memref<160x128xi32, #tpu.memory_space<hbm>>
      tpu.wait_dma2 semaphore(%run_scoped3A : memref<!tpu.dma_semaphore, #tpu.memory_space<semaphore_mem>>) src(%dma_wait3A_355 : memref<160x128xi32, #tpu.memory_space<hbm>>) dst(%arg9 : memref<160x128xi32, #tpu.memory_space<vmem>>)
      tpu.yield
    }) : () -> ()
    %scan3A = arith.constant 0 : i32
    %scan3A_1 = arith.constant 0 : i32
    %scan3A_2 = arith.constant 128 : i32
    %scan3A_3 = arith.addi %scan3A_1, %scan3A_2 : i32
    %scan3A_4 = arith.constant 1 : i32
    %scan3A_5 = scf.for %scan3A_350 = %scan3A_1 to %scan3A_3 step %scan3A_4 iter_args(%scan3A_351 = %scan3A) -> (i32)  : i32 {
      %broadcast_in_dim3A = arith.constant 0.000000e+00 : f32
      %broadcast_in_dim3A_352 = vector.broadcast %broadcast_in_dim3A : f32 to vector<16xf32>
      %swap3A_353 = arith.index_cast %scan3A_350 : i32 to index
      %swap3A_354 = arith.constant 0 : index
      %swap3A_355 = tpu.vector_load %arg18[%swap3A_353, %swap3A_354] {strides = array<i32>} : memref<128x64xf32, #tpu.memory_space<vmem>>, vector<1x16xf32>,
      %swap3A_356 = vector.shape_cast %swap3A_355 : vector<1x16xf32> to vector<16xf32>
      %swap3A_357 = vector.shape_cast %broadcast_in_dim3A_352 : vector<16xf32> to vector<1x16xf32>
      tpu.vector_store %arg18[%swap3A_353, %swap3A_354], %swap3A_357 {strides = array<i32>} : memref<128x64xf32, #tpu.memory_space<vmem>>, vector<1x16xf32>,
      %broadcast_in_dim3A_358 = arith.constant 0.000000e+00 : f32
      %broadcast_in_dim3A_359 = vector.broadcast %broadcast_in_dim3A_358 : f32 to vector<16xf32>
      %swap3A_360 = arith.index_cast %scan3A_350 : i32 to index
      %swap3A_361 = arith.constant 16 : index
      %swap3A_362 = tpu.vector_load %arg18[%swap3A_360, %swap3A_361] {strides = array<i32>} : memref<128x64xf32, #tpu.memory_space<vmem>>, vector<1x16xf32>,
      %swap3A_363 = vector.shape_cast %swap3A_362 : vector<1x16xf32> to vector<16xf32>
      %swap3A_364 = vector.shape_cast %broadcast_in_dim3A_359 : vector<16xf32> to vector<1x16xf32>
      tpu.vector_store %arg18[%swap3A_360, %swap3A_361], %swap3A_364 {strides = array<i32>} : memref<128x64xf32, #tpu.memory_space<vmem>>, vector<1x16xf32>,
      %broadcast_in_dim3A_365 = arith.constant 0.000000e+00 : f32
      %broadcast_in_dim3A_366 = vector.broadcast %broadcast_in_dim3A_365 : f32 to vector<16xf32>
      %swap3A_367 = arith.index_cast %scan3A_350 : i32 to index
      %swap3A_368 = arith.constant 32 : index
      %swap3A_369 = tpu.vector_load %arg18[%swap3A_367, %swap3A_368] {strides = array<i32>} : memref<128x64xf32, #tpu.memory_space<vmem>>, vector<1x16xf32>,
      %swap3A_370 = vector.shape_cast %swap3A_369 : vector<1x16xf32> to vector<16xf32>
      %swap3A_371 = vector.shape_cast %broadcast_in_dim3A_366 : vector<16xf32> to vector<1x16xf32>
      tpu.vector_store %arg18[%swap3A_367, %swap3A_368], %swap3A_371 {strides = array<i32>} : memref<128x64xf32, #tpu.memory_space<vmem>>, vector<1x16xf32>,
      %broadcast_in_dim3A_372 = arith.constant 0.000000e+00 : f32
      %broadcast_in_dim3A_373 = vector.broadcast %broadcast_in_dim3A_372 : f32 to vector<16xf32>
      %swap3A_374 = arith.index_cast %scan3A_350 : i32 to index
      %swap3A_375 = arith.constant 48 : index
      %swap3A_376 = tpu.vector_load %arg18[%swap3A_374, %swap3A_375] {strides = array<i32>} : memref<128x64xf32, #tpu.memory_space<vmem>>, vector<1x16xf32>,
      %swap3A_377 = vector.shape_cast %swap3A_376 : vector<1x16xf32> to vector<16xf32>
      %swap3A_378 = vector.shape_cast %broadcast_in_dim3A_373 : vector<16xf32> to vector<1x16xf32>
      tpu.vector_store %arg18[%swap3A_374, %swap3A_375], %swap3A_378 {strides = array<i32>} : memref<128x64xf32, #tpu.memory_space<vmem>>, vector<1x16xf32>,
      %broadcast_in_dim3A_379 = arith.constant 1.000000e+00 : f32
      %broadcast_in_dim3A_380 = vector.broadcast %broadcast_in_dim3A_379 : f32 to vector<16xf32>
      %swap3A_381 = arith.index_cast %scan3A_350 : i32 to index
      %swap3A_382 = arith.constant 0 : index
      %swap3A_383 = tpu.vector_load %arg22[%swap3A_381, %swap3A_382] {strides = array<i32>} : memref<128x16xf32, #tpu.memory_space<vmem>>, vector<1x16xf32>,
      %swap3A_384 = vector.shape_cast %swap3A_383 : vector<1x16xf32> to vector<16xf32>
      %swap3A_385 = vector.shape_cast %broadcast_in_dim3A_380 : vector<16xf32> to vector<1x16xf32>
      tpu.vector_store %arg22[%swap3A_381, %swap3A_382], %swap3A_385 {strides = array<i32>} : memref<128x16xf32, #tpu.memory_space<vmem>>, vector<1x16xf32>,
      %broadcast_in_dim3A_386 = arith.constant 0.000000e+00 : f32
      %broadcast_in_dim3A_387 = vector.broadcast %broadcast_in_dim3A_386 : f32 to vector<16xf32>
      %swap3A_388 = arith.index_cast %scan3A_350 : i32 to index
      %swap3A_389 = arith.constant 0 : index
      %swap3A_390 = tpu.vector_load %arg23[%swap3A_388, %swap3A_389] {strides = array<i32>} : memref<128x16xf32, #tpu.memory_space<vmem>>, vector<1x16xf32>,
      %swap3A_391 = vector.shape_cast %swap3A_390 : vector<1x16xf32> to vector<16xf32>
      %swap3A_392 = vector.shape_cast %broadcast_in_dim3A_387 : vector<16xf32> to vector<1x16xf32>
      tpu.vector_store %arg23[%swap3A_388, %swap3A_389], %swap3A_392 {strides = array<i32>} : memref<128x16xf32, #tpu.memory_space<vmem>>, vector<1x16xf32>,
      %scan3A_393 = arith.constant 0 : i32
      scf.yield %scan3A_393 : i32
    }
    %scan3A_6 = arith.constant 128 : i32
    %mul3A_7 = arith.constant 632 : i32
    %mul3A_8 = arith.muli %arg1, %mul3A_7 : i32
    %scan3A_9 = arith.constant 0 : i32
    %scan3A_10 = arith.constant 0 : i32
    %scan3A_11 = arith.constant 4 : i32
    %scan3A_12 = arith.addi %scan3A_10, %scan3A_11 : i32
    %scan3A_13 = arith.constant 1 : i32
    %scan3A_14 = scf.for %scan3A_350 = %scan3A_10 to %scan3A_12 step %scan3A_13 iter_args(%scan3A_351 = %scan3A_9) -> (i32)  : i32 {
      %mul3A_352 = arith.constant 128 : i32
      %mul3A_353 = arith.muli %scan3A_350, %mul3A_352 : i32
      %add3A_354 = arith.addi %mul3A_8, %mul3A_353 : i32
      "tpu.region"() ({
        %run_scoped3A = tpu.sem_alloc : memref<!tpu.dma_semaphore, #tpu.memory_space<semaphore_mem>>
        %dma_start3A = arith.constant 0 : i32
        %dma_start3A_359 = tpu.memref_slice %arg24[%add3A_354, %dma_start3A] : memref<10112x64xf32, #tpu.memory_space<vmem_shared>> -> memref<128x64xf32, #tpu.memory_space<vmem_shared>>
        %dma_start3A_360 = arith.constant 0 : i32
        %dma_start3A_361 = tpu.memref_slice %arg24[%add3A_354, %dma_start3A_360] : memref<10112x64xf32, #tpu.memory_space<vmem_shared>> -> memref<128x64xf32, #tpu.memory_space<vmem_shared>>
        tpu.enqueue_dma source(%arg18 : memref<128x64xf32, #tpu.memory_space<vmem>>) target(%dma_start3A_361 : memref<128x64xf32, #tpu.memory_space<vmem_shared>>) target_semaphore(%run_scoped3A : memref<!tpu.dma_semaphore, #tpu.memory_space<semaphore_mem>>)
        %dma_wait3A = arith.constant 0 : i32
        %dma_wait3A_362 = tpu.memref_slice %arg24[%add3A_354, %dma_wait3A] : memref<10112x64xf32, #tpu.memory_space<vmem_shared>> -> memref<128x64xf32, #tpu.memory_space<vmem_shared>>
        %dma_wait3A_363 = arith.constant 0 : i32
        %dma_wait3A_364 = tpu.memref_slice %arg24[%add3A_354, %dma_wait3A_363] : memref<10112x64xf32, #tpu.memory_space<vmem_shared>> -> memref<128x64xf32, #tpu.memory_space<vmem_shared>>
        tpu.wait_dma2 semaphore(%run_scoped3A : memref<!tpu.dma_semaphore, #tpu.memory_space<semaphore_mem>>) src(%arg18 : memref<128x64xf32, #tpu.memory_space<vmem>>) dst(%dma_wait3A_364 : memref<128x64xf32, #tpu.memory_space<vmem_shared>>)
        tpu.yield
      }) : () -> ()
      %mul3A_355 = arith.constant 128 : i32
      %mul3A_356 = arith.muli %scan3A_350, %mul3A_355 : i32
      %add3A_357 = arith.addi %mul3A_8, %mul3A_356 : i32
      "tpu.region"() ({
        %run_scoped3A = tpu.sem_alloc : memref<!tpu.dma_semaphore, #tpu.memory_space<semaphore_mem>>
        %dma_start3A = arith.constant 0 : i32
        %dma_start3A_359 = tpu.memref_slice %arg25[%add3A_357, %dma_start3A] : memref<10112x16xf32, #tpu.memory_space<vmem_shared>> -> memref<128x16xf32, #tpu.memory_space<vmem_shared>>
        %dma_start3A_360 = arith.constant 0 : i32
        %dma_start3A_361 = tpu.memref_slice %arg25[%add3A_357, %dma_start3A_360] : memref<10112x16xf32, #tpu.memory_space<vmem_shared>> -> memref<128x16xf32, #tpu.memory_space<vmem_shared>>
        tpu.enqueue_dma source(%arg23 : memref<128x16xf32, #tpu.memory_space<vmem>>) target(%dma_start3A_361 : memref<128x16xf32, #tpu.memory_space<vmem_shared>>) target_semaphore(%run_scoped3A : memref<!tpu.dma_semaphore, #tpu.memory_space<semaphore_mem>>)
        %dma_wait3A = arith.constant 0 : i32
        %dma_wait3A_362 = tpu.memref_slice %arg25[%add3A_357, %dma_wait3A] : memref<10112x16xf32, #tpu.memory_space<vmem_shared>> -> memref<128x16xf32, #tpu.memory_space<vmem_shared>>
        %dma_wait3A_363 = arith.constant 0 : i32
        %dma_wait3A_364 = tpu.memref_slice %arg25[%add3A_357, %dma_wait3A_363] : memref<10112x16xf32, #tpu.memory_space<vmem_shared>> -> memref<128x16xf32, #tpu.memory_space<vmem_shared>>
        tpu.wait_dma2 semaphore(%run_scoped3A : memref<!tpu.dma_semaphore, #tpu.memory_space<semaphore_mem>>) src(%arg23 : memref<128x16xf32, #tpu.memory_space<vmem>>) dst(%dma_wait3A_364 : memref<128x16xf32, #tpu.memory_space<vmem_shared>>)
        tpu.yield
      }) : () -> ()
      %scan3A_358 = arith.constant 0 : i32
      scf.yield %scan3A_358 : i32
    }
    %scan3A_15 = arith.constant 4 : i32
    %add3A = arith.constant 512 : i32
    %add3A_16 = arith.addi %mul3A_8, %add3A : i32
    "tpu.region"() ({
      %run_scoped3A = tpu.sem_alloc : memref<!tpu.dma_semaphore, #tpu.memory_space<semaphore_mem>>
      %dma_start3A = arith.constant 0 : i32
      %dma_start3A_350 = arith.constant 0 : i32
      %dma_start3A_351 = tpu.memref_slice %arg18[%dma_start3A, %dma_start3A_350] : memref<128x64xf32, #tpu.memory_space<vmem>> -> memref<120x64xf32, #tpu.memory_space<vmem>>
      %dma_start3A_352 = arith.constant 0 : i32
      %dma_start3A_353 = tpu.memref_slice %arg24[%add3A_16, %dma_start3A_352] : memref<10112x64xf32, #tpu.memory_space<vmem_shared>> -> memref<120x64xf32, #tpu.memory_space<vmem_shared>>
      %dma_start3A_354 = arith.constant 0 : i32
      %dma_start3A_355 = tpu.memref_slice %arg24[%add3A_16, %dma_start3A_354] : memref<10112x64xf32, #tpu.memory_space<vmem_shared>> -> memref<120x64xf32, #tpu.memory_space<vmem_shared>>
      %dma_start3A_356 = arith.constant 0 : i32
      %dma_start3A_357 = arith.constant 0 : i32
      %dma_start3A_358 = tpu.memref_slice %arg18[%dma_start3A_356, %dma_start3A_357] : memref<128x64xf32, #tpu.memory_space<vmem>> -> memref<120x64xf32, #tpu.memory_space<vmem>>
      tpu.enqueue_dma source(%dma_start3A_358 : memref<120x64xf32, #tpu.memory_space<vmem>>) target(%dma_start3A_355 : memref<120x64xf32, #tpu.memory_space<vmem_shared>>) target_semaphore(%run_scoped3A : memref<!tpu.dma_semaphore, #tpu.memory_space<semaphore_mem>>)
      %dma_wait3A = arith.constant 0 : i32
      %dma_wait3A_359 = arith.constant 0 : i32
      %dma_wait3A_360 = tpu.memref_slice %arg18[%dma_wait3A, %dma_wait3A_359] : memref<128x64xf32, #tpu.memory_space<vmem>> -> memref<120x64xf32, #tpu.memory_space<vmem>>
      %dma_wait3A_361 = arith.constant 0 : i32
      %dma_wait3A_362 = tpu.memref_slice %arg24[%add3A_16, %dma_wait3A_361] : memref<10112x64xf32, #tpu.memory_space<vmem_shared>> -> memref<120x64xf32, #tpu.memory_space<vmem_shared>>
      %dma_wait3A_363 = arith.constant 0 : i32
      %dma_wait3A_364 = tpu.memref_slice %arg24[%add3A_16, %dma_wait3A_363] : memref<10112x64xf32, #tpu.memory_space<vmem_shared>> -> memref<120x64xf32, #tpu.memory_space<vmem_shared>>
      %dma_wait3A_365 = arith.constant 0 : i32
      %dma_wait3A_366 = arith.constant 0 : i32
      %dma_wait3A_367 = tpu.memref_slice %arg18[%dma_wait3A_365, %dma_wait3A_366] : memref<128x64xf32, #tpu.memory_space<vmem>> -> memref<120x64xf32, #tpu.memory_space<vmem>>
      tpu.wait_dma2 semaphore(%run_scoped3A : memref<!tpu.dma_semaphore, #tpu.memory_space<semaphore_mem>>) src(%dma_wait3A_367 : memref<120x64xf32, #tpu.memory_space<vmem>>) dst(%dma_wait3A_364 : memref<120x64xf32, #tpu.memory_space<vmem_shared>>)
      tpu.yield
    }) : () -> ()
    %add3A_17 = arith.constant 512 : i32
    %add3A_18 = arith.addi %mul3A_8, %add3A_17 : i32
    "tpu.region"() ({
      %run_scoped3A = tpu.sem_alloc : memref<!tpu.dma_semaphore, #tpu.memory_space<semaphore_mem>>
      %dma_start3A = arith.constant 0 : i32
      %dma_start3A_350 = arith.constant 0 : i32
      %dma_start3A_351 = tpu.memref_slice %arg23[%dma_start3A, %dma_start3A_350] : memref<128x16xf32, #tpu.memory_space<vmem>> -> memref<120x16xf32, #tpu.memory_space<vmem>>
      %dma_start3A_352 = arith.constant 0 : i32
      %dma_start3A_353 = tpu.memref_slice %arg25[%add3A_18, %dma_start3A_352] : memref<10112x16xf32, #tpu.memory_space<vmem_shared>> -> memref<120x16xf32, #tpu.memory_space<vmem_shared>>
      %dma_start3A_354 = arith.constant 0 : i32
      %dma_start3A_355 = tpu.memref_slice %arg25[%add3A_18, %dma_start3A_354] : memref<10112x16xf32, #tpu.memory_space<vmem_shared>> -> memref<120x16xf32, #tpu.memory_space<vmem_shared>>
      %dma_start3A_356 = arith.constant 0 : i32
      %dma_start3A_357 = arith.constant 0 : i32
      %dma_start3A_358 = tpu.memref_slice %arg23[%dma_start3A_356, %dma_start3A_357] : memref<128x16xf32, #tpu.memory_space<vmem>> -> memref<120x16xf32, #tpu.memory_space<vmem>>
      tpu.enqueue_dma source(%dma_start3A_358 : memref<120x16xf32, #tpu.memory_space<vmem>>) target(%dma_start3A_355 : memref<120x16xf32, #tpu.memory_space<vmem_shared>>) target_semaphore(%run_scoped3A : memref<!tpu.dma_semaphore, #tpu.memory_space<semaphore_mem>>)
      %dma_wait3A = arith.constant 0 : i32
      %dma_wait3A_359 = arith.constant 0 : i32
      %dma_wait3A_360 = tpu.memref_slice %arg23[%dma_wait3A, %dma_wait3A_359] : memref<128x16xf32, #tpu.memory_space<vmem>> -> memref<120x16xf32, #tpu.memory_space<vmem>>
      %dma_wait3A_361 = arith.constant 0 : i32
      %dma_wait3A_362 = tpu.memref_slice %arg25[%add3A_18, %dma_wait3A_361] : memref<10112x16xf32, #tpu.memory_space<vmem_shared>> -> memref<120x16xf32, #tpu.memory_space<vmem_shared>>
      %dma_wait3A_363 = arith.constant 0 : i32
      %dma_wait3A_364 = tpu.memref_slice %arg25[%add3A_18, %dma_wait3A_363] : memref<10112x16xf32, #tpu.memory_space<vmem_shared>> -> memref<120x16xf32, #tpu.memory_space<vmem_shared>>
      %dma_wait3A_365 = arith.constant 0 : i32
      %dma_wait3A_366 = arith.constant 0 : i32
      %dma_wait3A_367 = tpu.memref_slice %arg23[%dma_wait3A_365, %dma_wait3A_366] : memref<128x16xf32, #tpu.memory_space<vmem>> -> memref<120x16xf32, #tpu.memory_space<vmem>>
      tpu.wait_dma2 semaphore(%run_scoped3A : memref<!tpu.dma_semaphore, #tpu.memory_space<semaphore_mem>>) src(%dma_wait3A_367 : memref<120x16xf32, #tpu.memory_space<vmem>>) dst(%dma_wait3A_364 : memref<120x16xf32, #tpu.memory_space<vmem_shared>>)
      tpu.yield
    }) : () -> ()
    %barrier3A = arith.constant 0 : index
    tpu.barrier barrier_id(%barrier3A)
    %get3A = arith.constant 0 : i32
    %get3A_19 = arith.index_cast %get3A : i32 to index
    %get3A_20 = arith.constant 0 : index
    %get3A_21 = tpu.vector_load %arg8[%get3A_19, %get3A_20] {strides = array<i32>} : memref<160x128xi32, #tpu.memory_space<vmem>>, vector<1x16xi32>,
    %get3A_22 = vector.shape_cast %get3A_21 : vector<1x16xi32> to vector<16xi32>
    %swap3A = arith.constant 0 : index
    %swap3A_23 = tpu.vector_load %arg10[%swap3A] {strides = array<i32>} : memref<128xi32, #tpu.memory_space<vmem>>, vector<16xi32>,
    %swap3A_24 = vector.shape_cast %swap3A_23 : vector<16xi32> to vector<16xi32>
    %swap3A_25 = vector.shape_cast %get3A_22 : vector<16xi32> to vector<16xi32>
    tpu.vector_store %arg10[%swap3A], %swap3A_25 {strides = array<i32>} : memref<128xi32, #tpu.memory_space<vmem>>, vector<16xi32>,
    %get3A_26 = arith.constant 0 : i32
    %get3A_27 = arith.index_cast %get3A_26 : i32 to index
    %get3A_28 = arith.constant 16 : index
    %get3A_29 = tpu.vector_load %arg8[%get3A_27, %get3A_28] {strides = array<i32>} : memref<160x128xi32, #tpu.memory_space<vmem>>, vector<1x16xi32>,
    %get3A_30 = vector.shape_cast %get3A_29 : vector<1x16xi32> to vector<16xi32>
    %swap3A_31 = arith.constant 16 : index
    %swap3A_32 = tpu.vector_load %arg10[%swap3A_31] {strides = array<i32>} : memref<128xi32, #tpu.memory_space<vmem>>, vector<16xi32>,
    %swap3A_33 = vector.shape_cast %swap3A_32 : vector<16xi32> to vector<16xi32>
    %swap3A_34 = vector.shape_cast %get3A_30 : vector<16xi32> to vector<16xi32>
    tpu.vector_store %arg10[%swap3A_31], %swap3A_34 {strides = array<i32>} : memref<128xi32, #tpu.memory_space<vmem>>, vector<16xi32>,
    %get3A_35 = arith.constant 0 : i32
    %get3A_36 = arith.index_cast %get3A_35 : i32 to index
    %get3A_37 = arith.constant 32 : index
    %get3A_38 = tpu.vector_load %arg8[%get3A_36, %get3A_37] {strides = array<i32>} : memref<160x128xi32, #tpu.memory_space<vmem>>, vector<1x16xi32>,
    %get3A_39 = vector.shape_cast %get3A_38 : vector<1x16xi32> to vector<16xi32>
    %swap3A_40 = arith.constant 32 : index
    %swap3A_41 = tpu.vector_load %arg10[%swap3A_40] {strides = array<i32>} : memref<128xi32, #tpu.memory_space<vmem>>, vector<16xi32>,
    %swap3A_42 = vector.shape_cast %swap3A_41 : vector<16xi32> to vector<16xi32>
    %swap3A_43 = vector.shape_cast %get3A_39 : vector<16xi32> to vector<16xi32>
    tpu.vector_store %arg10[%swap3A_40], %swap3A_43 {strides = array<i32>} : memref<128xi32, #tpu.memory_space<vmem>>, vector<16xi32>,
    %get3A_44 = arith.constant 0 : i32
    %get3A_45 = arith.index_cast %get3A_44 : i32 to index
    %get3A_46 = arith.constant 48 : index
    %get3A_47 = tpu.vector_load %arg8[%get3A_45, %get3A_46] {strides = array<i32>} : memref<160x128xi32, #tpu.memory_space<vmem>>, vector<1x16xi32>,
    %get3A_48 = vector.shape_cast %get3A_47 : vector<1x16xi32> to vector<16xi32>
    %swap3A_49 = arith.constant 48 : index
    %swap3A_50 = tpu.vector_load %arg10[%swap3A_49] {strides = array<i32>} : memref<128xi32, #tpu.memory_space<vmem>>, vector<16xi32>,
    %swap3A_51 = vector.shape_cast %swap3A_50 : vector<16xi32> to vector<16xi32>
    %swap3A_52 = vector.shape_cast %get3A_48 : vector<16xi32> to vector<16xi32>
    tpu.vector_store %arg10[%swap3A_49], %swap3A_52 {strides = array<i32>} : memref<128xi32, #tpu.memory_space<vmem>>, vector<16xi32>,
    %get3A_53 = arith.constant 0 : i32
    %get3A_54 = arith.index_cast %get3A_53 : i32 to index
    %get3A_55 = arith.constant 64 : index
    %get3A_56 = tpu.vector_load %arg8[%get3A_54, %get3A_55] {strides = array<i32>} : memref<160x128xi32, #tpu.memory_space<vmem>>, vector<1x16xi32>,
    %get3A_57 = vector.shape_cast %get3A_56 : vector<1x16xi32> to vector<16xi32>
    %swap3A_58 = arith.constant 64 : index
    %swap3A_59 = tpu.vector_load %arg10[%swap3A_58] {strides = array<i32>} : memref<128xi32, #tpu.memory_space<vmem>>, vector<16xi32>,
    %swap3A_60 = vector.shape_cast %swap3A_59 : vector<16xi32> to vector<16xi32>
    %swap3A_61 = vector.shape_cast %get3A_57 : vector<16xi32> to vector<16xi32>
    tpu.vector_store %arg10[%swap3A_58], %swap3A_61 {strides = array<i32>} : memref<128xi32, #tpu.memory_space<vmem>>, vector<16xi32>,
    %get3A_62 = arith.constant 0 : i32
    %get3A_63 = arith.index_cast %get3A_62 : i32 to index
    %get3A_64 = arith.constant 80 : index
    %get3A_65 = tpu.vector_load %arg8[%get3A_63, %get3A_64] {strides = array<i32>} : memref<160x128xi32, #tpu.memory_space<vmem>>, vector<1x16xi32>,
    %get3A_66 = vector.shape_cast %get3A_65 : vector<1x16xi32> to vector<16xi32>
    %swap3A_67 = arith.constant 80 : index
    %swap3A_68 = tpu.vector_load %arg10[%swap3A_67] {strides = array<i32>} : memref<128xi32, #tpu.memory_space<vmem>>, vector<16xi32>,
    %swap3A_69 = vector.shape_cast %swap3A_68 : vector<16xi32> to vector<16xi32>
    %swap3A_70 = vector.shape_cast %get3A_66 : vector<16xi32> to vector<16xi32>
    tpu.vector_store %arg10[%swap3A_67], %swap3A_70 {strides = array<i32>} : memref<128xi32, #tpu.memory_space<vmem>>, vector<16xi32>,
    %get3A_71 = arith.constant 0 : i32
    %get3A_72 = arith.index_cast %get3A_71 : i32 to index
    %get3A_73 = arith.constant 96 : index
    %get3A_74 = tpu.vector_load %arg8[%get3A_72, %get3A_73] {strides = array<i32>} : memref<160x128xi32, #tpu.memory_space<vmem>>, vector<1x16xi32>,
    %get3A_75 = vector.shape_cast %get3A_74 : vector<1x16xi32> to vector<16xi32>
    %swap3A_76 = arith.constant 96 : index
    %swap3A_77 = tpu.vector_load %arg10[%swap3A_76] {strides = array<i32>} : memref<128xi32, #tpu.memory_space<vmem>>, vector<16xi32>,
    %swap3A_78 = vector.shape_cast %swap3A_77 : vector<16xi32> to vector<16xi32>
    %swap3A_79 = vector.shape_cast %get3A_75 : vector<16xi32> to vector<16xi32>
    tpu.vector_store %arg10[%swap3A_76], %swap3A_79 {strides = array<i32>} : memref<128xi32, #tpu.memory_space<vmem>>, vector<16xi32>,
    %get3A_80 = arith.constant 0 : i32
    %get3A_81 = arith.index_cast %get3A_80 : i32 to index
    %get3A_82 = arith.constant 112 : index
    %get3A_83 = tpu.vector_load %arg8[%get3A_81, %get3A_82] {strides = array<i32>} : memref<160x128xi32, #tpu.memory_space<vmem>>, vector<1x16xi32>,
    %get3A_84 = vector.shape_cast %get3A_83 : vector<1x16xi32> to vector<16xi32>
    %swap3A_85 = arith.constant 112 : index
    %swap3A_86 = tpu.vector_load %arg10[%swap3A_85] {strides = array<i32>} : memref<128xi32, #tpu.memory_space<vmem>>, vector<16xi32>,
    %swap3A_87 = vector.shape_cast %swap3A_86 : vector<16xi32> to vector<16xi32>
    %swap3A_88 = vector.shape_cast %get3A_84 : vector<16xi32> to vector<16xi32>
    tpu.vector_store %arg10[%swap3A_85], %swap3A_88 {strides = array<i32>} : memref<128xi32, #tpu.memory_space<vmem>>, vector<16xi32>,
    %eq3A = arith.constant 0 : i32
    %eq3A_89 = arith.cmpi eq, %arg0, %eq3A : i32
    %convert_element_type3A = arith.extui %eq3A_89 : i1 to i32
    %cond3A = arith.constant 0 : i32
    %cond3A_90 = arith.cmpi ne, %convert_element_type3A, %cond3A : i32
    scf.if %cond3A_90 {
      %dma_start3A = arith.constant 0 : i32
      %dma_start3A_350 = arith.constant 0 : i32
      %dma_start3A_351 = tpu.memref_slice %arg2[%dma_start3A, %dma_start3A_350] : memref<10112x64xf32, #tpu.memory_space<hbm>> -> memref<10112x64xf32, #tpu.memory_space<hbm>>
      tpu.enqueue_indirect_dma source(%dma_start3A_351 : memref<10112x64xf32, #tpu.memory_space<hbm>>) target(%arg18 : memref<128x64xf32, #tpu.memory_space<vmem>>) offsets(%arg10 : memref<128xi32, #tpu.memory_space<vmem>>) semaphore(%arg26 : memref<!tpu.dma_semaphore, #tpu.memory_space<semaphore_mem>>)
    } else {
    }
    %eq3A_91 = arith.constant 1 : i32
    %eq3A_92 = arith.cmpi eq, %arg0, %eq3A_91 : i32
    %convert_element_type3A_93 = arith.extui %eq3A_92 : i1 to i32
    %cond3A_94 = arith.constant 0 : i32
    %cond3A_95 = arith.cmpi ne, %convert_element_type3A_93, %cond3A_94 : i32
    scf.if %cond3A_95 {
      %dma_start3A = arith.constant 0 : i32
      %dma_start3A_350 = arith.constant 0 : i32
      %dma_start3A_351 = tpu.memref_slice %arg3[%dma_start3A, %dma_start3A_350] : memref<10112x64xf32, #tpu.memory_space<hbm>> -> memref<10112x64xf32, #tpu.memory_space<hbm>>
      tpu.enqueue_indirect_dma source(%dma_start3A_351 : memref<10112x64xf32, #tpu.memory_space<hbm>>) target(%arg18 : memref<128x64xf32, #tpu.memory_space<vmem>>) offsets(%arg10 : memref<128xi32, #tpu.memory_space<vmem>>) semaphore(%arg26 : memref<!tpu.dma_semaphore, #tpu.memory_space<semaphore_mem>>)
    } else {
    }
    %get3A_96 = arith.constant 1 : i32
    %get3A_97 = arith.index_cast %get3A_96 : i32 to index
    %get3A_98 = arith.constant 0 : index
    %get3A_99 = tpu.vector_load %arg8[%get3A_97, %get3A_98] {strides = array<i32>} : memref<160x128xi32, #tpu.memory_space<vmem>>, vector<1x16xi32>,
    %get3A_100 = vector.shape_cast %get3A_99 : vector<1x16xi32> to vector<16xi32>
    %swap3A_101 = arith.constant 0 : index
    %swap3A_102 = tpu.vector_load %arg11[%swap3A_101] {strides = array<i32>} : memref<128xi32, #tpu.memory_space<vmem>>, vector<16xi32>,
    %swap3A_103 = vector.shape_cast %swap3A_102 : vector<16xi32> to vector<16xi32>
    %swap3A_104 = vector.shape_cast %get3A_100 : vector<16xi32> to vector<16xi32>
    tpu.vector_store %arg11[%swap3A_101], %swap3A_104 {strides = array<i32>} : memref<128xi32, #tpu.memory_space<vmem>>, vector<16xi32>,
    %get3A_105 = arith.constant 1 : i32
    %get3A_106 = arith.index_cast %get3A_105 : i32 to index
    %get3A_107 = arith.constant 16 : index
    %get3A_108 = tpu.vector_load %arg8[%get3A_106, %get3A_107] {strides = array<i32>} : memref<160x128xi32, #tpu.memory_space<vmem>>, vector<1x16xi32>,
    %get3A_109 = vector.shape_cast %get3A_108 : vector<1x16xi32> to vector<16xi32>
    %swap3A_110 = arith.constant 16 : index
    %swap3A_111 = tpu.vector_load %arg11[%swap3A_110] {strides = array<i32>} : memref<128xi32, #tpu.memory_space<vmem>>, vector<16xi32>,
    %swap3A_112 = vector.shape_cast %swap3A_111 : vector<16xi32> to vector<16xi32>
    %swap3A_113 = vector.shape_cast %get3A_109 : vector<16xi32> to vector<16xi32>
    tpu.vector_store %arg11[%swap3A_110], %swap3A_113 {strides = array<i32>} : memref<128xi32, #tpu.memory_space<vmem>>, vector<16xi32>,
    %get3A_114 = arith.constant 1 : i32
    %get3A_115 = arith.index_cast %get3A_114 : i32 to index
    %get3A_116 = arith.constant 32 : index
    %get3A_117 = tpu.vector_load %arg8[%get3A_115, %get3A_116] {strides = array<i32>} : memref<160x128xi32, #tpu.memory_space<vmem>>, vector<1x16xi32>,
    %get3A_118 = vector.shape_cast %get3A_117 : vector<1x16xi32> to vector<16xi32>
    %swap3A_119 = arith.constant 32 : index
    %swap3A_120 = tpu.vector_load %arg11[%swap3A_119] {strides = array<i32>} : memref<128xi32, #tpu.memory_space<vmem>>, vector<16xi32>,
    %swap3A_121 = vector.shape_cast %swap3A_120 : vector<16xi32> to vector<16xi32>
    %swap3A_122 = vector.shape_cast %get3A_118 : vector<16xi32> to vector<16xi32>
    tpu.vector_store %arg11[%swap3A_119], %swap3A_122 {strides = array<i32>} : memref<128xi32, #tpu.memory_space<vmem>>, vector<16xi32>,
    %get3A_123 = arith.constant 1 : i32
    %get3A_124 = arith.index_cast %get3A_123 : i32 to index
    %get3A_125 = arith.constant 48 : index
    %get3A_126 = tpu.vector_load %arg8[%get3A_124, %get3A_125] {strides = array<i32>} : memref<160x128xi32, #tpu.memory_space<vmem>>, vector<1x16xi32>,
    %get3A_127 = vector.shape_cast %get3A_126 : vector<1x16xi32> to vector<16xi32>
    %swap3A_128 = arith.constant 48 : index
    %swap3A_129 = tpu.vector_load %arg11[%swap3A_128] {strides = array<i32>} : memref<128xi32, #tpu.memory_space<vmem>>, vector<16xi32>,
    %swap3A_130 = vector.shape_cast %swap3A_129 : vector<16xi32> to vector<16xi32>
    %swap3A_131 = vector.shape_cast %get3A_127 : vector<16xi32> to vector<16xi32>
    tpu.vector_store %arg11[%swap3A_128], %swap3A_131 {strides = array<i32>} : memref<128xi32, #tpu.memory_space<vmem>>, vector<16xi32>,
    %get3A_132 = arith.constant 1 : i32
    %get3A_133 = arith.index_cast %get3A_132 : i32 to index
    %get3A_134 = arith.constant 64 : index
    %get3A_135 = tpu.vector_load %arg8[%get3A_133, %get3A_134] {strides = array<i32>} : memref<160x128xi32, #tpu.memory_space<vmem>>, vector<1x16xi32>,
    %get3A_136 = vector.shape_cast %get3A_135 : vector<1x16xi32> to vector<16xi32>
    %swap3A_137 = arith.constant 64 : index
    %swap3A_138 = tpu.vector_load %arg11[%swap3A_137] {strides = array<i32>} : memref<128xi32, #tpu.memory_space<vmem>>, vector<16xi32>,
    %swap3A_139 = vector.shape_cast %swap3A_138 : vector<16xi32> to vector<16xi32>
    %swap3A_140 = vector.shape_cast %get3A_136 : vector<16xi32> to vector<16xi32>
    tpu.vector_store %arg11[%swap3A_137], %swap3A_140 {strides = array<i32>} : memref<128xi32, #tpu.memory_space<vmem>>, vector<16xi32>,
    %get3A_141 = arith.constant 1 : i32
    %get3A_142 = arith.index_cast %get3A_141 : i32 to index
    %get3A_143 = arith.constant 80 : index
    %get3A_144 = tpu.vector_load %arg8[%get3A_142, %get3A_143] {strides = array<i32>} : memref<160x128xi32, #tpu.memory_space<vmem>>, vector<1x16xi32>,
    %get3A_145 = vector.shape_cast %get3A_144 : vector<1x16xi32> to vector<16xi32>
    %swap3A_146 = arith.constant 80 : index
    %swap3A_147 = tpu.vector_load %arg11[%swap3A_146] {strides = array<i32>} : memref<128xi32, #tpu.memory_space<vmem>>, vector<16xi32>,
    %swap3A_148 = vector.shape_cast %swap3A_147 : vector<16xi32> to vector<16xi32>
    %swap3A_149 = vector.shape_cast %get3A_145 : vector<16xi32> to vector<16xi32>
    tpu.vector_store %arg11[%swap3A_146], %swap3A_149 {strides = array<i32>} : memref<128xi32, #tpu.memory_space<vmem>>, vector<16xi32>,
    %get3A_150 = arith.constant 1 : i32
    %get3A_151 = arith.index_cast %get3A_150 : i32 to index
    %get3A_152 = arith.constant 96 : index
    %get3A_153 = tpu.vector_load %arg8[%get3A_151, %get3A_152] {strides = array<i32>} : memref<160x128xi32, #tpu.memory_space<vmem>>, vector<1x16xi32>,
    %get3A_154 = vector.shape_cast %get3A_153 : vector<1x16xi32> to vector<16xi32>
    %swap3A_155 = arith.constant 96 : index
    %swap3A_156 = tpu.vector_load %arg11[%swap3A_155] {strides = array<i32>} : memref<128xi32, #tpu.memory_space<vmem>>, vector<16xi32>,
    %swap3A_157 = vector.shape_cast %swap3A_156 : vector<16xi32> to vector<16xi32>
    %swap3A_158 = vector.shape_cast %get3A_154 : vector<16xi32> to vector<16xi32>
    tpu.vector_store %arg11[%swap3A_155], %swap3A_158 {strides = array<i32>} : memref<128xi32, #tpu.memory_space<vmem>>, vector<16xi32>,
    %get3A_159 = arith.constant 1 : i32
    %get3A_160 = arith.index_cast %get3A_159 : i32 to index
    %get3A_161 = arith.constant 112 : index
    %get3A_162 = tpu.vector_load %arg8[%get3A_160, %get3A_161] {strides = array<i32>} : memref<160x128xi32, #tpu.memory_space<vmem>>, vector<1x16xi32>,
    %get3A_163 = vector.shape_cast %get3A_162 : vector<1x16xi32> to vector<16xi32>
    %swap3A_164 = arith.constant 112 : index
    %swap3A_165 = tpu.vector_load %arg11[%swap3A_164] {strides = array<i32>} : memref<128xi32, #tpu.memory_space<vmem>>, vector<16xi32>,
    %swap3A_166 = vector.shape_cast %swap3A_165 : vector<16xi32> to vector<16xi32>
    %swap3A_167 = vector.shape_cast %get3A_163 : vector<16xi32> to vector<16xi32>
    tpu.vector_store %arg11[%swap3A_164], %swap3A_167 {strides = array<i32>} : memref<128xi32, #tpu.memory_space<vmem>>, vector<16xi32>,
    %eq3A_168 = arith.constant 0 : i32
    %eq3A_169 = arith.cmpi eq, %arg0, %eq3A_168 : i32
    %convert_element_type3A_170 = arith.extui %eq3A_169 : i1 to i32
    %cond3A_171 = arith.constant 0 : i32
    %cond3A_172 = arith.cmpi ne, %convert_element_type3A_170, %cond3A_171 : i32
    scf.if %cond3A_172 {
      %dma_start3A = arith.constant 0 : i32
      %dma_start3A_350 = arith.constant 0 : i32
      %dma_start3A_351 = tpu.memref_slice %arg2[%dma_start3A, %dma_start3A_350] : memref<10112x64xf32, #tpu.memory_space<hbm>> -> memref<10112x64xf32, #tpu.memory_space<hbm>>
      tpu.enqueue_indirect_dma source(%dma_start3A_351 : memref<10112x64xf32, #tpu.memory_space<hbm>>) target(%arg19 : memref<128x64xf32, #tpu.memory_space<vmem>>) offsets(%arg11 : memref<128xi32, #tpu.memory_space<vmem>>) semaphore(%arg27 : memref<!tpu.dma_semaphore, #tpu.memory_space<semaphore_mem>>)
    } else {
    }
    %eq3A_173 = arith.constant 1 : i32
    %eq3A_174 = arith.cmpi eq, %arg0, %eq3A_173 : i32
    %convert_element_type3A_175 = arith.extui %eq3A_174 : i1 to i32
    %cond3A_176 = arith.constant 0 : i32
    %cond3A_177 = arith.cmpi ne, %convert_element_type3A_175, %cond3A_176 : i32
    scf.if %cond3A_177 {
      %dma_start3A = arith.constant 0 : i32
      %dma_start3A_350 = arith.constant 0 : i32
      %dma_start3A_351 = tpu.memref_slice %arg3[%dma_start3A, %dma_start3A_350] : memref<10112x64xf32, #tpu.memory_space<hbm>> -> memref<10112x64xf32, #tpu.memory_space<hbm>>
      tpu.enqueue_indirect_dma source(%dma_start3A_351 : memref<10112x64xf32, #tpu.memory_space<hbm>>) target(%arg19 : memref<128x64xf32, #tpu.memory_space<vmem>>) offsets(%arg11 : memref<128xi32, #tpu.memory_space<vmem>>) semaphore(%arg27 : memref<!tpu.dma_semaphore, #tpu.memory_space<semaphore_mem>>)
    } else {
    }
    %get3A_178 = arith.constant 2 : i32
    %get3A_179 = arith.index_cast %get3A_178 : i32 to index
    %get3A_180 = arith.constant 0 : index
    %get3A_181 = tpu.vector_load %arg8[%get3A_179, %get3A_180] {strides = array<i32>} : memref<160x128xi32, #tpu.memory_space<vmem>>, vector<1x16xi32>,
    %get3A_182 = vector.shape_cast %get3A_181 : vector<1x16xi32> to vector<16xi32>
    %swap3A_183 = arith.constant 0 : index
    %swap3A_184 = tpu.vector_load %arg12[%swap3A_183] {strides = array<i32>} : memref<128xi32, #tpu.memory_space<vmem>>, vector<16xi32>,
    %swap3A_185 = vector.shape_cast %swap3A_184 : vector<16xi32> to vector<16xi32>
    %swap3A_186 = vector.shape_cast %get3A_182 : vector<16xi32> to vector<16xi32>
    tpu.vector_store %arg12[%swap3A_183], %swap3A_186 {strides = array<i32>} : memref<128xi32, #tpu.memory_space<vmem>>, vector<16xi32>,
    %get3A_187 = arith.constant 2 : i32
    %get3A_188 = arith.index_cast %get3A_187 : i32 to index
    %get3A_189 = arith.constant 16 : index
    %get3A_190 = tpu.vector_load %arg8[%get3A_188, %get3A_189] {strides = array<i32>} : memref<160x128xi32, #tpu.memory_space<vmem>>, vector<1x16xi32>,
    %get3A_191 = vector.shape_cast %get3A_190 : vector<1x16xi32> to vector<16xi32>
    %swap3A_192 = arith.constant 16 : index
    %swap3A_193 = tpu.vector_load %arg12[%swap3A_192] {strides = array<i32>} : memref<128xi32, #tpu.memory_space<vmem>>, vector<16xi32>,
    %swap3A_194 = vector.shape_cast %swap3A_193 : vector<16xi32> to vector<16xi32>
    %swap3A_195 = vector.shape_cast %get3A_191 : vector<16xi32> to vector<16xi32>
    tpu.vector_store %arg12[%swap3A_192], %swap3A_195 {strides = array<i32>} : memref<128xi32, #tpu.memory_space<vmem>>, vector<16xi32>,
    %get3A_196 = arith.constant 2 : i32
    %get3A_197 = arith.index_cast %get3A_196 : i32 to index
    %get3A_198 = arith.constant 32 : index
    %get3A_199 = tpu.vector_load %arg8[%get3A_197, %get3A_198] {strides = array<i32>} : memref<160x128xi32, #tpu.memory_space<vmem>>, vector<1x16xi32>,
    %get3A_200 = vector.shape_cast %get3A_199 : vector<1x16xi32> to vector<16xi32>
    %swap3A_201 = arith.constant 32 : index
    %swap3A_202 = tpu.vector_load %arg12[%swap3A_201] {strides = array<i32>} : memref<128xi32, #tpu.memory_space<vmem>>, vector<16xi32>,
    %swap3A_203 = vector.shape_cast %swap3A_202 : vector<16xi32> to vector<16xi32>
    %swap3A_204 = vector.shape_cast %get3A_200 : vector<16xi32> to vector<16xi32>
    tpu.vector_store %arg12[%swap3A_201], %swap3A_204 {strides = array<i32>} : memref<128xi32, #tpu.memory_space<vmem>>, vector<16xi32>,
    %get3A_205 = arith.constant 2 : i32
    %get3A_206 = arith.index_cast %get3A_205 : i32 to index
    %get3A_207 = arith.constant 48 : index
    %get3A_208 = tpu.vector_load %arg8[%get3A_206, %get3A_207] {strides = array<i32>} : memref<160x128xi32, #tpu.memory_space<vmem>>, vector<1x16xi32>,
    %get3A_209 = vector.shape_cast %get3A_208 : vector<1x16xi32> to vector<16xi32>
    %swap3A_210 = arith.constant 48 : index
    %swap3A_211 = tpu.vector_load %arg12[%swap3A_210] {strides = array<i32>} : memref<128xi32, #tpu.memory_space<vmem>>, vector<16xi32>,
    %swap3A_212 = vector.shape_cast %swap3A_211 : vector<16xi32> to vector<16xi32>
    %swap3A_213 = vector.shape_cast %get3A_209 : vector<16xi32> to vector<16xi32>
    tpu.vector_store %arg12[%swap3A_210], %swap3A_213 {strides = array<i32>} : memref<128xi32, #tpu.memory_space<vmem>>, vector<16xi32>,
    %get3A_214 = arith.constant 2 : i32
    %get3A_215 = arith.index_cast %get3A_214 : i32 to index
    %get3A_216 = arith.constant 64 : index
    %get3A_217 = tpu.vector_load %arg8[%get3A_215, %get3A_216] {strides = array<i32>} : memref<160x128xi32, #tpu.memory_space<vmem>>, vector<1x16xi32>,
    %get3A_218 = vector.shape_cast %get3A_217 : vector<1x16xi32> to vector<16xi32>
    %swap3A_219 = arith.constant 64 : index
    %swap3A_220 = tpu.vector_load %arg12[%swap3A_219] {strides = array<i32>} : memref<128xi32, #tpu.memory_space<vmem>>, vector<16xi32>,
    %swap3A_221 = vector.shape_cast %swap3A_220 : vector<16xi32> to vector<16xi32>
    %swap3A_222 = vector.shape_cast %get3A_218 : vector<16xi32> to vector<16xi32>
    tpu.vector_store %arg12[%swap3A_219], %swap3A_222 {strides = array<i32>} : memref<128xi32, #tpu.memory_space<vmem>>, vector<16xi32>,
    %get3A_223 = arith.constant 2 : i32
    %get3A_224 = arith.index_cast %get3A_223 : i32 to index
    %get3A_225 = arith.constant 80 : index
    %get3A_226 = tpu.vector_load %arg8[%get3A_224, %get3A_225] {strides = array<i32>} : memref<160x128xi32, #tpu.memory_space<vmem>>, vector<1x16xi32>,
    %get3A_227 = vector.shape_cast %get3A_226 : vector<1x16xi32> to vector<16xi32>
    %swap3A_228 = arith.constant 80 : index
    %swap3A_229 = tpu.vector_load %arg12[%swap3A_228] {strides = array<i32>} : memref<128xi32, #tpu.memory_space<vmem>>, vector<16xi32>,
    %swap3A_230 = vector.shape_cast %swap3A_229 : vector<16xi32> to vector<16xi32>
    %swap3A_231 = vector.shape_cast %get3A_227 : vector<16xi32> to vector<16xi32>
    tpu.vector_store %arg12[%swap3A_228], %swap3A_231 {strides = array<i32>} : memref<128xi32, #tpu.memory_space<vmem>>, vector<16xi32>,
    %get3A_232 = arith.constant 2 : i32
    %get3A_233 = arith.index_cast %get3A_232 : i32 to index
    %get3A_234 = arith.constant 96 : index
    %get3A_235 = tpu.vector_load %arg8[%get3A_233, %get3A_234] {strides = array<i32>} : memref<160x128xi32, #tpu.memory_space<vmem>>, vector<1x16xi32>,
    %get3A_236 = vector.shape_cast %get3A_235 : vector<1x16xi32> to vector<16xi32>
    %swap3A_237 = arith.constant 96 : index
    %swap3A_238 = tpu.vector_load %arg12[%swap3A_237] {strides = array<i32>} : memref<128xi32, #tpu.memory_space<vmem>>, vector<16xi32>,
    %swap3A_239 = vector.shape_cast %swap3A_238 : vector<16xi32> to vector<16xi32>
    %swap3A_240 = vector.shape_cast %get3A_236 : vector<16xi32> to vector<16xi32>
    tpu.vector_store %arg12[%swap3A_237], %swap3A_240 {strides = array<i32>} : memref<128xi32, #tpu.memory_space<vmem>>, vector<16xi32>,
    %get3A_241 = arith.constant 2 : i32
    %get3A_242 = arith.index_cast %get3A_241 : i32 to index
    %get3A_243 = arith.constant 112 : index
    %get3A_244 = tpu.vector_load %arg8[%get3A_242, %get3A_243] {strides = array<i32>} : memref<160x128xi32, #tpu.memory_space<vmem>>, vector<1x16xi32>,
    %get3A_245 = vector.shape_cast %get3A_244 : vector<1x16xi32> to vector<16xi32>
    %swap3A_246 = arith.constant 112 : index
    %swap3A_247 = tpu.vector_load %arg12[%swap3A_246] {strides = array<i32>} : memref<128xi32, #tpu.memory_space<vmem>>, vector<16xi32>,
    %swap3A_248 = vector.shape_cast %swap3A_247 : vector<16xi32> to vector<16xi32>
    %swap3A_249 = vector.shape_cast %get3A_245 : vector<16xi32> to vector<16xi32>
    tpu.vector_store %arg12[%swap3A_246], %swap3A_249 {strides = array<i32>} : memref<128xi32, #tpu.memory_space<vmem>>, vector<16xi32>,
    %eq3A_250 = arith.constant 0 : i32
    %eq3A_251 = arith.cmpi eq, %arg0, %eq3A_250 : i32
    %convert_element_type3A_252 = arith.extui %eq3A_251 : i1 to i32
    %cond3A_253 = arith.constant 0 : i32
    %cond3A_254 = arith.cmpi ne, %convert_element_type3A_252, %cond3A_253 : i32
    scf.if %cond3A_254 {
      %dma_start3A = arith.constant 0 : i32
      %dma_start3A_350 = arith.constant 0 : i32
      %dma_start3A_351 = tpu.memref_slice %arg2[%dma_start3A, %dma_start3A_350] : memref<10112x64xf32, #tpu.memory_space<hbm>> -> memref<10112x64xf32, #tpu.memory_space<hbm>>
      tpu.enqueue_indirect_dma source(%dma_start3A_351 : memref<10112x64xf32, #tpu.memory_space<hbm>>) target(%arg20 : memref<128x64xf32, #tpu.memory_space<vmem>>) offsets(%arg12 : memref<128xi32, #tpu.memory_space<vmem>>) semaphore(%arg28 : memref<!tpu.dma_semaphore, #tpu.memory_space<semaphore_mem>>)
    } else {
    }
    %eq3A_255 = arith.constant 1 : i32
    %eq3A_256 = arith.cmpi eq, %arg0, %eq3A_255 : i32
    %convert_element_type3A_257 = arith.extui %eq3A_256 : i1 to i32
    %cond3A_258 = arith.constant 0 : i32
    %cond3A_259 = arith.cmpi ne, %convert_element_type3A_257, %cond3A_258 : i32
    scf.if %cond3A_259 {
      %dma_start3A = arith.constant 0 : i32
      %dma_start3A_350 = arith.constant 0 : i32
      %dma_start3A_351 = tpu.memref_slice %arg3[%dma_start3A, %dma_start3A_350] : memref<10112x64xf32, #tpu.memory_space<hbm>> -> memref<10112x64xf32, #tpu.memory_space<hbm>>
      tpu.enqueue_indirect_dma source(%dma_start3A_351 : memref<10112x64xf32, #tpu.memory_space<hbm>>) target(%arg20 : memref<128x64xf32, #tpu.memory_space<vmem>>) offsets(%arg12 : memref<128xi32, #tpu.memory_space<vmem>>) semaphore(%arg28 : memref<!tpu.dma_semaphore, #tpu.memory_space<semaphore_mem>>)
    } else {
    }
    %get3A_260 = arith.constant 3 : i32
    %get3A_261 = arith.index_cast %get3A_260 : i32 to index
    %get3A_262 = arith.constant 0 : index
    %get3A_263 = tpu.vector_load %arg8[%get3A_261, %get3A_262] {strides = array<i32>} : memref<160x128xi32, #tpu.memory_space<vmem>>, vector<1x16xi32>,
    %get3A_264 = vector.shape_cast %get3A_263 : vector<1x16xi32> to vector<16xi32>
    %swap3A_265 = arith.constant 0 : index
    %swap3A_266 = tpu.vector_load %arg13[%swap3A_265] {strides = array<i32>} : memref<128xi32, #tpu.memory_space<vmem>>, vector<16xi32>,
    %swap3A_267 = vector.shape_cast %swap3A_266 : vector<16xi32> to vector<16xi32>
    %swap3A_268 = vector.shape_cast %get3A_264 : vector<16xi32> to vector<16xi32>
    tpu.vector_store %arg13[%swap3A_265], %swap3A_268 {strides = array<i32>} : memref<128xi32, #tpu.memory_space<vmem>>, vector<16xi32>,
    %get3A_269 = arith.constant 3 : i32
    %get3A_270 = arith.index_cast %get3A_269 : i32 to index
    %get3A_271 = arith.constant 16 : index
    %get3A_272 = tpu.vector_load %arg8[%get3A_270, %get3A_271] {strides = array<i32>} : memref<160x128xi32, #tpu.memory_space<vmem>>, vector<1x16xi32>,
    %get3A_273 = vector.shape_cast %get3A_272 : vector<1x16xi32> to vector<16xi32>
    %swap3A_274 = arith.constant 16 : index
    %swap3A_275 = tpu.vector_load %arg13[%swap3A_274] {strides = array<i32>} : memref<128xi32, #tpu.memory_space<vmem>>, vector<16xi32>,
    %swap3A_276 = vector.shape_cast %swap3A_275 : vector<16xi32> to vector<16xi32>
    %swap3A_277 = vector.shape_cast %get3A_273 : vector<16xi32> to vector<16xi32>
    tpu.vector_store %arg13[%swap3A_274], %swap3A_277 {strides = array<i32>} : memref<128xi32, #tpu.memory_space<vmem>>, vector<16xi32>,
    %get3A_278 = arith.constant 3 : i32
    %get3A_279 = arith.index_cast %get3A_278 : i32 to index
    %get3A_280 = arith.constant 32 : index
    %get3A_281 = tpu.vector_load %arg8[%get3A_279, %get3A_280] {strides = array<i32>} : memref<160x128xi32, #tpu.memory_space<vmem>>, vector<1x16xi32>,
    %get3A_282 = vector.shape_cast %get3A_281 : vector<1x16xi32> to vector<16xi32>
    %swap3A_283 = arith.constant 32 : index
    %swap3A_284 = tpu.vector_load %arg13[%swap3A_283] {strides = array<i32>} : memref<128xi32, #tpu.memory_space<vmem>>, vector<16xi32>,
    %swap3A_285 = vector.shape_cast %swap3A_284 : vector<16xi32> to vector<16xi32>
    %swap3A_286 = vector.shape_cast %get3A_282 : vector<16xi32> to vector<16xi32>
    tpu.vector_store %arg13[%swap3A_283], %swap3A_286 {strides = array<i32>} : memref<128xi32, #tpu.memory_space<vmem>>, vector<16xi32>,
    %get3A_287 = arith.constant 3 : i32
    %get3A_288 = arith.index_cast %get3A_287 : i32 to index
    %get3A_289 = arith.constant 48 : index
    %get3A_290 = tpu.vector_load %arg8[%get3A_288, %get3A_289] {strides = array<i32>} : memref<160x128xi32, #tpu.memory_space<vmem>>, vector<1x16xi32>,
    %get3A_291 = vector.shape_cast %get3A_290 : vector<1x16xi32> to vector<16xi32>
    %swap3A_292 = arith.constant 48 : index
    %swap3A_293 = tpu.vector_load %arg13[%swap3A_292] {strides = array<i32>} : memref<128xi32, #tpu.memory_space<vmem>>, vector<16xi32>,
    %swap3A_294 = vector.shape_cast %swap3A_293 : vector<16xi32> to vector<16xi32>
    %swap3A_295 = vector.shape_cast %get3A_291 : vector<16xi32> to vector<16xi32>
    tpu.vector_store %arg13[%swap3A_292], %swap3A_295 {strides = array<i32>} : memref<128xi32, #tpu.memory_space<vmem>>, vector<16xi32>,
    %get3A_296 = arith.constant 3 : i32
    %get3A_297 = arith.index_cast %get3A_296 : i32 to index
    %get3A_298 = arith.constant 64 : index
    %get3A_299 = tpu.vector_load %arg8[%get3A_297, %get3A_298] {strides = array<i32>} : memref<160x128xi32, #tpu.memory_space<vmem>>, vector<1x16xi32>,
    %get3A_300 = vector.shape_cast %get3A_299 : vector<1x16xi32> to vector<16xi32>
    %swap3A_301 = arith.constant 64 : index
    %swap3A_302 = tpu.vector_load %arg13[%swap3A_301] {strides = array<i32>} : memref<128xi32, #tpu.memory_space<vmem>>, vector<16xi32>,
    %swap3A_303 = vector.shape_cast %swap3A_302 : vector<16xi32> to vector<16xi32>
    %swap3A_304 = vector.shape_cast %get3A_300 : vector<16xi32> to vector<16xi32>
    tpu.vector_store %arg13[%swap3A_301], %swap3A_304 {strides = array<i32>} : memref<128xi32, #tpu.memory_space<vmem>>, vector<16xi32>,
    %get3A_305 = arith.constant 3 : i32
    %get3A_306 = arith.index_cast %get3A_305 : i32 to index
    %get3A_307 = arith.constant 80 : index
    %get3A_308 = tpu.vector_load %arg8[%get3A_306, %get3A_307] {strides = array<i32>} : memref<160x128xi32, #tpu.memory_space<vmem>>, vector<1x16xi32>,
    %get3A_309 = vector.shape_cast %get3A_308 : vector<1x16xi32> to vector<16xi32>
    %swap3A_310 = arith.constant 80 : index
    %swap3A_311 = tpu.vector_load %arg13[%swap3A_310] {strides = array<i32>} : memref<128xi32, #tpu.memory_space<vmem>>, vector<16xi32>,
    %swap3A_312 = vector.shape_cast %swap3A_311 : vector<16xi32> to vector<16xi32>
    %swap3A_313 = vector.shape_cast %get3A_309 : vector<16xi32> to vector<16xi32>
    tpu.vector_store %arg13[%swap3A_310], %swap3A_313 {strides = array<i32>} : memref<128xi32, #tpu.memory_space<vmem>>, vector<16xi32>,
    %get3A_314 = arith.constant 3 : i32
    %get3A_315 = arith.index_cast %get3A_314 : i32 to index
    %get3A_316 = arith.constant 96 : index
    %get3A_317 = tpu.vector_load %arg8[%get3A_315, %get3A_316] {strides = array<i32>} : memref<160x128xi32, #tpu.memory_space<vmem>>, vector<1x16xi32>,
    %get3A_318 = vector.shape_cast %get3A_317 : vector<1x16xi32> to vector<16xi32>
    %swap3A_319 = arith.constant 96 : index
    %swap3A_320 = tpu.vector_load %arg13[%swap3A_319] {strides = array<i32>} : memref<128xi32, #tpu.memory_space<vmem>>, vector<16xi32>,
    %swap3A_321 = vector.shape_cast %swap3A_320 : vector<16xi32> to vector<16xi32>
    %swap3A_322 = vector.shape_cast %get3A_318 : vector<16xi32> to vector<16xi32>
    tpu.vector_store %arg13[%swap3A_319], %swap3A_322 {strides = array<i32>} : memref<128xi32, #tpu.memory_space<vmem>>, vector<16xi32>,
    %get3A_323 = arith.constant 3 : i32
    %get3A_324 = arith.index_cast %get3A_323 : i32 to index
    %get3A_325 = arith.constant 112 : index
    %get3A_326 = tpu.vector_load %arg8[%get3A_324, %get3A_325] {strides = array<i32>} : memref<160x128xi32, #tpu.memory_space<vmem>>, vector<1x16xi32>,
    %get3A_327 = vector.shape_cast %get3A_326 : vector<1x16xi32> to vector<16xi32>
    %swap3A_328 = arith.constant 112 : index
    %swap3A_329 = tpu.vector_load %arg13[%swap3A_328] {strides = array<i32>} : memref<128xi32, #tpu.memory_space<vmem>>, vector<16xi32>,
    %swap3A_330 = vector.shape_cast %swap3A_329 : vector<16xi32> to vector<16xi32>
    %swap3A_331 = vector.shape_cast %get3A_327 : vector<16xi32> to vector<16xi32>
    tpu.vector_store %arg13[%swap3A_328], %swap3A_331 {strides = array<i32>} : memref<128xi32, #tpu.memory_space<vmem>>, vector<16xi32>,
    %eq3A_332 = arith.constant 0 : i32
    %eq3A_333 = arith.cmpi eq, %arg0, %eq3A_332 : i32
    %convert_element_type3A_334 = arith.extui %eq3A_333 : i1 to i32
    %cond3A_335 = arith.constant 0 : i32
    %cond3A_336 = arith.cmpi ne, %convert_element_type3A_334, %cond3A_335 : i32
    scf.if %cond3A_336 {
      %dma_start3A = arith.constant 0 : i32
      %dma_start3A_350 = arith.constant 0 : i32
      %dma_start3A_351 = tpu.memref_slice %arg2[%dma_start3A, %dma_start3A_350] : memref<10112x64xf32, #tpu.memory_space<hbm>> -> memref<10112x64xf32, #tpu.memory_space<hbm>>
      tpu.enqueue_indirect_dma source(%dma_start3A_351 : memref<10112x64xf32, #tpu.memory_space<hbm>>) target(%arg21 : memref<128x64xf32, #tpu.memory_space<vmem>>) offsets(%arg13 : memref<128xi32, #tpu.memory_space<vmem>>) semaphore(%arg29 : memref<!tpu.dma_semaphore, #tpu.memory_space<semaphore_mem>>)
    } else {
    }
    %eq3A_337 = arith.constant 1 : i32
    %eq3A_338 = arith.cmpi eq, %arg0, %eq3A_337 : i32
    %convert_element_type3A_339 = arith.extui %eq3A_338 : i1 to i32
    %cond3A_340 = arith.constant 0 : i32
    %cond3A_341 = arith.cmpi ne, %convert_element_type3A_339, %cond3A_340 : i32
    scf.if %cond3A_341 {
      %dma_start3A = arith.constant 0 : i32
      %dma_start3A_350 = arith.constant 0 : i32
      %dma_start3A_351 = tpu.memref_slice %arg3[%dma_start3A, %dma_start3A_350] : memref<10112x64xf32, #tpu.memory_space<hbm>> -> memref<10112x64xf32, #tpu.memory_space<hbm>>
      tpu.enqueue_indirect_dma source(%dma_start3A_351 : memref<10112x64xf32, #tpu.memory_space<hbm>>) target(%arg21 : memref<128x64xf32, #tpu.memory_space<vmem>>) offsets(%arg13 : memref<128xi32, #tpu.memory_space<vmem>>) semaphore(%arg29 : memref<!tpu.dma_semaphore, #tpu.memory_space<semaphore_mem>>)
    } else {
    }
    %scan3A_342 = arith.constant 0 : i32
    %scan3A_343 = arith.constant 0 : i32
    %scan3A_344 = arith.constant 40 : i32
    %scan3A_345 = arith.addi %scan3A_343, %scan3A_344 : i32
    %scan3A_346 = arith.constant 1 : i32
    %scan3A_347 = scf.for %scan3A_350 = %scan3A_343 to %scan3A_345 step %scan3A_346 iter_args(%scan3A_351 = %scan3A_342) -> (i32)  : i32 {
      %mul3A_352 = arith.constant 4 : i32
      %mul3A_353 = arith.muli %scan3A_350, %mul3A_352 : i32
      %add3A_354 = arith.constant 0 : i32
      %add3A_355 = arith.addi %mul3A_353, %add3A_354 : i32
      %get3A_356 = arith.index_cast %add3A_355 : i32 to index
      %get3A_357 = arith.constant 0 : index
      %get3A_358 = tpu.vector_load %arg9[%get3A_356, %get3A_357] {strides = array<i32>} : memref<160x128xi32, #tpu.memory_space<vmem>>, vector<1x16xi32>,
      %get3A_359 = vector.shape_cast %get3A_358 : vector<1x16xi32> to vector<16xi32>
      %swap3A_360 = arith.constant 0 : index
      %swap3A_361 = tpu.vector_load %arg14[%swap3A_360] {strides = array<i32>} : memref<128xi32, #tpu.memory_space<vmem>>, vector<16xi32>,
      %swap3A_362 = vector.shape_cast %swap3A_361 : vector<16xi32> to vector<16xi32>
      %swap3A_363 = vector.shape_cast %get3A_359 : vector<16xi32> to vector<16xi32>
      tpu.vector_store %arg14[%swap3A_360], %swap3A_363 {strides = array<i32>} : memref<128xi32, #tpu.memory_space<vmem>>, vector<16xi32>,
      %get3A_364 = arith.index_cast %add3A_355 : i32 to index
      %get3A_365 = arith.constant 16 : index
      %get3A_366 = tpu.vector_load %arg9[%get3A_364, %get3A_365] {strides = array<i32>} : memref<160x128xi32, #tpu.memory_space<vmem>>, vector<1x16xi32>,
      %get3A_367 = vector.shape_cast %get3A_366 : vector<1x16xi32> to vector<16xi32>
      %swap3A_368 = arith.constant 16 : index
      %swap3A_369 = tpu.vector_load %arg14[%swap3A_368] {strides = array<i32>} : memref<128xi32, #tpu.memory_space<vmem>>, vector<16xi32>,
      %swap3A_370 = vector.shape_cast %swap3A_369 : vector<16xi32> to vector<16xi32>
      %swap3A_371 = vector.shape_cast %get3A_367 : vector<16xi32> to vector<16xi32>
      tpu.vector_store %arg14[%swap3A_368], %swap3A_371 {strides = array<i32>} : memref<128xi32, #tpu.memory_space<vmem>>, vector<16xi32>,
      %get3A_372 = arith.index_cast %add3A_355 : i32 to index
      %get3A_373 = arith.constant 32 : index
      %get3A_374 = tpu.vector_load %arg9[%get3A_372, %get3A_373] {strides = array<i32>} : memref<160x128xi32, #tpu.memory_space<vmem>>, vector<1x16xi32>,
      %get3A_375 = vector.shape_cast %get3A_374 : vector<1x16xi32> to vector<16xi32>
      %swap3A_376 = arith.constant 32 : index
      %swap3A_377 = tpu.vector_load %arg14[%swap3A_376] {strides = array<i32>} : memref<128xi32, #tpu.memory_space<vmem>>, vector<16xi32>,
      %swap3A_378 = vector.shape_cast %swap3A_377 : vector<16xi32> to vector<16xi32>
      %swap3A_379 = vector.shape_cast %get3A_375 : vector<16xi32> to vector<16xi32>
      tpu.vector_store %arg14[%swap3A_376], %swap3A_379 {strides = array<i32>} : memref<128xi32, #tpu.memory_space<vmem>>, vector<16xi32>,
      %get3A_380 = arith.index_cast %add3A_355 : i32 to index
      %get3A_381 = arith.constant 48 : index
      %get3A_382 = tpu.vector_load %arg9[%get3A_380, %get3A_381] {strides = array<i32>} : memref<160x128xi32, #tpu.memory_space<vmem>>, vector<1x16xi32>,
      %get3A_383 = vector.shape_cast %get3A_382 : vector<1x16xi32> to vector<16xi32>
      %swap3A_384 = arith.constant 48 : index
      %swap3A_385 = tpu.vector_load %arg14[%swap3A_384] {strides = array<i32>} : memref<128xi32, #tpu.memory_space<vmem>>, vector<16xi32>,
      %swap3A_386 = vector.shape_cast %swap3A_385 : vector<16xi32> to vector<16xi32>
      %swap3A_387 = vector.shape_cast %get3A_383 : vector<16xi32> to vector<16xi32>
      tpu.vector_store %arg14[%swap3A_384], %swap3A_387 {strides = array<i32>} : memref<128xi32, #tpu.memory_space<vmem>>, vector<16xi32>,
      %get3A_388 = arith.index_cast %add3A_355 : i32 to index
      %get3A_389 = arith.constant 64 : index
      %get3A_390 = tpu.vector_load %arg9[%get3A_388, %get3A_389] {strides = array<i32>} : memref<160x128xi32, #tpu.memory_space<vmem>>, vector<1x16xi32>,
      %get3A_391 = vector.shape_cast %get3A_390 : vector<1x16xi32> to vector<16xi32>
      %swap3A_392 = arith.constant 64 : index
      %swap3A_393 = tpu.vector_load %arg14[%swap3A_392] {strides = array<i32>} : memref<128xi32, #tpu.memory_space<vmem>>, vector<16xi32>,
      %swap3A_394 = vector.shape_cast %swap3A_393 : vector<16xi32> to vector<16xi32>
      %swap3A_395 = vector.shape_cast %get3A_391 : vector<16xi32> to vector<16xi32>
      tpu.vector_store %arg14[%swap3A_392], %swap3A_395 {strides = array<i32>} : memref<128xi32, #tpu.memory_space<vmem>>, vector<16xi32>,
      %get3A_396 = arith.index_cast %add3A_355 : i32 to index
      %get3A_397 = arith.constant 80 : index
      %get3A_398 = tpu.vector_load %arg9[%get3A_396, %get3A_397] {strides = array<i32>} : memref<160x128xi32, #tpu.memory_space<vmem>>, vector<1x16xi32>,
      %get3A_399 = vector.shape_cast %get3A_398 : vector<1x16xi32> to vector<16xi32>
      %swap3A_400 = arith.constant 80 : index
      %swap3A_401 = tpu.vector_load %arg14[%swap3A_400] {strides = array<i32>} : memref<128xi32, #tpu.memory_space<vmem>>, vector<16xi32>,
      %swap3A_402 = vector.shape_cast %swap3A_401 : vector<16xi32> to vector<16xi32>
      %swap3A_403 = vector.shape_cast %get3A_399 : vector<16xi32> to vector<16xi32>
      tpu.vector_store %arg14[%swap3A_400], %swap3A_403 {strides = array<i32>} : memref<128xi32, #tpu.memory_space<vmem>>, vector<16xi32>,
      %get3A_404 = arith.index_cast %add3A_355 : i32 to index
      %get3A_405 = arith.constant 96 : index
      %get3A_406 = tpu.vector_load %arg9[%get3A_404, %get3A_405] {strides = array<i32>} : memref<160x128xi32, #tpu.memory_space<vmem>>, vector<1x16xi32>,
      %get3A_407 = vector.shape_cast %get3A_406 : vector<1x16xi32> to vector<16xi32>
      %swap3A_408 = arith.constant 96 : index
      %swap3A_409 = tpu.vector_load %arg14[%swap3A_408] {strides = array<i32>} : memref<128xi32, #tpu.memory_space<vmem>>, vector<16xi32>,
      %swap3A_410 = vector.shape_cast %swap3A_409 : vector<16xi32> to vector<16xi32>
      %swap3A_411 = vector.shape_cast %get3A_407 : vector<16xi32> to vector<16xi32>
      tpu.vector_store %arg14[%swap3A_408], %swap3A_411 {strides = array<i32>} : memref<128xi32, #tpu.memory_space<vmem>>, vector<16xi32>,
      %get3A_412 = arith.index_cast %add3A_355 : i32 to index
      %get3A_413 = arith.constant 112 : index
      %get3A_414 = tpu.vector_load %arg9[%get3A_412, %get3A_413] {strides = array<i32>} : memref<160x128xi32, #tpu.memory_space<vmem>>, vector<1x16xi32>,
      %get3A_415 = vector.shape_cast %get3A_414 : vector<1x16xi32> to vector<16xi32>
      %swap3A_416 = arith.constant 112 : index
      %swap3A_417 = tpu.vector_load %arg14[%swap3A_416] {strides = array<i32>} : memref<128xi32, #tpu.memory_space<vmem>>, vector<16xi32>,
      %swap3A_418 = vector.shape_cast %swap3A_417 : vector<16xi32> to vector<16xi32>
      %swap3A_419 = vector.shape_cast %get3A_415 : vector<16xi32> to vector<16xi32>
      tpu.vector_store %arg14[%swap3A_416], %swap3A_419 {strides = array<i32>} : memref<128xi32, #tpu.memory_space<vmem>>, vector<16xi32>,
      %dma_wait3A = arith.constant 0 : i32
      %dma_wait3A_420 = arith.constant 0 : i32
      %dma_wait3A_421 = tpu.memref_slice %arg2[%dma_wait3A, %dma_wait3A_420] : memref<10112x64xf32, #tpu.memory_space<hbm>> -> memref<10112x64xf32, #tpu.memory_space<hbm>>
      tpu.wait_indirect_dma semaphore(%arg26 : memref<!tpu.dma_semaphore, #tpu.memory_space<semaphore_mem>>) src(%dma_wait3A_421 : memref<10112x64xf32, #tpu.memory_space<hbm>>) dst(%arg18 : memref<128x64xf32, #tpu.memory_space<vmem>>)
      "tpu.region"() ({
        %run_scoped3A = tpu.sem_alloc : memref<!tpu.dma_semaphore, #tpu.memory_space<semaphore_mem>>
        %dma_start3A = arith.constant 0 : i32
        %dma_start3A_703 = arith.constant 0 : i32
        %dma_start3A_704 = tpu.memref_slice %arg24[%dma_start3A, %dma_start3A_703] : memref<10112x64xf32, #tpu.memory_space<vmem_shared>> -> memref<10112x64xf32, #tpu.memory_space<vmem_shared>>
        tpu.enqueue_indirect_dma source(%arg18 : memref<128x64xf32, #tpu.memory_space<vmem>>) target(%dma_start3A_704 : memref<10112x64xf32, #tpu.memory_space<vmem_shared>>) offsets(%arg14 : memref<128xi32, #tpu.memory_space<vmem>>) semaphore(%run_scoped3A : memref<!tpu.dma_semaphore, #tpu.memory_space<semaphore_mem>>) {add = true}
        %dma_wait3A_705 = arith.constant 0 : i32
        %dma_wait3A_706 = arith.constant 0 : i32
        %dma_wait3A_707 = tpu.memref_slice %arg24[%dma_wait3A_705, %dma_wait3A_706] : memref<10112x64xf32, #tpu.memory_space<vmem_shared>> -> memref<10112x64xf32, #tpu.memory_space<vmem_shared>>
        tpu.wait_indirect_dma semaphore(%run_scoped3A : memref<!tpu.dma_semaphore, #tpu.memory_space<semaphore_mem>>) src(%arg18 : memref<128x64xf32, #tpu.memory_space<vmem>>) dst(%dma_wait3A_707 : memref<10112x64xf32, #tpu.memory_space<vmem_shared>>)
        tpu.yield
      }) : () -> ()
      %lt3A = arith.constant 80 : i32
      %lt3A_422 = arith.cmpi slt, %add3A_355, %lt3A : i32
      %eq3A_423 = arith.constant 0 : i32
      %eq3A_424 = arith.cmpi eq, %arg0, %eq3A_423 : i32
      %eq3A_425 = arith.xori %lt3A_422, %eq3A_424 : i1
      %eq3A_426 = arith.constant true
      %eq3A_427 = arith.xori %eq3A_425, %eq3A_426 : i1
      %convert_element_type3A_428 = arith.extui %eq3A_427 : i1 to i32
      %cond3A_429 = arith.constant 0 : i32
      %cond3A_430 = arith.cmpi ne, %convert_element_type3A_428, %cond3A_429 : i32
      scf.if %cond3A_430 {
        "tpu.region"() ({
          %run_scoped3A = tpu.sem_alloc : memref<!tpu.dma_semaphore, #tpu.memory_space<semaphore_mem>>
          %dma_start3A = arith.constant 0 : i32
          %dma_start3A_703 = arith.constant 0 : i32
          %dma_start3A_704 = tpu.memref_slice %arg25[%dma_start3A, %dma_start3A_703] : memref<10112x16xf32, #tpu.memory_space<vmem_shared>> -> memref<10112x16xf32, #tpu.memory_space<vmem_shared>>
          tpu.enqueue_indirect_dma source(%arg22 : memref<128x16xf32, #tpu.memory_space<vmem>>) target(%dma_start3A_704 : memref<10112x16xf32, #tpu.memory_space<vmem_shared>>) offsets(%arg14 : memref<128xi32, #tpu.memory_space<vmem>>) semaphore(%run_scoped3A : memref<!tpu.dma_semaphore, #tpu.memory_space<semaphore_mem>>) {add = true}
          %dma_wait3A_705 = arith.constant 0 : i32
          %dma_wait3A_706 = arith.constant 0 : i32
          %dma_wait3A_707 = tpu.memref_slice %arg25[%dma_wait3A_705, %dma_wait3A_706] : memref<10112x16xf32, #tpu.memory_space<vmem_shared>> -> memref<10112x16xf32, #tpu.memory_space<vmem_shared>>
          tpu.wait_indirect_dma semaphore(%run_scoped3A : memref<!tpu.dma_semaphore, #tpu.memory_space<semaphore_mem>>) src(%arg22 : memref<128x16xf32, #tpu.memory_space<vmem>>) dst(%dma_wait3A_707 : memref<10112x16xf32, #tpu.memory_space<vmem_shared>>)
          tpu.yield
        }) : () -> ()
      } else {
      }
      %add3A_431 = arith.constant 4 : i32
      %add3A_432 = arith.addi %add3A_355, %add3A_431 : i32
      %lt3A_433 = arith.constant 160 : i32
      %lt3A_434 = arith.cmpi slt, %add3A_432, %lt3A_433 : i32
      %convert_element_type3A_435 = arith.extui %lt3A_434 : i1 to i32
      %cond3A_436 = arith.constant 0 : i32
      %cond3A_437 = arith.cmpi ne, %convert_element_type3A_435, %cond3A_436 : i32
      scf.if %cond3A_437 {
        %add3A_703 = arith.constant 4 : i32
        %add3A_704 = arith.addi %add3A_355, %add3A_703 : i32
        %get3A_705 = arith.index_cast %add3A_704 : i32 to index
        %get3A_706 = arith.constant 0 : index
        %get3A_707 = tpu.vector_load %arg8[%get3A_705, %get3A_706] {strides = array<i32>} : memref<160x128xi32, #tpu.memory_space<vmem>>, vector<1x16xi32>,
        %get3A_708 = vector.shape_cast %get3A_707 : vector<1x16xi32> to vector<16xi32>
        %swap3A_709 = arith.constant 0 : index
        %swap3A_710 = tpu.vector_load %arg10[%swap3A_709] {strides = array<i32>} : memref<128xi32, #tpu.memory_space<vmem>>, vector<16xi32>,
        %swap3A_711 = vector.shape_cast %swap3A_710 : vector<16xi32> to vector<16xi32>
        %swap3A_712 = vector.shape_cast %get3A_708 : vector<16xi32> to vector<16xi32>
        tpu.vector_store %arg10[%swap3A_709], %swap3A_712 {strides = array<i32>} : memref<128xi32, #tpu.memory_space<vmem>>, vector<16xi32>,
        %get3A_713 = arith.index_cast %add3A_704 : i32 to index
        %get3A_714 = arith.constant 16 : index
        %get3A_715 = tpu.vector_load %arg8[%get3A_713, %get3A_714] {strides = array<i32>} : memref<160x128xi32, #tpu.memory_space<vmem>>, vector<1x16xi32>,
        %get3A_716 = vector.shape_cast %get3A_715 : vector<1x16xi32> to vector<16xi32>
        %swap3A_717 = arith.constant 16 : index
        %swap3A_718 = tpu.vector_load %arg10[%swap3A_717] {strides = array<i32>} : memref<128xi32, #tpu.memory_space<vmem>>, vector<16xi32>,
        %swap3A_719 = vector.shape_cast %swap3A_718 : vector<16xi32> to vector<16xi32>
        %swap3A_720 = vector.shape_cast %get3A_716 : vector<16xi32> to vector<16xi32>
        tpu.vector_store %arg10[%swap3A_717], %swap3A_720 {strides = array<i32>} : memref<128xi32, #tpu.memory_space<vmem>>, vector<16xi32>,
        %get3A_721 = arith.index_cast %add3A_704 : i32 to index
        %get3A_722 = arith.constant 32 : index
        %get3A_723 = tpu.vector_load %arg8[%get3A_721, %get3A_722] {strides = array<i32>} : memref<160x128xi32, #tpu.memory_space<vmem>>, vector<1x16xi32>,
        %get3A_724 = vector.shape_cast %get3A_723 : vector<1x16xi32> to vector<16xi32>
        %swap3A_725 = arith.constant 32 : index
        %swap3A_726 = tpu.vector_load %arg10[%swap3A_725] {strides = array<i32>} : memref<128xi32, #tpu.memory_space<vmem>>, vector<16xi32>,
        %swap3A_727 = vector.shape_cast %swap3A_726 : vector<16xi32> to vector<16xi32>
        %swap3A_728 = vector.shape_cast %get3A_724 : vector<16xi32> to vector<16xi32>
        tpu.vector_store %arg10[%swap3A_725], %swap3A_728 {strides = array<i32>} : memref<128xi32, #tpu.memory_space<vmem>>, vector<16xi32>,
        %get3A_729 = arith.index_cast %add3A_704 : i32 to index
        %get3A_730 = arith.constant 48 : index
        %get3A_731 = tpu.vector_load %arg8[%get3A_729, %get3A_730] {strides = array<i32>} : memref<160x128xi32, #tpu.memory_space<vmem>>, vector<1x16xi32>,
        %get3A_732 = vector.shape_cast %get3A_731 : vector<1x16xi32> to vector<16xi32>
        %swap3A_733 = arith.constant 48 : index
        %swap3A_734 = tpu.vector_load %arg10[%swap3A_733] {strides = array<i32>} : memref<128xi32, #tpu.memory_space<vmem>>, vector<16xi32>,
        %swap3A_735 = vector.shape_cast %swap3A_734 : vector<16xi32> to vector<16xi32>
        %swap3A_736 = vector.shape_cast %get3A_732 : vector<16xi32> to vector<16xi32>
        tpu.vector_store %arg10[%swap3A_733], %swap3A_736 {strides = array<i32>} : memref<128xi32, #tpu.memory_space<vmem>>, vector<16xi32>,
        %get3A_737 = arith.index_cast %add3A_704 : i32 to index
        %get3A_738 = arith.constant 64 : index
        %get3A_739 = tpu.vector_load %arg8[%get3A_737, %get3A_738] {strides = array<i32>} : memref<160x128xi32, #tpu.memory_space<vmem>>, vector<1x16xi32>,
        %get3A_740 = vector.shape_cast %get3A_739 : vector<1x16xi32> to vector<16xi32>
        %swap3A_741 = arith.constant 64 : index
        %swap3A_742 = tpu.vector_load %arg10[%swap3A_741] {strides = array<i32>} : memref<128xi32, #tpu.memory_space<vmem>>, vector<16xi32>,
        %swap3A_743 = vector.shape_cast %swap3A_742 : vector<16xi32> to vector<16xi32>
        %swap3A_744 = vector.shape_cast %get3A_740 : vector<16xi32> to vector<16xi32>
        tpu.vector_store %arg10[%swap3A_741], %swap3A_744 {strides = array<i32>} : memref<128xi32, #tpu.memory_space<vmem>>, vector<16xi32>,
        %get3A_745 = arith.index_cast %add3A_704 : i32 to index
        %get3A_746 = arith.constant 80 : index
        %get3A_747 = tpu.vector_load %arg8[%get3A_745, %get3A_746] {strides = array<i32>} : memref<160x128xi32, #tpu.memory_space<vmem>>, vector<1x16xi32>,
        %get3A_748 = vector.shape_cast %get3A_747 : vector<1x16xi32> to vector<16xi32>
        %swap3A_749 = arith.constant 80 : index
        %swap3A_750 = tpu.vector_load %arg10[%swap3A_749] {strides = array<i32>} : memref<128xi32, #tpu.memory_space<vmem>>, vector<16xi32>,
        %swap3A_751 = vector.shape_cast %swap3A_750 : vector<16xi32> to vector<16xi32>
        %swap3A_752 = vector.shape_cast %get3A_748 : vector<16xi32> to vector<16xi32>
        tpu.vector_store %arg10[%swap3A_749], %swap3A_752 {strides = array<i32>} : memref<128xi32, #tpu.memory_space<vmem>>, vector<16xi32>,
        %get3A_753 = arith.index_cast %add3A_704 : i32 to index
        %get3A_754 = arith.constant 96 : index
        %get3A_755 = tpu.vector_load %arg8[%get3A_753, %get3A_754] {strides = array<i32>} : memref<160x128xi32, #tpu.memory_space<vmem>>, vector<1x16xi32>,
        %get3A_756 = vector.shape_cast %get3A_755 : vector<1x16xi32> to vector<16xi32>
        %swap3A_757 = arith.constant 96 : index
        %swap3A_758 = tpu.vector_load %arg10[%swap3A_757] {strides = array<i32>} : memref<128xi32, #tpu.memory_space<vmem>>, vector<16xi32>,
        %swap3A_759 = vector.shape_cast %swap3A_758 : vector<16xi32> to vector<16xi32>
        %swap3A_760 = vector.shape_cast %get3A_756 : vector<16xi32> to vector<16xi32>
        tpu.vector_store %arg10[%swap3A_757], %swap3A_760 {strides = array<i32>} : memref<128xi32, #tpu.memory_space<vmem>>, vector<16xi32>,
        %get3A_761 = arith.index_cast %add3A_704 : i32 to index
        %get3A_762 = arith.constant 112 : index
        %get3A_763 = tpu.vector_load %arg8[%get3A_761, %get3A_762] {strides = array<i32>} : memref<160x128xi32, #tpu.memory_space<vmem>>, vector<1x16xi32>,
        %get3A_764 = vector.shape_cast %get3A_763 : vector<1x16xi32> to vector<16xi32>
        %swap3A_765 = arith.constant 112 : index
        %swap3A_766 = tpu.vector_load %arg10[%swap3A_765] {strides = array<i32>} : memref<128xi32, #tpu.memory_space<vmem>>, vector<16xi32>,
        %swap3A_767 = vector.shape_cast %swap3A_766 : vector<16xi32> to vector<16xi32>
        %swap3A_768 = vector.shape_cast %get3A_764 : vector<16xi32> to vector<16xi32>
        tpu.vector_store %arg10[%swap3A_765], %swap3A_768 {strides = array<i32>} : memref<128xi32, #tpu.memory_space<vmem>>, vector<16xi32>,
        %eq3A_769 = arith.constant 0 : i32
        %eq3A_770 = arith.cmpi eq, %arg0, %eq3A_769 : i32
        %convert_element_type3A_771 = arith.extui %eq3A_770 : i1 to i32
        %cond3A_772 = arith.constant 0 : i32
        %cond3A_773 = arith.cmpi ne, %convert_element_type3A_771, %cond3A_772 : i32
        scf.if %cond3A_773 {
          %dma_start3A = arith.constant 0 : i32
          %dma_start3A_779 = arith.constant 0 : i32
          %dma_start3A_780 = tpu.memref_slice %arg2[%dma_start3A, %dma_start3A_779] : memref<10112x64xf32, #tpu.memory_space<hbm>> -> memref<10112x64xf32, #tpu.memory_space<hbm>>
          tpu.enqueue_indirect_dma source(%dma_start3A_780 : memref<10112x64xf32, #tpu.memory_space<hbm>>) target(%arg18 : memref<128x64xf32, #tpu.memory_space<vmem>>) offsets(%arg10 : memref<128xi32, #tpu.memory_space<vmem>>) semaphore(%arg26 : memref<!tpu.dma_semaphore, #tpu.memory_space<semaphore_mem>>)
        } else {
        }
        %eq3A_774 = arith.constant 1 : i32
        %eq3A_775 = arith.cmpi eq, %arg0, %eq3A_774 : i32
        %convert_element_type3A_776 = arith.extui %eq3A_775 : i1 to i32
        %cond3A_777 = arith.constant 0 : i32
        %cond3A_778 = arith.cmpi ne, %convert_element_type3A_776, %cond3A_777 : i32
        scf.if %cond3A_778 {
          %dma_start3A = arith.constant 0 : i32
          %dma_start3A_779 = arith.constant 0 : i32
          %dma_start3A_780 = tpu.memref_slice %arg3[%dma_start3A, %dma_start3A_779] : memref<10112x64xf32, #tpu.memory_space<hbm>> -> memref<10112x64xf32, #tpu.memory_space<hbm>>
          tpu.enqueue_indirect_dma source(%dma_start3A_780 : memref<10112x64xf32, #tpu.memory_space<hbm>>) target(%arg18 : memref<128x64xf32, #tpu.memory_space<vmem>>) offsets(%arg10 : memref<128xi32, #tpu.memory_space<vmem>>) semaphore(%arg26 : memref<!tpu.dma_semaphore, #tpu.memory_space<semaphore_mem>>)
        } else {
        }
      } else {
      }
      %mul3A_438 = arith.constant 4 : i32
      %mul3A_439 = arith.muli %scan3A_350, %mul3A_438 : i32
      %add3A_440 = arith.constant 1 : i32
      %add3A_441 = arith.addi %mul3A_439, %add3A_440 : i32
      %get3A_442 = arith.index_cast %add3A_441 : i32 to index
      %get3A_443 = arith.constant 0 : index
      %get3A_444 = tpu.vector_load %arg9[%get3A_442, %get3A_443] {strides = array<i32>} : memref<160x128xi32, #tpu.memory_space<vmem>>, vector<1x16xi32>,
      %get3A_445 = vector.shape_cast %get3A_444 : vector<1x16xi32> to vector<16xi32>
      %swap3A_446 = arith.constant 0 : index
      %swap3A_447 = tpu.vector_load %arg15[%swap3A_446] {strides = array<i32>} : memref<128xi32, #tpu.memory_space<vmem>>, vector<16xi32>,
      %swap3A_448 = vector.shape_cast %swap3A_447 : vector<16xi32> to vector<16xi32>
      %swap3A_449 = vector.shape_cast %get3A_445 : vector<16xi32> to vector<16xi32>
      tpu.vector_store %arg15[%swap3A_446], %swap3A_449 {strides = array<i32>} : memref<128xi32, #tpu.memory_space<vmem>>, vector<16xi32>,
      %get3A_450 = arith.index_cast %add3A_441 : i32 to index
      %get3A_451 = arith.constant 16 : index
      %get3A_452 = tpu.vector_load %arg9[%get3A_450, %get3A_451] {strides = array<i32>} : memref<160x128xi32, #tpu.memory_space<vmem>>, vector<1x16xi32>,
      %get3A_453 = vector.shape_cast %get3A_452 : vector<1x16xi32> to vector<16xi32>
      %swap3A_454 = arith.constant 16 : index
      %swap3A_455 = tpu.vector_load %arg15[%swap3A_454] {strides = array<i32>} : memref<128xi32, #tpu.memory_space<vmem>>, vector<16xi32>,
      %swap3A_456 = vector.shape_cast %swap3A_455 : vector<16xi32> to vector<16xi32>
      %swap3A_457 = vector.shape_cast %get3A_453 : vector<16xi32> to vector<16xi32>
      tpu.vector_store %arg15[%swap3A_454], %swap3A_457 {strides = array<i32>} : memref<128xi32, #tpu.memory_space<vmem>>, vector<16xi32>,
      %get3A_458 = arith.index_cast %add3A_441 : i32 to index
      %get3A_459 = arith.constant 32 : index
      %get3A_460 = tpu.vector_load %arg9[%get3A_458, %get3A_459] {strides = array<i32>} : memref<160x128xi32, #tpu.memory_space<vmem>>, vector<1x16xi32>,
      %get3A_461 = vector.shape_cast %get3A_460 : vector<1x16xi32> to vector<16xi32>
      %swap3A_462 = arith.constant 32 : index
      %swap3A_463 = tpu.vector_load %arg15[%swap3A_462] {strides = array<i32>} : memref<128xi32, #tpu.memory_space<vmem>>, vector<16xi32>,
      %swap3A_464 = vector.shape_cast %swap3A_463 : vector<16xi32> to vector<16xi32>
      %swap3A_465 = vector.shape_cast %get3A_461 : vector<16xi32> to vector<16xi32>
      tpu.vector_store %arg15[%swap3A_462], %swap3A_465 {strides = array<i32>} : memref<128xi32, #tpu.memory_space<vmem>>, vector<16xi32>,
      %get3A_466 = arith.index_cast %add3A_441 : i32 to index
      %get3A_467 = arith.constant 48 : index
      %get3A_468 = tpu.vector_load %arg9[%get3A_466, %get3A_467] {strides = array<i32>} : memref<160x128xi32, #tpu.memory_space<vmem>>, vector<1x16xi32>,
      %get3A_469 = vector.shape_cast %get3A_468 : vector<1x16xi32> to vector<16xi32>
      %swap3A_470 = arith.constant 48 : index
      %swap3A_471 = tpu.vector_load %arg15[%swap3A_470] {strides = array<i32>} : memref<128xi32, #tpu.memory_space<vmem>>, vector<16xi32>,
      %swap3A_472 = vector.shape_cast %swap3A_471 : vector<16xi32> to vector<16xi32>
      %swap3A_473 = vector.shape_cast %get3A_469 : vector<16xi32> to vector<16xi32>
      tpu.vector_store %arg15[%swap3A_470], %swap3A_473 {strides = array<i32>} : memref<128xi32, #tpu.memory_space<vmem>>, vector<16xi32>,
      %get3A_474 = arith.index_cast %add3A_441 : i32 to index
      %get3A_475 = arith.constant 64 : index
      %get3A_476 = tpu.vector_load %arg9[%get3A_474, %get3A_475] {strides = array<i32>} : memref<160x128xi32, #tpu.memory_space<vmem>>, vector<1x16xi32>,
      %get3A_477 = vector.shape_cast %get3A_476 : vector<1x16xi32> to vector<16xi32>
      %swap3A_478 = arith.constant 64 : index
      %swap3A_479 = tpu.vector_load %arg15[%swap3A_478] {strides = array<i32>} : memref<128xi32, #tpu.memory_space<vmem>>, vector<16xi32>,
      %swap3A_480 = vector.shape_cast %swap3A_479 : vector<16xi32> to vector<16xi32>
      %swap3A_481 = vector.shape_cast %get3A_477 : vector<16xi32> to vector<16xi32>
      tpu.vector_store %arg15[%swap3A_478], %swap3A_481 {strides = array<i32>} : memref<128xi32, #tpu.memory_space<vmem>>, vector<16xi32>,
      %get3A_482 = arith.index_cast %add3A_441 : i32 to index
      %get3A_483 = arith.constant 80 : index
      %get3A_484 = tpu.vector_load %arg9[%get3A_482, %get3A_483] {strides = array<i32>} : memref<160x128xi32, #tpu.memory_space<vmem>>, vector<1x16xi32>,
      %get3A_485 = vector.shape_cast %get3A_484 : vector<1x16xi32> to vector<16xi32>
      %swap3A_486 = arith.constant 80 : index
      %swap3A_487 = tpu.vector_load %arg15[%swap3A_486] {strides = array<i32>} : memref<128xi32, #tpu.memory_space<vmem>>, vector<16xi32>,
      %swap3A_488 = vector.shape_cast %swap3A_487 : vector<16xi32> to vector<16xi32>
      %swap3A_489 = vector.shape_cast %get3A_485 : vector<16xi32> to vector<16xi32>
      tpu.vector_store %arg15[%swap3A_486], %swap3A_489 {strides = array<i32>} : memref<128xi32, #tpu.memory_space<vmem>>, vector<16xi32>,
      %get3A_490 = arith.index_cast %add3A_441 : i32 to index
      %get3A_491 = arith.constant 96 : index
      %get3A_492 = tpu.vector_load %arg9[%get3A_490, %get3A_491] {strides = array<i32>} : memref<160x128xi32, #tpu.memory_space<vmem>>, vector<1x16xi32>,
      %get3A_493 = vector.shape_cast %get3A_492 : vector<1x16xi32> to vector<16xi32>
      %swap3A_494 = arith.constant 96 : index
      %swap3A_495 = tpu.vector_load %arg15[%swap3A_494] {strides = array<i32>} : memref<128xi32, #tpu.memory_space<vmem>>, vector<16xi32>,
      %swap3A_496 = vector.shape_cast %swap3A_495 : vector<16xi32> to vector<16xi32>
      %swap3A_497 = vector.shape_cast %get3A_493 : vector<16xi32> to vector<16xi32>
      tpu.vector_store %arg15[%swap3A_494], %swap3A_497 {strides = array<i32>} : memref<128xi32, #tpu.memory_space<vmem>>, vector<16xi32>,
      %get3A_498 = arith.index_cast %add3A_441 : i32 to index
      %get3A_499 = arith.constant 112 : index
      %get3A_500 = tpu.vector_load %arg9[%get3A_498, %get3A_499] {strides = array<i32>} : memref<160x128xi32, #tpu.memory_space<vmem>>, vector<1x16xi32>,
      %get3A_501 = vector.shape_cast %get3A_500 : vector<1x16xi32> to vector<16xi32>
      %swap3A_502 = arith.constant 112 : index
      %swap3A_503 = tpu.vector_load %arg15[%swap3A_502] {strides = array<i32>} : memref<128xi32, #tpu.memory_space<vmem>>, vector<16xi32>,
      %swap3A_504 = vector.shape_cast %swap3A_503 : vector<16xi32> to vector<16xi32>
      %swap3A_505 = vector.shape_cast %get3A_501 : vector<16xi32> to vector<16xi32>
      tpu.vector_store %arg15[%swap3A_502], %swap3A_505 {strides = array<i32>} : memref<128xi32, #tpu.memory_space<vmem>>, vector<16xi32>,
      %dma_wait3A_506 = arith.constant 0 : i32
      %dma_wait3A_507 = arith.constant 0 : i32
      %dma_wait3A_508 = tpu.memref_slice %arg2[%dma_wait3A_506, %dma_wait3A_507] : memref<10112x64xf32, #tpu.memory_space<hbm>> -> memref<10112x64xf32, #tpu.memory_space<hbm>>
      tpu.wait_indirect_dma semaphore(%arg27 : memref<!tpu.dma_semaphore, #tpu.memory_space<semaphore_mem>>) src(%dma_wait3A_508 : memref<10112x64xf32, #tpu.memory_space<hbm>>) dst(%arg19 : memref<128x64xf32, #tpu.memory_space<vmem>>)
      "tpu.region"() ({
        %run_scoped3A = tpu.sem_alloc : memref<!tpu.dma_semaphore, #tpu.memory_space<semaphore_mem>>
        %dma_start3A = arith.constant 0 : i32
        %dma_start3A_703 = arith.constant 0 : i32
        %dma_start3A_704 = tpu.memref_slice %arg24[%dma_start3A, %dma_start3A_703] : memref<10112x64xf32, #tpu.memory_space<vmem_shared>> -> memref<10112x64xf32, #tpu.memory_space<vmem_shared>>
        tpu.enqueue_indirect_dma source(%arg19 : memref<128x64xf32, #tpu.memory_space<vmem>>) target(%dma_start3A_704 : memref<10112x64xf32, #tpu.memory_space<vmem_shared>>) offsets(%arg15 : memref<128xi32, #tpu.memory_space<vmem>>) semaphore(%run_scoped3A : memref<!tpu.dma_semaphore, #tpu.memory_space<semaphore_mem>>) {add = true}
        %dma_wait3A_705 = arith.constant 0 : i32
        %dma_wait3A_706 = arith.constant 0 : i32
        %dma_wait3A_707 = tpu.memref_slice %arg24[%dma_wait3A_705, %dma_wait3A_706] : memref<10112x64xf32, #tpu.memory_space<vmem_shared>> -> memref<10112x64xf32, #tpu.memory_space<vmem_shared>>
        tpu.wait_indirect_dma semaphore(%run_scoped3A : memref<!tpu.dma_semaphore, #tpu.memory_space<semaphore_mem>>) src(%arg19 : memref<128x64xf32, #tpu.memory_space<vmem>>) dst(%dma_wait3A_707 : memref<10112x64xf32, #tpu.memory_space<vmem_shared>>)
        tpu.yield
      }) : () -> ()
      %lt3A_509 = arith.constant 80 : i32
      %lt3A_510 = arith.cmpi slt, %add3A_441, %lt3A_509 : i32
      %eq3A_511 = arith.constant 0 : i32
      %eq3A_512 = arith.cmpi eq, %arg0, %eq3A_511 : i32
      %eq3A_513 = arith.xori %lt3A_510, %eq3A_512 : i1
      %eq3A_514 = arith.constant true
      %eq3A_515 = arith.xori %eq3A_513, %eq3A_514 : i1
      %convert_element_type3A_516 = arith.extui %eq3A_515 : i1 to i32
      %cond3A_517 = arith.constant 0 : i32
      %cond3A_518 = arith.cmpi ne, %convert_element_type3A_516, %cond3A_517 : i32
      scf.if %cond3A_518 {
        "tpu.region"() ({
          %run_scoped3A = tpu.sem_alloc : memref<!tpu.dma_semaphore, #tpu.memory_space<semaphore_mem>>
          %dma_start3A = arith.constant 0 : i32
          %dma_start3A_703 = arith.constant 0 : i32
          %dma_start3A_704 = tpu.memref_slice %arg25[%dma_start3A, %dma_start3A_703] : memref<10112x16xf32, #tpu.memory_space<vmem_shared>> -> memref<10112x16xf32, #tpu.memory_space<vmem_shared>>
          tpu.enqueue_indirect_dma source(%arg22 : memref<128x16xf32, #tpu.memory_space<vmem>>) target(%dma_start3A_704 : memref<10112x16xf32, #tpu.memory_space<vmem_shared>>) offsets(%arg15 : memref<128xi32, #tpu.memory_space<vmem>>) semaphore(%run_scoped3A : memref<!tpu.dma_semaphore, #tpu.memory_space<semaphore_mem>>) {add = true}
          %dma_wait3A_705 = arith.constant 0 : i32
          %dma_wait3A_706 = arith.constant 0 : i32
          %dma_wait3A_707 = tpu.memref_slice %arg25[%dma_wait3A_705, %dma_wait3A_706] : memref<10112x16xf32, #tpu.memory_space<vmem_shared>> -> memref<10112x16xf32, #tpu.memory_space<vmem_shared>>
          tpu.wait_indirect_dma semaphore(%run_scoped3A : memref<!tpu.dma_semaphore, #tpu.memory_space<semaphore_mem>>) src(%arg22 : memref<128x16xf32, #tpu.memory_space<vmem>>) dst(%dma_wait3A_707 : memref<10112x16xf32, #tpu.memory_space<vmem_shared>>)
          tpu.yield
        }) : () -> ()
      } else {
      }
      %add3A_519 = arith.constant 4 : i32
      %add3A_520 = arith.addi %add3A_441, %add3A_519 : i32
      %lt3A_521 = arith.constant 160 : i32
      %lt3A_522 = arith.cmpi slt, %add3A_520, %lt3A_521 : i32
      %convert_element_type3A_523 = arith.extui %lt3A_522 : i1 to i32
      %cond3A_524 = arith.constant 0 : i32
      %cond3A_525 = arith.cmpi ne, %convert_element_type3A_523, %cond3A_524 : i32
      scf.if %cond3A_525 {
        %add3A_703 = arith.constant 4 : i32
        %add3A_704 = arith.addi %add3A_441, %add3A_703 : i32
        %get3A_705 = arith.index_cast %add3A_704 : i32 to index
        %get3A_706 = arith.constant 0 : index
        %get3A_707 = tpu.vector_load %arg8[%get3A_705, %get3A_706] {strides = array<i32>} : memref<160x128xi32, #tpu.memory_space<vmem>>, vector<1x16xi32>,
        %get3A_708 = vector.shape_cast %get3A_707 : vector<1x16xi32> to vector<16xi32>
        %swap3A_709 = arith.constant 0 : index
        %swap3A_710 = tpu.vector_load %arg11[%swap3A_709] {strides = array<i32>} : memref<128xi32, #tpu.memory_space<vmem>>, vector<16xi32>,
        %swap3A_711 = vector.shape_cast %swap3A_710 : vector<16xi32> to vector<16xi32>
        %swap3A_712 = vector.shape_cast %get3A_708 : vector<16xi32> to vector<16xi32>
        tpu.vector_store %arg11[%swap3A_709], %swap3A_712 {strides = array<i32>} : memref<128xi32, #tpu.memory_space<vmem>>, vector<16xi32>,
        %get3A_713 = arith.index_cast %add3A_704 : i32 to index
        %get3A_714 = arith.constant 16 : index
        %get3A_715 = tpu.vector_load %arg8[%get3A_713, %get3A_714] {strides = array<i32>} : memref<160x128xi32, #tpu.memory_space<vmem>>, vector<1x16xi32>,
        %get3A_716 = vector.shape_cast %get3A_715 : vector<1x16xi32> to vector<16xi32>
        %swap3A_717 = arith.constant 16 : index
        %swap3A_718 = tpu.vector_load %arg11[%swap3A_717] {strides = array<i32>} : memref<128xi32, #tpu.memory_space<vmem>>, vector<16xi32>,
        %swap3A_719 = vector.shape_cast %swap3A_718 : vector<16xi32> to vector<16xi32>
        %swap3A_720 = vector.shape_cast %get3A_716 : vector<16xi32> to vector<16xi32>
        tpu.vector_store %arg11[%swap3A_717], %swap3A_720 {strides = array<i32>} : memref<128xi32, #tpu.memory_space<vmem>>, vector<16xi32>,
        %get3A_721 = arith.index_cast %add3A_704 : i32 to index
        %get3A_722 = arith.constant 32 : index
        %get3A_723 = tpu.vector_load %arg8[%get3A_721, %get3A_722] {strides = array<i32>} : memref<160x128xi32, #tpu.memory_space<vmem>>, vector<1x16xi32>,
        %get3A_724 = vector.shape_cast %get3A_723 : vector<1x16xi32> to vector<16xi32>
        %swap3A_725 = arith.constant 32 : index
        %swap3A_726 = tpu.vector_load %arg11[%swap3A_725] {strides = array<i32>} : memref<128xi32, #tpu.memory_space<vmem>>, vector<16xi32>,
        %swap3A_727 = vector.shape_cast %swap3A_726 : vector<16xi32> to vector<16xi32>
        %swap3A_728 = vector.shape_cast %get3A_724 : vector<16xi32> to vector<16xi32>
        tpu.vector_store %arg11[%swap3A_725], %swap3A_728 {strides = array<i32>} : memref<128xi32, #tpu.memory_space<vmem>>, vector<16xi32>,
        %get3A_729 = arith.index_cast %add3A_704 : i32 to index
        %get3A_730 = arith.constant 48 : index
        %get3A_731 = tpu.vector_load %arg8[%get3A_729, %get3A_730] {strides = array<i32>} : memref<160x128xi32, #tpu.memory_space<vmem>>, vector<1x16xi32>,
        %get3A_732 = vector.shape_cast %get3A_731 : vector<1x16xi32> to vector<16xi32>
        %swap3A_733 = arith.constant 48 : index
        %swap3A_734 = tpu.vector_load %arg11[%swap3A_733] {strides = array<i32>} : memref<128xi32, #tpu.memory_space<vmem>>, vector<16xi32>,
        %swap3A_735 = vector.shape_cast %swap3A_734 : vector<16xi32> to vector<16xi32>
        %swap3A_736 = vector.shape_cast %get3A_732 : vector<16xi32> to vector<16xi32>
        tpu.vector_store %arg11[%swap3A_733], %swap3A_736 {strides = array<i32>} : memref<128xi32, #tpu.memory_space<vmem>>, vector<16xi32>,
        %get3A_737 = arith.index_cast %add3A_704 : i32 to index
        %get3A_738 = arith.constant 64 : index
        %get3A_739 = tpu.vector_load %arg8[%get3A_737, %get3A_738] {strides = array<i32>} : memref<160x128xi32, #tpu.memory_space<vmem>>, vector<1x16xi32>,
        %get3A_740 = vector.shape_cast %get3A_739 : vector<1x16xi32> to vector<16xi32>
        %swap3A_741 = arith.constant 64 : index
        %swap3A_742 = tpu.vector_load %arg11[%swap3A_741] {strides = array<i32>} : memref<128xi32, #tpu.memory_space<vmem>>, vector<16xi32>,
        %swap3A_743 = vector.shape_cast %swap3A_742 : vector<16xi32> to vector<16xi32>
        %swap3A_744 = vector.shape_cast %get3A_740 : vector<16xi32> to vector<16xi32>
        tpu.vector_store %arg11[%swap3A_741], %swap3A_744 {strides = array<i32>} : memref<128xi32, #tpu.memory_space<vmem>>, vector<16xi32>,
        %get3A_745 = arith.index_cast %add3A_704 : i32 to index
        %get3A_746 = arith.constant 80 : index
        %get3A_747 = tpu.vector_load %arg8[%get3A_745, %get3A_746] {strides = array<i32>} : memref<160x128xi32, #tpu.memory_space<vmem>>, vector<1x16xi32>,
        %get3A_748 = vector.shape_cast %get3A_747 : vector<1x16xi32> to vector<16xi32>
        %swap3A_749 = arith.constant 80 : index
        %swap3A_750 = tpu.vector_load %arg11[%swap3A_749] {strides = array<i32>} : memref<128xi32, #tpu.memory_space<vmem>>, vector<16xi32>,
        %swap3A_751 = vector.shape_cast %swap3A_750 : vector<16xi32> to vector<16xi32>
        %swap3A_752 = vector.shape_cast %get3A_748 : vector<16xi32> to vector<16xi32>
        tpu.vector_store %arg11[%swap3A_749], %swap3A_752 {strides = array<i32>} : memref<128xi32, #tpu.memory_space<vmem>>, vector<16xi32>,
        %get3A_753 = arith.index_cast %add3A_704 : i32 to index
        %get3A_754 = arith.constant 96 : index
        %get3A_755 = tpu.vector_load %arg8[%get3A_753, %get3A_754] {strides = array<i32>} : memref<160x128xi32, #tpu.memory_space<vmem>>, vector<1x16xi32>,
        %get3A_756 = vector.shape_cast %get3A_755 : vector<1x16xi32> to vector<16xi32>
        %swap3A_757 = arith.constant 96 : index
        %swap3A_758 = tpu.vector_load %arg11[%swap3A_757] {strides = array<i32>} : memref<128xi32, #tpu.memory_space<vmem>>, vector<16xi32>,
        %swap3A_759 = vector.shape_cast %swap3A_758 : vector<16xi32> to vector<16xi32>
        %swap3A_760 = vector.shape_cast %get3A_756 : vector<16xi32> to vector<16xi32>
        tpu.vector_store %arg11[%swap3A_757], %swap3A_760 {strides = array<i32>} : memref<128xi32, #tpu.memory_space<vmem>>, vector<16xi32>,
        %get3A_761 = arith.index_cast %add3A_704 : i32 to index
        %get3A_762 = arith.constant 112 : index
        %get3A_763 = tpu.vector_load %arg8[%get3A_761, %get3A_762] {strides = array<i32>} : memref<160x128xi32, #tpu.memory_space<vmem>>, vector<1x16xi32>,
        %get3A_764 = vector.shape_cast %get3A_763 : vector<1x16xi32> to vector<16xi32>
        %swap3A_765 = arith.constant 112 : index
        %swap3A_766 = tpu.vector_load %arg11[%swap3A_765] {strides = array<i32>} : memref<128xi32, #tpu.memory_space<vmem>>, vector<16xi32>,
        %swap3A_767 = vector.shape_cast %swap3A_766 : vector<16xi32> to vector<16xi32>
        %swap3A_768 = vector.shape_cast %get3A_764 : vector<16xi32> to vector<16xi32>
        tpu.vector_store %arg11[%swap3A_765], %swap3A_768 {strides = array<i32>} : memref<128xi32, #tpu.memory_space<vmem>>, vector<16xi32>,
        %eq3A_769 = arith.constant 0 : i32
        %eq3A_770 = arith.cmpi eq, %arg0, %eq3A_769 : i32
        %convert_element_type3A_771 = arith.extui %eq3A_770 : i1 to i32
        %cond3A_772 = arith.constant 0 : i32
        %cond3A_773 = arith.cmpi ne, %convert_element_type3A_771, %cond3A_772 : i32
        scf.if %cond3A_773 {
          %dma_start3A = arith.constant 0 : i32
          %dma_start3A_779 = arith.constant 0 : i32
          %dma_start3A_780 = tpu.memref_slice %arg2[%dma_start3A, %dma_start3A_779] : memref<10112x64xf32, #tpu.memory_space<hbm>> -> memref<10112x64xf32, #tpu.memory_space<hbm>>
          tpu.enqueue_indirect_dma source(%dma_start3A_780 : memref<10112x64xf32, #tpu.memory_space<hbm>>) target(%arg19 : memref<128x64xf32, #tpu.memory_space<vmem>>) offsets(%arg11 : memref<128xi32, #tpu.memory_space<vmem>>) semaphore(%arg27 : memref<!tpu.dma_semaphore, #tpu.memory_space<semaphore_mem>>)
        } else {
        }
        %eq3A_774 = arith.constant 1 : i32
        %eq3A_775 = arith.cmpi eq, %arg0, %eq3A_774 : i32
        %convert_element_type3A_776 = arith.extui %eq3A_775 : i1 to i32
        %cond3A_777 = arith.constant 0 : i32
        %cond3A_778 = arith.cmpi ne, %convert_element_type3A_776, %cond3A_777 : i32
        scf.if %cond3A_778 {
          %dma_start3A = arith.constant 0 : i32
          %dma_start3A_779 = arith.constant 0 : i32
          %dma_start3A_780 = tpu.memref_slice %arg3[%dma_start3A, %dma_start3A_779] : memref<10112x64xf32, #tpu.memory_space<hbm>> -> memref<10112x64xf32, #tpu.memory_space<hbm>>
          tpu.enqueue_indirect_dma source(%dma_start3A_780 : memref<10112x64xf32, #tpu.memory_space<hbm>>) target(%arg19 : memref<128x64xf32, #tpu.memory_space<vmem>>) offsets(%arg11 : memref<128xi32, #tpu.memory_space<vmem>>) semaphore(%arg27 : memref<!tpu.dma_semaphore, #tpu.memory_space<semaphore_mem>>)
        } else {
        }
      } else {
      }
      %mul3A_526 = arith.constant 4 : i32
      %mul3A_527 = arith.muli %scan3A_350, %mul3A_526 : i32
      %add3A_528 = arith.constant 2 : i32
      %add3A_529 = arith.addi %mul3A_527, %add3A_528 : i32
      %get3A_530 = arith.index_cast %add3A_529 : i32 to index
      %get3A_531 = arith.constant 0 : index
      %get3A_532 = tpu.vector_load %arg9[%get3A_530, %get3A_531] {strides = array<i32>} : memref<160x128xi32, #tpu.memory_space<vmem>>, vector<1x16xi32>,
      %get3A_533 = vector.shape_cast %get3A_532 : vector<1x16xi32> to vector<16xi32>
      %swap3A_534 = arith.constant 0 : index
      %swap3A_535 = tpu.vector_load %arg16[%swap3A_534] {strides = array<i32>} : memref<128xi32, #tpu.memory_space<vmem>>, vector<16xi32>,
      %swap3A_536 = vector.shape_cast %swap3A_535 : vector<16xi32> to vector<16xi32>
      %swap3A_537 = vector.shape_cast %get3A_533 : vector<16xi32> to vector<16xi32>
      tpu.vector_store %arg16[%swap3A_534], %swap3A_537 {strides = array<i32>} : memref<128xi32, #tpu.memory_space<vmem>>, vector<16xi32>,
      %get3A_538 = arith.index_cast %add3A_529 : i32 to index
      %get3A_539 = arith.constant 16 : index
      %get3A_540 = tpu.vector_load %arg9[%get3A_538, %get3A_539] {strides = array<i32>} : memref<160x128xi32, #tpu.memory_space<vmem>>, vector<1x16xi32>,
      %get3A_541 = vector.shape_cast %get3A_540 : vector<1x16xi32> to vector<16xi32>
      %swap3A_542 = arith.constant 16 : index
      %swap3A_543 = tpu.vector_load %arg16[%swap3A_542] {strides = array<i32>} : memref<128xi32, #tpu.memory_space<vmem>>, vector<16xi32>,
      %swap3A_544 = vector.shape_cast %swap3A_543 : vector<16xi32> to vector<16xi32>
      %swap3A_545 = vector.shape_cast %get3A_541 : vector<16xi32> to vector<16xi32>
      tpu.vector_store %arg16[%swap3A_542], %swap3A_545 {strides = array<i32>} : memref<128xi32, #tpu.memory_space<vmem>>, vector<16xi32>,
      %get3A_546 = arith.index_cast %add3A_529 : i32 to index
      %get3A_547 = arith.constant 32 : index
      %get3A_548 = tpu.vector_load %arg9[%get3A_546, %get3A_547] {strides = array<i32>} : memref<160x128xi32, #tpu.memory_space<vmem>>, vector<1x16xi32>,
      %get3A_549 = vector.shape_cast %get3A_548 : vector<1x16xi32> to vector<16xi32>
      %swap3A_550 = arith.constant 32 : index
      %swap3A_551 = tpu.vector_load %arg16[%swap3A_550] {strides = array<i32>} : memref<128xi32, #tpu.memory_space<vmem>>, vector<16xi32>,
      %swap3A_552 = vector.shape_cast %swap3A_551 : vector<16xi32> to vector<16xi32>
      %swap3A_553 = vector.shape_cast %get3A_549 : vector<16xi32> to vector<16xi32>
      tpu.vector_store %arg16[%swap3A_550], %swap3A_553 {strides = array<i32>} : memref<128xi32, #tpu.memory_space<vmem>>, vector<16xi32>,
      %get3A_554 = arith.index_cast %add3A_529 : i32 to index
      %get3A_555 = arith.constant 48 : index
      %get3A_556 = tpu.vector_load %arg9[%get3A_554, %get3A_555] {strides = array<i32>} : memref<160x128xi32, #tpu.memory_space<vmem>>, vector<1x16xi32>,
      %get3A_557 = vector.shape_cast %get3A_556 : vector<1x16xi32> to vector<16xi32>
      %swap3A_558 = arith.constant 48 : index
      %swap3A_559 = tpu.vector_load %arg16[%swap3A_558] {strides = array<i32>} : memref<128xi32, #tpu.memory_space<vmem>>, vector<16xi32>,
      %swap3A_560 = vector.shape_cast %swap3A_559 : vector<16xi32> to vector<16xi32>
      %swap3A_561 = vector.shape_cast %get3A_557 : vector<16xi32> to vector<16xi32>
      tpu.vector_store %arg16[%swap3A_558], %swap3A_561 {strides = array<i32>} : memref<128xi32, #tpu.memory_space<vmem>>, vector<16xi32>,
      %get3A_562 = arith.index_cast %add3A_529 : i32 to index
      %get3A_563 = arith.constant 64 : index
      %get3A_564 = tpu.vector_load %arg9[%get3A_562, %get3A_563] {strides = array<i32>} : memref<160x128xi32, #tpu.memory_space<vmem>>, vector<1x16xi32>,
      %get3A_565 = vector.shape_cast %get3A_564 : vector<1x16xi32> to vector<16xi32>
      %swap3A_566 = arith.constant 64 : index
      %swap3A_567 = tpu.vector_load %arg16[%swap3A_566] {strides = array<i32>} : memref<128xi32, #tpu.memory_space<vmem>>, vector<16xi32>,
      %swap3A_568 = vector.shape_cast %swap3A_567 : vector<16xi32> to vector<16xi32>
      %swap3A_569 = vector.shape_cast %get3A_565 : vector<16xi32> to vector<16xi32>
      tpu.vector_store %arg16[%swap3A_566], %swap3A_569 {strides = array<i32>} : memref<128xi32, #tpu.memory_space<vmem>>, vector<16xi32>,
      %get3A_570 = arith.index_cast %add3A_529 : i32 to index
      %get3A_571 = arith.constant 80 : index
      %get3A_572 = tpu.vector_load %arg9[%get3A_570, %get3A_571] {strides = array<i32>} : memref<160x128xi32, #tpu.memory_space<vmem>>, vector<1x16xi32>,
      %get3A_573 = vector.shape_cast %get3A_572 : vector<1x16xi32> to vector<16xi32>
      %swap3A_574 = arith.constant 80 : index
      %swap3A_575 = tpu.vector_load %arg16[%swap3A_574] {strides = array<i32>} : memref<128xi32, #tpu.memory_space<vmem>>, vector<16xi32>,
      %swap3A_576 = vector.shape_cast %swap3A_575 : vector<16xi32> to vector<16xi32>
      %swap3A_577 = vector.shape_cast %get3A_573 : vector<16xi32> to vector<16xi32>
      tpu.vector_store %arg16[%swap3A_574], %swap3A_577 {strides = array<i32>} : memref<128xi32, #tpu.memory_space<vmem>>, vector<16xi32>,
      %get3A_578 = arith.index_cast %add3A_529 : i32 to index
      %get3A_579 = arith.constant 96 : index
      %get3A_580 = tpu.vector_load %arg9[%get3A_578, %get3A_579] {strides = array<i32>} : memref<160x128xi32, #tpu.memory_space<vmem>>, vector<1x16xi32>,
      %get3A_581 = vector.shape_cast %get3A_580 : vector<1x16xi32> to vector<16xi32>
      %swap3A_582 = arith.constant 96 : index
      %swap3A_583 = tpu.vector_load %arg16[%swap3A_582] {strides = array<i32>} : memref<128xi32, #tpu.memory_space<vmem>>, vector<16xi32>,
      %swap3A_584 = vector.shape_cast %swap3A_583 : vector<16xi32> to vector<16xi32>
      %swap3A_585 = vector.shape_cast %get3A_581 : vector<16xi32> to vector<16xi32>
      tpu.vector_store %arg16[%swap3A_582], %swap3A_585 {strides = array<i32>} : memref<128xi32, #tpu.memory_space<vmem>>, vector<16xi32>,
      %get3A_586 = arith.index_cast %add3A_529 : i32 to index
      %get3A_587 = arith.constant 112 : index
      %get3A_588 = tpu.vector_load %arg9[%get3A_586, %get3A_587] {strides = array<i32>} : memref<160x128xi32, #tpu.memory_space<vmem>>, vector<1x16xi32>,
      %get3A_589 = vector.shape_cast %get3A_588 : vector<1x16xi32> to vector<16xi32>
      %swap3A_590 = arith.constant 112 : index
      %swap3A_591 = tpu.vector_load %arg16[%swap3A_590] {strides = array<i32>} : memref<128xi32, #tpu.memory_space<vmem>>, vector<16xi32>,
      %swap3A_592 = vector.shape_cast %swap3A_591 : vector<16xi32> to vector<16xi32>
      %swap3A_593 = vector.shape_cast %get3A_589 : vector<16xi32> to vector<16xi32>
      tpu.vector_store %arg16[%swap3A_590], %swap3A_593 {strides = array<i32>} : memref<128xi32, #tpu.memory_space<vmem>>, vector<16xi32>,
      %dma_wait3A_594 = arith.constant 0 : i32
      %dma_wait3A_595 = arith.constant 0 : i32
      %dma_wait3A_596 = tpu.memref_slice %arg2[%dma_wait3A_594, %dma_wait3A_595] : memref<10112x64xf32, #tpu.memory_space<hbm>> -> memref<10112x64xf32, #tpu.memory_space<hbm>>
      tpu.wait_indirect_dma semaphore(%arg28 : memref<!tpu.dma_semaphore, #tpu.memory_space<semaphore_mem>>) src(%dma_wait3A_596 : memref<10112x64xf32, #tpu.memory_space<hbm>>) dst(%arg20 : memref<128x64xf32, #tpu.memory_space<vmem>>)
      "tpu.region"() ({
        %run_scoped3A = tpu.sem_alloc : memref<!tpu.dma_semaphore, #tpu.memory_space<semaphore_mem>>
        %dma_start3A = arith.constant 0 : i32
        %dma_start3A_703 = arith.constant 0 : i32
        %dma_start3A_704 = tpu.memref_slice %arg24[%dma_start3A, %dma_start3A_703] : memref<10112x64xf32, #tpu.memory_space<vmem_shared>> -> memref<10112x64xf32, #tpu.memory_space<vmem_shared>>
        tpu.enqueue_indirect_dma source(%arg20 : memref<128x64xf32, #tpu.memory_space<vmem>>) target(%dma_start3A_704 : memref<10112x64xf32, #tpu.memory_space<vmem_shared>>) offsets(%arg16 : memref<128xi32, #tpu.memory_space<vmem>>) semaphore(%run_scoped3A : memref<!tpu.dma_semaphore, #tpu.memory_space<semaphore_mem>>) {add = true}
        %dma_wait3A_705 = arith.constant 0 : i32
        %dma_wait3A_706 = arith.constant 0 : i32
        %dma_wait3A_707 = tpu.memref_slice %arg24[%dma_wait3A_705, %dma_wait3A_706] : memref<10112x64xf32, #tpu.memory_space<vmem_shared>> -> memref<10112x64xf32, #tpu.memory_space<vmem_shared>>
        tpu.wait_indirect_dma semaphore(%run_scoped3A : memref<!tpu.dma_semaphore, #tpu.memory_space<semaphore_mem>>) src(%arg20 : memref<128x64xf32, #tpu.memory_space<vmem>>) dst(%dma_wait3A_707 : memref<10112x64xf32, #tpu.memory_space<vmem_shared>>)
        tpu.yield
      }) : () -> ()
      %lt3A_597 = arith.constant 80 : i32
      %lt3A_598 = arith.cmpi slt, %add3A_529, %lt3A_597 : i32
      %eq3A_599 = arith.constant 0 : i32
      %eq3A_600 = arith.cmpi eq, %arg0, %eq3A_599 : i32
      %eq3A_601 = arith.xori %lt3A_598, %eq3A_600 : i1
      %eq3A_602 = arith.constant true
      %eq3A_603 = arith.xori %eq3A_601, %eq3A_602 : i1
      %convert_element_type3A_604 = arith.extui %eq3A_603 : i1 to i32
      %cond3A_605 = arith.constant 0 : i32
      %cond3A_606 = arith.cmpi ne, %convert_element_type3A_604, %cond3A_605 : i32
      scf.if %cond3A_606 {
        "tpu.region"() ({
          %run_scoped3A = tpu.sem_alloc : memref<!tpu.dma_semaphore, #tpu.memory_space<semaphore_mem>>
          %dma_start3A = arith.constant 0 : i32
          %dma_start3A_703 = arith.constant 0 : i32
          %dma_start3A_704 = tpu.memref_slice %arg25[%dma_start3A, %dma_start3A_703] : memref<10112x16xf32, #tpu.memory_space<vmem_shared>> -> memref<10112x16xf32, #tpu.memory_space<vmem_shared>>
          tpu.enqueue_indirect_dma source(%arg22 : memref<128x16xf32, #tpu.memory_space<vmem>>) target(%dma_start3A_704 : memref<10112x16xf32, #tpu.memory_space<vmem_shared>>) offsets(%arg16 : memref<128xi32, #tpu.memory_space<vmem>>) semaphore(%run_scoped3A : memref<!tpu.dma_semaphore, #tpu.memory_space<semaphore_mem>>) {add = true}
          %dma_wait3A_705 = arith.constant 0 : i32
          %dma_wait3A_706 = arith.constant 0 : i32
          %dma_wait3A_707 = tpu.memref_slice %arg25[%dma_wait3A_705, %dma_wait3A_706] : memref<10112x16xf32, #tpu.memory_space<vmem_shared>> -> memref<10112x16xf32, #tpu.memory_space<vmem_shared>>
          tpu.wait_indirect_dma semaphore(%run_scoped3A : memref<!tpu.dma_semaphore, #tpu.memory_space<semaphore_mem>>) src(%arg22 : memref<128x16xf32, #tpu.memory_space<vmem>>) dst(%dma_wait3A_707 : memref<10112x16xf32, #tpu.memory_space<vmem_shared>>)
          tpu.yield
        }) : () -> ()
      } else {
      }
      %add3A_607 = arith.constant 4 : i32
      %add3A_608 = arith.addi %add3A_529, %add3A_607 : i32
      %lt3A_609 = arith.constant 160 : i32
      %lt3A_610 = arith.cmpi slt, %add3A_608, %lt3A_609 : i32
      %convert_element_type3A_611 = arith.extui %lt3A_610 : i1 to i32
      %cond3A_612 = arith.constant 0 : i32
      %cond3A_613 = arith.cmpi ne, %convert_element_type3A_611, %cond3A_612 : i32
      scf.if %cond3A_613 {
        %add3A_703 = arith.constant 4 : i32
        %add3A_704 = arith.addi %add3A_529, %add3A_703 : i32
        %get3A_705 = arith.index_cast %add3A_704 : i32 to index
        %get3A_706 = arith.constant 0 : index
        %get3A_707 = tpu.vector_load %arg8[%get3A_705, %get3A_706] {strides = array<i32>} : memref<160x128xi32, #tpu.memory_space<vmem>>, vector<1x16xi32>,
        %get3A_708 = vector.shape_cast %get3A_707 : vector<1x16xi32> to vector<16xi32>
        %swap3A_709 = arith.constant 0 : index
        %swap3A_710 = tpu.vector_load %arg12[%swap3A_709] {strides = array<i32>} : memref<128xi32, #tpu.memory_space<vmem>>, vector<16xi32>,
        %swap3A_711 = vector.shape_cast %swap3A_710 : vector<16xi32> to vector<16xi32>
        %swap3A_712 = vector.shape_cast %get3A_708 : vector<16xi32> to vector<16xi32>
        tpu.vector_store %arg12[%swap3A_709], %swap3A_712 {strides = array<i32>} : memref<128xi32, #tpu.memory_space<vmem>>, vector<16xi32>,
        %get3A_713 = arith.index_cast %add3A_704 : i32 to index
        %get3A_714 = arith.constant 16 : index
        %get3A_715 = tpu.vector_load %arg8[%get3A_713, %get3A_714] {strides = array<i32>} : memref<160x128xi32, #tpu.memory_space<vmem>>, vector<1x16xi32>,
        %get3A_716 = vector.shape_cast %get3A_715 : vector<1x16xi32> to vector<16xi32>
        %swap3A_717 = arith.constant 16 : index
        %swap3A_718 = tpu.vector_load %arg12[%swap3A_717] {strides = array<i32>} : memref<128xi32, #tpu.memory_space<vmem>>, vector<16xi32>,
        %swap3A_719 = vector.shape_cast %swap3A_718 : vector<16xi32> to vector<16xi32>
        %swap3A_720 = vector.shape_cast %get3A_716 : vector<16xi32> to vector<16xi32>
        tpu.vector_store %arg12[%swap3A_717], %swap3A_720 {strides = array<i32>} : memref<128xi32, #tpu.memory_space<vmem>>, vector<16xi32>,
        %get3A_721 = arith.index_cast %add3A_704 : i32 to index
        %get3A_722 = arith.constant 32 : index
        %get3A_723 = tpu.vector_load %arg8[%get3A_721, %get3A_722] {strides = array<i32>} : memref<160x128xi32, #tpu.memory_space<vmem>>, vector<1x16xi32>,
        %get3A_724 = vector.shape_cast %get3A_723 : vector<1x16xi32> to vector<16xi32>
        %swap3A_725 = arith.constant 32 : index
        %swap3A_726 = tpu.vector_load %arg12[%swap3A_725] {strides = array<i32>} : memref<128xi32, #tpu.memory_space<vmem>>, vector<16xi32>,
        %swap3A_727 = vector.shape_cast %swap3A_726 : vector<16xi32> to vector<16xi32>
        %swap3A_728 = vector.shape_cast %get3A_724 : vector<16xi32> to vector<16xi32>
        tpu.vector_store %arg12[%swap3A_725], %swap3A_728 {strides = array<i32>} : memref<128xi32, #tpu.memory_space<vmem>>, vector<16xi32>,
        %get3A_729 = arith.index_cast %add3A_704 : i32 to index
        %get3A_730 = arith.constant 48 : index
        %get3A_731 = tpu.vector_load %arg8[%get3A_729, %get3A_730] {strides = array<i32>} : memref<160x128xi32, #tpu.memory_space<vmem>>, vector<1x16xi32>,
        %get3A_732 = vector.shape_cast %get3A_731 : vector<1x16xi32> to vector<16xi32>
        %swap3A_733 = arith.constant 48 : index
        %swap3A_734 = tpu.vector_load %arg12[%swap3A_733] {strides = array<i32>} : memref<128xi32, #tpu.memory_space<vmem>>, vector<16xi32>,
        %swap3A_735 = vector.shape_cast %swap3A_734 : vector<16xi32> to vector<16xi32>
        %swap3A_736 = vector.shape_cast %get3A_732 : vector<16xi32> to vector<16xi32>
        tpu.vector_store %arg12[%swap3A_733], %swap3A_736 {strides = array<i32>} : memref<128xi32, #tpu.memory_space<vmem>>, vector<16xi32>,
        %get3A_737 = arith.index_cast %add3A_704 : i32 to index
        %get3A_738 = arith.constant 64 : index
        %get3A_739 = tpu.vector_load %arg8[%get3A_737, %get3A_738] {strides = array<i32>} : memref<160x128xi32, #tpu.memory_space<vmem>>, vector<1x16xi32>,
        %get3A_740 = vector.shape_cast %get3A_739 : vector<1x16xi32> to vector<16xi32>
        %swap3A_741 = arith.constant 64 : index
        %swap3A_742 = tpu.vector_load %arg12[%swap3A_741] {strides = array<i32>} : memref<128xi32, #tpu.memory_space<vmem>>, vector<16xi32>,
        %swap3A_743 = vector.shape_cast %swap3A_742 : vector<16xi32> to vector<16xi32>
        %swap3A_744 = vector.shape_cast %get3A_740 : vector<16xi32> to vector<16xi32>
        tpu.vector_store %arg12[%swap3A_741], %swap3A_744 {strides = array<i32>} : memref<128xi32, #tpu.memory_space<vmem>>, vector<16xi32>,
        %get3A_745 = arith.index_cast %add3A_704 : i32 to index
        %get3A_746 = arith.constant 80 : index
        %get3A_747 = tpu.vector_load %arg8[%get3A_745, %get3A_746] {strides = array<i32>} : memref<160x128xi32, #tpu.memory_space<vmem>>, vector<1x16xi32>,
        %get3A_748 = vector.shape_cast %get3A_747 : vector<1x16xi32> to vector<16xi32>
        %swap3A_749 = arith.constant 80 : index
        %swap3A_750 = tpu.vector_load %arg12[%swap3A_749] {strides = array<i32>} : memref<128xi32, #tpu.memory_space<vmem>>, vector<16xi32>,
        %swap3A_751 = vector.shape_cast %swap3A_750 : vector<16xi32> to vector<16xi32>
        %swap3A_752 = vector.shape_cast %get3A_748 : vector<16xi32> to vector<16xi32>
        tpu.vector_store %arg12[%swap3A_749], %swap3A_752 {strides = array<i32>} : memref<128xi32, #tpu.memory_space<vmem>>, vector<16xi32>,
        %get3A_753 = arith.index_cast %add3A_704 : i32 to index
        %get3A_754 = arith.constant 96 : index
        %get3A_755 = tpu.vector_load %arg8[%get3A_753, %get3A_754] {strides = array<i32>} : memref<160x128xi32, #tpu.memory_space<vmem>>, vector<1x16xi32>,
        %get3A_756 = vector.shape_cast %get3A_755 : vector<1x16xi32> to vector<16xi32>
        %swap3A_757 = arith.constant 96 : index
        %swap3A_758 = tpu.vector_load %arg12[%swap3A_757] {strides = array<i32>} : memref<128xi32, #tpu.memory_space<vmem>>, vector<16xi32>,
        %swap3A_759 = vector.shape_cast %swap3A_758 : vector<16xi32> to vector<16xi32>
        %swap3A_760 = vector.shape_cast %get3A_756 : vector<16xi32> to vector<16xi32>
        tpu.vector_store %arg12[%swap3A_757], %swap3A_760 {strides = array<i32>} : memref<128xi32, #tpu.memory_space<vmem>>, vector<16xi32>,
        %get3A_761 = arith.index_cast %add3A_704 : i32 to index
        %get3A_762 = arith.constant 112 : index
        %get3A_763 = tpu.vector_load %arg8[%get3A_761, %get3A_762] {strides = array<i32>} : memref<160x128xi32, #tpu.memory_space<vmem>>, vector<1x16xi32>,
        %get3A_764 = vector.shape_cast %get3A_763 : vector<1x16xi32> to vector<16xi32>
        %swap3A_765 = arith.constant 112 : index
        %swap3A_766 = tpu.vector_load %arg12[%swap3A_765] {strides = array<i32>} : memref<128xi32, #tpu.memory_space<vmem>>, vector<16xi32>,
        %swap3A_767 = vector.shape_cast %swap3A_766 : vector<16xi32> to vector<16xi32>
        %swap3A_768 = vector.shape_cast %get3A_764 : vector<16xi32> to vector<16xi32>
        tpu.vector_store %arg12[%swap3A_765], %swap3A_768 {strides = array<i32>} : memref<128xi32, #tpu.memory_space<vmem>>, vector<16xi32>,
        %eq3A_769 = arith.constant 0 : i32
        %eq3A_770 = arith.cmpi eq, %arg0, %eq3A_769 : i32
        %convert_element_type3A_771 = arith.extui %eq3A_770 : i1 to i32
        %cond3A_772 = arith.constant 0 : i32
        %cond3A_773 = arith.cmpi ne, %convert_element_type3A_771, %cond3A_772 : i32
        scf.if %cond3A_773 {
          %dma_start3A = arith.constant 0 : i32
          %dma_start3A_779 = arith.constant 0 : i32
          %dma_start3A_780 = tpu.memref_slice %arg2[%dma_start3A, %dma_start3A_779] : memref<10112x64xf32, #tpu.memory_space<hbm>> -> memref<10112x64xf32, #tpu.memory_space<hbm>>
          tpu.enqueue_indirect_dma source(%dma_start3A_780 : memref<10112x64xf32, #tpu.memory_space<hbm>>) target(%arg20 : memref<128x64xf32, #tpu.memory_space<vmem>>) offsets(%arg12 : memref<128xi32, #tpu.memory_space<vmem>>) semaphore(%arg28 : memref<!tpu.dma_semaphore, #tpu.memory_space<semaphore_mem>>)
        } else {
        }
        %eq3A_774 = arith.constant 1 : i32
        %eq3A_775 = arith.cmpi eq, %arg0, %eq3A_774 : i32
        %convert_element_type3A_776 = arith.extui %eq3A_775 : i1 to i32
        %cond3A_777 = arith.constant 0 : i32
        %cond3A_778 = arith.cmpi ne, %convert_element_type3A_776, %cond3A_777 : i32
        scf.if %cond3A_778 {
          %dma_start3A = arith.constant 0 : i32
          %dma_start3A_779 = arith.constant 0 : i32
          %dma_start3A_780 = tpu.memref_slice %arg3[%dma_start3A, %dma_start3A_779] : memref<10112x64xf32, #tpu.memory_space<hbm>> -> memref<10112x64xf32, #tpu.memory_space<hbm>>
          tpu.enqueue_indirect_dma source(%dma_start3A_780 : memref<10112x64xf32, #tpu.memory_space<hbm>>) target(%arg20 : memref<128x64xf32, #tpu.memory_space<vmem>>) offsets(%arg12 : memref<128xi32, #tpu.memory_space<vmem>>) semaphore(%arg28 : memref<!tpu.dma_semaphore, #tpu.memory_space<semaphore_mem>>)
        } else {
        }
      } else {
      }
      %mul3A_614 = arith.constant 4 : i32
      %mul3A_615 = arith.muli %scan3A_350, %mul3A_614 : i32
      %add3A_616 = arith.constant 3 : i32
      %add3A_617 = arith.addi %mul3A_615, %add3A_616 : i32
      %get3A_618 = arith.index_cast %add3A_617 : i32 to index
      %get3A_619 = arith.constant 0 : index
      %get3A_620 = tpu.vector_load %arg9[%get3A_618, %get3A_619] {strides = array<i32>} : memref<160x128xi32, #tpu.memory_space<vmem>>, vector<1x16xi32>,
      %get3A_621 = vector.shape_cast %get3A_620 : vector<1x16xi32> to vector<16xi32>
      %swap3A_622 = arith.constant 0 : index
      %swap3A_623 = tpu.vector_load %arg17[%swap3A_622] {strides = array<i32>} : memref<128xi32, #tpu.memory_space<vmem>>, vector<16xi32>,
      %swap3A_624 = vector.shape_cast %swap3A_623 : vector<16xi32> to vector<16xi32>
      %swap3A_625 = vector.shape_cast %get3A_621 : vector<16xi32> to vector<16xi32>
      tpu.vector_store %arg17[%swap3A_622], %swap3A_625 {strides = array<i32>} : memref<128xi32, #tpu.memory_space<vmem>>, vector<16xi32>,
      %get3A_626 = arith.index_cast %add3A_617 : i32 to index
      %get3A_627 = arith.constant 16 : index
      %get3A_628 = tpu.vector_load %arg9[%get3A_626, %get3A_627] {strides = array<i32>} : memref<160x128xi32, #tpu.memory_space<vmem>>, vector<1x16xi32>,
      %get3A_629 = vector.shape_cast %get3A_628 : vector<1x16xi32> to vector<16xi32>
      %swap3A_630 = arith.constant 16 : index
      %swap3A_631 = tpu.vector_load %arg17[%swap3A_630] {strides = array<i32>} : memref<128xi32, #tpu.memory_space<vmem>>, vector<16xi32>,
      %swap3A_632 = vector.shape_cast %swap3A_631 : vector<16xi32> to vector<16xi32>
      %swap3A_633 = vector.shape_cast %get3A_629 : vector<16xi32> to vector<16xi32>
      tpu.vector_store %arg17[%swap3A_630], %swap3A_633 {strides = array<i32>} : memref<128xi32, #tpu.memory_space<vmem>>, vector<16xi32>,
      %get3A_634 = arith.index_cast %add3A_617 : i32 to index
      %get3A_635 = arith.constant 32 : index
      %get3A_636 = tpu.vector_load %arg9[%get3A_634, %get3A_635] {strides = array<i32>} : memref<160x128xi32, #tpu.memory_space<vmem>>, vector<1x16xi32>,
      %get3A_637 = vector.shape_cast %get3A_636 : vector<1x16xi32> to vector<16xi32>
      %swap3A_638 = arith.constant 32 : index
      %swap3A_639 = tpu.vector_load %arg17[%swap3A_638] {strides = array<i32>} : memref<128xi32, #tpu.memory_space<vmem>>, vector<16xi32>,
      %swap3A_640 = vector.shape_cast %swap3A_639 : vector<16xi32> to vector<16xi32>
      %swap3A_641 = vector.shape_cast %get3A_637 : vector<16xi32> to vector<16xi32>
      tpu.vector_store %arg17[%swap3A_638], %swap3A_641 {strides = array<i32>} : memref<128xi32, #tpu.memory_space<vmem>>, vector<16xi32>,
      %get3A_642 = arith.index_cast %add3A_617 : i32 to index
      %get3A_643 = arith.constant 48 : index
      %get3A_644 = tpu.vector_load %arg9[%get3A_642, %get3A_643] {strides = array<i32>} : memref<160x128xi32, #tpu.memory_space<vmem>>, vector<1x16xi32>,
      %get3A_645 = vector.shape_cast %get3A_644 : vector<1x16xi32> to vector<16xi32>
      %swap3A_646 = arith.constant 48 : index
      %swap3A_647 = tpu.vector_load %arg17[%swap3A_646] {strides = array<i32>} : memref<128xi32, #tpu.memory_space<vmem>>, vector<16xi32>,
      %swap3A_648 = vector.shape_cast %swap3A_647 : vector<16xi32> to vector<16xi32>
      %swap3A_649 = vector.shape_cast %get3A_645 : vector<16xi32> to vector<16xi32>
      tpu.vector_store %arg17[%swap3A_646], %swap3A_649 {strides = array<i32>} : memref<128xi32, #tpu.memory_space<vmem>>, vector<16xi32>,
      %get3A_650 = arith.index_cast %add3A_617 : i32 to index
      %get3A_651 = arith.constant 64 : index
      %get3A_652 = tpu.vector_load %arg9[%get3A_650, %get3A_651] {strides = array<i32>} : memref<160x128xi32, #tpu.memory_space<vmem>>, vector<1x16xi32>,
      %get3A_653 = vector.shape_cast %get3A_652 : vector<1x16xi32> to vector<16xi32>
      %swap3A_654 = arith.constant 64 : index
      %swap3A_655 = tpu.vector_load %arg17[%swap3A_654] {strides = array<i32>} : memref<128xi32, #tpu.memory_space<vmem>>, vector<16xi32>,
      %swap3A_656 = vector.shape_cast %swap3A_655 : vector<16xi32> to vector<16xi32>
      %swap3A_657 = vector.shape_cast %get3A_653 : vector<16xi32> to vector<16xi32>
      tpu.vector_store %arg17[%swap3A_654], %swap3A_657 {strides = array<i32>} : memref<128xi32, #tpu.memory_space<vmem>>, vector<16xi32>,
      %get3A_658 = arith.index_cast %add3A_617 : i32 to index
      %get3A_659 = arith.constant 80 : index
      %get3A_660 = tpu.vector_load %arg9[%get3A_658, %get3A_659] {strides = array<i32>} : memref<160x128xi32, #tpu.memory_space<vmem>>, vector<1x16xi32>,
      %get3A_661 = vector.shape_cast %get3A_660 : vector<1x16xi32> to vector<16xi32>
      %swap3A_662 = arith.constant 80 : index
      %swap3A_663 = tpu.vector_load %arg17[%swap3A_662] {strides = array<i32>} : memref<128xi32, #tpu.memory_space<vmem>>, vector<16xi32>,
      %swap3A_664 = vector.shape_cast %swap3A_663 : vector<16xi32> to vector<16xi32>
      %swap3A_665 = vector.shape_cast %get3A_661 : vector<16xi32> to vector<16xi32>
      tpu.vector_store %arg17[%swap3A_662], %swap3A_665 {strides = array<i32>} : memref<128xi32, #tpu.memory_space<vmem>>, vector<16xi32>,
      %get3A_666 = arith.index_cast %add3A_617 : i32 to index
      %get3A_667 = arith.constant 96 : index
      %get3A_668 = tpu.vector_load %arg9[%get3A_666, %get3A_667] {strides = array<i32>} : memref<160x128xi32, #tpu.memory_space<vmem>>, vector<1x16xi32>,
      %get3A_669 = vector.shape_cast %get3A_668 : vector<1x16xi32> to vector<16xi32>
      %swap3A_670 = arith.constant 96 : index
      %swap3A_671 = tpu.vector_load %arg17[%swap3A_670] {strides = array<i32>} : memref<128xi32, #tpu.memory_space<vmem>>, vector<16xi32>,
      %swap3A_672 = vector.shape_cast %swap3A_671 : vector<16xi32> to vector<16xi32>
      %swap3A_673 = vector.shape_cast %get3A_669 : vector<16xi32> to vector<16xi32>
      tpu.vector_store %arg17[%swap3A_670], %swap3A_673 {strides = array<i32>} : memref<128xi32, #tpu.memory_space<vmem>>, vector<16xi32>,
      %get3A_674 = arith.index_cast %add3A_617 : i32 to index
      %get3A_675 = arith.constant 112 : index
      %get3A_676 = tpu.vector_load %arg9[%get3A_674, %get3A_675] {strides = array<i32>} : memref<160x128xi32, #tpu.memory_space<vmem>>, vector<1x16xi32>,
      %get3A_677 = vector.shape_cast %get3A_676 : vector<1x16xi32> to vector<16xi32>
      %swap3A_678 = arith.constant 112 : index
      %swap3A_679 = tpu.vector_load %arg17[%swap3A_678] {strides = array<i32>} : memref<128xi32, #tpu.memory_space<vmem>>, vector<16xi32>,
      %swap3A_680 = vector.shape_cast %swap3A_679 : vector<16xi32> to vector<16xi32>
      %swap3A_681 = vector.shape_cast %get3A_677 : vector<16xi32> to vector<16xi32>
      tpu.vector_store %arg17[%swap3A_678], %swap3A_681 {strides = array<i32>} : memref<128xi32, #tpu.memory_space<vmem>>, vector<16xi32>,
      %dma_wait3A_682 = arith.constant 0 : i32
      %dma_wait3A_683 = arith.constant 0 : i32
      %dma_wait3A_684 = tpu.memref_slice %arg2[%dma_wait3A_682, %dma_wait3A_683] : memref<10112x64xf32, #tpu.memory_space<hbm>> -> memref<10112x64xf32, #tpu.memory_space<hbm>>
      tpu.wait_indirect_dma semaphore(%arg29 : memref<!tpu.dma_semaphore, #tpu.memory_space<semaphore_mem>>) src(%dma_wait3A_684 : memref<10112x64xf32, #tpu.memory_space<hbm>>) dst(%arg21 : memref<128x64xf32, #tpu.memory_space<vmem>>)
      "tpu.region"() ({
        %run_scoped3A = tpu.sem_alloc : memref<!tpu.dma_semaphore, #tpu.memory_space<semaphore_mem>>
        %dma_start3A = arith.constant 0 : i32
        %dma_start3A_703 = arith.constant 0 : i32
        %dma_start3A_704 = tpu.memref_slice %arg24[%dma_start3A, %dma_start3A_703] : memref<10112x64xf32, #tpu.memory_space<vmem_shared>> -> memref<10112x64xf32, #tpu.memory_space<vmem_shared>>
        tpu.enqueue_indirect_dma source(%arg21 : memref<128x64xf32, #tpu.memory_space<vmem>>) target(%dma_start3A_704 : memref<10112x64xf32, #tpu.memory_space<vmem_shared>>) offsets(%arg17 : memref<128xi32, #tpu.memory_space<vmem>>) semaphore(%run_scoped3A : memref<!tpu.dma_semaphore, #tpu.memory_space<semaphore_mem>>) {add = true}
        %dma_wait3A_705 = arith.constant 0 : i32
        %dma_wait3A_706 = arith.constant 0 : i32
        %dma_wait3A_707 = tpu.memref_slice %arg24[%dma_wait3A_705, %dma_wait3A_706] : memref<10112x64xf32, #tpu.memory_space<vmem_shared>> -> memref<10112x64xf32, #tpu.memory_space<vmem_shared>>
        tpu.wait_indirect_dma semaphore(%run_scoped3A : memref<!tpu.dma_semaphore, #tpu.memory_space<semaphore_mem>>) src(%arg21 : memref<128x64xf32, #tpu.memory_space<vmem>>) dst(%dma_wait3A_707 : memref<10112x64xf32, #tpu.memory_space<vmem_shared>>)
        tpu.yield
      }) : () -> ()
      %lt3A_685 = arith.constant 80 : i32
      %lt3A_686 = arith.cmpi slt, %add3A_617, %lt3A_685 : i32
      %eq3A_687 = arith.constant 0 : i32
      %eq3A_688 = arith.cmpi eq, %arg0, %eq3A_687 : i32
      %eq3A_689 = arith.xori %lt3A_686, %eq3A_688 : i1
      %eq3A_690 = arith.constant true
      %eq3A_691 = arith.xori %eq3A_689, %eq3A_690 : i1
      %convert_element_type3A_692 = arith.extui %eq3A_691 : i1 to i32
      %cond3A_693 = arith.constant 0 : i32
      %cond3A_694 = arith.cmpi ne, %convert_element_type3A_692, %cond3A_693 : i32
      scf.if %cond3A_694 {
        "tpu.region"() ({
          %run_scoped3A = tpu.sem_alloc : memref<!tpu.dma_semaphore, #tpu.memory_space<semaphore_mem>>
          %dma_start3A = arith.constant 0 : i32
          %dma_start3A_703 = arith.constant 0 : i32
          %dma_start3A_704 = tpu.memref_slice %arg25[%dma_start3A, %dma_start3A_703] : memref<10112x16xf32, #tpu.memory_space<vmem_shared>> -> memref<10112x16xf32, #tpu.memory_space<vmem_shared>>
          tpu.enqueue_indirect_dma source(%arg22 : memref<128x16xf32, #tpu.memory_space<vmem>>) target(%dma_start3A_704 : memref<10112x16xf32, #tpu.memory_space<vmem_shared>>) offsets(%arg17 : memref<128xi32, #tpu.memory_space<vmem>>) semaphore(%run_scoped3A : memref<!tpu.dma_semaphore, #tpu.memory_space<semaphore_mem>>) {add = true}
          %dma_wait3A_705 = arith.constant 0 : i32
          %dma_wait3A_706 = arith.constant 0 : i32
          %dma_wait3A_707 = tpu.memref_slice %arg25[%dma_wait3A_705, %dma_wait3A_706] : memref<10112x16xf32, #tpu.memory_space<vmem_shared>> -> memref<10112x16xf32, #tpu.memory_space<vmem_shared>>
          tpu.wait_indirect_dma semaphore(%run_scoped3A : memref<!tpu.dma_semaphore, #tpu.memory_space<semaphore_mem>>) src(%arg22 : memref<128x16xf32, #tpu.memory_space<vmem>>) dst(%dma_wait3A_707 : memref<10112x16xf32, #tpu.memory_space<vmem_shared>>)
          tpu.yield
        }) : () -> ()
      } else {
      }
      %add3A_695 = arith.constant 4 : i32
      %add3A_696 = arith.addi %add3A_617, %add3A_695 : i32
      %lt3A_697 = arith.constant 160 : i32
      %lt3A_698 = arith.cmpi slt, %add3A_696, %lt3A_697 : i32
      %convert_element_type3A_699 = arith.extui %lt3A_698 : i1 to i32
      %cond3A_700 = arith.constant 0 : i32
      %cond3A_701 = arith.cmpi ne, %convert_element_type3A_699, %cond3A_700 : i32
      scf.if %cond3A_701 {
        %add3A_703 = arith.constant 4 : i32
        %add3A_704 = arith.addi %add3A_617, %add3A_703 : i32
        %get3A_705 = arith.index_cast %add3A_704 : i32 to index
        %get3A_706 = arith.constant 0 : index
        %get3A_707 = tpu.vector_load %arg8[%get3A_705, %get3A_706] {strides = array<i32>} : memref<160x128xi32, #tpu.memory_space<vmem>>, vector<1x16xi32>,
        %get3A_708 = vector.shape_cast %get3A_707 : vector<1x16xi32> to vector<16xi32>
        %swap3A_709 = arith.constant 0 : index
        %swap3A_710 = tpu.vector_load %arg13[%swap3A_709] {strides = array<i32>} : memref<128xi32, #tpu.memory_space<vmem>>, vector<16xi32>,
        %swap3A_711 = vector.shape_cast %swap3A_710 : vector<16xi32> to vector<16xi32>
        %swap3A_712 = vector.shape_cast %get3A_708 : vector<16xi32> to vector<16xi32>
        tpu.vector_store %arg13[%swap3A_709], %swap3A_712 {strides = array<i32>} : memref<128xi32, #tpu.memory_space<vmem>>, vector<16xi32>,
        %get3A_713 = arith.index_cast %add3A_704 : i32 to index
        %get3A_714 = arith.constant 16 : index
        %get3A_715 = tpu.vector_load %arg8[%get3A_713, %get3A_714] {strides = array<i32>} : memref<160x128xi32, #tpu.memory_space<vmem>>, vector<1x16xi32>,
        %get3A_716 = vector.shape_cast %get3A_715 : vector<1x16xi32> to vector<16xi32>
        %swap3A_717 = arith.constant 16 : index
        %swap3A_718 = tpu.vector_load %arg13[%swap3A_717] {strides = array<i32>} : memref<128xi32, #tpu.memory_space<vmem>>, vector<16xi32>,
        %swap3A_719 = vector.shape_cast %swap3A_718 : vector<16xi32> to vector<16xi32>
        %swap3A_720 = vector.shape_cast %get3A_716 : vector<16xi32> to vector<16xi32>
        tpu.vector_store %arg13[%swap3A_717], %swap3A_720 {strides = array<i32>} : memref<128xi32, #tpu.memory_space<vmem>>, vector<16xi32>,
        %get3A_721 = arith.index_cast %add3A_704 : i32 to index
        %get3A_722 = arith.constant 32 : index
        %get3A_723 = tpu.vector_load %arg8[%get3A_721, %get3A_722] {strides = array<i32>} : memref<160x128xi32, #tpu.memory_space<vmem>>, vector<1x16xi32>,
        %get3A_724 = vector.shape_cast %get3A_723 : vector<1x16xi32> to vector<16xi32>
        %swap3A_725 = arith.constant 32 : index
        %swap3A_726 = tpu.vector_load %arg13[%swap3A_725] {strides = array<i32>} : memref<128xi32, #tpu.memory_space<vmem>>, vector<16xi32>,
        %swap3A_727 = vector.shape_cast %swap3A_726 : vector<16xi32> to vector<16xi32>
        %swap3A_728 = vector.shape_cast %get3A_724 : vector<16xi32> to vector<16xi32>
        tpu.vector_store %arg13[%swap3A_725], %swap3A_728 {strides = array<i32>} : memref<128xi32, #tpu.memory_space<vmem>>, vector<16xi32>,
        %get3A_729 = arith.index_cast %add3A_704 : i32 to index
        %get3A_730 = arith.constant 48 : index
        %get3A_731 = tpu.vector_load %arg8[%get3A_729, %get3A_730] {strides = array<i32>} : memref<160x128xi32, #tpu.memory_space<vmem>>, vector<1x16xi32>,
        %get3A_732 = vector.shape_cast %get3A_731 : vector<1x16xi32> to vector<16xi32>
        %swap3A_733 = arith.constant 48 : index
        %swap3A_734 = tpu.vector_load %arg13[%swap3A_733] {strides = array<i32>} : memref<128xi32, #tpu.memory_space<vmem>>, vector<16xi32>,
        %swap3A_735 = vector.shape_cast %swap3A_734 : vector<16xi32> to vector<16xi32>
        %swap3A_736 = vector.shape_cast %get3A_732 : vector<16xi32> to vector<16xi32>
        tpu.vector_store %arg13[%swap3A_733], %swap3A_736 {strides = array<i32>} : memref<128xi32, #tpu.memory_space<vmem>>, vector<16xi32>,
        %get3A_737 = arith.index_cast %add3A_704 : i32 to index
        %get3A_738 = arith.constant 64 : index
        %get3A_739 = tpu.vector_load %arg8[%get3A_737, %get3A_738] {strides = array<i32>} : memref<160x128xi32, #tpu.memory_space<vmem>>, vector<1x16xi32>,
        %get3A_740 = vector.shape_cast %get3A_739 : vector<1x16xi32> to vector<16xi32>
        %swap3A_741 = arith.constant 64 : index
        %swap3A_742 = tpu.vector_load %arg13[%swap3A_741] {strides = array<i32>} : memref<128xi32, #tpu.memory_space<vmem>>, vector<16xi32>,
        %swap3A_743 = vector.shape_cast %swap3A_742 : vector<16xi32> to vector<16xi32>
        %swap3A_744 = vector.shape_cast %get3A_740 : vector<16xi32> to vector<16xi32>
        tpu.vector_store %arg13[%swap3A_741], %swap3A_744 {strides = array<i32>} : memref<128xi32, #tpu.memory_space<vmem>>, vector<16xi32>,
        %get3A_745 = arith.index_cast %add3A_704 : i32 to index
        %get3A_746 = arith.constant 80 : index
        %get3A_747 = tpu.vector_load %arg8[%get3A_745, %get3A_746] {strides = array<i32>} : memref<160x128xi32, #tpu.memory_space<vmem>>, vector<1x16xi32>,
        %get3A_748 = vector.shape_cast %get3A_747 : vector<1x16xi32> to vector<16xi32>
        %swap3A_749 = arith.constant 80 : index
        %swap3A_750 = tpu.vector_load %arg13[%swap3A_749] {strides = array<i32>} : memref<128xi32, #tpu.memory_space<vmem>>, vector<16xi32>,
        %swap3A_751 = vector.shape_cast %swap3A_750 : vector<16xi32> to vector<16xi32>
        %swap3A_752 = vector.shape_cast %get3A_748 : vector<16xi32> to vector<16xi32>
        tpu.vector_store %arg13[%swap3A_749], %swap3A_752 {strides = array<i32>} : memref<128xi32, #tpu.memory_space<vmem>>, vector<16xi32>,
        %get3A_753 = arith.index_cast %add3A_704 : i32 to index
        %get3A_754 = arith.constant 96 : index
        %get3A_755 = tpu.vector_load %arg8[%get3A_753, %get3A_754] {strides = array<i32>} : memref<160x128xi32, #tpu.memory_space<vmem>>, vector<1x16xi32>,
        %get3A_756 = vector.shape_cast %get3A_755 : vector<1x16xi32> to vector<16xi32>
        %swap3A_757 = arith.constant 96 : index
        %swap3A_758 = tpu.vector_load %arg13[%swap3A_757] {strides = array<i32>} : memref<128xi32, #tpu.memory_space<vmem>>, vector<16xi32>,
        %swap3A_759 = vector.shape_cast %swap3A_758 : vector<16xi32> to vector<16xi32>
        %swap3A_760 = vector.shape_cast %get3A_756 : vector<16xi32> to vector<16xi32>
        tpu.vector_store %arg13[%swap3A_757], %swap3A_760 {strides = array<i32>} : memref<128xi32, #tpu.memory_space<vmem>>, vector<16xi32>,
        %get3A_761 = arith.index_cast %add3A_704 : i32 to index
        %get3A_762 = arith.constant 112 : index
        %get3A_763 = tpu.vector_load %arg8[%get3A_761, %get3A_762] {strides = array<i32>} : memref<160x128xi32, #tpu.memory_space<vmem>>, vector<1x16xi32>,
        %get3A_764 = vector.shape_cast %get3A_763 : vector<1x16xi32> to vector<16xi32>
        %swap3A_765 = arith.constant 112 : index
        %swap3A_766 = tpu.vector_load %arg13[%swap3A_765] {strides = array<i32>} : memref<128xi32, #tpu.memory_space<vmem>>, vector<16xi32>,
        %swap3A_767 = vector.shape_cast %swap3A_766 : vector<16xi32> to vector<16xi32>
        %swap3A_768 = vector.shape_cast %get3A_764 : vector<16xi32> to vector<16xi32>
        tpu.vector_store %arg13[%swap3A_765], %swap3A_768 {strides = array<i32>} : memref<128xi32, #tpu.memory_space<vmem>>, vector<16xi32>,
        %eq3A_769 = arith.constant 0 : i32
        %eq3A_770 = arith.cmpi eq, %arg0, %eq3A_769 : i32
        %convert_element_type3A_771 = arith.extui %eq3A_770 : i1 to i32
        %cond3A_772 = arith.constant 0 : i32
        %cond3A_773 = arith.cmpi ne, %convert_element_type3A_771, %cond3A_772 : i32
        scf.if %cond3A_773 {
          %dma_start3A = arith.constant 0 : i32
          %dma_start3A_779 = arith.constant 0 : i32
          %dma_start3A_780 = tpu.memref_slice %arg2[%dma_start3A, %dma_start3A_779] : memref<10112x64xf32, #tpu.memory_space<hbm>> -> memref<10112x64xf32, #tpu.memory_space<hbm>>
          tpu.enqueue_indirect_dma source(%dma_start3A_780 : memref<10112x64xf32, #tpu.memory_space<hbm>>) target(%arg21 : memref<128x64xf32, #tpu.memory_space<vmem>>) offsets(%arg13 : memref<128xi32, #tpu.memory_space<vmem>>) semaphore(%arg29 : memref<!tpu.dma_semaphore, #tpu.memory_space<semaphore_mem>>)
        } else {
        }
        %eq3A_774 = arith.constant 1 : i32
        %eq3A_775 = arith.cmpi eq, %arg0, %eq3A_774 : i32
        %convert_element_type3A_776 = arith.extui %eq3A_775 : i1 to i32
        %cond3A_777 = arith.constant 0 : i32
        %cond3A_778 = arith.cmpi ne, %convert_element_type3A_776, %cond3A_777 : i32
        scf.if %cond3A_778 {
          %dma_start3A = arith.constant 0 : i32
          %dma_start3A_779 = arith.constant 0 : i32
          %dma_start3A_780 = tpu.memref_slice %arg3[%dma_start3A, %dma_start3A_779] : memref<10112x64xf32, #tpu.memory_space<hbm>> -> memref<10112x64xf32, #tpu.memory_space<hbm>>
          tpu.enqueue_indirect_dma source(%dma_start3A_780 : memref<10112x64xf32, #tpu.memory_space<hbm>>) target(%arg21 : memref<128x64xf32, #tpu.memory_space<vmem>>) offsets(%arg13 : memref<128xi32, #tpu.memory_space<vmem>>) semaphore(%arg29 : memref<!tpu.dma_semaphore, #tpu.memory_space<semaphore_mem>>)
        } else {
        }
      } else {
      }
      %scan3A_702 = arith.constant 0 : i32
      scf.yield %scan3A_702 : i32
    }
    %scan3A_348 = arith.constant 40 : i32
    %barrier3A_349 = arith.constant 0 : index
    tpu.barrier barrier_id(%barrier3A_349)
    "tpu.region"() ({
      %run_scoped3A = tpu.sem_alloc : memref<!tpu.dma_semaphore, #tpu.memory_space<semaphore_mem>>
      %dma_start3A = arith.constant 0 : i32
      %dma_start3A_350 = tpu.memref_slice %arg6[%arg0, %mul3A_8, %dma_start3A] : memref<2x10112x64xf32, #tpu.memory_space<hbm>> -> memref<1x632x64xf32, #tpu.memory_space<hbm>>
      %dma_start3A_351 = tpu.memref_squeeze %dma_start3A_350 : memref<1x632x64xf32, #tpu.memory_space<hbm>> -> memref<632x64xf32, #tpu.memory_space<hbm>>
      %dma_start3A_352 = arith.constant 0 : i32
      %dma_start3A_353 = tpu.memref_slice %arg24[%mul3A_8, %dma_start3A_352] : memref<10112x64xf32, #tpu.memory_space<vmem_shared>> -> memref<632x64xf32, #tpu.memory_space<vmem_shared>>
      tpu.enqueue_dma source(%dma_start3A_353 : memref<632x64xf32, #tpu.memory_space<vmem_shared>>) target(%dma_start3A_351 : memref<632x64xf32, #tpu.memory_space<hbm>>) target_semaphore(%run_scoped3A : memref<!tpu.dma_semaphore, #tpu.memory_space<semaphore_mem>>)
      %dma_wait3A = arith.constant 0 : i32
      %dma_wait3A_354 = tpu.memref_slice %arg6[%arg0, %mul3A_8, %dma_wait3A] : memref<2x10112x64xf32, #tpu.memory_space<hbm>> -> memref<1x632x64xf32, #tpu.memory_space<hbm>>
      %dma_wait3A_355 = tpu.memref_squeeze %dma_wait3A_354 : memref<1x632x64xf32, #tpu.memory_space<hbm>> -> memref<632x64xf32, #tpu.memory_space<hbm>>
      %dma_wait3A_356 = arith.constant 0 : i32
      %dma_wait3A_357 = tpu.memref_slice %arg24[%mul3A_8, %dma_wait3A_356] : memref<10112x64xf32, #tpu.memory_space<vmem_shared>> -> memref<632x64xf32, #tpu.memory_space<vmem_shared>>
      tpu.wait_dma2 semaphore(%run_scoped3A : memref<!tpu.dma_semaphore, #tpu.memory_space<semaphore_mem>>) src(%dma_wait3A_357 : memref<632x64xf32, #tpu.memory_space<vmem_shared>>) dst(%dma_wait3A_355 : memref<632x64xf32, #tpu.memory_space<hbm>>)
      tpu.yield
    }) : () -> ()
    "tpu.region"() ({
      %run_scoped3A = tpu.sem_alloc : memref<!tpu.dma_semaphore, #tpu.memory_space<semaphore_mem>>
      %dma_start3A = arith.constant 0 : i32
      %dma_start3A_350 = tpu.memref_slice %arg7[%arg0, %mul3A_8, %dma_start3A] : memref<2x10112x16xf32, #tpu.memory_space<hbm>> -> memref<1x632x16xf32, #tpu.memory_space<hbm>>
      %dma_start3A_351 = tpu.memref_squeeze %dma_start3A_350 : memref<1x632x16xf32, #tpu.memory_space<hbm>> -> memref<632x16xf32, #tpu.memory_space<hbm>>
      %dma_start3A_352 = arith.constant 0 : i32
      %dma_start3A_353 = tpu.memref_slice %arg25[%mul3A_8, %dma_start3A_352] : memref<10112x16xf32, #tpu.memory_space<vmem_shared>> -> memref<632x16xf32, #tpu.memory_space<vmem_shared>>
      tpu.enqueue_dma source(%dma_start3A_353 : memref<632x16xf32, #tpu.memory_space<vmem_shared>>) target(%dma_start3A_351 : memref<632x16xf32, #tpu.memory_space<hbm>>) target_semaphore(%run_scoped3A : memref<!tpu.dma_semaphore, #tpu.memory_space<semaphore_mem>>)
      %dma_wait3A = arith.constant 0 : i32
      %dma_wait3A_354 = tpu.memref_slice %arg7[%arg0, %mul3A_8, %dma_wait3A] : memref<2x10112x16xf32, #tpu.memory_space<hbm>> -> memref<1x632x16xf32, #tpu.memory_space<hbm>>
      %dma_wait3A_355 = tpu.memref_squeeze %dma_wait3A_354 : memref<1x632x16xf32, #tpu.memory_space<hbm>> -> memref<632x16xf32, #tpu.memory_space<hbm>>
      %dma_wait3A_356 = arith.constant 0 : i32
      %dma_wait3A_357 = tpu.memref_slice %arg25[%mul3A_8, %dma_wait3A_356] : memref<10112x16xf32, #tpu.memory_space<vmem_shared>> -> memref<632x16xf32, #tpu.memory_space<vmem_shared>>
      tpu.wait_dma2 semaphore(%run_scoped3A : memref<!tpu.dma_semaphore, #tpu.memory_space<semaphore_mem>>) src(%dma_wait3A_357 : memref<632x16xf32, #tpu.memory_space<vmem_shared>>) dst(%dma_wait3A_355 : memref<632x16xf32, #tpu.memory_space<hbm>>)
      tpu.yield
    }) : () -> ()
    return
  }
}

#map = affine_map<(d0, d1) -> (0, 0)>
#map1 = affine_map<(d0, d1) -> (0, 0, 0)>
module attributes {stable_mosaic.version = 14 : i64} {
  func.func @body(%arg0: i32, %arg1: i32, %arg2: memref<10112x64xf32, #tpu.memory_space<hbm>>, %arg3: memref<10112x64xf32, #tpu.memory_space<hbm>>, %arg4: memref<2560x128xi32, #tpu.memory_space<hbm>>, %arg5: memref<2560x128xi32, #tpu.memory_space<hbm>>, %arg6: memref<2x10112x64xf32, #tpu.memory_space<hbm>>, %arg7: memref<160x128xi32, #tpu.memory_space<vmem>>, %arg8: memref<160x128xi32, #tpu.memory_space<vmem>>, %arg9: memref<128xi32, #tpu.memory_space<vmem>>, %arg10: memref<128xi32, #tpu.memory_space<vmem>>, %arg11: memref<128xi32, #tpu.memory_space<vmem>>, %arg12: memref<128xi32, #tpu.memory_space<vmem>>, %arg13: memref<128xi32, #tpu.memory_space<vmem>>, %arg14: memref<128xi32, #tpu.memory_space<vmem>>, %arg15: memref<128xi32, #tpu.memory_space<vmem>>, %arg16: memref<128xi32, #tpu.memory_space<vmem>>, %arg17: memref<128x64xf32, #tpu.memory_space<vmem>>, %arg18: memref<128x64xf32, #tpu.memory_space<vmem>>, %arg19: memref<128x64xf32, #tpu.memory_space<vmem>>, %arg20: memref<128x64xf32, #tpu.memory_space<vmem>>, %arg21: memref<128x16xf32, #tpu.memory_space<vmem>>, %arg22: memref<128x16xf32, #tpu.memory_space<vmem>>, %arg23: memref<10112x64xf32, #tpu.memory_space<vmem_shared>>, %arg24: memref<10112x16xf32, #tpu.memory_space<vmem_shared>>, %arg25: memref<!tpu.dma_semaphore, #tpu.memory_space<semaphore_mem>>, %arg26: memref<!tpu.dma_semaphore, #tpu.memory_space<semaphore_mem>>, %arg27: memref<!tpu.dma_semaphore, #tpu.memory_space<semaphore_mem>>, %arg28: memref<!tpu.dma_semaphore, #tpu.memory_space<semaphore_mem>>, %arg29: memref<!tpu.dma_semaphore, #tpu.memory_space<semaphore_mem>>, %arg30: memref<!tpu.dma_semaphore, #tpu.memory_space<semaphore_mem>>, %arg31: memref<!tpu.dma_semaphore, #tpu.memory_space<semaphore_mem>>, %arg32: memref<!tpu.dma_semaphore, #tpu.memory_space<semaphore_mem>>, %arg33: memref<!tpu.dma_semaphore, #tpu.memory_space<semaphore_mem>>) attributes {dimension_semantics = [#tpu.dimension_semantics<core_parallel>, #tpu.dimension_semantics<subcore_parallel>], iteration_bounds = array<i64: 2, 16>, scalar_prefetch = 0 : i64, scratch_operands = 27 : i64, tpu.core_type = #tpu.core_type<sc_vector_subcore>, window_params = [{transform_indices = #map}, {transform_indices = #map}, {transform_indices = #map}, {transform_indices = #map}, {transform_indices = #map1}]} {
    %mul3A = arith.constant 160 : i32
    %mul3A_0 = arith.muli %arg1, %mul3A : i32
    "tpu.region"() ({
      %run_scoped3A = tpu.sem_alloc : memref<!tpu.dma_semaphore, #tpu.memory_space<semaphore_mem>>
      %dma_start3A = arith.constant 0 : i32
      %dma_start3A_350 = tpu.memref_slice %arg4[%mul3A_0, %dma_start3A] : memref<2560x128xi32, #tpu.memory_space<hbm>> -> memref<160x128xi32, #tpu.memory_space<hbm>>
      %dma_start3A_351 = arith.constant 0 : i32
      %dma_start3A_352 = tpu.memref_slice %arg4[%mul3A_0, %dma_start3A_351] : memref<2560x128xi32, #tpu.memory_space<hbm>> -> memref<160x128xi32, #tpu.memory_space<hbm>>
      tpu.enqueue_dma source(%dma_start3A_352 : memref<160x128xi32, #tpu.memory_space<hbm>>) target(%arg7 : memref<160x128xi32, #tpu.memory_space<vmem>>) target_semaphore(%run_scoped3A : memref<!tpu.dma_semaphore, #tpu.memory_space<semaphore_mem>>)
      %dma_wait3A = arith.constant 0 : i32
      %dma_wait3A_353 = tpu.memref_slice %arg4[%mul3A_0, %dma_wait3A] : memref<2560x128xi32, #tpu.memory_space<hbm>> -> memref<160x128xi32, #tpu.memory_space<hbm>>
      %dma_wait3A_354 = arith.constant 0 : i32
      %dma_wait3A_355 = tpu.memref_slice %arg4[%mul3A_0, %dma_wait3A_354] : memref<2560x128xi32, #tpu.memory_space<hbm>> -> memref<160x128xi32, #tpu.memory_space<hbm>>
      tpu.wait_dma2 semaphore(%run_scoped3A : memref<!tpu.dma_semaphore, #tpu.memory_space<semaphore_mem>>) src(%dma_wait3A_355 : memref<160x128xi32, #tpu.memory_space<hbm>>) dst(%arg7 : memref<160x128xi32, #tpu.memory_space<vmem>>)
      tpu.yield
    }) : () -> ()
    "tpu.region"() ({
      %run_scoped3A = tpu.sem_alloc : memref<!tpu.dma_semaphore, #tpu.memory_space<semaphore_mem>>
      %dma_start3A = arith.constant 0 : i32
      %dma_start3A_350 = tpu.memref_slice %arg5[%mul3A_0, %dma_start3A] : memref<2560x128xi32, #tpu.memory_space<hbm>> -> memref<160x128xi32, #tpu.memory_space<hbm>>
      %dma_start3A_351 = arith.constant 0 : i32
      %dma_start3A_352 = tpu.memref_slice %arg5[%mul3A_0, %dma_start3A_351] : memref<2560x128xi32, #tpu.memory_space<hbm>> -> memref<160x128xi32, #tpu.memory_space<hbm>>
      tpu.enqueue_dma source(%dma_start3A_352 : memref<160x128xi32, #tpu.memory_space<hbm>>) target(%arg8 : memref<160x128xi32, #tpu.memory_space<vmem>>) target_semaphore(%run_scoped3A : memref<!tpu.dma_semaphore, #tpu.memory_space<semaphore_mem>>)
      %dma_wait3A = arith.constant 0 : i32
      %dma_wait3A_353 = tpu.memref_slice %arg5[%mul3A_0, %dma_wait3A] : memref<2560x128xi32, #tpu.memory_space<hbm>> -> memref<160x128xi32, #tpu.memory_space<hbm>>
      %dma_wait3A_354 = arith.constant 0 : i32
      %dma_wait3A_355 = tpu.memref_slice %arg5[%mul3A_0, %dma_wait3A_354] : memref<2560x128xi32, #tpu.memory_space<hbm>> -> memref<160x128xi32, #tpu.memory_space<hbm>>
      tpu.wait_dma2 semaphore(%run_scoped3A : memref<!tpu.dma_semaphore, #tpu.memory_space<semaphore_mem>>) src(%dma_wait3A_355 : memref<160x128xi32, #tpu.memory_space<hbm>>) dst(%arg8 : memref<160x128xi32, #tpu.memory_space<vmem>>)
      tpu.yield
    }) : () -> ()
    %scan3A = arith.constant 0 : i32
    %scan3A_1 = arith.constant 0 : i32
    %scan3A_2 = arith.constant 128 : i32
    %scan3A_3 = arith.addi %scan3A_1, %scan3A_2 : i32
    %scan3A_4 = arith.constant 1 : i32
    %scan3A_5 = scf.for %scan3A_350 = %scan3A_1 to %scan3A_3 step %scan3A_4 iter_args(%scan3A_351 = %scan3A) -> (i32)  : i32 {
      %broadcast_in_dim3A = arith.constant 0.000000e+00 : f32
      %broadcast_in_dim3A_352 = vector.broadcast %broadcast_in_dim3A : f32 to vector<16xf32>
      %swap3A_353 = arith.index_cast %scan3A_350 : i32 to index
      %swap3A_354 = arith.constant 0 : index
      %swap3A_355 = tpu.vector_load %arg17[%swap3A_353, %swap3A_354] {strides = array<i32>} : memref<128x64xf32, #tpu.memory_space<vmem>>, vector<1x16xf32>,
      %swap3A_356 = vector.shape_cast %swap3A_355 : vector<1x16xf32> to vector<16xf32>
      %swap3A_357 = vector.shape_cast %broadcast_in_dim3A_352 : vector<16xf32> to vector<1x16xf32>
      tpu.vector_store %arg17[%swap3A_353, %swap3A_354], %swap3A_357 {strides = array<i32>} : memref<128x64xf32, #tpu.memory_space<vmem>>, vector<1x16xf32>,
      %broadcast_in_dim3A_358 = arith.constant 0.000000e+00 : f32
      %broadcast_in_dim3A_359 = vector.broadcast %broadcast_in_dim3A_358 : f32 to vector<16xf32>
      %swap3A_360 = arith.index_cast %scan3A_350 : i32 to index
      %swap3A_361 = arith.constant 16 : index
      %swap3A_362 = tpu.vector_load %arg17[%swap3A_360, %swap3A_361] {strides = array<i32>} : memref<128x64xf32, #tpu.memory_space<vmem>>, vector<1x16xf32>,
      %swap3A_363 = vector.shape_cast %swap3A_362 : vector<1x16xf32> to vector<16xf32>
      %swap3A_364 = vector.shape_cast %broadcast_in_dim3A_359 : vector<16xf32> to vector<1x16xf32>
      tpu.vector_store %arg17[%swap3A_360, %swap3A_361], %swap3A_364 {strides = array<i32>} : memref<128x64xf32, #tpu.memory_space<vmem>>, vector<1x16xf32>,
      %broadcast_in_dim3A_365 = arith.constant 0.000000e+00 : f32
      %broadcast_in_dim3A_366 = vector.broadcast %broadcast_in_dim3A_365 : f32 to vector<16xf32>
      %swap3A_367 = arith.index_cast %scan3A_350 : i32 to index
      %swap3A_368 = arith.constant 32 : index
      %swap3A_369 = tpu.vector_load %arg17[%swap3A_367, %swap3A_368] {strides = array<i32>} : memref<128x64xf32, #tpu.memory_space<vmem>>, vector<1x16xf32>,
      %swap3A_370 = vector.shape_cast %swap3A_369 : vector<1x16xf32> to vector<16xf32>
      %swap3A_371 = vector.shape_cast %broadcast_in_dim3A_366 : vector<16xf32> to vector<1x16xf32>
      tpu.vector_store %arg17[%swap3A_367, %swap3A_368], %swap3A_371 {strides = array<i32>} : memref<128x64xf32, #tpu.memory_space<vmem>>, vector<1x16xf32>,
      %broadcast_in_dim3A_372 = arith.constant 0.000000e+00 : f32
      %broadcast_in_dim3A_373 = vector.broadcast %broadcast_in_dim3A_372 : f32 to vector<16xf32>
      %swap3A_374 = arith.index_cast %scan3A_350 : i32 to index
      %swap3A_375 = arith.constant 48 : index
      %swap3A_376 = tpu.vector_load %arg17[%swap3A_374, %swap3A_375] {strides = array<i32>} : memref<128x64xf32, #tpu.memory_space<vmem>>, vector<1x16xf32>,
      %swap3A_377 = vector.shape_cast %swap3A_376 : vector<1x16xf32> to vector<16xf32>
      %swap3A_378 = vector.shape_cast %broadcast_in_dim3A_373 : vector<16xf32> to vector<1x16xf32>
      tpu.vector_store %arg17[%swap3A_374, %swap3A_375], %swap3A_378 {strides = array<i32>} : memref<128x64xf32, #tpu.memory_space<vmem>>, vector<1x16xf32>,
      %broadcast_in_dim3A_379 = arith.constant 1.000000e+00 : f32
      %broadcast_in_dim3A_380 = vector.broadcast %broadcast_in_dim3A_379 : f32 to vector<16xf32>
      %swap3A_381 = arith.index_cast %scan3A_350 : i32 to index
      %swap3A_382 = arith.constant 0 : index
      %swap3A_383 = tpu.vector_load %arg21[%swap3A_381, %swap3A_382] {strides = array<i32>} : memref<128x16xf32, #tpu.memory_space<vmem>>, vector<1x16xf32>,
      %swap3A_384 = vector.shape_cast %swap3A_383 : vector<1x16xf32> to vector<16xf32>
      %swap3A_385 = vector.shape_cast %broadcast_in_dim3A_380 : vector<16xf32> to vector<1x16xf32>
      tpu.vector_store %arg21[%swap3A_381, %swap3A_382], %swap3A_385 {strides = array<i32>} : memref<128x16xf32, #tpu.memory_space<vmem>>, vector<1x16xf32>,
      %broadcast_in_dim3A_386 = arith.constant 0.000000e+00 : f32
      %broadcast_in_dim3A_387 = vector.broadcast %broadcast_in_dim3A_386 : f32 to vector<16xf32>
      %swap3A_388 = arith.index_cast %scan3A_350 : i32 to index
      %swap3A_389 = arith.constant 0 : index
      %swap3A_390 = tpu.vector_load %arg22[%swap3A_388, %swap3A_389] {strides = array<i32>} : memref<128x16xf32, #tpu.memory_space<vmem>>, vector<1x16xf32>,
      %swap3A_391 = vector.shape_cast %swap3A_390 : vector<1x16xf32> to vector<16xf32>
      %swap3A_392 = vector.shape_cast %broadcast_in_dim3A_387 : vector<16xf32> to vector<1x16xf32>
      tpu.vector_store %arg22[%swap3A_388, %swap3A_389], %swap3A_392 {strides = array<i32>} : memref<128x16xf32, #tpu.memory_space<vmem>>, vector<1x16xf32>,
      %scan3A_393 = arith.constant 0 : i32
      scf.yield %scan3A_393 : i32
    }
    %scan3A_6 = arith.constant 128 : i32
    %mul3A_7 = arith.constant 632 : i32
    %mul3A_8 = arith.muli %arg1, %mul3A_7 : i32
    %scan3A_9 = arith.constant 0 : i32
    %scan3A_10 = arith.constant 0 : i32
    %scan3A_11 = arith.constant 4 : i32
    %scan3A_12 = arith.addi %scan3A_10, %scan3A_11 : i32
    %scan3A_13 = arith.constant 1 : i32
    %scan3A_14 = scf.for %scan3A_350 = %scan3A_10 to %scan3A_12 step %scan3A_13 iter_args(%scan3A_351 = %scan3A_9) -> (i32)  : i32 {
      %mul3A_352 = arith.constant 128 : i32
      %mul3A_353 = arith.muli %scan3A_350, %mul3A_352 : i32
      %add3A_354 = arith.addi %mul3A_8, %mul3A_353 : i32
      "tpu.region"() ({
        %run_scoped3A = tpu.sem_alloc : memref<!tpu.dma_semaphore, #tpu.memory_space<semaphore_mem>>
        %dma_start3A = arith.constant 0 : i32
        %dma_start3A_359 = tpu.memref_slice %arg23[%add3A_354, %dma_start3A] : memref<10112x64xf32, #tpu.memory_space<vmem_shared>> -> memref<128x64xf32, #tpu.memory_space<vmem_shared>>
        %dma_start3A_360 = arith.constant 0 : i32
        %dma_start3A_361 = tpu.memref_slice %arg23[%add3A_354, %dma_start3A_360] : memref<10112x64xf32, #tpu.memory_space<vmem_shared>> -> memref<128x64xf32, #tpu.memory_space<vmem_shared>>
        tpu.enqueue_dma source(%arg17 : memref<128x64xf32, #tpu.memory_space<vmem>>) target(%dma_start3A_361 : memref<128x64xf32, #tpu.memory_space<vmem_shared>>) target_semaphore(%run_scoped3A : memref<!tpu.dma_semaphore, #tpu.memory_space<semaphore_mem>>)
        %dma_wait3A = arith.constant 0 : i32
        %dma_wait3A_362 = tpu.memref_slice %arg23[%add3A_354, %dma_wait3A] : memref<10112x64xf32, #tpu.memory_space<vmem_shared>> -> memref<128x64xf32, #tpu.memory_space<vmem_shared>>
        %dma_wait3A_363 = arith.constant 0 : i32
        %dma_wait3A_364 = tpu.memref_slice %arg23[%add3A_354, %dma_wait3A_363] : memref<10112x64xf32, #tpu.memory_space<vmem_shared>> -> memref<128x64xf32, #tpu.memory_space<vmem_shared>>
        tpu.wait_dma2 semaphore(%run_scoped3A : memref<!tpu.dma_semaphore, #tpu.memory_space<semaphore_mem>>) src(%arg17 : memref<128x64xf32, #tpu.memory_space<vmem>>) dst(%dma_wait3A_364 : memref<128x64xf32, #tpu.memory_space<vmem_shared>>)
        tpu.yield
      }) : () -> ()
      %mul3A_355 = arith.constant 128 : i32
      %mul3A_356 = arith.muli %scan3A_350, %mul3A_355 : i32
      %add3A_357 = arith.addi %mul3A_8, %mul3A_356 : i32
      "tpu.region"() ({
        %run_scoped3A = tpu.sem_alloc : memref<!tpu.dma_semaphore, #tpu.memory_space<semaphore_mem>>
        %dma_start3A = arith.constant 0 : i32
        %dma_start3A_359 = tpu.memref_slice %arg24[%add3A_357, %dma_start3A] : memref<10112x16xf32, #tpu.memory_space<vmem_shared>> -> memref<128x16xf32, #tpu.memory_space<vmem_shared>>
        %dma_start3A_360 = arith.constant 0 : i32
        %dma_start3A_361 = tpu.memref_slice %arg24[%add3A_357, %dma_start3A_360] : memref<10112x16xf32, #tpu.memory_space<vmem_shared>> -> memref<128x16xf32, #tpu.memory_space<vmem_shared>>
        tpu.enqueue_dma source(%arg22 : memref<128x16xf32, #tpu.memory_space<vmem>>) target(%dma_start3A_361 : memref<128x16xf32, #tpu.memory_space<vmem_shared>>) target_semaphore(%run_scoped3A : memref<!tpu.dma_semaphore, #tpu.memory_space<semaphore_mem>>)
        %dma_wait3A = arith.constant 0 : i32
        %dma_wait3A_362 = tpu.memref_slice %arg24[%add3A_357, %dma_wait3A] : memref<10112x16xf32, #tpu.memory_space<vmem_shared>> -> memref<128x16xf32, #tpu.memory_space<vmem_shared>>
        %dma_wait3A_363 = arith.constant 0 : i32
        %dma_wait3A_364 = tpu.memref_slice %arg24[%add3A_357, %dma_wait3A_363] : memref<10112x16xf32, #tpu.memory_space<vmem_shared>> -> memref<128x16xf32, #tpu.memory_space<vmem_shared>>
        tpu.wait_dma2 semaphore(%run_scoped3A : memref<!tpu.dma_semaphore, #tpu.memory_space<semaphore_mem>>) src(%arg22 : memref<128x16xf32, #tpu.memory_space<vmem>>) dst(%dma_wait3A_364 : memref<128x16xf32, #tpu.memory_space<vmem_shared>>)
        tpu.yield
      }) : () -> ()
      %scan3A_358 = arith.constant 0 : i32
      scf.yield %scan3A_358 : i32
    }
    %scan3A_15 = arith.constant 4 : i32
    %add3A = arith.constant 512 : i32
    %add3A_16 = arith.addi %mul3A_8, %add3A : i32
    "tpu.region"() ({
      %run_scoped3A = tpu.sem_alloc : memref<!tpu.dma_semaphore, #tpu.memory_space<semaphore_mem>>
      %dma_start3A = arith.constant 0 : i32
      %dma_start3A_350 = arith.constant 0 : i32
      %dma_start3A_351 = tpu.memref_slice %arg17[%dma_start3A, %dma_start3A_350] : memref<128x64xf32, #tpu.memory_space<vmem>> -> memref<120x64xf32, #tpu.memory_space<vmem>>
      %dma_start3A_352 = arith.constant 0 : i32
      %dma_start3A_353 = tpu.memref_slice %arg23[%add3A_16, %dma_start3A_352] : memref<10112x64xf32, #tpu.memory_space<vmem_shared>> -> memref<120x64xf32, #tpu.memory_space<vmem_shared>>
      %dma_start3A_354 = arith.constant 0 : i32
      %dma_start3A_355 = tpu.memref_slice %arg23[%add3A_16, %dma_start3A_354] : memref<10112x64xf32, #tpu.memory_space<vmem_shared>> -> memref<120x64xf32, #tpu.memory_space<vmem_shared>>
      %dma_start3A_356 = arith.constant 0 : i32
      %dma_start3A_357 = arith.constant 0 : i32
      %dma_start3A_358 = tpu.memref_slice %arg17[%dma_start3A_356, %dma_start3A_357] : memref<128x64xf32, #tpu.memory_space<vmem>> -> memref<120x64xf32, #tpu.memory_space<vmem>>
      tpu.enqueue_dma source(%dma_start3A_358 : memref<120x64xf32, #tpu.memory_space<vmem>>) target(%dma_start3A_355 : memref<120x64xf32, #tpu.memory_space<vmem_shared>>) target_semaphore(%run_scoped3A : memref<!tpu.dma_semaphore, #tpu.memory_space<semaphore_mem>>)
      %dma_wait3A = arith.constant 0 : i32
      %dma_wait3A_359 = arith.constant 0 : i32
      %dma_wait3A_360 = tpu.memref_slice %arg17[%dma_wait3A, %dma_wait3A_359] : memref<128x64xf32, #tpu.memory_space<vmem>> -> memref<120x64xf32, #tpu.memory_space<vmem>>
      %dma_wait3A_361 = arith.constant 0 : i32
      %dma_wait3A_362 = tpu.memref_slice %arg23[%add3A_16, %dma_wait3A_361] : memref<10112x64xf32, #tpu.memory_space<vmem_shared>> -> memref<120x64xf32, #tpu.memory_space<vmem_shared>>
      %dma_wait3A_363 = arith.constant 0 : i32
      %dma_wait3A_364 = tpu.memref_slice %arg23[%add3A_16, %dma_wait3A_363] : memref<10112x64xf32, #tpu.memory_space<vmem_shared>> -> memref<120x64xf32, #tpu.memory_space<vmem_shared>>
      %dma_wait3A_365 = arith.constant 0 : i32
      %dma_wait3A_366 = arith.constant 0 : i32
      %dma_wait3A_367 = tpu.memref_slice %arg17[%dma_wait3A_365, %dma_wait3A_366] : memref<128x64xf32, #tpu.memory_space<vmem>> -> memref<120x64xf32, #tpu.memory_space<vmem>>
      tpu.wait_dma2 semaphore(%run_scoped3A : memref<!tpu.dma_semaphore, #tpu.memory_space<semaphore_mem>>) src(%dma_wait3A_367 : memref<120x64xf32, #tpu.memory_space<vmem>>) dst(%dma_wait3A_364 : memref<120x64xf32, #tpu.memory_space<vmem_shared>>)
      tpu.yield
    }) : () -> ()
    %add3A_17 = arith.constant 512 : i32
    %add3A_18 = arith.addi %mul3A_8, %add3A_17 : i32
    "tpu.region"() ({
      %run_scoped3A = tpu.sem_alloc : memref<!tpu.dma_semaphore, #tpu.memory_space<semaphore_mem>>
      %dma_start3A = arith.constant 0 : i32
      %dma_start3A_350 = arith.constant 0 : i32
      %dma_start3A_351 = tpu.memref_slice %arg22[%dma_start3A, %dma_start3A_350] : memref<128x16xf32, #tpu.memory_space<vmem>> -> memref<120x16xf32, #tpu.memory_space<vmem>>
      %dma_start3A_352 = arith.constant 0 : i32
      %dma_start3A_353 = tpu.memref_slice %arg24[%add3A_18, %dma_start3A_352] : memref<10112x16xf32, #tpu.memory_space<vmem_shared>> -> memref<120x16xf32, #tpu.memory_space<vmem_shared>>
      %dma_start3A_354 = arith.constant 0 : i32
      %dma_start3A_355 = tpu.memref_slice %arg24[%add3A_18, %dma_start3A_354] : memref<10112x16xf32, #tpu.memory_space<vmem_shared>> -> memref<120x16xf32, #tpu.memory_space<vmem_shared>>
      %dma_start3A_356 = arith.constant 0 : i32
      %dma_start3A_357 = arith.constant 0 : i32
      %dma_start3A_358 = tpu.memref_slice %arg22[%dma_start3A_356, %dma_start3A_357] : memref<128x16xf32, #tpu.memory_space<vmem>> -> memref<120x16xf32, #tpu.memory_space<vmem>>
      tpu.enqueue_dma source(%dma_start3A_358 : memref<120x16xf32, #tpu.memory_space<vmem>>) target(%dma_start3A_355 : memref<120x16xf32, #tpu.memory_space<vmem_shared>>) target_semaphore(%run_scoped3A : memref<!tpu.dma_semaphore, #tpu.memory_space<semaphore_mem>>)
      %dma_wait3A = arith.constant 0 : i32
      %dma_wait3A_359 = arith.constant 0 : i32
      %dma_wait3A_360 = tpu.memref_slice %arg22[%dma_wait3A, %dma_wait3A_359] : memref<128x16xf32, #tpu.memory_space<vmem>> -> memref<120x16xf32, #tpu.memory_space<vmem>>
      %dma_wait3A_361 = arith.constant 0 : i32
      %dma_wait3A_362 = tpu.memref_slice %arg24[%add3A_18, %dma_wait3A_361] : memref<10112x16xf32, #tpu.memory_space<vmem_shared>> -> memref<120x16xf32, #tpu.memory_space<vmem_shared>>
      %dma_wait3A_363 = arith.constant 0 : i32
      %dma_wait3A_364 = tpu.memref_slice %arg24[%add3A_18, %dma_wait3A_363] : memref<10112x16xf32, #tpu.memory_space<vmem_shared>> -> memref<120x16xf32, #tpu.memory_space<vmem_shared>>
      %dma_wait3A_365 = arith.constant 0 : i32
      %dma_wait3A_366 = arith.constant 0 : i32
      %dma_wait3A_367 = tpu.memref_slice %arg22[%dma_wait3A_365, %dma_wait3A_366] : memref<128x16xf32, #tpu.memory_space<vmem>> -> memref<120x16xf32, #tpu.memory_space<vmem>>
      tpu.wait_dma2 semaphore(%run_scoped3A : memref<!tpu.dma_semaphore, #tpu.memory_space<semaphore_mem>>) src(%dma_wait3A_367 : memref<120x16xf32, #tpu.memory_space<vmem>>) dst(%dma_wait3A_364 : memref<120x16xf32, #tpu.memory_space<vmem_shared>>)
      tpu.yield
    }) : () -> ()
    %barrier3A = arith.constant 0 : index
    tpu.barrier barrier_id(%barrier3A)
    %get3A = arith.constant 0 : i32
    %get3A_19 = arith.index_cast %get3A : i32 to index
    %get3A_20 = arith.constant 0 : index
    %get3A_21 = tpu.vector_load %arg7[%get3A_19, %get3A_20] {strides = array<i32>} : memref<160x128xi32, #tpu.memory_space<vmem>>, vector<1x16xi32>,
    %get3A_22 = vector.shape_cast %get3A_21 : vector<1x16xi32> to vector<16xi32>
    %swap3A = arith.constant 0 : index
    %swap3A_23 = tpu.vector_load %arg9[%swap3A] {strides = array<i32>} : memref<128xi32, #tpu.memory_space<vmem>>, vector<16xi32>,
    %swap3A_24 = vector.shape_cast %swap3A_23 : vector<16xi32> to vector<16xi32>
    %swap3A_25 = vector.shape_cast %get3A_22 : vector<16xi32> to vector<16xi32>
    tpu.vector_store %arg9[%swap3A], %swap3A_25 {strides = array<i32>} : memref<128xi32, #tpu.memory_space<vmem>>, vector<16xi32>,
    %get3A_26 = arith.constant 0 : i32
    %get3A_27 = arith.index_cast %get3A_26 : i32 to index
    %get3A_28 = arith.constant 16 : index
    %get3A_29 = tpu.vector_load %arg7[%get3A_27, %get3A_28] {strides = array<i32>} : memref<160x128xi32, #tpu.memory_space<vmem>>, vector<1x16xi32>,
    %get3A_30 = vector.shape_cast %get3A_29 : vector<1x16xi32> to vector<16xi32>
    %swap3A_31 = arith.constant 16 : index
    %swap3A_32 = tpu.vector_load %arg9[%swap3A_31] {strides = array<i32>} : memref<128xi32, #tpu.memory_space<vmem>>, vector<16xi32>,
    %swap3A_33 = vector.shape_cast %swap3A_32 : vector<16xi32> to vector<16xi32>
    %swap3A_34 = vector.shape_cast %get3A_30 : vector<16xi32> to vector<16xi32>
    tpu.vector_store %arg9[%swap3A_31], %swap3A_34 {strides = array<i32>} : memref<128xi32, #tpu.memory_space<vmem>>, vector<16xi32>,
    %get3A_35 = arith.constant 0 : i32
    %get3A_36 = arith.index_cast %get3A_35 : i32 to index
    %get3A_37 = arith.constant 32 : index
    %get3A_38 = tpu.vector_load %arg7[%get3A_36, %get3A_37] {strides = array<i32>} : memref<160x128xi32, #tpu.memory_space<vmem>>, vector<1x16xi32>,
    %get3A_39 = vector.shape_cast %get3A_38 : vector<1x16xi32> to vector<16xi32>
    %swap3A_40 = arith.constant 32 : index
    %swap3A_41 = tpu.vector_load %arg9[%swap3A_40] {strides = array<i32>} : memref<128xi32, #tpu.memory_space<vmem>>, vector<16xi32>,
    %swap3A_42 = vector.shape_cast %swap3A_41 : vector<16xi32> to vector<16xi32>
    %swap3A_43 = vector.shape_cast %get3A_39 : vector<16xi32> to vector<16xi32>
    tpu.vector_store %arg9[%swap3A_40], %swap3A_43 {strides = array<i32>} : memref<128xi32, #tpu.memory_space<vmem>>, vector<16xi32>,
    %get3A_44 = arith.constant 0 : i32
    %get3A_45 = arith.index_cast %get3A_44 : i32 to index
    %get3A_46 = arith.constant 48 : index
    %get3A_47 = tpu.vector_load %arg7[%get3A_45, %get3A_46] {strides = array<i32>} : memref<160x128xi32, #tpu.memory_space<vmem>>, vector<1x16xi32>,
    %get3A_48 = vector.shape_cast %get3A_47 : vector<1x16xi32> to vector<16xi32>
    %swap3A_49 = arith.constant 48 : index
    %swap3A_50 = tpu.vector_load %arg9[%swap3A_49] {strides = array<i32>} : memref<128xi32, #tpu.memory_space<vmem>>, vector<16xi32>,
    %swap3A_51 = vector.shape_cast %swap3A_50 : vector<16xi32> to vector<16xi32>
    %swap3A_52 = vector.shape_cast %get3A_48 : vector<16xi32> to vector<16xi32>
    tpu.vector_store %arg9[%swap3A_49], %swap3A_52 {strides = array<i32>} : memref<128xi32, #tpu.memory_space<vmem>>, vector<16xi32>,
    %get3A_53 = arith.constant 0 : i32
    %get3A_54 = arith.index_cast %get3A_53 : i32 to index
    %get3A_55 = arith.constant 64 : index
    %get3A_56 = tpu.vector_load %arg7[%get3A_54, %get3A_55] {strides = array<i32>} : memref<160x128xi32, #tpu.memory_space<vmem>>, vector<1x16xi32>,
    %get3A_57 = vector.shape_cast %get3A_56 : vector<1x16xi32> to vector<16xi32>
    %swap3A_58 = arith.constant 64 : index
    %swap3A_59 = tpu.vector_load %arg9[%swap3A_58] {strides = array<i32>} : memref<128xi32, #tpu.memory_space<vmem>>, vector<16xi32>,
    %swap3A_60 = vector.shape_cast %swap3A_59 : vector<16xi32> to vector<16xi32>
    %swap3A_61 = vector.shape_cast %get3A_57 : vector<16xi32> to vector<16xi32>
    tpu.vector_store %arg9[%swap3A_58], %swap3A_61 {strides = array<i32>} : memref<128xi32, #tpu.memory_space<vmem>>, vector<16xi32>,
    %get3A_62 = arith.constant 0 : i32
    %get3A_63 = arith.index_cast %get3A_62 : i32 to index
    %get3A_64 = arith.constant 80 : index
    %get3A_65 = tpu.vector_load %arg7[%get3A_63, %get3A_64] {strides = array<i32>} : memref<160x128xi32, #tpu.memory_space<vmem>>, vector<1x16xi32>,
    %get3A_66 = vector.shape_cast %get3A_65 : vector<1x16xi32> to vector<16xi32>
    %swap3A_67 = arith.constant 80 : index
    %swap3A_68 = tpu.vector_load %arg9[%swap3A_67] {strides = array<i32>} : memref<128xi32, #tpu.memory_space<vmem>>, vector<16xi32>,
    %swap3A_69 = vector.shape_cast %swap3A_68 : vector<16xi32> to vector<16xi32>
    %swap3A_70 = vector.shape_cast %get3A_66 : vector<16xi32> to vector<16xi32>
    tpu.vector_store %arg9[%swap3A_67], %swap3A_70 {strides = array<i32>} : memref<128xi32, #tpu.memory_space<vmem>>, vector<16xi32>,
    %get3A_71 = arith.constant 0 : i32
    %get3A_72 = arith.index_cast %get3A_71 : i32 to index
    %get3A_73 = arith.constant 96 : index
    %get3A_74 = tpu.vector_load %arg7[%get3A_72, %get3A_73] {strides = array<i32>} : memref<160x128xi32, #tpu.memory_space<vmem>>, vector<1x16xi32>,
    %get3A_75 = vector.shape_cast %get3A_74 : vector<1x16xi32> to vector<16xi32>
    %swap3A_76 = arith.constant 96 : index
    %swap3A_77 = tpu.vector_load %arg9[%swap3A_76] {strides = array<i32>} : memref<128xi32, #tpu.memory_space<vmem>>, vector<16xi32>,
    %swap3A_78 = vector.shape_cast %swap3A_77 : vector<16xi32> to vector<16xi32>
    %swap3A_79 = vector.shape_cast %get3A_75 : vector<16xi32> to vector<16xi32>
    tpu.vector_store %arg9[%swap3A_76], %swap3A_79 {strides = array<i32>} : memref<128xi32, #tpu.memory_space<vmem>>, vector<16xi32>,
    %get3A_80 = arith.constant 0 : i32
    %get3A_81 = arith.index_cast %get3A_80 : i32 to index
    %get3A_82 = arith.constant 112 : index
    %get3A_83 = tpu.vector_load %arg7[%get3A_81, %get3A_82] {strides = array<i32>} : memref<160x128xi32, #tpu.memory_space<vmem>>, vector<1x16xi32>,
    %get3A_84 = vector.shape_cast %get3A_83 : vector<1x16xi32> to vector<16xi32>
    %swap3A_85 = arith.constant 112 : index
    %swap3A_86 = tpu.vector_load %arg9[%swap3A_85] {strides = array<i32>} : memref<128xi32, #tpu.memory_space<vmem>>, vector<16xi32>,
    %swap3A_87 = vector.shape_cast %swap3A_86 : vector<16xi32> to vector<16xi32>
    %swap3A_88 = vector.shape_cast %get3A_84 : vector<16xi32> to vector<16xi32>
    tpu.vector_store %arg9[%swap3A_85], %swap3A_88 {strides = array<i32>} : memref<128xi32, #tpu.memory_space<vmem>>, vector<16xi32>,
    %eq3A = arith.constant 0 : i32
    %eq3A_89 = arith.cmpi eq, %arg0, %eq3A : i32
    %convert_element_type3A = arith.extui %eq3A_89 : i1 to i32
    %cond3A = arith.constant 0 : i32
    %cond3A_90 = arith.cmpi ne, %convert_element_type3A, %cond3A : i32
    scf.if %cond3A_90 {
      %dma_start3A = arith.constant 0 : i32
      %dma_start3A_350 = arith.constant 0 : i32
      %dma_start3A_351 = tpu.memref_slice %arg2[%dma_start3A, %dma_start3A_350] : memref<10112x64xf32, #tpu.memory_space<hbm>> -> memref<10112x64xf32, #tpu.memory_space<hbm>>
      tpu.enqueue_indirect_dma source(%dma_start3A_351 : memref<10112x64xf32, #tpu.memory_space<hbm>>) target(%arg17 : memref<128x64xf32, #tpu.memory_space<vmem>>) offsets(%arg9 : memref<128xi32, #tpu.memory_space<vmem>>) semaphore(%arg25 : memref<!tpu.dma_semaphore, #tpu.memory_space<semaphore_mem>>)
    } else {
    }
    %eq3A_91 = arith.constant 1 : i32
    %eq3A_92 = arith.cmpi eq, %arg0, %eq3A_91 : i32
    %convert_element_type3A_93 = arith.extui %eq3A_92 : i1 to i32
    %cond3A_94 = arith.constant 0 : i32
    %cond3A_95 = arith.cmpi ne, %convert_element_type3A_93, %cond3A_94 : i32
    scf.if %cond3A_95 {
      %dma_start3A = arith.constant 0 : i32
      %dma_start3A_350 = arith.constant 0 : i32
      %dma_start3A_351 = tpu.memref_slice %arg3[%dma_start3A, %dma_start3A_350] : memref<10112x64xf32, #tpu.memory_space<hbm>> -> memref<10112x64xf32, #tpu.memory_space<hbm>>
      tpu.enqueue_indirect_dma source(%dma_start3A_351 : memref<10112x64xf32, #tpu.memory_space<hbm>>) target(%arg17 : memref<128x64xf32, #tpu.memory_space<vmem>>) offsets(%arg9 : memref<128xi32, #tpu.memory_space<vmem>>) semaphore(%arg25 : memref<!tpu.dma_semaphore, #tpu.memory_space<semaphore_mem>>)
    } else {
    }
    %get3A_96 = arith.constant 1 : i32
    %get3A_97 = arith.index_cast %get3A_96 : i32 to index
    %get3A_98 = arith.constant 0 : index
    %get3A_99 = tpu.vector_load %arg7[%get3A_97, %get3A_98] {strides = array<i32>} : memref<160x128xi32, #tpu.memory_space<vmem>>, vector<1x16xi32>,
    %get3A_100 = vector.shape_cast %get3A_99 : vector<1x16xi32> to vector<16xi32>
    %swap3A_101 = arith.constant 0 : index
    %swap3A_102 = tpu.vector_load %arg10[%swap3A_101] {strides = array<i32>} : memref<128xi32, #tpu.memory_space<vmem>>, vector<16xi32>,
    %swap3A_103 = vector.shape_cast %swap3A_102 : vector<16xi32> to vector<16xi32>
    %swap3A_104 = vector.shape_cast %get3A_100 : vector<16xi32> to vector<16xi32>
    tpu.vector_store %arg10[%swap3A_101], %swap3A_104 {strides = array<i32>} : memref<128xi32, #tpu.memory_space<vmem>>, vector<16xi32>,
    %get3A_105 = arith.constant 1 : i32
    %get3A_106 = arith.index_cast %get3A_105 : i32 to index
    %get3A_107 = arith.constant 16 : index
    %get3A_108 = tpu.vector_load %arg7[%get3A_106, %get3A_107] {strides = array<i32>} : memref<160x128xi32, #tpu.memory_space<vmem>>, vector<1x16xi32>,
    %get3A_109 = vector.shape_cast %get3A_108 : vector<1x16xi32> to vector<16xi32>
    %swap3A_110 = arith.constant 16 : index
    %swap3A_111 = tpu.vector_load %arg10[%swap3A_110] {strides = array<i32>} : memref<128xi32, #tpu.memory_space<vmem>>, vector<16xi32>,
    %swap3A_112 = vector.shape_cast %swap3A_111 : vector<16xi32> to vector<16xi32>
    %swap3A_113 = vector.shape_cast %get3A_109 : vector<16xi32> to vector<16xi32>
    tpu.vector_store %arg10[%swap3A_110], %swap3A_113 {strides = array<i32>} : memref<128xi32, #tpu.memory_space<vmem>>, vector<16xi32>,
    %get3A_114 = arith.constant 1 : i32
    %get3A_115 = arith.index_cast %get3A_114 : i32 to index
    %get3A_116 = arith.constant 32 : index
    %get3A_117 = tpu.vector_load %arg7[%get3A_115, %get3A_116] {strides = array<i32>} : memref<160x128xi32, #tpu.memory_space<vmem>>, vector<1x16xi32>,
    %get3A_118 = vector.shape_cast %get3A_117 : vector<1x16xi32> to vector<16xi32>
    %swap3A_119 = arith.constant 32 : index
    %swap3A_120 = tpu.vector_load %arg10[%swap3A_119] {strides = array<i32>} : memref<128xi32, #tpu.memory_space<vmem>>, vector<16xi32>,
    %swap3A_121 = vector.shape_cast %swap3A_120 : vector<16xi32> to vector<16xi32>
    %swap3A_122 = vector.shape_cast %get3A_118 : vector<16xi32> to vector<16xi32>
    tpu.vector_store %arg10[%swap3A_119], %swap3A_122 {strides = array<i32>} : memref<128xi32, #tpu.memory_space<vmem>>, vector<16xi32>,
    %get3A_123 = arith.constant 1 : i32
    %get3A_124 = arith.index_cast %get3A_123 : i32 to index
    %get3A_125 = arith.constant 48 : index
    %get3A_126 = tpu.vector_load %arg7[%get3A_124, %get3A_125] {strides = array<i32>} : memref<160x128xi32, #tpu.memory_space<vmem>>, vector<1x16xi32>,
    %get3A_127 = vector.shape_cast %get3A_126 : vector<1x16xi32> to vector<16xi32>
    %swap3A_128 = arith.constant 48 : index
    %swap3A_129 = tpu.vector_load %arg10[%swap3A_128] {strides = array<i32>} : memref<128xi32, #tpu.memory_space<vmem>>, vector<16xi32>,
    %swap3A_130 = vector.shape_cast %swap3A_129 : vector<16xi32> to vector<16xi32>
    %swap3A_131 = vector.shape_cast %get3A_127 : vector<16xi32> to vector<16xi32>
    tpu.vector_store %arg10[%swap3A_128], %swap3A_131 {strides = array<i32>} : memref<128xi32, #tpu.memory_space<vmem>>, vector<16xi32>,
    %get3A_132 = arith.constant 1 : i32
    %get3A_133 = arith.index_cast %get3A_132 : i32 to index
    %get3A_134 = arith.constant 64 : index
    %get3A_135 = tpu.vector_load %arg7[%get3A_133, %get3A_134] {strides = array<i32>} : memref<160x128xi32, #tpu.memory_space<vmem>>, vector<1x16xi32>,
    %get3A_136 = vector.shape_cast %get3A_135 : vector<1x16xi32> to vector<16xi32>
    %swap3A_137 = arith.constant 64 : index
    %swap3A_138 = tpu.vector_load %arg10[%swap3A_137] {strides = array<i32>} : memref<128xi32, #tpu.memory_space<vmem>>, vector<16xi32>,
    %swap3A_139 = vector.shape_cast %swap3A_138 : vector<16xi32> to vector<16xi32>
    %swap3A_140 = vector.shape_cast %get3A_136 : vector<16xi32> to vector<16xi32>
    tpu.vector_store %arg10[%swap3A_137], %swap3A_140 {strides = array<i32>} : memref<128xi32, #tpu.memory_space<vmem>>, vector<16xi32>,
    %get3A_141 = arith.constant 1 : i32
    %get3A_142 = arith.index_cast %get3A_141 : i32 to index
    %get3A_143 = arith.constant 80 : index
    %get3A_144 = tpu.vector_load %arg7[%get3A_142, %get3A_143] {strides = array<i32>} : memref<160x128xi32, #tpu.memory_space<vmem>>, vector<1x16xi32>,
    %get3A_145 = vector.shape_cast %get3A_144 : vector<1x16xi32> to vector<16xi32>
    %swap3A_146 = arith.constant 80 : index
    %swap3A_147 = tpu.vector_load %arg10[%swap3A_146] {strides = array<i32>} : memref<128xi32, #tpu.memory_space<vmem>>, vector<16xi32>,
    %swap3A_148 = vector.shape_cast %swap3A_147 : vector<16xi32> to vector<16xi32>
    %swap3A_149 = vector.shape_cast %get3A_145 : vector<16xi32> to vector<16xi32>
    tpu.vector_store %arg10[%swap3A_146], %swap3A_149 {strides = array<i32>} : memref<128xi32, #tpu.memory_space<vmem>>, vector<16xi32>,
    %get3A_150 = arith.constant 1 : i32
    %get3A_151 = arith.index_cast %get3A_150 : i32 to index
    %get3A_152 = arith.constant 96 : index
    %get3A_153 = tpu.vector_load %arg7[%get3A_151, %get3A_152] {strides = array<i32>} : memref<160x128xi32, #tpu.memory_space<vmem>>, vector<1x16xi32>,
    %get3A_154 = vector.shape_cast %get3A_153 : vector<1x16xi32> to vector<16xi32>
    %swap3A_155 = arith.constant 96 : index
    %swap3A_156 = tpu.vector_load %arg10[%swap3A_155] {strides = array<i32>} : memref<128xi32, #tpu.memory_space<vmem>>, vector<16xi32>,
    %swap3A_157 = vector.shape_cast %swap3A_156 : vector<16xi32> to vector<16xi32>
    %swap3A_158 = vector.shape_cast %get3A_154 : vector<16xi32> to vector<16xi32>
    tpu.vector_store %arg10[%swap3A_155], %swap3A_158 {strides = array<i32>} : memref<128xi32, #tpu.memory_space<vmem>>, vector<16xi32>,
    %get3A_159 = arith.constant 1 : i32
    %get3A_160 = arith.index_cast %get3A_159 : i32 to index
    %get3A_161 = arith.constant 112 : index
    %get3A_162 = tpu.vector_load %arg7[%get3A_160, %get3A_161] {strides = array<i32>} : memref<160x128xi32, #tpu.memory_space<vmem>>, vector<1x16xi32>,
    %get3A_163 = vector.shape_cast %get3A_162 : vector<1x16xi32> to vector<16xi32>
    %swap3A_164 = arith.constant 112 : index
    %swap3A_165 = tpu.vector_load %arg10[%swap3A_164] {strides = array<i32>} : memref<128xi32, #tpu.memory_space<vmem>>, vector<16xi32>,
    %swap3A_166 = vector.shape_cast %swap3A_165 : vector<16xi32> to vector<16xi32>
    %swap3A_167 = vector.shape_cast %get3A_163 : vector<16xi32> to vector<16xi32>
    tpu.vector_store %arg10[%swap3A_164], %swap3A_167 {strides = array<i32>} : memref<128xi32, #tpu.memory_space<vmem>>, vector<16xi32>,
    %eq3A_168 = arith.constant 0 : i32
    %eq3A_169 = arith.cmpi eq, %arg0, %eq3A_168 : i32
    %convert_element_type3A_170 = arith.extui %eq3A_169 : i1 to i32
    %cond3A_171 = arith.constant 0 : i32
    %cond3A_172 = arith.cmpi ne, %convert_element_type3A_170, %cond3A_171 : i32
    scf.if %cond3A_172 {
      %dma_start3A = arith.constant 0 : i32
      %dma_start3A_350 = arith.constant 0 : i32
      %dma_start3A_351 = tpu.memref_slice %arg2[%dma_start3A, %dma_start3A_350] : memref<10112x64xf32, #tpu.memory_space<hbm>> -> memref<10112x64xf32, #tpu.memory_space<hbm>>
      tpu.enqueue_indirect_dma source(%dma_start3A_351 : memref<10112x64xf32, #tpu.memory_space<hbm>>) target(%arg18 : memref<128x64xf32, #tpu.memory_space<vmem>>) offsets(%arg10 : memref<128xi32, #tpu.memory_space<vmem>>) semaphore(%arg26 : memref<!tpu.dma_semaphore, #tpu.memory_space<semaphore_mem>>)
    } else {
    }
    %eq3A_173 = arith.constant 1 : i32
    %eq3A_174 = arith.cmpi eq, %arg0, %eq3A_173 : i32
    %convert_element_type3A_175 = arith.extui %eq3A_174 : i1 to i32
    %cond3A_176 = arith.constant 0 : i32
    %cond3A_177 = arith.cmpi ne, %convert_element_type3A_175, %cond3A_176 : i32
    scf.if %cond3A_177 {
      %dma_start3A = arith.constant 0 : i32
      %dma_start3A_350 = arith.constant 0 : i32
      %dma_start3A_351 = tpu.memref_slice %arg3[%dma_start3A, %dma_start3A_350] : memref<10112x64xf32, #tpu.memory_space<hbm>> -> memref<10112x64xf32, #tpu.memory_space<hbm>>
      tpu.enqueue_indirect_dma source(%dma_start3A_351 : memref<10112x64xf32, #tpu.memory_space<hbm>>) target(%arg18 : memref<128x64xf32, #tpu.memory_space<vmem>>) offsets(%arg10 : memref<128xi32, #tpu.memory_space<vmem>>) semaphore(%arg26 : memref<!tpu.dma_semaphore, #tpu.memory_space<semaphore_mem>>)
    } else {
    }
    %get3A_178 = arith.constant 2 : i32
    %get3A_179 = arith.index_cast %get3A_178 : i32 to index
    %get3A_180 = arith.constant 0 : index
    %get3A_181 = tpu.vector_load %arg7[%get3A_179, %get3A_180] {strides = array<i32>} : memref<160x128xi32, #tpu.memory_space<vmem>>, vector<1x16xi32>,
    %get3A_182 = vector.shape_cast %get3A_181 : vector<1x16xi32> to vector<16xi32>
    %swap3A_183 = arith.constant 0 : index
    %swap3A_184 = tpu.vector_load %arg11[%swap3A_183] {strides = array<i32>} : memref<128xi32, #tpu.memory_space<vmem>>, vector<16xi32>,
    %swap3A_185 = vector.shape_cast %swap3A_184 : vector<16xi32> to vector<16xi32>
    %swap3A_186 = vector.shape_cast %get3A_182 : vector<16xi32> to vector<16xi32>
    tpu.vector_store %arg11[%swap3A_183], %swap3A_186 {strides = array<i32>} : memref<128xi32, #tpu.memory_space<vmem>>, vector<16xi32>,
    %get3A_187 = arith.constant 2 : i32
    %get3A_188 = arith.index_cast %get3A_187 : i32 to index
    %get3A_189 = arith.constant 16 : index
    %get3A_190 = tpu.vector_load %arg7[%get3A_188, %get3A_189] {strides = array<i32>} : memref<160x128xi32, #tpu.memory_space<vmem>>, vector<1x16xi32>,
    %get3A_191 = vector.shape_cast %get3A_190 : vector<1x16xi32> to vector<16xi32>
    %swap3A_192 = arith.constant 16 : index
    %swap3A_193 = tpu.vector_load %arg11[%swap3A_192] {strides = array<i32>} : memref<128xi32, #tpu.memory_space<vmem>>, vector<16xi32>,
    %swap3A_194 = vector.shape_cast %swap3A_193 : vector<16xi32> to vector<16xi32>
    %swap3A_195 = vector.shape_cast %get3A_191 : vector<16xi32> to vector<16xi32>
    tpu.vector_store %arg11[%swap3A_192], %swap3A_195 {strides = array<i32>} : memref<128xi32, #tpu.memory_space<vmem>>, vector<16xi32>,
    %get3A_196 = arith.constant 2 : i32
    %get3A_197 = arith.index_cast %get3A_196 : i32 to index
    %get3A_198 = arith.constant 32 : index
    %get3A_199 = tpu.vector_load %arg7[%get3A_197, %get3A_198] {strides = array<i32>} : memref<160x128xi32, #tpu.memory_space<vmem>>, vector<1x16xi32>,
    %get3A_200 = vector.shape_cast %get3A_199 : vector<1x16xi32> to vector<16xi32>
    %swap3A_201 = arith.constant 32 : index
    %swap3A_202 = tpu.vector_load %arg11[%swap3A_201] {strides = array<i32>} : memref<128xi32, #tpu.memory_space<vmem>>, vector<16xi32>,
    %swap3A_203 = vector.shape_cast %swap3A_202 : vector<16xi32> to vector<16xi32>
    %swap3A_204 = vector.shape_cast %get3A_200 : vector<16xi32> to vector<16xi32>
    tpu.vector_store %arg11[%swap3A_201], %swap3A_204 {strides = array<i32>} : memref<128xi32, #tpu.memory_space<vmem>>, vector<16xi32>,
    %get3A_205 = arith.constant 2 : i32
    %get3A_206 = arith.index_cast %get3A_205 : i32 to index
    %get3A_207 = arith.constant 48 : index
    %get3A_208 = tpu.vector_load %arg7[%get3A_206, %get3A_207] {strides = array<i32>} : memref<160x128xi32, #tpu.memory_space<vmem>>, vector<1x16xi32>,
    %get3A_209 = vector.shape_cast %get3A_208 : vector<1x16xi32> to vector<16xi32>
    %swap3A_210 = arith.constant 48 : index
    %swap3A_211 = tpu.vector_load %arg11[%swap3A_210] {strides = array<i32>} : memref<128xi32, #tpu.memory_space<vmem>>, vector<16xi32>,
    %swap3A_212 = vector.shape_cast %swap3A_211 : vector<16xi32> to vector<16xi32>
    %swap3A_213 = vector.shape_cast %get3A_209 : vector<16xi32> to vector<16xi32>
    tpu.vector_store %arg11[%swap3A_210], %swap3A_213 {strides = array<i32>} : memref<128xi32, #tpu.memory_space<vmem>>, vector<16xi32>,
    %get3A_214 = arith.constant 2 : i32
    %get3A_215 = arith.index_cast %get3A_214 : i32 to index
    %get3A_216 = arith.constant 64 : index
    %get3A_217 = tpu.vector_load %arg7[%get3A_215, %get3A_216] {strides = array<i32>} : memref<160x128xi32, #tpu.memory_space<vmem>>, vector<1x16xi32>,
    %get3A_218 = vector.shape_cast %get3A_217 : vector<1x16xi32> to vector<16xi32>
    %swap3A_219 = arith.constant 64 : index
    %swap3A_220 = tpu.vector_load %arg11[%swap3A_219] {strides = array<i32>} : memref<128xi32, #tpu.memory_space<vmem>>, vector<16xi32>,
    %swap3A_221 = vector.shape_cast %swap3A_220 : vector<16xi32> to vector<16xi32>
    %swap3A_222 = vector.shape_cast %get3A_218 : vector<16xi32> to vector<16xi32>
    tpu.vector_store %arg11[%swap3A_219], %swap3A_222 {strides = array<i32>} : memref<128xi32, #tpu.memory_space<vmem>>, vector<16xi32>,
    %get3A_223 = arith.constant 2 : i32
    %get3A_224 = arith.index_cast %get3A_223 : i32 to index
    %get3A_225 = arith.constant 80 : index
    %get3A_226 = tpu.vector_load %arg7[%get3A_224, %get3A_225] {strides = array<i32>} : memref<160x128xi32, #tpu.memory_space<vmem>>, vector<1x16xi32>,
    %get3A_227 = vector.shape_cast %get3A_226 : vector<1x16xi32> to vector<16xi32>
    %swap3A_228 = arith.constant 80 : index
    %swap3A_229 = tpu.vector_load %arg11[%swap3A_228] {strides = array<i32>} : memref<128xi32, #tpu.memory_space<vmem>>, vector<16xi32>,
    %swap3A_230 = vector.shape_cast %swap3A_229 : vector<16xi32> to vector<16xi32>
    %swap3A_231 = vector.shape_cast %get3A_227 : vector<16xi32> to vector<16xi32>
    tpu.vector_store %arg11[%swap3A_228], %swap3A_231 {strides = array<i32>} : memref<128xi32, #tpu.memory_space<vmem>>, vector<16xi32>,
    %get3A_232 = arith.constant 2 : i32
    %get3A_233 = arith.index_cast %get3A_232 : i32 to index
    %get3A_234 = arith.constant 96 : index
    %get3A_235 = tpu.vector_load %arg7[%get3A_233, %get3A_234] {strides = array<i32>} : memref<160x128xi32, #tpu.memory_space<vmem>>, vector<1x16xi32>,
    %get3A_236 = vector.shape_cast %get3A_235 : vector<1x16xi32> to vector<16xi32>
    %swap3A_237 = arith.constant 96 : index
    %swap3A_238 = tpu.vector_load %arg11[%swap3A_237] {strides = array<i32>} : memref<128xi32, #tpu.memory_space<vmem>>, vector<16xi32>,
    %swap3A_239 = vector.shape_cast %swap3A_238 : vector<16xi32> to vector<16xi32>
    %swap3A_240 = vector.shape_cast %get3A_236 : vector<16xi32> to vector<16xi32>
    tpu.vector_store %arg11[%swap3A_237], %swap3A_240 {strides = array<i32>} : memref<128xi32, #tpu.memory_space<vmem>>, vector<16xi32>,
    %get3A_241 = arith.constant 2 : i32
    %get3A_242 = arith.index_cast %get3A_241 : i32 to index
    %get3A_243 = arith.constant 112 : index
    %get3A_244 = tpu.vector_load %arg7[%get3A_242, %get3A_243] {strides = array<i32>} : memref<160x128xi32, #tpu.memory_space<vmem>>, vector<1x16xi32>,
    %get3A_245 = vector.shape_cast %get3A_244 : vector<1x16xi32> to vector<16xi32>
    %swap3A_246 = arith.constant 112 : index
    %swap3A_247 = tpu.vector_load %arg11[%swap3A_246] {strides = array<i32>} : memref<128xi32, #tpu.memory_space<vmem>>, vector<16xi32>,
    %swap3A_248 = vector.shape_cast %swap3A_247 : vector<16xi32> to vector<16xi32>
    %swap3A_249 = vector.shape_cast %get3A_245 : vector<16xi32> to vector<16xi32>
    tpu.vector_store %arg11[%swap3A_246], %swap3A_249 {strides = array<i32>} : memref<128xi32, #tpu.memory_space<vmem>>, vector<16xi32>,
    %eq3A_250 = arith.constant 0 : i32
    %eq3A_251 = arith.cmpi eq, %arg0, %eq3A_250 : i32
    %convert_element_type3A_252 = arith.extui %eq3A_251 : i1 to i32
    %cond3A_253 = arith.constant 0 : i32
    %cond3A_254 = arith.cmpi ne, %convert_element_type3A_252, %cond3A_253 : i32
    scf.if %cond3A_254 {
      %dma_start3A = arith.constant 0 : i32
      %dma_start3A_350 = arith.constant 0 : i32
      %dma_start3A_351 = tpu.memref_slice %arg2[%dma_start3A, %dma_start3A_350] : memref<10112x64xf32, #tpu.memory_space<hbm>> -> memref<10112x64xf32, #tpu.memory_space<hbm>>
      tpu.enqueue_indirect_dma source(%dma_start3A_351 : memref<10112x64xf32, #tpu.memory_space<hbm>>) target(%arg19 : memref<128x64xf32, #tpu.memory_space<vmem>>) offsets(%arg11 : memref<128xi32, #tpu.memory_space<vmem>>) semaphore(%arg27 : memref<!tpu.dma_semaphore, #tpu.memory_space<semaphore_mem>>)
    } else {
    }
    %eq3A_255 = arith.constant 1 : i32
    %eq3A_256 = arith.cmpi eq, %arg0, %eq3A_255 : i32
    %convert_element_type3A_257 = arith.extui %eq3A_256 : i1 to i32
    %cond3A_258 = arith.constant 0 : i32
    %cond3A_259 = arith.cmpi ne, %convert_element_type3A_257, %cond3A_258 : i32
    scf.if %cond3A_259 {
      %dma_start3A = arith.constant 0 : i32
      %dma_start3A_350 = arith.constant 0 : i32
      %dma_start3A_351 = tpu.memref_slice %arg3[%dma_start3A, %dma_start3A_350] : memref<10112x64xf32, #tpu.memory_space<hbm>> -> memref<10112x64xf32, #tpu.memory_space<hbm>>
      tpu.enqueue_indirect_dma source(%dma_start3A_351 : memref<10112x64xf32, #tpu.memory_space<hbm>>) target(%arg19 : memref<128x64xf32, #tpu.memory_space<vmem>>) offsets(%arg11 : memref<128xi32, #tpu.memory_space<vmem>>) semaphore(%arg27 : memref<!tpu.dma_semaphore, #tpu.memory_space<semaphore_mem>>)
    } else {
    }
    %get3A_260 = arith.constant 3 : i32
    %get3A_261 = arith.index_cast %get3A_260 : i32 to index
    %get3A_262 = arith.constant 0 : index
    %get3A_263 = tpu.vector_load %arg7[%get3A_261, %get3A_262] {strides = array<i32>} : memref<160x128xi32, #tpu.memory_space<vmem>>, vector<1x16xi32>,
    %get3A_264 = vector.shape_cast %get3A_263 : vector<1x16xi32> to vector<16xi32>
    %swap3A_265 = arith.constant 0 : index
    %swap3A_266 = tpu.vector_load %arg12[%swap3A_265] {strides = array<i32>} : memref<128xi32, #tpu.memory_space<vmem>>, vector<16xi32>,
    %swap3A_267 = vector.shape_cast %swap3A_266 : vector<16xi32> to vector<16xi32>
    %swap3A_268 = vector.shape_cast %get3A_264 : vector<16xi32> to vector<16xi32>
    tpu.vector_store %arg12[%swap3A_265], %swap3A_268 {strides = array<i32>} : memref<128xi32, #tpu.memory_space<vmem>>, vector<16xi32>,
    %get3A_269 = arith.constant 3 : i32
    %get3A_270 = arith.index_cast %get3A_269 : i32 to index
    %get3A_271 = arith.constant 16 : index
    %get3A_272 = tpu.vector_load %arg7[%get3A_270, %get3A_271] {strides = array<i32>} : memref<160x128xi32, #tpu.memory_space<vmem>>, vector<1x16xi32>,
    %get3A_273 = vector.shape_cast %get3A_272 : vector<1x16xi32> to vector<16xi32>
    %swap3A_274 = arith.constant 16 : index
    %swap3A_275 = tpu.vector_load %arg12[%swap3A_274] {strides = array<i32>} : memref<128xi32, #tpu.memory_space<vmem>>, vector<16xi32>,
    %swap3A_276 = vector.shape_cast %swap3A_275 : vector<16xi32> to vector<16xi32>
    %swap3A_277 = vector.shape_cast %get3A_273 : vector<16xi32> to vector<16xi32>
    tpu.vector_store %arg12[%swap3A_274], %swap3A_277 {strides = array<i32>} : memref<128xi32, #tpu.memory_space<vmem>>, vector<16xi32>,
    %get3A_278 = arith.constant 3 : i32
    %get3A_279 = arith.index_cast %get3A_278 : i32 to index
    %get3A_280 = arith.constant 32 : index
    %get3A_281 = tpu.vector_load %arg7[%get3A_279, %get3A_280] {strides = array<i32>} : memref<160x128xi32, #tpu.memory_space<vmem>>, vector<1x16xi32>,
    %get3A_282 = vector.shape_cast %get3A_281 : vector<1x16xi32> to vector<16xi32>
    %swap3A_283 = arith.constant 32 : index
    %swap3A_284 = tpu.vector_load %arg12[%swap3A_283] {strides = array<i32>} : memref<128xi32, #tpu.memory_space<vmem>>, vector<16xi32>,
    %swap3A_285 = vector.shape_cast %swap3A_284 : vector<16xi32> to vector<16xi32>
    %swap3A_286 = vector.shape_cast %get3A_282 : vector<16xi32> to vector<16xi32>
    tpu.vector_store %arg12[%swap3A_283], %swap3A_286 {strides = array<i32>} : memref<128xi32, #tpu.memory_space<vmem>>, vector<16xi32>,
    %get3A_287 = arith.constant 3 : i32
    %get3A_288 = arith.index_cast %get3A_287 : i32 to index
    %get3A_289 = arith.constant 48 : index
    %get3A_290 = tpu.vector_load %arg7[%get3A_288, %get3A_289] {strides = array<i32>} : memref<160x128xi32, #tpu.memory_space<vmem>>, vector<1x16xi32>,
    %get3A_291 = vector.shape_cast %get3A_290 : vector<1x16xi32> to vector<16xi32>
    %swap3A_292 = arith.constant 48 : index
    %swap3A_293 = tpu.vector_load %arg12[%swap3A_292] {strides = array<i32>} : memref<128xi32, #tpu.memory_space<vmem>>, vector<16xi32>,
    %swap3A_294 = vector.shape_cast %swap3A_293 : vector<16xi32> to vector<16xi32>
    %swap3A_295 = vector.shape_cast %get3A_291 : vector<16xi32> to vector<16xi32>
    tpu.vector_store %arg12[%swap3A_292], %swap3A_295 {strides = array<i32>} : memref<128xi32, #tpu.memory_space<vmem>>, vector<16xi32>,
    %get3A_296 = arith.constant 3 : i32
    %get3A_297 = arith.index_cast %get3A_296 : i32 to index
    %get3A_298 = arith.constant 64 : index
    %get3A_299 = tpu.vector_load %arg7[%get3A_297, %get3A_298] {strides = array<i32>} : memref<160x128xi32, #tpu.memory_space<vmem>>, vector<1x16xi32>,
    %get3A_300 = vector.shape_cast %get3A_299 : vector<1x16xi32> to vector<16xi32>
    %swap3A_301 = arith.constant 64 : index
    %swap3A_302 = tpu.vector_load %arg12[%swap3A_301] {strides = array<i32>} : memref<128xi32, #tpu.memory_space<vmem>>, vector<16xi32>,
    %swap3A_303 = vector.shape_cast %swap3A_302 : vector<16xi32> to vector<16xi32>
    %swap3A_304 = vector.shape_cast %get3A_300 : vector<16xi32> to vector<16xi32>
    tpu.vector_store %arg12[%swap3A_301], %swap3A_304 {strides = array<i32>} : memref<128xi32, #tpu.memory_space<vmem>>, vector<16xi32>,
    %get3A_305 = arith.constant 3 : i32
    %get3A_306 = arith.index_cast %get3A_305 : i32 to index
    %get3A_307 = arith.constant 80 : index
    %get3A_308 = tpu.vector_load %arg7[%get3A_306, %get3A_307] {strides = array<i32>} : memref<160x128xi32, #tpu.memory_space<vmem>>, vector<1x16xi32>,
    %get3A_309 = vector.shape_cast %get3A_308 : vector<1x16xi32> to vector<16xi32>
    %swap3A_310 = arith.constant 80 : index
    %swap3A_311 = tpu.vector_load %arg12[%swap3A_310] {strides = array<i32>} : memref<128xi32, #tpu.memory_space<vmem>>, vector<16xi32>,
    %swap3A_312 = vector.shape_cast %swap3A_311 : vector<16xi32> to vector<16xi32>
    %swap3A_313 = vector.shape_cast %get3A_309 : vector<16xi32> to vector<16xi32>
    tpu.vector_store %arg12[%swap3A_310], %swap3A_313 {strides = array<i32>} : memref<128xi32, #tpu.memory_space<vmem>>, vector<16xi32>,
    %get3A_314 = arith.constant 3 : i32
    %get3A_315 = arith.index_cast %get3A_314 : i32 to index
    %get3A_316 = arith.constant 96 : index
    %get3A_317 = tpu.vector_load %arg7[%get3A_315, %get3A_316] {strides = array<i32>} : memref<160x128xi32, #tpu.memory_space<vmem>>, vector<1x16xi32>,
    %get3A_318 = vector.shape_cast %get3A_317 : vector<1x16xi32> to vector<16xi32>
    %swap3A_319 = arith.constant 96 : index
    %swap3A_320 = tpu.vector_load %arg12[%swap3A_319] {strides = array<i32>} : memref<128xi32, #tpu.memory_space<vmem>>, vector<16xi32>,
    %swap3A_321 = vector.shape_cast %swap3A_320 : vector<16xi32> to vector<16xi32>
    %swap3A_322 = vector.shape_cast %get3A_318 : vector<16xi32> to vector<16xi32>
    tpu.vector_store %arg12[%swap3A_319], %swap3A_322 {strides = array<i32>} : memref<128xi32, #tpu.memory_space<vmem>>, vector<16xi32>,
    %get3A_323 = arith.constant 3 : i32
    %get3A_324 = arith.index_cast %get3A_323 : i32 to index
    %get3A_325 = arith.constant 112 : index
    %get3A_326 = tpu.vector_load %arg7[%get3A_324, %get3A_325] {strides = array<i32>} : memref<160x128xi32, #tpu.memory_space<vmem>>, vector<1x16xi32>,
    %get3A_327 = vector.shape_cast %get3A_326 : vector<1x16xi32> to vector<16xi32>
    %swap3A_328 = arith.constant 112 : index
    %swap3A_329 = tpu.vector_load %arg12[%swap3A_328] {strides = array<i32>} : memref<128xi32, #tpu.memory_space<vmem>>, vector<16xi32>,
    %swap3A_330 = vector.shape_cast %swap3A_329 : vector<16xi32> to vector<16xi32>
    %swap3A_331 = vector.shape_cast %get3A_327 : vector<16xi32> to vector<16xi32>
    tpu.vector_store %arg12[%swap3A_328], %swap3A_331 {strides = array<i32>} : memref<128xi32, #tpu.memory_space<vmem>>, vector<16xi32>,
    %eq3A_332 = arith.constant 0 : i32
    %eq3A_333 = arith.cmpi eq, %arg0, %eq3A_332 : i32
    %convert_element_type3A_334 = arith.extui %eq3A_333 : i1 to i32
    %cond3A_335 = arith.constant 0 : i32
    %cond3A_336 = arith.cmpi ne, %convert_element_type3A_334, %cond3A_335 : i32
    scf.if %cond3A_336 {
      %dma_start3A = arith.constant 0 : i32
      %dma_start3A_350 = arith.constant 0 : i32
      %dma_start3A_351 = tpu.memref_slice %arg2[%dma_start3A, %dma_start3A_350] : memref<10112x64xf32, #tpu.memory_space<hbm>> -> memref<10112x64xf32, #tpu.memory_space<hbm>>
      tpu.enqueue_indirect_dma source(%dma_start3A_351 : memref<10112x64xf32, #tpu.memory_space<hbm>>) target(%arg20 : memref<128x64xf32, #tpu.memory_space<vmem>>) offsets(%arg12 : memref<128xi32, #tpu.memory_space<vmem>>) semaphore(%arg28 : memref<!tpu.dma_semaphore, #tpu.memory_space<semaphore_mem>>)
    } else {
    }
    %eq3A_337 = arith.constant 1 : i32
    %eq3A_338 = arith.cmpi eq, %arg0, %eq3A_337 : i32
    %convert_element_type3A_339 = arith.extui %eq3A_338 : i1 to i32
    %cond3A_340 = arith.constant 0 : i32
    %cond3A_341 = arith.cmpi ne, %convert_element_type3A_339, %cond3A_340 : i32
    scf.if %cond3A_341 {
      %dma_start3A = arith.constant 0 : i32
      %dma_start3A_350 = arith.constant 0 : i32
      %dma_start3A_351 = tpu.memref_slice %arg3[%dma_start3A, %dma_start3A_350] : memref<10112x64xf32, #tpu.memory_space<hbm>> -> memref<10112x64xf32, #tpu.memory_space<hbm>>
      tpu.enqueue_indirect_dma source(%dma_start3A_351 : memref<10112x64xf32, #tpu.memory_space<hbm>>) target(%arg20 : memref<128x64xf32, #tpu.memory_space<vmem>>) offsets(%arg12 : memref<128xi32, #tpu.memory_space<vmem>>) semaphore(%arg28 : memref<!tpu.dma_semaphore, #tpu.memory_space<semaphore_mem>>)
    } else {
    }
    %scan3A_342 = arith.constant 0 : i32
    %scan3A_343 = arith.constant 0 : i32
    %scan3A_344 = arith.constant 40 : i32
    %scan3A_345 = arith.addi %scan3A_343, %scan3A_344 : i32
    %scan3A_346 = arith.constant 1 : i32
    %scan3A_347 = scf.for %scan3A_350 = %scan3A_343 to %scan3A_345 step %scan3A_346 iter_args(%scan3A_351 = %scan3A_342) -> (i32)  : i32 {
      %mul3A_352 = arith.constant 4 : i32
      %mul3A_353 = arith.muli %scan3A_350, %mul3A_352 : i32
      %add3A_354 = arith.constant 0 : i32
      %add3A_355 = arith.addi %mul3A_353, %add3A_354 : i32
      %get3A_356 = arith.index_cast %add3A_355 : i32 to index
      %get3A_357 = arith.constant 0 : index
      %get3A_358 = tpu.vector_load %arg8[%get3A_356, %get3A_357] {strides = array<i32>} : memref<160x128xi32, #tpu.memory_space<vmem>>, vector<1x16xi32>,
      %get3A_359 = vector.shape_cast %get3A_358 : vector<1x16xi32> to vector<16xi32>
      %swap3A_360 = arith.constant 0 : index
      %swap3A_361 = tpu.vector_load %arg13[%swap3A_360] {strides = array<i32>} : memref<128xi32, #tpu.memory_space<vmem>>, vector<16xi32>,
      %swap3A_362 = vector.shape_cast %swap3A_361 : vector<16xi32> to vector<16xi32>
      %swap3A_363 = vector.shape_cast %get3A_359 : vector<16xi32> to vector<16xi32>
      tpu.vector_store %arg13[%swap3A_360], %swap3A_363 {strides = array<i32>} : memref<128xi32, #tpu.memory_space<vmem>>, vector<16xi32>,
      %get3A_364 = arith.index_cast %add3A_355 : i32 to index
      %get3A_365 = arith.constant 16 : index
      %get3A_366 = tpu.vector_load %arg8[%get3A_364, %get3A_365] {strides = array<i32>} : memref<160x128xi32, #tpu.memory_space<vmem>>, vector<1x16xi32>,
      %get3A_367 = vector.shape_cast %get3A_366 : vector<1x16xi32> to vector<16xi32>
      %swap3A_368 = arith.constant 16 : index
      %swap3A_369 = tpu.vector_load %arg13[%swap3A_368] {strides = array<i32>} : memref<128xi32, #tpu.memory_space<vmem>>, vector<16xi32>,
      %swap3A_370 = vector.shape_cast %swap3A_369 : vector<16xi32> to vector<16xi32>
      %swap3A_371 = vector.shape_cast %get3A_367 : vector<16xi32> to vector<16xi32>
      tpu.vector_store %arg13[%swap3A_368], %swap3A_371 {strides = array<i32>} : memref<128xi32, #tpu.memory_space<vmem>>, vector<16xi32>,
      %get3A_372 = arith.index_cast %add3A_355 : i32 to index
      %get3A_373 = arith.constant 32 : index
      %get3A_374 = tpu.vector_load %arg8[%get3A_372, %get3A_373] {strides = array<i32>} : memref<160x128xi32, #tpu.memory_space<vmem>>, vector<1x16xi32>,
      %get3A_375 = vector.shape_cast %get3A_374 : vector<1x16xi32> to vector<16xi32>
      %swap3A_376 = arith.constant 32 : index
      %swap3A_377 = tpu.vector_load %arg13[%swap3A_376] {strides = array<i32>} : memref<128xi32, #tpu.memory_space<vmem>>, vector<16xi32>,
      %swap3A_378 = vector.shape_cast %swap3A_377 : vector<16xi32> to vector<16xi32>
      %swap3A_379 = vector.shape_cast %get3A_375 : vector<16xi32> to vector<16xi32>
      tpu.vector_store %arg13[%swap3A_376], %swap3A_379 {strides = array<i32>} : memref<128xi32, #tpu.memory_space<vmem>>, vector<16xi32>,
      %get3A_380 = arith.index_cast %add3A_355 : i32 to index
      %get3A_381 = arith.constant 48 : index
      %get3A_382 = tpu.vector_load %arg8[%get3A_380, %get3A_381] {strides = array<i32>} : memref<160x128xi32, #tpu.memory_space<vmem>>, vector<1x16xi32>,
      %get3A_383 = vector.shape_cast %get3A_382 : vector<1x16xi32> to vector<16xi32>
      %swap3A_384 = arith.constant 48 : index
      %swap3A_385 = tpu.vector_load %arg13[%swap3A_384] {strides = array<i32>} : memref<128xi32, #tpu.memory_space<vmem>>, vector<16xi32>,
      %swap3A_386 = vector.shape_cast %swap3A_385 : vector<16xi32> to vector<16xi32>
      %swap3A_387 = vector.shape_cast %get3A_383 : vector<16xi32> to vector<16xi32>
      tpu.vector_store %arg13[%swap3A_384], %swap3A_387 {strides = array<i32>} : memref<128xi32, #tpu.memory_space<vmem>>, vector<16xi32>,
      %get3A_388 = arith.index_cast %add3A_355 : i32 to index
      %get3A_389 = arith.constant 64 : index
      %get3A_390 = tpu.vector_load %arg8[%get3A_388, %get3A_389] {strides = array<i32>} : memref<160x128xi32, #tpu.memory_space<vmem>>, vector<1x16xi32>,
      %get3A_391 = vector.shape_cast %get3A_390 : vector<1x16xi32> to vector<16xi32>
      %swap3A_392 = arith.constant 64 : index
      %swap3A_393 = tpu.vector_load %arg13[%swap3A_392] {strides = array<i32>} : memref<128xi32, #tpu.memory_space<vmem>>, vector<16xi32>,
      %swap3A_394 = vector.shape_cast %swap3A_393 : vector<16xi32> to vector<16xi32>
      %swap3A_395 = vector.shape_cast %get3A_391 : vector<16xi32> to vector<16xi32>
      tpu.vector_store %arg13[%swap3A_392], %swap3A_395 {strides = array<i32>} : memref<128xi32, #tpu.memory_space<vmem>>, vector<16xi32>,
      %get3A_396 = arith.index_cast %add3A_355 : i32 to index
      %get3A_397 = arith.constant 80 : index
      %get3A_398 = tpu.vector_load %arg8[%get3A_396, %get3A_397] {strides = array<i32>} : memref<160x128xi32, #tpu.memory_space<vmem>>, vector<1x16xi32>,
      %get3A_399 = vector.shape_cast %get3A_398 : vector<1x16xi32> to vector<16xi32>
      %swap3A_400 = arith.constant 80 : index
      %swap3A_401 = tpu.vector_load %arg13[%swap3A_400] {strides = array<i32>} : memref<128xi32, #tpu.memory_space<vmem>>, vector<16xi32>,
      %swap3A_402 = vector.shape_cast %swap3A_401 : vector<16xi32> to vector<16xi32>
      %swap3A_403 = vector.shape_cast %get3A_399 : vector<16xi32> to vector<16xi32>
      tpu.vector_store %arg13[%swap3A_400], %swap3A_403 {strides = array<i32>} : memref<128xi32, #tpu.memory_space<vmem>>, vector<16xi32>,
      %get3A_404 = arith.index_cast %add3A_355 : i32 to index
      %get3A_405 = arith.constant 96 : index
      %get3A_406 = tpu.vector_load %arg8[%get3A_404, %get3A_405] {strides = array<i32>} : memref<160x128xi32, #tpu.memory_space<vmem>>, vector<1x16xi32>,
      %get3A_407 = vector.shape_cast %get3A_406 : vector<1x16xi32> to vector<16xi32>
      %swap3A_408 = arith.constant 96 : index
      %swap3A_409 = tpu.vector_load %arg13[%swap3A_408] {strides = array<i32>} : memref<128xi32, #tpu.memory_space<vmem>>, vector<16xi32>,
      %swap3A_410 = vector.shape_cast %swap3A_409 : vector<16xi32> to vector<16xi32>
      %swap3A_411 = vector.shape_cast %get3A_407 : vector<16xi32> to vector<16xi32>
      tpu.vector_store %arg13[%swap3A_408], %swap3A_411 {strides = array<i32>} : memref<128xi32, #tpu.memory_space<vmem>>, vector<16xi32>,
      %get3A_412 = arith.index_cast %add3A_355 : i32 to index
      %get3A_413 = arith.constant 112 : index
      %get3A_414 = tpu.vector_load %arg8[%get3A_412, %get3A_413] {strides = array<i32>} : memref<160x128xi32, #tpu.memory_space<vmem>>, vector<1x16xi32>,
      %get3A_415 = vector.shape_cast %get3A_414 : vector<1x16xi32> to vector<16xi32>
      %swap3A_416 = arith.constant 112 : index
      %swap3A_417 = tpu.vector_load %arg13[%swap3A_416] {strides = array<i32>} : memref<128xi32, #tpu.memory_space<vmem>>, vector<16xi32>,
      %swap3A_418 = vector.shape_cast %swap3A_417 : vector<16xi32> to vector<16xi32>
      %swap3A_419 = vector.shape_cast %get3A_415 : vector<16xi32> to vector<16xi32>
      tpu.vector_store %arg13[%swap3A_416], %swap3A_419 {strides = array<i32>} : memref<128xi32, #tpu.memory_space<vmem>>, vector<16xi32>,
      %dma_wait3A = arith.constant 0 : i32
      %dma_wait3A_420 = arith.constant 0 : i32
      %dma_wait3A_421 = tpu.memref_slice %arg2[%dma_wait3A, %dma_wait3A_420] : memref<10112x64xf32, #tpu.memory_space<hbm>> -> memref<10112x64xf32, #tpu.memory_space<hbm>>
      tpu.wait_indirect_dma semaphore(%arg25 : memref<!tpu.dma_semaphore, #tpu.memory_space<semaphore_mem>>) src(%dma_wait3A_421 : memref<10112x64xf32, #tpu.memory_space<hbm>>) dst(%arg17 : memref<128x64xf32, #tpu.memory_space<vmem>>)
      "tpu.region"() ({
        %run_scoped3A = tpu.sem_alloc : memref<!tpu.dma_semaphore, #tpu.memory_space<semaphore_mem>>
        %dma_start3A = arith.constant 0 : i32
        %dma_start3A_663 = arith.constant 0 : i32
        %dma_start3A_664 = tpu.memref_slice %arg23[%dma_start3A, %dma_start3A_663] : memref<10112x64xf32, #tpu.memory_space<vmem_shared>> -> memref<10112x64xf32, #tpu.memory_space<vmem_shared>>
        tpu.enqueue_indirect_dma source(%arg17 : memref<128x64xf32, #tpu.memory_space<vmem>>) target(%dma_start3A_664 : memref<10112x64xf32, #tpu.memory_space<vmem_shared>>) offsets(%arg13 : memref<128xi32, #tpu.memory_space<vmem>>) semaphore(%run_scoped3A : memref<!tpu.dma_semaphore, #tpu.memory_space<semaphore_mem>>) {add = true}
        %dma_wait3A_665 = arith.constant 0 : i32
        %dma_wait3A_666 = arith.constant 0 : i32
        %dma_wait3A_667 = tpu.memref_slice %arg23[%dma_wait3A_665, %dma_wait3A_666] : memref<10112x64xf32, #tpu.memory_space<vmem_shared>> -> memref<10112x64xf32, #tpu.memory_space<vmem_shared>>
        tpu.wait_indirect_dma semaphore(%run_scoped3A : memref<!tpu.dma_semaphore, #tpu.memory_space<semaphore_mem>>) src(%arg17 : memref<128x64xf32, #tpu.memory_space<vmem>>) dst(%dma_wait3A_667 : memref<10112x64xf32, #tpu.memory_space<vmem_shared>>)
        tpu.yield
      }) : () -> ()
      %add3A_422 = arith.constant 4 : i32
      %add3A_423 = arith.addi %add3A_355, %add3A_422 : i32
      %lt3A = arith.constant 160 : i32
      %lt3A_424 = arith.cmpi slt, %add3A_423, %lt3A : i32
      %convert_element_type3A_425 = arith.extui %lt3A_424 : i1 to i32
      %cond3A_426 = arith.constant 0 : i32
      %cond3A_427 = arith.cmpi ne, %convert_element_type3A_425, %cond3A_426 : i32
      scf.if %cond3A_427 {
        %add3A_663 = arith.constant 4 : i32
        %add3A_664 = arith.addi %add3A_355, %add3A_663 : i32
        %get3A_665 = arith.index_cast %add3A_664 : i32 to index
        %get3A_666 = arith.constant 0 : index
        %get3A_667 = tpu.vector_load %arg7[%get3A_665, %get3A_666] {strides = array<i32>} : memref<160x128xi32, #tpu.memory_space<vmem>>, vector<1x16xi32>,
        %get3A_668 = vector.shape_cast %get3A_667 : vector<1x16xi32> to vector<16xi32>
        %swap3A_669 = arith.constant 0 : index
        %swap3A_670 = tpu.vector_load %arg9[%swap3A_669] {strides = array<i32>} : memref<128xi32, #tpu.memory_space<vmem>>, vector<16xi32>,
        %swap3A_671 = vector.shape_cast %swap3A_670 : vector<16xi32> to vector<16xi32>
        %swap3A_672 = vector.shape_cast %get3A_668 : vector<16xi32> to vector<16xi32>
        tpu.vector_store %arg9[%swap3A_669], %swap3A_672 {strides = array<i32>} : memref<128xi32, #tpu.memory_space<vmem>>, vector<16xi32>,
        %get3A_673 = arith.index_cast %add3A_664 : i32 to index
        %get3A_674 = arith.constant 16 : index
        %get3A_675 = tpu.vector_load %arg7[%get3A_673, %get3A_674] {strides = array<i32>} : memref<160x128xi32, #tpu.memory_space<vmem>>, vector<1x16xi32>,
        %get3A_676 = vector.shape_cast %get3A_675 : vector<1x16xi32> to vector<16xi32>
        %swap3A_677 = arith.constant 16 : index
        %swap3A_678 = tpu.vector_load %arg9[%swap3A_677] {strides = array<i32>} : memref<128xi32, #tpu.memory_space<vmem>>, vector<16xi32>,
        %swap3A_679 = vector.shape_cast %swap3A_678 : vector<16xi32> to vector<16xi32>
        %swap3A_680 = vector.shape_cast %get3A_676 : vector<16xi32> to vector<16xi32>
        tpu.vector_store %arg9[%swap3A_677], %swap3A_680 {strides = array<i32>} : memref<128xi32, #tpu.memory_space<vmem>>, vector<16xi32>,
        %get3A_681 = arith.index_cast %add3A_664 : i32 to index
        %get3A_682 = arith.constant 32 : index
        %get3A_683 = tpu.vector_load %arg7[%get3A_681, %get3A_682] {strides = array<i32>} : memref<160x128xi32, #tpu.memory_space<vmem>>, vector<1x16xi32>,
        %get3A_684 = vector.shape_cast %get3A_683 : vector<1x16xi32> to vector<16xi32>
        %swap3A_685 = arith.constant 32 : index
        %swap3A_686 = tpu.vector_load %arg9[%swap3A_685] {strides = array<i32>} : memref<128xi32, #tpu.memory_space<vmem>>, vector<16xi32>,
        %swap3A_687 = vector.shape_cast %swap3A_686 : vector<16xi32> to vector<16xi32>
        %swap3A_688 = vector.shape_cast %get3A_684 : vector<16xi32> to vector<16xi32>
        tpu.vector_store %arg9[%swap3A_685], %swap3A_688 {strides = array<i32>} : memref<128xi32, #tpu.memory_space<vmem>>, vector<16xi32>,
        %get3A_689 = arith.index_cast %add3A_664 : i32 to index
        %get3A_690 = arith.constant 48 : index
        %get3A_691 = tpu.vector_load %arg7[%get3A_689, %get3A_690] {strides = array<i32>} : memref<160x128xi32, #tpu.memory_space<vmem>>, vector<1x16xi32>,
        %get3A_692 = vector.shape_cast %get3A_691 : vector<1x16xi32> to vector<16xi32>
        %swap3A_693 = arith.constant 48 : index
        %swap3A_694 = tpu.vector_load %arg9[%swap3A_693] {strides = array<i32>} : memref<128xi32, #tpu.memory_space<vmem>>, vector<16xi32>,
        %swap3A_695 = vector.shape_cast %swap3A_694 : vector<16xi32> to vector<16xi32>
        %swap3A_696 = vector.shape_cast %get3A_692 : vector<16xi32> to vector<16xi32>
        tpu.vector_store %arg9[%swap3A_693], %swap3A_696 {strides = array<i32>} : memref<128xi32, #tpu.memory_space<vmem>>, vector<16xi32>,
        %get3A_697 = arith.index_cast %add3A_664 : i32 to index
        %get3A_698 = arith.constant 64 : index
        %get3A_699 = tpu.vector_load %arg7[%get3A_697, %get3A_698] {strides = array<i32>} : memref<160x128xi32, #tpu.memory_space<vmem>>, vector<1x16xi32>,
        %get3A_700 = vector.shape_cast %get3A_699 : vector<1x16xi32> to vector<16xi32>
        %swap3A_701 = arith.constant 64 : index
        %swap3A_702 = tpu.vector_load %arg9[%swap3A_701] {strides = array<i32>} : memref<128xi32, #tpu.memory_space<vmem>>, vector<16xi32>,
        %swap3A_703 = vector.shape_cast %swap3A_702 : vector<16xi32> to vector<16xi32>
        %swap3A_704 = vector.shape_cast %get3A_700 : vector<16xi32> to vector<16xi32>
        tpu.vector_store %arg9[%swap3A_701], %swap3A_704 {strides = array<i32>} : memref<128xi32, #tpu.memory_space<vmem>>, vector<16xi32>,
        %get3A_705 = arith.index_cast %add3A_664 : i32 to index
        %get3A_706 = arith.constant 80 : index
        %get3A_707 = tpu.vector_load %arg7[%get3A_705, %get3A_706] {strides = array<i32>} : memref<160x128xi32, #tpu.memory_space<vmem>>, vector<1x16xi32>,
        %get3A_708 = vector.shape_cast %get3A_707 : vector<1x16xi32> to vector<16xi32>
        %swap3A_709 = arith.constant 80 : index
        %swap3A_710 = tpu.vector_load %arg9[%swap3A_709] {strides = array<i32>} : memref<128xi32, #tpu.memory_space<vmem>>, vector<16xi32>,
        %swap3A_711 = vector.shape_cast %swap3A_710 : vector<16xi32> to vector<16xi32>
        %swap3A_712 = vector.shape_cast %get3A_708 : vector<16xi32> to vector<16xi32>
        tpu.vector_store %arg9[%swap3A_709], %swap3A_712 {strides = array<i32>} : memref<128xi32, #tpu.memory_space<vmem>>, vector<16xi32>,
        %get3A_713 = arith.index_cast %add3A_664 : i32 to index
        %get3A_714 = arith.constant 96 : index
        %get3A_715 = tpu.vector_load %arg7[%get3A_713, %get3A_714] {strides = array<i32>} : memref<160x128xi32, #tpu.memory_space<vmem>>, vector<1x16xi32>,
        %get3A_716 = vector.shape_cast %get3A_715 : vector<1x16xi32> to vector<16xi32>
        %swap3A_717 = arith.constant 96 : index
        %swap3A_718 = tpu.vector_load %arg9[%swap3A_717] {strides = array<i32>} : memref<128xi32, #tpu.memory_space<vmem>>, vector<16xi32>,
        %swap3A_719 = vector.shape_cast %swap3A_718 : vector<16xi32> to vector<16xi32>
        %swap3A_720 = vector.shape_cast %get3A_716 : vector<16xi32> to vector<16xi32>
        tpu.vector_store %arg9[%swap3A_717], %swap3A_720 {strides = array<i32>} : memref<128xi32, #tpu.memory_space<vmem>>, vector<16xi32>,
        %get3A_721 = arith.index_cast %add3A_664 : i32 to index
        %get3A_722 = arith.constant 112 : index
        %get3A_723 = tpu.vector_load %arg7[%get3A_721, %get3A_722] {strides = array<i32>} : memref<160x128xi32, #tpu.memory_space<vmem>>, vector<1x16xi32>,
        %get3A_724 = vector.shape_cast %get3A_723 : vector<1x16xi32> to vector<16xi32>
        %swap3A_725 = arith.constant 112 : index
        %swap3A_726 = tpu.vector_load %arg9[%swap3A_725] {strides = array<i32>} : memref<128xi32, #tpu.memory_space<vmem>>, vector<16xi32>,
        %swap3A_727 = vector.shape_cast %swap3A_726 : vector<16xi32> to vector<16xi32>
        %swap3A_728 = vector.shape_cast %get3A_724 : vector<16xi32> to vector<16xi32>
        tpu.vector_store %arg9[%swap3A_725], %swap3A_728 {strides = array<i32>} : memref<128xi32, #tpu.memory_space<vmem>>, vector<16xi32>,
        %eq3A_729 = arith.constant 0 : i32
        %eq3A_730 = arith.cmpi eq, %arg0, %eq3A_729 : i32
        %convert_element_type3A_731 = arith.extui %eq3A_730 : i1 to i32
        %cond3A_732 = arith.constant 0 : i32
        %cond3A_733 = arith.cmpi ne, %convert_element_type3A_731, %cond3A_732 : i32
        scf.if %cond3A_733 {
          %dma_start3A = arith.constant 0 : i32
          %dma_start3A_739 = arith.constant 0 : i32
          %dma_start3A_740 = tpu.memref_slice %arg2[%dma_start3A, %dma_start3A_739] : memref<10112x64xf32, #tpu.memory_space<hbm>> -> memref<10112x64xf32, #tpu.memory_space<hbm>>
          tpu.enqueue_indirect_dma source(%dma_start3A_740 : memref<10112x64xf32, #tpu.memory_space<hbm>>) target(%arg17 : memref<128x64xf32, #tpu.memory_space<vmem>>) offsets(%arg9 : memref<128xi32, #tpu.memory_space<vmem>>) semaphore(%arg25 : memref<!tpu.dma_semaphore, #tpu.memory_space<semaphore_mem>>)
        } else {
        }
        %eq3A_734 = arith.constant 1 : i32
        %eq3A_735 = arith.cmpi eq, %arg0, %eq3A_734 : i32
        %convert_element_type3A_736 = arith.extui %eq3A_735 : i1 to i32
        %cond3A_737 = arith.constant 0 : i32
        %cond3A_738 = arith.cmpi ne, %convert_element_type3A_736, %cond3A_737 : i32
        scf.if %cond3A_738 {
          %dma_start3A = arith.constant 0 : i32
          %dma_start3A_739 = arith.constant 0 : i32
          %dma_start3A_740 = tpu.memref_slice %arg3[%dma_start3A, %dma_start3A_739] : memref<10112x64xf32, #tpu.memory_space<hbm>> -> memref<10112x64xf32, #tpu.memory_space<hbm>>
          tpu.enqueue_indirect_dma source(%dma_start3A_740 : memref<10112x64xf32, #tpu.memory_space<hbm>>) target(%arg17 : memref<128x64xf32, #tpu.memory_space<vmem>>) offsets(%arg9 : memref<128xi32, #tpu.memory_space<vmem>>) semaphore(%arg25 : memref<!tpu.dma_semaphore, #tpu.memory_space<semaphore_mem>>)
        } else {
        }
      } else {
      }
      %mul3A_428 = arith.constant 4 : i32
      %mul3A_429 = arith.muli %scan3A_350, %mul3A_428 : i32
      %add3A_430 = arith.constant 1 : i32
      %add3A_431 = arith.addi %mul3A_429, %add3A_430 : i32
      %get3A_432 = arith.index_cast %add3A_431 : i32 to index
      %get3A_433 = arith.constant 0 : index
      %get3A_434 = tpu.vector_load %arg8[%get3A_432, %get3A_433] {strides = array<i32>} : memref<160x128xi32, #tpu.memory_space<vmem>>, vector<1x16xi32>,
      %get3A_435 = vector.shape_cast %get3A_434 : vector<1x16xi32> to vector<16xi32>
      %swap3A_436 = arith.constant 0 : index
      %swap3A_437 = tpu.vector_load %arg14[%swap3A_436] {strides = array<i32>} : memref<128xi32, #tpu.memory_space<vmem>>, vector<16xi32>,
      %swap3A_438 = vector.shape_cast %swap3A_437 : vector<16xi32> to vector<16xi32>
      %swap3A_439 = vector.shape_cast %get3A_435 : vector<16xi32> to vector<16xi32>
      tpu.vector_store %arg14[%swap3A_436], %swap3A_439 {strides = array<i32>} : memref<128xi32, #tpu.memory_space<vmem>>, vector<16xi32>,
      %get3A_440 = arith.index_cast %add3A_431 : i32 to index
      %get3A_441 = arith.constant 16 : index
      %get3A_442 = tpu.vector_load %arg8[%get3A_440, %get3A_441] {strides = array<i32>} : memref<160x128xi32, #tpu.memory_space<vmem>>, vector<1x16xi32>,
      %get3A_443 = vector.shape_cast %get3A_442 : vector<1x16xi32> to vector<16xi32>
      %swap3A_444 = arith.constant 16 : index
      %swap3A_445 = tpu.vector_load %arg14[%swap3A_444] {strides = array<i32>} : memref<128xi32, #tpu.memory_space<vmem>>, vector<16xi32>,
      %swap3A_446 = vector.shape_cast %swap3A_445 : vector<16xi32> to vector<16xi32>
      %swap3A_447 = vector.shape_cast %get3A_443 : vector<16xi32> to vector<16xi32>
      tpu.vector_store %arg14[%swap3A_444], %swap3A_447 {strides = array<i32>} : memref<128xi32, #tpu.memory_space<vmem>>, vector<16xi32>,
      %get3A_448 = arith.index_cast %add3A_431 : i32 to index
      %get3A_449 = arith.constant 32 : index
      %get3A_450 = tpu.vector_load %arg8[%get3A_448, %get3A_449] {strides = array<i32>} : memref<160x128xi32, #tpu.memory_space<vmem>>, vector<1x16xi32>,
      %get3A_451 = vector.shape_cast %get3A_450 : vector<1x16xi32> to vector<16xi32>
      %swap3A_452 = arith.constant 32 : index
      %swap3A_453 = tpu.vector_load %arg14[%swap3A_452] {strides = array<i32>} : memref<128xi32, #tpu.memory_space<vmem>>, vector<16xi32>,
      %swap3A_454 = vector.shape_cast %swap3A_453 : vector<16xi32> to vector<16xi32>
      %swap3A_455 = vector.shape_cast %get3A_451 : vector<16xi32> to vector<16xi32>
      tpu.vector_store %arg14[%swap3A_452], %swap3A_455 {strides = array<i32>} : memref<128xi32, #tpu.memory_space<vmem>>, vector<16xi32>,
      %get3A_456 = arith.index_cast %add3A_431 : i32 to index
      %get3A_457 = arith.constant 48 : index
      %get3A_458 = tpu.vector_load %arg8[%get3A_456, %get3A_457] {strides = array<i32>} : memref<160x128xi32, #tpu.memory_space<vmem>>, vector<1x16xi32>,
      %get3A_459 = vector.shape_cast %get3A_458 : vector<1x16xi32> to vector<16xi32>
      %swap3A_460 = arith.constant 48 : index
      %swap3A_461 = tpu.vector_load %arg14[%swap3A_460] {strides = array<i32>} : memref<128xi32, #tpu.memory_space<vmem>>, vector<16xi32>,
      %swap3A_462 = vector.shape_cast %swap3A_461 : vector<16xi32> to vector<16xi32>
      %swap3A_463 = vector.shape_cast %get3A_459 : vector<16xi32> to vector<16xi32>
      tpu.vector_store %arg14[%swap3A_460], %swap3A_463 {strides = array<i32>} : memref<128xi32, #tpu.memory_space<vmem>>, vector<16xi32>,
      %get3A_464 = arith.index_cast %add3A_431 : i32 to index
      %get3A_465 = arith.constant 64 : index
      %get3A_466 = tpu.vector_load %arg8[%get3A_464, %get3A_465] {strides = array<i32>} : memref<160x128xi32, #tpu.memory_space<vmem>>, vector<1x16xi32>,
      %get3A_467 = vector.shape_cast %get3A_466 : vector<1x16xi32> to vector<16xi32>
      %swap3A_468 = arith.constant 64 : index
      %swap3A_469 = tpu.vector_load %arg14[%swap3A_468] {strides = array<i32>} : memref<128xi32, #tpu.memory_space<vmem>>, vector<16xi32>,
      %swap3A_470 = vector.shape_cast %swap3A_469 : vector<16xi32> to vector<16xi32>
      %swap3A_471 = vector.shape_cast %get3A_467 : vector<16xi32> to vector<16xi32>
      tpu.vector_store %arg14[%swap3A_468], %swap3A_471 {strides = array<i32>} : memref<128xi32, #tpu.memory_space<vmem>>, vector<16xi32>,
      %get3A_472 = arith.index_cast %add3A_431 : i32 to index
      %get3A_473 = arith.constant 80 : index
      %get3A_474 = tpu.vector_load %arg8[%get3A_472, %get3A_473] {strides = array<i32>} : memref<160x128xi32, #tpu.memory_space<vmem>>, vector<1x16xi32>,
      %get3A_475 = vector.shape_cast %get3A_474 : vector<1x16xi32> to vector<16xi32>
      %swap3A_476 = arith.constant 80 : index
      %swap3A_477 = tpu.vector_load %arg14[%swap3A_476] {strides = array<i32>} : memref<128xi32, #tpu.memory_space<vmem>>, vector<16xi32>,
      %swap3A_478 = vector.shape_cast %swap3A_477 : vector<16xi32> to vector<16xi32>
      %swap3A_479 = vector.shape_cast %get3A_475 : vector<16xi32> to vector<16xi32>
      tpu.vector_store %arg14[%swap3A_476], %swap3A_479 {strides = array<i32>} : memref<128xi32, #tpu.memory_space<vmem>>, vector<16xi32>,
      %get3A_480 = arith.index_cast %add3A_431 : i32 to index
      %get3A_481 = arith.constant 96 : index
      %get3A_482 = tpu.vector_load %arg8[%get3A_480, %get3A_481] {strides = array<i32>} : memref<160x128xi32, #tpu.memory_space<vmem>>, vector<1x16xi32>,
      %get3A_483 = vector.shape_cast %get3A_482 : vector<1x16xi32> to vector<16xi32>
      %swap3A_484 = arith.constant 96 : index
      %swap3A_485 = tpu.vector_load %arg14[%swap3A_484] {strides = array<i32>} : memref<128xi32, #tpu.memory_space<vmem>>, vector<16xi32>,
      %swap3A_486 = vector.shape_cast %swap3A_485 : vector<16xi32> to vector<16xi32>
      %swap3A_487 = vector.shape_cast %get3A_483 : vector<16xi32> to vector<16xi32>
      tpu.vector_store %arg14[%swap3A_484], %swap3A_487 {strides = array<i32>} : memref<128xi32, #tpu.memory_space<vmem>>, vector<16xi32>,
      %get3A_488 = arith.index_cast %add3A_431 : i32 to index
      %get3A_489 = arith.constant 112 : index
      %get3A_490 = tpu.vector_load %arg8[%get3A_488, %get3A_489] {strides = array<i32>} : memref<160x128xi32, #tpu.memory_space<vmem>>, vector<1x16xi32>,
      %get3A_491 = vector.shape_cast %get3A_490 : vector<1x16xi32> to vector<16xi32>
      %swap3A_492 = arith.constant 112 : index
      %swap3A_493 = tpu.vector_load %arg14[%swap3A_492] {strides = array<i32>} : memref<128xi32, #tpu.memory_space<vmem>>, vector<16xi32>,
      %swap3A_494 = vector.shape_cast %swap3A_493 : vector<16xi32> to vector<16xi32>
      %swap3A_495 = vector.shape_cast %get3A_491 : vector<16xi32> to vector<16xi32>
      tpu.vector_store %arg14[%swap3A_492], %swap3A_495 {strides = array<i32>} : memref<128xi32, #tpu.memory_space<vmem>>, vector<16xi32>,
      %dma_wait3A_496 = arith.constant 0 : i32
      %dma_wait3A_497 = arith.constant 0 : i32
      %dma_wait3A_498 = tpu.memref_slice %arg2[%dma_wait3A_496, %dma_wait3A_497] : memref<10112x64xf32, #tpu.memory_space<hbm>> -> memref<10112x64xf32, #tpu.memory_space<hbm>>
      tpu.wait_indirect_dma semaphore(%arg26 : memref<!tpu.dma_semaphore, #tpu.memory_space<semaphore_mem>>) src(%dma_wait3A_498 : memref<10112x64xf32, #tpu.memory_space<hbm>>) dst(%arg18 : memref<128x64xf32, #tpu.memory_space<vmem>>)
      "tpu.region"() ({
        %run_scoped3A = tpu.sem_alloc : memref<!tpu.dma_semaphore, #tpu.memory_space<semaphore_mem>>
        %dma_start3A = arith.constant 0 : i32
        %dma_start3A_663 = arith.constant 0 : i32
        %dma_start3A_664 = tpu.memref_slice %arg23[%dma_start3A, %dma_start3A_663] : memref<10112x64xf32, #tpu.memory_space<vmem_shared>> -> memref<10112x64xf32, #tpu.memory_space<vmem_shared>>
        tpu.enqueue_indirect_dma source(%arg18 : memref<128x64xf32, #tpu.memory_space<vmem>>) target(%dma_start3A_664 : memref<10112x64xf32, #tpu.memory_space<vmem_shared>>) offsets(%arg14 : memref<128xi32, #tpu.memory_space<vmem>>) semaphore(%run_scoped3A : memref<!tpu.dma_semaphore, #tpu.memory_space<semaphore_mem>>) {add = true}
        %dma_wait3A_665 = arith.constant 0 : i32
        %dma_wait3A_666 = arith.constant 0 : i32
        %dma_wait3A_667 = tpu.memref_slice %arg23[%dma_wait3A_665, %dma_wait3A_666] : memref<10112x64xf32, #tpu.memory_space<vmem_shared>> -> memref<10112x64xf32, #tpu.memory_space<vmem_shared>>
        tpu.wait_indirect_dma semaphore(%run_scoped3A : memref<!tpu.dma_semaphore, #tpu.memory_space<semaphore_mem>>) src(%arg18 : memref<128x64xf32, #tpu.memory_space<vmem>>) dst(%dma_wait3A_667 : memref<10112x64xf32, #tpu.memory_space<vmem_shared>>)
        tpu.yield
      }) : () -> ()
      %add3A_499 = arith.constant 4 : i32
      %add3A_500 = arith.addi %add3A_431, %add3A_499 : i32
      %lt3A_501 = arith.constant 160 : i32
      %lt3A_502 = arith.cmpi slt, %add3A_500, %lt3A_501 : i32
      %convert_element_type3A_503 = arith.extui %lt3A_502 : i1 to i32
      %cond3A_504 = arith.constant 0 : i32
      %cond3A_505 = arith.cmpi ne, %convert_element_type3A_503, %cond3A_504 : i32
      scf.if %cond3A_505 {
        %add3A_663 = arith.constant 4 : i32
        %add3A_664 = arith.addi %add3A_431, %add3A_663 : i32
        %get3A_665 = arith.index_cast %add3A_664 : i32 to index
        %get3A_666 = arith.constant 0 : index
        %get3A_667 = tpu.vector_load %arg7[%get3A_665, %get3A_666] {strides = array<i32>} : memref<160x128xi32, #tpu.memory_space<vmem>>, vector<1x16xi32>,
        %get3A_668 = vector.shape_cast %get3A_667 : vector<1x16xi32> to vector<16xi32>
        %swap3A_669 = arith.constant 0 : index
        %swap3A_670 = tpu.vector_load %arg10[%swap3A_669] {strides = array<i32>} : memref<128xi32, #tpu.memory_space<vmem>>, vector<16xi32>,
        %swap3A_671 = vector.shape_cast %swap3A_670 : vector<16xi32> to vector<16xi32>
        %swap3A_672 = vector.shape_cast %get3A_668 : vector<16xi32> to vector<16xi32>
        tpu.vector_store %arg10[%swap3A_669], %swap3A_672 {strides = array<i32>} : memref<128xi32, #tpu.memory_space<vmem>>, vector<16xi32>,
        %get3A_673 = arith.index_cast %add3A_664 : i32 to index
        %get3A_674 = arith.constant 16 : index
        %get3A_675 = tpu.vector_load %arg7[%get3A_673, %get3A_674] {strides = array<i32>} : memref<160x128xi32, #tpu.memory_space<vmem>>, vector<1x16xi32>,
        %get3A_676 = vector.shape_cast %get3A_675 : vector<1x16xi32> to vector<16xi32>
        %swap3A_677 = arith.constant 16 : index
        %swap3A_678 = tpu.vector_load %arg10[%swap3A_677] {strides = array<i32>} : memref<128xi32, #tpu.memory_space<vmem>>, vector<16xi32>,
        %swap3A_679 = vector.shape_cast %swap3A_678 : vector<16xi32> to vector<16xi32>
        %swap3A_680 = vector.shape_cast %get3A_676 : vector<16xi32> to vector<16xi32>
        tpu.vector_store %arg10[%swap3A_677], %swap3A_680 {strides = array<i32>} : memref<128xi32, #tpu.memory_space<vmem>>, vector<16xi32>,
        %get3A_681 = arith.index_cast %add3A_664 : i32 to index
        %get3A_682 = arith.constant 32 : index
        %get3A_683 = tpu.vector_load %arg7[%get3A_681, %get3A_682] {strides = array<i32>} : memref<160x128xi32, #tpu.memory_space<vmem>>, vector<1x16xi32>,
        %get3A_684 = vector.shape_cast %get3A_683 : vector<1x16xi32> to vector<16xi32>
        %swap3A_685 = arith.constant 32 : index
        %swap3A_686 = tpu.vector_load %arg10[%swap3A_685] {strides = array<i32>} : memref<128xi32, #tpu.memory_space<vmem>>, vector<16xi32>,
        %swap3A_687 = vector.shape_cast %swap3A_686 : vector<16xi32> to vector<16xi32>
        %swap3A_688 = vector.shape_cast %get3A_684 : vector<16xi32> to vector<16xi32>
        tpu.vector_store %arg10[%swap3A_685], %swap3A_688 {strides = array<i32>} : memref<128xi32, #tpu.memory_space<vmem>>, vector<16xi32>,
        %get3A_689 = arith.index_cast %add3A_664 : i32 to index
        %get3A_690 = arith.constant 48 : index
        %get3A_691 = tpu.vector_load %arg7[%get3A_689, %get3A_690] {strides = array<i32>} : memref<160x128xi32, #tpu.memory_space<vmem>>, vector<1x16xi32>,
        %get3A_692 = vector.shape_cast %get3A_691 : vector<1x16xi32> to vector<16xi32>
        %swap3A_693 = arith.constant 48 : index
        %swap3A_694 = tpu.vector_load %arg10[%swap3A_693] {strides = array<i32>} : memref<128xi32, #tpu.memory_space<vmem>>, vector<16xi32>,
        %swap3A_695 = vector.shape_cast %swap3A_694 : vector<16xi32> to vector<16xi32>
        %swap3A_696 = vector.shape_cast %get3A_692 : vector<16xi32> to vector<16xi32>
        tpu.vector_store %arg10[%swap3A_693], %swap3A_696 {strides = array<i32>} : memref<128xi32, #tpu.memory_space<vmem>>, vector<16xi32>,
        %get3A_697 = arith.index_cast %add3A_664 : i32 to index
        %get3A_698 = arith.constant 64 : index
        %get3A_699 = tpu.vector_load %arg7[%get3A_697, %get3A_698] {strides = array<i32>} : memref<160x128xi32, #tpu.memory_space<vmem>>, vector<1x16xi32>,
        %get3A_700 = vector.shape_cast %get3A_699 : vector<1x16xi32> to vector<16xi32>
        %swap3A_701 = arith.constant 64 : index
        %swap3A_702 = tpu.vector_load %arg10[%swap3A_701] {strides = array<i32>} : memref<128xi32, #tpu.memory_space<vmem>>, vector<16xi32>,
        %swap3A_703 = vector.shape_cast %swap3A_702 : vector<16xi32> to vector<16xi32>
        %swap3A_704 = vector.shape_cast %get3A_700 : vector<16xi32> to vector<16xi32>
        tpu.vector_store %arg10[%swap3A_701], %swap3A_704 {strides = array<i32>} : memref<128xi32, #tpu.memory_space<vmem>>, vector<16xi32>,
        %get3A_705 = arith.index_cast %add3A_664 : i32 to index
        %get3A_706 = arith.constant 80 : index
        %get3A_707 = tpu.vector_load %arg7[%get3A_705, %get3A_706] {strides = array<i32>} : memref<160x128xi32, #tpu.memory_space<vmem>>, vector<1x16xi32>,
        %get3A_708 = vector.shape_cast %get3A_707 : vector<1x16xi32> to vector<16xi32>
        %swap3A_709 = arith.constant 80 : index
        %swap3A_710 = tpu.vector_load %arg10[%swap3A_709] {strides = array<i32>} : memref<128xi32, #tpu.memory_space<vmem>>, vector<16xi32>,
        %swap3A_711 = vector.shape_cast %swap3A_710 : vector<16xi32> to vector<16xi32>
        %swap3A_712 = vector.shape_cast %get3A_708 : vector<16xi32> to vector<16xi32>
        tpu.vector_store %arg10[%swap3A_709], %swap3A_712 {strides = array<i32>} : memref<128xi32, #tpu.memory_space<vmem>>, vector<16xi32>,
        %get3A_713 = arith.index_cast %add3A_664 : i32 to index
        %get3A_714 = arith.constant 96 : index
        %get3A_715 = tpu.vector_load %arg7[%get3A_713, %get3A_714] {strides = array<i32>} : memref<160x128xi32, #tpu.memory_space<vmem>>, vector<1x16xi32>,
        %get3A_716 = vector.shape_cast %get3A_715 : vector<1x16xi32> to vector<16xi32>
        %swap3A_717 = arith.constant 96 : index
        %swap3A_718 = tpu.vector_load %arg10[%swap3A_717] {strides = array<i32>} : memref<128xi32, #tpu.memory_space<vmem>>, vector<16xi32>,
        %swap3A_719 = vector.shape_cast %swap3A_718 : vector<16xi32> to vector<16xi32>
        %swap3A_720 = vector.shape_cast %get3A_716 : vector<16xi32> to vector<16xi32>
        tpu.vector_store %arg10[%swap3A_717], %swap3A_720 {strides = array<i32>} : memref<128xi32, #tpu.memory_space<vmem>>, vector<16xi32>,
        %get3A_721 = arith.index_cast %add3A_664 : i32 to index
        %get3A_722 = arith.constant 112 : index
        %get3A_723 = tpu.vector_load %arg7[%get3A_721, %get3A_722] {strides = array<i32>} : memref<160x128xi32, #tpu.memory_space<vmem>>, vector<1x16xi32>,
        %get3A_724 = vector.shape_cast %get3A_723 : vector<1x16xi32> to vector<16xi32>
        %swap3A_725 = arith.constant 112 : index
        %swap3A_726 = tpu.vector_load %arg10[%swap3A_725] {strides = array<i32>} : memref<128xi32, #tpu.memory_space<vmem>>, vector<16xi32>,
        %swap3A_727 = vector.shape_cast %swap3A_726 : vector<16xi32> to vector<16xi32>
        %swap3A_728 = vector.shape_cast %get3A_724 : vector<16xi32> to vector<16xi32>
        tpu.vector_store %arg10[%swap3A_725], %swap3A_728 {strides = array<i32>} : memref<128xi32, #tpu.memory_space<vmem>>, vector<16xi32>,
        %eq3A_729 = arith.constant 0 : i32
        %eq3A_730 = arith.cmpi eq, %arg0, %eq3A_729 : i32
        %convert_element_type3A_731 = arith.extui %eq3A_730 : i1 to i32
        %cond3A_732 = arith.constant 0 : i32
        %cond3A_733 = arith.cmpi ne, %convert_element_type3A_731, %cond3A_732 : i32
        scf.if %cond3A_733 {
          %dma_start3A = arith.constant 0 : i32
          %dma_start3A_739 = arith.constant 0 : i32
          %dma_start3A_740 = tpu.memref_slice %arg2[%dma_start3A, %dma_start3A_739] : memref<10112x64xf32, #tpu.memory_space<hbm>> -> memref<10112x64xf32, #tpu.memory_space<hbm>>
          tpu.enqueue_indirect_dma source(%dma_start3A_740 : memref<10112x64xf32, #tpu.memory_space<hbm>>) target(%arg18 : memref<128x64xf32, #tpu.memory_space<vmem>>) offsets(%arg10 : memref<128xi32, #tpu.memory_space<vmem>>) semaphore(%arg26 : memref<!tpu.dma_semaphore, #tpu.memory_space<semaphore_mem>>)
        } else {
        }
        %eq3A_734 = arith.constant 1 : i32
        %eq3A_735 = arith.cmpi eq, %arg0, %eq3A_734 : i32
        %convert_element_type3A_736 = arith.extui %eq3A_735 : i1 to i32
        %cond3A_737 = arith.constant 0 : i32
        %cond3A_738 = arith.cmpi ne, %convert_element_type3A_736, %cond3A_737 : i32
        scf.if %cond3A_738 {
          %dma_start3A = arith.constant 0 : i32
          %dma_start3A_739 = arith.constant 0 : i32
          %dma_start3A_740 = tpu.memref_slice %arg3[%dma_start3A, %dma_start3A_739] : memref<10112x64xf32, #tpu.memory_space<hbm>> -> memref<10112x64xf32, #tpu.memory_space<hbm>>
          tpu.enqueue_indirect_dma source(%dma_start3A_740 : memref<10112x64xf32, #tpu.memory_space<hbm>>) target(%arg18 : memref<128x64xf32, #tpu.memory_space<vmem>>) offsets(%arg10 : memref<128xi32, #tpu.memory_space<vmem>>) semaphore(%arg26 : memref<!tpu.dma_semaphore, #tpu.memory_space<semaphore_mem>>)
        } else {
        }
      } else {
      }
      %mul3A_506 = arith.constant 4 : i32
      %mul3A_507 = arith.muli %scan3A_350, %mul3A_506 : i32
      %add3A_508 = arith.constant 2 : i32
      %add3A_509 = arith.addi %mul3A_507, %add3A_508 : i32
      %get3A_510 = arith.index_cast %add3A_509 : i32 to index
      %get3A_511 = arith.constant 0 : index
      %get3A_512 = tpu.vector_load %arg8[%get3A_510, %get3A_511] {strides = array<i32>} : memref<160x128xi32, #tpu.memory_space<vmem>>, vector<1x16xi32>,
      %get3A_513 = vector.shape_cast %get3A_512 : vector<1x16xi32> to vector<16xi32>
      %swap3A_514 = arith.constant 0 : index
      %swap3A_515 = tpu.vector_load %arg15[%swap3A_514] {strides = array<i32>} : memref<128xi32, #tpu.memory_space<vmem>>, vector<16xi32>,
      %swap3A_516 = vector.shape_cast %swap3A_515 : vector<16xi32> to vector<16xi32>
      %swap3A_517 = vector.shape_cast %get3A_513 : vector<16xi32> to vector<16xi32>
      tpu.vector_store %arg15[%swap3A_514], %swap3A_517 {strides = array<i32>} : memref<128xi32, #tpu.memory_space<vmem>>, vector<16xi32>,
      %get3A_518 = arith.index_cast %add3A_509 : i32 to index
      %get3A_519 = arith.constant 16 : index
      %get3A_520 = tpu.vector_load %arg8[%get3A_518, %get3A_519] {strides = array<i32>} : memref<160x128xi32, #tpu.memory_space<vmem>>, vector<1x16xi32>,
      %get3A_521 = vector.shape_cast %get3A_520 : vector<1x16xi32> to vector<16xi32>
      %swap3A_522 = arith.constant 16 : index
      %swap3A_523 = tpu.vector_load %arg15[%swap3A_522] {strides = array<i32>} : memref<128xi32, #tpu.memory_space<vmem>>, vector<16xi32>,
      %swap3A_524 = vector.shape_cast %swap3A_523 : vector<16xi32> to vector<16xi32>
      %swap3A_525 = vector.shape_cast %get3A_521 : vector<16xi32> to vector<16xi32>
      tpu.vector_store %arg15[%swap3A_522], %swap3A_525 {strides = array<i32>} : memref<128xi32, #tpu.memory_space<vmem>>, vector<16xi32>,
      %get3A_526 = arith.index_cast %add3A_509 : i32 to index
      %get3A_527 = arith.constant 32 : index
      %get3A_528 = tpu.vector_load %arg8[%get3A_526, %get3A_527] {strides = array<i32>} : memref<160x128xi32, #tpu.memory_space<vmem>>, vector<1x16xi32>,
      %get3A_529 = vector.shape_cast %get3A_528 : vector<1x16xi32> to vector<16xi32>
      %swap3A_530 = arith.constant 32 : index
      %swap3A_531 = tpu.vector_load %arg15[%swap3A_530] {strides = array<i32>} : memref<128xi32, #tpu.memory_space<vmem>>, vector<16xi32>,
      %swap3A_532 = vector.shape_cast %swap3A_531 : vector<16xi32> to vector<16xi32>
      %swap3A_533 = vector.shape_cast %get3A_529 : vector<16xi32> to vector<16xi32>
      tpu.vector_store %arg15[%swap3A_530], %swap3A_533 {strides = array<i32>} : memref<128xi32, #tpu.memory_space<vmem>>, vector<16xi32>,
      %get3A_534 = arith.index_cast %add3A_509 : i32 to index
      %get3A_535 = arith.constant 48 : index
      %get3A_536 = tpu.vector_load %arg8[%get3A_534, %get3A_535] {strides = array<i32>} : memref<160x128xi32, #tpu.memory_space<vmem>>, vector<1x16xi32>,
      %get3A_537 = vector.shape_cast %get3A_536 : vector<1x16xi32> to vector<16xi32>
      %swap3A_538 = arith.constant 48 : index
      %swap3A_539 = tpu.vector_load %arg15[%swap3A_538] {strides = array<i32>} : memref<128xi32, #tpu.memory_space<vmem>>, vector<16xi32>,
      %swap3A_540 = vector.shape_cast %swap3A_539 : vector<16xi32> to vector<16xi32>
      %swap3A_541 = vector.shape_cast %get3A_537 : vector<16xi32> to vector<16xi32>
      tpu.vector_store %arg15[%swap3A_538], %swap3A_541 {strides = array<i32>} : memref<128xi32, #tpu.memory_space<vmem>>, vector<16xi32>,
      %get3A_542 = arith.index_cast %add3A_509 : i32 to index
      %get3A_543 = arith.constant 64 : index
      %get3A_544 = tpu.vector_load %arg8[%get3A_542, %get3A_543] {strides = array<i32>} : memref<160x128xi32, #tpu.memory_space<vmem>>, vector<1x16xi32>,
      %get3A_545 = vector.shape_cast %get3A_544 : vector<1x16xi32> to vector<16xi32>
      %swap3A_546 = arith.constant 64 : index
      %swap3A_547 = tpu.vector_load %arg15[%swap3A_546] {strides = array<i32>} : memref<128xi32, #tpu.memory_space<vmem>>, vector<16xi32>,
      %swap3A_548 = vector.shape_cast %swap3A_547 : vector<16xi32> to vector<16xi32>
      %swap3A_549 = vector.shape_cast %get3A_545 : vector<16xi32> to vector<16xi32>
      tpu.vector_store %arg15[%swap3A_546], %swap3A_549 {strides = array<i32>} : memref<128xi32, #tpu.memory_space<vmem>>, vector<16xi32>,
      %get3A_550 = arith.index_cast %add3A_509 : i32 to index
      %get3A_551 = arith.constant 80 : index
      %get3A_552 = tpu.vector_load %arg8[%get3A_550, %get3A_551] {strides = array<i32>} : memref<160x128xi32, #tpu.memory_space<vmem>>, vector<1x16xi32>,
      %get3A_553 = vector.shape_cast %get3A_552 : vector<1x16xi32> to vector<16xi32>
      %swap3A_554 = arith.constant 80 : index
      %swap3A_555 = tpu.vector_load %arg15[%swap3A_554] {strides = array<i32>} : memref<128xi32, #tpu.memory_space<vmem>>, vector<16xi32>,
      %swap3A_556 = vector.shape_cast %swap3A_555 : vector<16xi32> to vector<16xi32>
      %swap3A_557 = vector.shape_cast %get3A_553 : vector<16xi32> to vector<16xi32>
      tpu.vector_store %arg15[%swap3A_554], %swap3A_557 {strides = array<i32>} : memref<128xi32, #tpu.memory_space<vmem>>, vector<16xi32>,
      %get3A_558 = arith.index_cast %add3A_509 : i32 to index
      %get3A_559 = arith.constant 96 : index
      %get3A_560 = tpu.vector_load %arg8[%get3A_558, %get3A_559] {strides = array<i32>} : memref<160x128xi32, #tpu.memory_space<vmem>>, vector<1x16xi32>,
      %get3A_561 = vector.shape_cast %get3A_560 : vector<1x16xi32> to vector<16xi32>
      %swap3A_562 = arith.constant 96 : index
      %swap3A_563 = tpu.vector_load %arg15[%swap3A_562] {strides = array<i32>} : memref<128xi32, #tpu.memory_space<vmem>>, vector<16xi32>,
      %swap3A_564 = vector.shape_cast %swap3A_563 : vector<16xi32> to vector<16xi32>
      %swap3A_565 = vector.shape_cast %get3A_561 : vector<16xi32> to vector<16xi32>
      tpu.vector_store %arg15[%swap3A_562], %swap3A_565 {strides = array<i32>} : memref<128xi32, #tpu.memory_space<vmem>>, vector<16xi32>,
      %get3A_566 = arith.index_cast %add3A_509 : i32 to index
      %get3A_567 = arith.constant 112 : index
      %get3A_568 = tpu.vector_load %arg8[%get3A_566, %get3A_567] {strides = array<i32>} : memref<160x128xi32, #tpu.memory_space<vmem>>, vector<1x16xi32>,
      %get3A_569 = vector.shape_cast %get3A_568 : vector<1x16xi32> to vector<16xi32>
      %swap3A_570 = arith.constant 112 : index
      %swap3A_571 = tpu.vector_load %arg15[%swap3A_570] {strides = array<i32>} : memref<128xi32, #tpu.memory_space<vmem>>, vector<16xi32>,
      %swap3A_572 = vector.shape_cast %swap3A_571 : vector<16xi32> to vector<16xi32>
      %swap3A_573 = vector.shape_cast %get3A_569 : vector<16xi32> to vector<16xi32>
      tpu.vector_store %arg15[%swap3A_570], %swap3A_573 {strides = array<i32>} : memref<128xi32, #tpu.memory_space<vmem>>, vector<16xi32>,
      %dma_wait3A_574 = arith.constant 0 : i32
      %dma_wait3A_575 = arith.constant 0 : i32
      %dma_wait3A_576 = tpu.memref_slice %arg2[%dma_wait3A_574, %dma_wait3A_575] : memref<10112x64xf32, #tpu.memory_space<hbm>> -> memref<10112x64xf32, #tpu.memory_space<hbm>>
      tpu.wait_indirect_dma semaphore(%arg27 : memref<!tpu.dma_semaphore, #tpu.memory_space<semaphore_mem>>) src(%dma_wait3A_576 : memref<10112x64xf32, #tpu.memory_space<hbm>>) dst(%arg19 : memref<128x64xf32, #tpu.memory_space<vmem>>)
      "tpu.region"() ({
        %run_scoped3A = tpu.sem_alloc : memref<!tpu.dma_semaphore, #tpu.memory_space<semaphore_mem>>
        %dma_start3A = arith.constant 0 : i32
        %dma_start3A_663 = arith.constant 0 : i32
        %dma_start3A_664 = tpu.memref_slice %arg23[%dma_start3A, %dma_start3A_663] : memref<10112x64xf32, #tpu.memory_space<vmem_shared>> -> memref<10112x64xf32, #tpu.memory_space<vmem_shared>>
        tpu.enqueue_indirect_dma source(%arg19 : memref<128x64xf32, #tpu.memory_space<vmem>>) target(%dma_start3A_664 : memref<10112x64xf32, #tpu.memory_space<vmem_shared>>) offsets(%arg15 : memref<128xi32, #tpu.memory_space<vmem>>) semaphore(%run_scoped3A : memref<!tpu.dma_semaphore, #tpu.memory_space<semaphore_mem>>) {add = true}
        %dma_wait3A_665 = arith.constant 0 : i32
        %dma_wait3A_666 = arith.constant 0 : i32
        %dma_wait3A_667 = tpu.memref_slice %arg23[%dma_wait3A_665, %dma_wait3A_666] : memref<10112x64xf32, #tpu.memory_space<vmem_shared>> -> memref<10112x64xf32, #tpu.memory_space<vmem_shared>>
        tpu.wait_indirect_dma semaphore(%run_scoped3A : memref<!tpu.dma_semaphore, #tpu.memory_space<semaphore_mem>>) src(%arg19 : memref<128x64xf32, #tpu.memory_space<vmem>>) dst(%dma_wait3A_667 : memref<10112x64xf32, #tpu.memory_space<vmem_shared>>)
        tpu.yield
      }) : () -> ()
      %add3A_577 = arith.constant 4 : i32
      %add3A_578 = arith.addi %add3A_509, %add3A_577 : i32
      %lt3A_579 = arith.constant 160 : i32
      %lt3A_580 = arith.cmpi slt, %add3A_578, %lt3A_579 : i32
      %convert_element_type3A_581 = arith.extui %lt3A_580 : i1 to i32
      %cond3A_582 = arith.constant 0 : i32
      %cond3A_583 = arith.cmpi ne, %convert_element_type3A_581, %cond3A_582 : i32
      scf.if %cond3A_583 {
        %add3A_663 = arith.constant 4 : i32
        %add3A_664 = arith.addi %add3A_509, %add3A_663 : i32
        %get3A_665 = arith.index_cast %add3A_664 : i32 to index
        %get3A_666 = arith.constant 0 : index
        %get3A_667 = tpu.vector_load %arg7[%get3A_665, %get3A_666] {strides = array<i32>} : memref<160x128xi32, #tpu.memory_space<vmem>>, vector<1x16xi32>,
        %get3A_668 = vector.shape_cast %get3A_667 : vector<1x16xi32> to vector<16xi32>
        %swap3A_669 = arith.constant 0 : index
        %swap3A_670 = tpu.vector_load %arg11[%swap3A_669] {strides = array<i32>} : memref<128xi32, #tpu.memory_space<vmem>>, vector<16xi32>,
        %swap3A_671 = vector.shape_cast %swap3A_670 : vector<16xi32> to vector<16xi32>
        %swap3A_672 = vector.shape_cast %get3A_668 : vector<16xi32> to vector<16xi32>
        tpu.vector_store %arg11[%swap3A_669], %swap3A_672 {strides = array<i32>} : memref<128xi32, #tpu.memory_space<vmem>>, vector<16xi32>,
        %get3A_673 = arith.index_cast %add3A_664 : i32 to index
        %get3A_674 = arith.constant 16 : index
        %get3A_675 = tpu.vector_load %arg7[%get3A_673, %get3A_674] {strides = array<i32>} : memref<160x128xi32, #tpu.memory_space<vmem>>, vector<1x16xi32>,
        %get3A_676 = vector.shape_cast %get3A_675 : vector<1x16xi32> to vector<16xi32>
        %swap3A_677 = arith.constant 16 : index
        %swap3A_678 = tpu.vector_load %arg11[%swap3A_677] {strides = array<i32>} : memref<128xi32, #tpu.memory_space<vmem>>, vector<16xi32>,
        %swap3A_679 = vector.shape_cast %swap3A_678 : vector<16xi32> to vector<16xi32>
        %swap3A_680 = vector.shape_cast %get3A_676 : vector<16xi32> to vector<16xi32>
        tpu.vector_store %arg11[%swap3A_677], %swap3A_680 {strides = array<i32>} : memref<128xi32, #tpu.memory_space<vmem>>, vector<16xi32>,
        %get3A_681 = arith.index_cast %add3A_664 : i32 to index
        %get3A_682 = arith.constant 32 : index
        %get3A_683 = tpu.vector_load %arg7[%get3A_681, %get3A_682] {strides = array<i32>} : memref<160x128xi32, #tpu.memory_space<vmem>>, vector<1x16xi32>,
        %get3A_684 = vector.shape_cast %get3A_683 : vector<1x16xi32> to vector<16xi32>
        %swap3A_685 = arith.constant 32 : index
        %swap3A_686 = tpu.vector_load %arg11[%swap3A_685] {strides = array<i32>} : memref<128xi32, #tpu.memory_space<vmem>>, vector<16xi32>,
        %swap3A_687 = vector.shape_cast %swap3A_686 : vector<16xi32> to vector<16xi32>
        %swap3A_688 = vector.shape_cast %get3A_684 : vector<16xi32> to vector<16xi32>
        tpu.vector_store %arg11[%swap3A_685], %swap3A_688 {strides = array<i32>} : memref<128xi32, #tpu.memory_space<vmem>>, vector<16xi32>,
        %get3A_689 = arith.index_cast %add3A_664 : i32 to index
        %get3A_690 = arith.constant 48 : index
        %get3A_691 = tpu.vector_load %arg7[%get3A_689, %get3A_690] {strides = array<i32>} : memref<160x128xi32, #tpu.memory_space<vmem>>, vector<1x16xi32>,
        %get3A_692 = vector.shape_cast %get3A_691 : vector<1x16xi32> to vector<16xi32>
        %swap3A_693 = arith.constant 48 : index
        %swap3A_694 = tpu.vector_load %arg11[%swap3A_693] {strides = array<i32>} : memref<128xi32, #tpu.memory_space<vmem>>, vector<16xi32>,
        %swap3A_695 = vector.shape_cast %swap3A_694 : vector<16xi32> to vector<16xi32>
        %swap3A_696 = vector.shape_cast %get3A_692 : vector<16xi32> to vector<16xi32>
        tpu.vector_store %arg11[%swap3A_693], %swap3A_696 {strides = array<i32>} : memref<128xi32, #tpu.memory_space<vmem>>, vector<16xi32>,
        %get3A_697 = arith.index_cast %add3A_664 : i32 to index
        %get3A_698 = arith.constant 64 : index
        %get3A_699 = tpu.vector_load %arg7[%get3A_697, %get3A_698] {strides = array<i32>} : memref<160x128xi32, #tpu.memory_space<vmem>>, vector<1x16xi32>,
        %get3A_700 = vector.shape_cast %get3A_699 : vector<1x16xi32> to vector<16xi32>
        %swap3A_701 = arith.constant 64 : index
        %swap3A_702 = tpu.vector_load %arg11[%swap3A_701] {strides = array<i32>} : memref<128xi32, #tpu.memory_space<vmem>>, vector<16xi32>,
        %swap3A_703 = vector.shape_cast %swap3A_702 : vector<16xi32> to vector<16xi32>
        %swap3A_704 = vector.shape_cast %get3A_700 : vector<16xi32> to vector<16xi32>
        tpu.vector_store %arg11[%swap3A_701], %swap3A_704 {strides = array<i32>} : memref<128xi32, #tpu.memory_space<vmem>>, vector<16xi32>,
        %get3A_705 = arith.index_cast %add3A_664 : i32 to index
        %get3A_706 = arith.constant 80 : index
        %get3A_707 = tpu.vector_load %arg7[%get3A_705, %get3A_706] {strides = array<i32>} : memref<160x128xi32, #tpu.memory_space<vmem>>, vector<1x16xi32>,
        %get3A_708 = vector.shape_cast %get3A_707 : vector<1x16xi32> to vector<16xi32>
        %swap3A_709 = arith.constant 80 : index
        %swap3A_710 = tpu.vector_load %arg11[%swap3A_709] {strides = array<i32>} : memref<128xi32, #tpu.memory_space<vmem>>, vector<16xi32>,
        %swap3A_711 = vector.shape_cast %swap3A_710 : vector<16xi32> to vector<16xi32>
        %swap3A_712 = vector.shape_cast %get3A_708 : vector<16xi32> to vector<16xi32>
        tpu.vector_store %arg11[%swap3A_709], %swap3A_712 {strides = array<i32>} : memref<128xi32, #tpu.memory_space<vmem>>, vector<16xi32>,
        %get3A_713 = arith.index_cast %add3A_664 : i32 to index
        %get3A_714 = arith.constant 96 : index
        %get3A_715 = tpu.vector_load %arg7[%get3A_713, %get3A_714] {strides = array<i32>} : memref<160x128xi32, #tpu.memory_space<vmem>>, vector<1x16xi32>,
        %get3A_716 = vector.shape_cast %get3A_715 : vector<1x16xi32> to vector<16xi32>
        %swap3A_717 = arith.constant 96 : index
        %swap3A_718 = tpu.vector_load %arg11[%swap3A_717] {strides = array<i32>} : memref<128xi32, #tpu.memory_space<vmem>>, vector<16xi32>,
        %swap3A_719 = vector.shape_cast %swap3A_718 : vector<16xi32> to vector<16xi32>
        %swap3A_720 = vector.shape_cast %get3A_716 : vector<16xi32> to vector<16xi32>
        tpu.vector_store %arg11[%swap3A_717], %swap3A_720 {strides = array<i32>} : memref<128xi32, #tpu.memory_space<vmem>>, vector<16xi32>,
        %get3A_721 = arith.index_cast %add3A_664 : i32 to index
        %get3A_722 = arith.constant 112 : index
        %get3A_723 = tpu.vector_load %arg7[%get3A_721, %get3A_722] {strides = array<i32>} : memref<160x128xi32, #tpu.memory_space<vmem>>, vector<1x16xi32>,
        %get3A_724 = vector.shape_cast %get3A_723 : vector<1x16xi32> to vector<16xi32>
        %swap3A_725 = arith.constant 112 : index
        %swap3A_726 = tpu.vector_load %arg11[%swap3A_725] {strides = array<i32>} : memref<128xi32, #tpu.memory_space<vmem>>, vector<16xi32>,
        %swap3A_727 = vector.shape_cast %swap3A_726 : vector<16xi32> to vector<16xi32>
        %swap3A_728 = vector.shape_cast %get3A_724 : vector<16xi32> to vector<16xi32>
        tpu.vector_store %arg11[%swap3A_725], %swap3A_728 {strides = array<i32>} : memref<128xi32, #tpu.memory_space<vmem>>, vector<16xi32>,
        %eq3A_729 = arith.constant 0 : i32
        %eq3A_730 = arith.cmpi eq, %arg0, %eq3A_729 : i32
        %convert_element_type3A_731 = arith.extui %eq3A_730 : i1 to i32
        %cond3A_732 = arith.constant 0 : i32
        %cond3A_733 = arith.cmpi ne, %convert_element_type3A_731, %cond3A_732 : i32
        scf.if %cond3A_733 {
          %dma_start3A = arith.constant 0 : i32
          %dma_start3A_739 = arith.constant 0 : i32
          %dma_start3A_740 = tpu.memref_slice %arg2[%dma_start3A, %dma_start3A_739] : memref<10112x64xf32, #tpu.memory_space<hbm>> -> memref<10112x64xf32, #tpu.memory_space<hbm>>
          tpu.enqueue_indirect_dma source(%dma_start3A_740 : memref<10112x64xf32, #tpu.memory_space<hbm>>) target(%arg19 : memref<128x64xf32, #tpu.memory_space<vmem>>) offsets(%arg11 : memref<128xi32, #tpu.memory_space<vmem>>) semaphore(%arg27 : memref<!tpu.dma_semaphore, #tpu.memory_space<semaphore_mem>>)
        } else {
        }
        %eq3A_734 = arith.constant 1 : i32
        %eq3A_735 = arith.cmpi eq, %arg0, %eq3A_734 : i32
        %convert_element_type3A_736 = arith.extui %eq3A_735 : i1 to i32
        %cond3A_737 = arith.constant 0 : i32
        %cond3A_738 = arith.cmpi ne, %convert_element_type3A_736, %cond3A_737 : i32
        scf.if %cond3A_738 {
          %dma_start3A = arith.constant 0 : i32
          %dma_start3A_739 = arith.constant 0 : i32
          %dma_start3A_740 = tpu.memref_slice %arg3[%dma_start3A, %dma_start3A_739] : memref<10112x64xf32, #tpu.memory_space<hbm>> -> memref<10112x64xf32, #tpu.memory_space<hbm>>
          tpu.enqueue_indirect_dma source(%dma_start3A_740 : memref<10112x64xf32, #tpu.memory_space<hbm>>) target(%arg19 : memref<128x64xf32, #tpu.memory_space<vmem>>) offsets(%arg11 : memref<128xi32, #tpu.memory_space<vmem>>) semaphore(%arg27 : memref<!tpu.dma_semaphore, #tpu.memory_space<semaphore_mem>>)
        } else {
        }
      } else {
      }
      %mul3A_584 = arith.constant 4 : i32
      %mul3A_585 = arith.muli %scan3A_350, %mul3A_584 : i32
      %add3A_586 = arith.constant 3 : i32
      %add3A_587 = arith.addi %mul3A_585, %add3A_586 : i32
      %get3A_588 = arith.index_cast %add3A_587 : i32 to index
      %get3A_589 = arith.constant 0 : index
      %get3A_590 = tpu.vector_load %arg8[%get3A_588, %get3A_589] {strides = array<i32>} : memref<160x128xi32, #tpu.memory_space<vmem>>, vector<1x16xi32>,
      %get3A_591 = vector.shape_cast %get3A_590 : vector<1x16xi32> to vector<16xi32>
      %swap3A_592 = arith.constant 0 : index
      %swap3A_593 = tpu.vector_load %arg16[%swap3A_592] {strides = array<i32>} : memref<128xi32, #tpu.memory_space<vmem>>, vector<16xi32>,
      %swap3A_594 = vector.shape_cast %swap3A_593 : vector<16xi32> to vector<16xi32>
      %swap3A_595 = vector.shape_cast %get3A_591 : vector<16xi32> to vector<16xi32>
      tpu.vector_store %arg16[%swap3A_592], %swap3A_595 {strides = array<i32>} : memref<128xi32, #tpu.memory_space<vmem>>, vector<16xi32>,
      %get3A_596 = arith.index_cast %add3A_587 : i32 to index
      %get3A_597 = arith.constant 16 : index
      %get3A_598 = tpu.vector_load %arg8[%get3A_596, %get3A_597] {strides = array<i32>} : memref<160x128xi32, #tpu.memory_space<vmem>>, vector<1x16xi32>,
      %get3A_599 = vector.shape_cast %get3A_598 : vector<1x16xi32> to vector<16xi32>
      %swap3A_600 = arith.constant 16 : index
      %swap3A_601 = tpu.vector_load %arg16[%swap3A_600] {strides = array<i32>} : memref<128xi32, #tpu.memory_space<vmem>>, vector<16xi32>,
      %swap3A_602 = vector.shape_cast %swap3A_601 : vector<16xi32> to vector<16xi32>
      %swap3A_603 = vector.shape_cast %get3A_599 : vector<16xi32> to vector<16xi32>
      tpu.vector_store %arg16[%swap3A_600], %swap3A_603 {strides = array<i32>} : memref<128xi32, #tpu.memory_space<vmem>>, vector<16xi32>,
      %get3A_604 = arith.index_cast %add3A_587 : i32 to index
      %get3A_605 = arith.constant 32 : index
      %get3A_606 = tpu.vector_load %arg8[%get3A_604, %get3A_605] {strides = array<i32>} : memref<160x128xi32, #tpu.memory_space<vmem>>, vector<1x16xi32>,
      %get3A_607 = vector.shape_cast %get3A_606 : vector<1x16xi32> to vector<16xi32>
      %swap3A_608 = arith.constant 32 : index
      %swap3A_609 = tpu.vector_load %arg16[%swap3A_608] {strides = array<i32>} : memref<128xi32, #tpu.memory_space<vmem>>, vector<16xi32>,
      %swap3A_610 = vector.shape_cast %swap3A_609 : vector<16xi32> to vector<16xi32>
      %swap3A_611 = vector.shape_cast %get3A_607 : vector<16xi32> to vector<16xi32>
      tpu.vector_store %arg16[%swap3A_608], %swap3A_611 {strides = array<i32>} : memref<128xi32, #tpu.memory_space<vmem>>, vector<16xi32>,
      %get3A_612 = arith.index_cast %add3A_587 : i32 to index
      %get3A_613 = arith.constant 48 : index
      %get3A_614 = tpu.vector_load %arg8[%get3A_612, %get3A_613] {strides = array<i32>} : memref<160x128xi32, #tpu.memory_space<vmem>>, vector<1x16xi32>,
      %get3A_615 = vector.shape_cast %get3A_614 : vector<1x16xi32> to vector<16xi32>
      %swap3A_616 = arith.constant 48 : index
      %swap3A_617 = tpu.vector_load %arg16[%swap3A_616] {strides = array<i32>} : memref<128xi32, #tpu.memory_space<vmem>>, vector<16xi32>,
      %swap3A_618 = vector.shape_cast %swap3A_617 : vector<16xi32> to vector<16xi32>
      %swap3A_619 = vector.shape_cast %get3A_615 : vector<16xi32> to vector<16xi32>
      tpu.vector_store %arg16[%swap3A_616], %swap3A_619 {strides = array<i32>} : memref<128xi32, #tpu.memory_space<vmem>>, vector<16xi32>,
      %get3A_620 = arith.index_cast %add3A_587 : i32 to index
      %get3A_621 = arith.constant 64 : index
      %get3A_622 = tpu.vector_load %arg8[%get3A_620, %get3A_621] {strides = array<i32>} : memref<160x128xi32, #tpu.memory_space<vmem>>, vector<1x16xi32>,
      %get3A_623 = vector.shape_cast %get3A_622 : vector<1x16xi32> to vector<16xi32>
      %swap3A_624 = arith.constant 64 : index
      %swap3A_625 = tpu.vector_load %arg16[%swap3A_624] {strides = array<i32>} : memref<128xi32, #tpu.memory_space<vmem>>, vector<16xi32>,
      %swap3A_626 = vector.shape_cast %swap3A_625 : vector<16xi32> to vector<16xi32>
      %swap3A_627 = vector.shape_cast %get3A_623 : vector<16xi32> to vector<16xi32>
      tpu.vector_store %arg16[%swap3A_624], %swap3A_627 {strides = array<i32>} : memref<128xi32, #tpu.memory_space<vmem>>, vector<16xi32>,
      %get3A_628 = arith.index_cast %add3A_587 : i32 to index
      %get3A_629 = arith.constant 80 : index
      %get3A_630 = tpu.vector_load %arg8[%get3A_628, %get3A_629] {strides = array<i32>} : memref<160x128xi32, #tpu.memory_space<vmem>>, vector<1x16xi32>,
      %get3A_631 = vector.shape_cast %get3A_630 : vector<1x16xi32> to vector<16xi32>
      %swap3A_632 = arith.constant 80 : index
      %swap3A_633 = tpu.vector_load %arg16[%swap3A_632] {strides = array<i32>} : memref<128xi32, #tpu.memory_space<vmem>>, vector<16xi32>,
      %swap3A_634 = vector.shape_cast %swap3A_633 : vector<16xi32> to vector<16xi32>
      %swap3A_635 = vector.shape_cast %get3A_631 : vector<16xi32> to vector<16xi32>
      tpu.vector_store %arg16[%swap3A_632], %swap3A_635 {strides = array<i32>} : memref<128xi32, #tpu.memory_space<vmem>>, vector<16xi32>,
      %get3A_636 = arith.index_cast %add3A_587 : i32 to index
      %get3A_637 = arith.constant 96 : index
      %get3A_638 = tpu.vector_load %arg8[%get3A_636, %get3A_637] {strides = array<i32>} : memref<160x128xi32, #tpu.memory_space<vmem>>, vector<1x16xi32>,
      %get3A_639 = vector.shape_cast %get3A_638 : vector<1x16xi32> to vector<16xi32>
      %swap3A_640 = arith.constant 96 : index
      %swap3A_641 = tpu.vector_load %arg16[%swap3A_640] {strides = array<i32>} : memref<128xi32, #tpu.memory_space<vmem>>, vector<16xi32>,
      %swap3A_642 = vector.shape_cast %swap3A_641 : vector<16xi32> to vector<16xi32>
      %swap3A_643 = vector.shape_cast %get3A_639 : vector<16xi32> to vector<16xi32>
      tpu.vector_store %arg16[%swap3A_640], %swap3A_643 {strides = array<i32>} : memref<128xi32, #tpu.memory_space<vmem>>, vector<16xi32>,
      %get3A_644 = arith.index_cast %add3A_587 : i32 to index
      %get3A_645 = arith.constant 112 : index
      %get3A_646 = tpu.vector_load %arg8[%get3A_644, %get3A_645] {strides = array<i32>} : memref<160x128xi32, #tpu.memory_space<vmem>>, vector<1x16xi32>,
      %get3A_647 = vector.shape_cast %get3A_646 : vector<1x16xi32> to vector<16xi32>
      %swap3A_648 = arith.constant 112 : index
      %swap3A_649 = tpu.vector_load %arg16[%swap3A_648] {strides = array<i32>} : memref<128xi32, #tpu.memory_space<vmem>>, vector<16xi32>,
      %swap3A_650 = vector.shape_cast %swap3A_649 : vector<16xi32> to vector<16xi32>
      %swap3A_651 = vector.shape_cast %get3A_647 : vector<16xi32> to vector<16xi32>
      tpu.vector_store %arg16[%swap3A_648], %swap3A_651 {strides = array<i32>} : memref<128xi32, #tpu.memory_space<vmem>>, vector<16xi32>,
      %dma_wait3A_652 = arith.constant 0 : i32
      %dma_wait3A_653 = arith.constant 0 : i32
      %dma_wait3A_654 = tpu.memref_slice %arg2[%dma_wait3A_652, %dma_wait3A_653] : memref<10112x64xf32, #tpu.memory_space<hbm>> -> memref<10112x64xf32, #tpu.memory_space<hbm>>
      tpu.wait_indirect_dma semaphore(%arg28 : memref<!tpu.dma_semaphore, #tpu.memory_space<semaphore_mem>>) src(%dma_wait3A_654 : memref<10112x64xf32, #tpu.memory_space<hbm>>) dst(%arg20 : memref<128x64xf32, #tpu.memory_space<vmem>>)
      "tpu.region"() ({
        %run_scoped3A = tpu.sem_alloc : memref<!tpu.dma_semaphore, #tpu.memory_space<semaphore_mem>>
        %dma_start3A = arith.constant 0 : i32
        %dma_start3A_663 = arith.constant 0 : i32
        %dma_start3A_664 = tpu.memref_slice %arg23[%dma_start3A, %dma_start3A_663] : memref<10112x64xf32, #tpu.memory_space<vmem_shared>> -> memref<10112x64xf32, #tpu.memory_space<vmem_shared>>
        tpu.enqueue_indirect_dma source(%arg20 : memref<128x64xf32, #tpu.memory_space<vmem>>) target(%dma_start3A_664 : memref<10112x64xf32, #tpu.memory_space<vmem_shared>>) offsets(%arg16 : memref<128xi32, #tpu.memory_space<vmem>>) semaphore(%run_scoped3A : memref<!tpu.dma_semaphore, #tpu.memory_space<semaphore_mem>>) {add = true}
        %dma_wait3A_665 = arith.constant 0 : i32
        %dma_wait3A_666 = arith.constant 0 : i32
        %dma_wait3A_667 = tpu.memref_slice %arg23[%dma_wait3A_665, %dma_wait3A_666] : memref<10112x64xf32, #tpu.memory_space<vmem_shared>> -> memref<10112x64xf32, #tpu.memory_space<vmem_shared>>
        tpu.wait_indirect_dma semaphore(%run_scoped3A : memref<!tpu.dma_semaphore, #tpu.memory_space<semaphore_mem>>) src(%arg20 : memref<128x64xf32, #tpu.memory_space<vmem>>) dst(%dma_wait3A_667 : memref<10112x64xf32, #tpu.memory_space<vmem_shared>>)
        tpu.yield
      }) : () -> ()
      %add3A_655 = arith.constant 4 : i32
      %add3A_656 = arith.addi %add3A_587, %add3A_655 : i32
      %lt3A_657 = arith.constant 160 : i32
      %lt3A_658 = arith.cmpi slt, %add3A_656, %lt3A_657 : i32
      %convert_element_type3A_659 = arith.extui %lt3A_658 : i1 to i32
      %cond3A_660 = arith.constant 0 : i32
      %cond3A_661 = arith.cmpi ne, %convert_element_type3A_659, %cond3A_660 : i32
      scf.if %cond3A_661 {
        %add3A_663 = arith.constant 4 : i32
        %add3A_664 = arith.addi %add3A_587, %add3A_663 : i32
        %get3A_665 = arith.index_cast %add3A_664 : i32 to index
        %get3A_666 = arith.constant 0 : index
        %get3A_667 = tpu.vector_load %arg7[%get3A_665, %get3A_666] {strides = array<i32>} : memref<160x128xi32, #tpu.memory_space<vmem>>, vector<1x16xi32>,
        %get3A_668 = vector.shape_cast %get3A_667 : vector<1x16xi32> to vector<16xi32>
        %swap3A_669 = arith.constant 0 : index
        %swap3A_670 = tpu.vector_load %arg12[%swap3A_669] {strides = array<i32>} : memref<128xi32, #tpu.memory_space<vmem>>, vector<16xi32>,
        %swap3A_671 = vector.shape_cast %swap3A_670 : vector<16xi32> to vector<16xi32>
        %swap3A_672 = vector.shape_cast %get3A_668 : vector<16xi32> to vector<16xi32>
        tpu.vector_store %arg12[%swap3A_669], %swap3A_672 {strides = array<i32>} : memref<128xi32, #tpu.memory_space<vmem>>, vector<16xi32>,
        %get3A_673 = arith.index_cast %add3A_664 : i32 to index
        %get3A_674 = arith.constant 16 : index
        %get3A_675 = tpu.vector_load %arg7[%get3A_673, %get3A_674] {strides = array<i32>} : memref<160x128xi32, #tpu.memory_space<vmem>>, vector<1x16xi32>,
        %get3A_676 = vector.shape_cast %get3A_675 : vector<1x16xi32> to vector<16xi32>
        %swap3A_677 = arith.constant 16 : index
        %swap3A_678 = tpu.vector_load %arg12[%swap3A_677] {strides = array<i32>} : memref<128xi32, #tpu.memory_space<vmem>>, vector<16xi32>,
        %swap3A_679 = vector.shape_cast %swap3A_678 : vector<16xi32> to vector<16xi32>
        %swap3A_680 = vector.shape_cast %get3A_676 : vector<16xi32> to vector<16xi32>
        tpu.vector_store %arg12[%swap3A_677], %swap3A_680 {strides = array<i32>} : memref<128xi32, #tpu.memory_space<vmem>>, vector<16xi32>,
        %get3A_681 = arith.index_cast %add3A_664 : i32 to index
        %get3A_682 = arith.constant 32 : index
        %get3A_683 = tpu.vector_load %arg7[%get3A_681, %get3A_682] {strides = array<i32>} : memref<160x128xi32, #tpu.memory_space<vmem>>, vector<1x16xi32>,
        %get3A_684 = vector.shape_cast %get3A_683 : vector<1x16xi32> to vector<16xi32>
        %swap3A_685 = arith.constant 32 : index
        %swap3A_686 = tpu.vector_load %arg12[%swap3A_685] {strides = array<i32>} : memref<128xi32, #tpu.memory_space<vmem>>, vector<16xi32>,
        %swap3A_687 = vector.shape_cast %swap3A_686 : vector<16xi32> to vector<16xi32>
        %swap3A_688 = vector.shape_cast %get3A_684 : vector<16xi32> to vector<16xi32>
        tpu.vector_store %arg12[%swap3A_685], %swap3A_688 {strides = array<i32>} : memref<128xi32, #tpu.memory_space<vmem>>, vector<16xi32>,
        %get3A_689 = arith.index_cast %add3A_664 : i32 to index
        %get3A_690 = arith.constant 48 : index
        %get3A_691 = tpu.vector_load %arg7[%get3A_689, %get3A_690] {strides = array<i32>} : memref<160x128xi32, #tpu.memory_space<vmem>>, vector<1x16xi32>,
        %get3A_692 = vector.shape_cast %get3A_691 : vector<1x16xi32> to vector<16xi32>
        %swap3A_693 = arith.constant 48 : index
        %swap3A_694 = tpu.vector_load %arg12[%swap3A_693] {strides = array<i32>} : memref<128xi32, #tpu.memory_space<vmem>>, vector<16xi32>,
        %swap3A_695 = vector.shape_cast %swap3A_694 : vector<16xi32> to vector<16xi32>
        %swap3A_696 = vector.shape_cast %get3A_692 : vector<16xi32> to vector<16xi32>
        tpu.vector_store %arg12[%swap3A_693], %swap3A_696 {strides = array<i32>} : memref<128xi32, #tpu.memory_space<vmem>>, vector<16xi32>,
        %get3A_697 = arith.index_cast %add3A_664 : i32 to index
        %get3A_698 = arith.constant 64 : index
        %get3A_699 = tpu.vector_load %arg7[%get3A_697, %get3A_698] {strides = array<i32>} : memref<160x128xi32, #tpu.memory_space<vmem>>, vector<1x16xi32>,
        %get3A_700 = vector.shape_cast %get3A_699 : vector<1x16xi32> to vector<16xi32>
        %swap3A_701 = arith.constant 64 : index
        %swap3A_702 = tpu.vector_load %arg12[%swap3A_701] {strides = array<i32>} : memref<128xi32, #tpu.memory_space<vmem>>, vector<16xi32>,
        %swap3A_703 = vector.shape_cast %swap3A_702 : vector<16xi32> to vector<16xi32>
        %swap3A_704 = vector.shape_cast %get3A_700 : vector<16xi32> to vector<16xi32>
        tpu.vector_store %arg12[%swap3A_701], %swap3A_704 {strides = array<i32>} : memref<128xi32, #tpu.memory_space<vmem>>, vector<16xi32>,
        %get3A_705 = arith.index_cast %add3A_664 : i32 to index
        %get3A_706 = arith.constant 80 : index
        %get3A_707 = tpu.vector_load %arg7[%get3A_705, %get3A_706] {strides = array<i32>} : memref<160x128xi32, #tpu.memory_space<vmem>>, vector<1x16xi32>,
        %get3A_708 = vector.shape_cast %get3A_707 : vector<1x16xi32> to vector<16xi32>
        %swap3A_709 = arith.constant 80 : index
        %swap3A_710 = tpu.vector_load %arg12[%swap3A_709] {strides = array<i32>} : memref<128xi32, #tpu.memory_space<vmem>>, vector<16xi32>,
        %swap3A_711 = vector.shape_cast %swap3A_710 : vector<16xi32> to vector<16xi32>
        %swap3A_712 = vector.shape_cast %get3A_708 : vector<16xi32> to vector<16xi32>
        tpu.vector_store %arg12[%swap3A_709], %swap3A_712 {strides = array<i32>} : memref<128xi32, #tpu.memory_space<vmem>>, vector<16xi32>,
        %get3A_713 = arith.index_cast %add3A_664 : i32 to index
        %get3A_714 = arith.constant 96 : index
        %get3A_715 = tpu.vector_load %arg7[%get3A_713, %get3A_714] {strides = array<i32>} : memref<160x128xi32, #tpu.memory_space<vmem>>, vector<1x16xi32>,
        %get3A_716 = vector.shape_cast %get3A_715 : vector<1x16xi32> to vector<16xi32>
        %swap3A_717 = arith.constant 96 : index
        %swap3A_718 = tpu.vector_load %arg12[%swap3A_717] {strides = array<i32>} : memref<128xi32, #tpu.memory_space<vmem>>, vector<16xi32>,
        %swap3A_719 = vector.shape_cast %swap3A_718 : vector<16xi32> to vector<16xi32>
        %swap3A_720 = vector.shape_cast %get3A_716 : vector<16xi32> to vector<16xi32>
        tpu.vector_store %arg12[%swap3A_717], %swap3A_720 {strides = array<i32>} : memref<128xi32, #tpu.memory_space<vmem>>, vector<16xi32>,
        %get3A_721 = arith.index_cast %add3A_664 : i32 to index
        %get3A_722 = arith.constant 112 : index
        %get3A_723 = tpu.vector_load %arg7[%get3A_721, %get3A_722] {strides = array<i32>} : memref<160x128xi32, #tpu.memory_space<vmem>>, vector<1x16xi32>,
        %get3A_724 = vector.shape_cast %get3A_723 : vector<1x16xi32> to vector<16xi32>
        %swap3A_725 = arith.constant 112 : index
        %swap3A_726 = tpu.vector_load %arg12[%swap3A_725] {strides = array<i32>} : memref<128xi32, #tpu.memory_space<vmem>>, vector<16xi32>,
        %swap3A_727 = vector.shape_cast %swap3A_726 : vector<16xi32> to vector<16xi32>
        %swap3A_728 = vector.shape_cast %get3A_724 : vector<16xi32> to vector<16xi32>
        tpu.vector_store %arg12[%swap3A_725], %swap3A_728 {strides = array<i32>} : memref<128xi32, #tpu.memory_space<vmem>>, vector<16xi32>,
        %eq3A_729 = arith.constant 0 : i32
        %eq3A_730 = arith.cmpi eq, %arg0, %eq3A_729 : i32
        %convert_element_type3A_731 = arith.extui %eq3A_730 : i1 to i32
        %cond3A_732 = arith.constant 0 : i32
        %cond3A_733 = arith.cmpi ne, %convert_element_type3A_731, %cond3A_732 : i32
        scf.if %cond3A_733 {
          %dma_start3A = arith.constant 0 : i32
          %dma_start3A_739 = arith.constant 0 : i32
          %dma_start3A_740 = tpu.memref_slice %arg2[%dma_start3A, %dma_start3A_739] : memref<10112x64xf32, #tpu.memory_space<hbm>> -> memref<10112x64xf32, #tpu.memory_space<hbm>>
          tpu.enqueue_indirect_dma source(%dma_start3A_740 : memref<10112x64xf32, #tpu.memory_space<hbm>>) target(%arg20 : memref<128x64xf32, #tpu.memory_space<vmem>>) offsets(%arg12 : memref<128xi32, #tpu.memory_space<vmem>>) semaphore(%arg28 : memref<!tpu.dma_semaphore, #tpu.memory_space<semaphore_mem>>)
        } else {
        }
        %eq3A_734 = arith.constant 1 : i32
        %eq3A_735 = arith.cmpi eq, %arg0, %eq3A_734 : i32
        %convert_element_type3A_736 = arith.extui %eq3A_735 : i1 to i32
        %cond3A_737 = arith.constant 0 : i32
        %cond3A_738 = arith.cmpi ne, %convert_element_type3A_736, %cond3A_737 : i32
        scf.if %cond3A_738 {
          %dma_start3A = arith.constant 0 : i32
          %dma_start3A_739 = arith.constant 0 : i32
          %dma_start3A_740 = tpu.memref_slice %arg3[%dma_start3A, %dma_start3A_739] : memref<10112x64xf32, #tpu.memory_space<hbm>> -> memref<10112x64xf32, #tpu.memory_space<hbm>>
          tpu.enqueue_indirect_dma source(%dma_start3A_740 : memref<10112x64xf32, #tpu.memory_space<hbm>>) target(%arg20 : memref<128x64xf32, #tpu.memory_space<vmem>>) offsets(%arg12 : memref<128xi32, #tpu.memory_space<vmem>>) semaphore(%arg28 : memref<!tpu.dma_semaphore, #tpu.memory_space<semaphore_mem>>)
        } else {
        }
      } else {
      }
      %scan3A_662 = arith.constant 0 : i32
      scf.yield %scan3A_662 : i32
    }
    %scan3A_348 = arith.constant 40 : i32
    %barrier3A_349 = arith.constant 0 : index
    tpu.barrier barrier_id(%barrier3A_349)
    "tpu.region"() ({
      %run_scoped3A = tpu.sem_alloc : memref<!tpu.dma_semaphore, #tpu.memory_space<semaphore_mem>>
      %dma_start3A = arith.constant 0 : i32
      %dma_start3A_350 = tpu.memref_slice %arg6[%arg0, %mul3A_8, %dma_start3A] : memref<2x10112x64xf32, #tpu.memory_space<hbm>> -> memref<1x632x64xf32, #tpu.memory_space<hbm>>
      %dma_start3A_351 = tpu.memref_squeeze %dma_start3A_350 : memref<1x632x64xf32, #tpu.memory_space<hbm>> -> memref<632x64xf32, #tpu.memory_space<hbm>>
      %dma_start3A_352 = arith.constant 0 : i32
      %dma_start3A_353 = tpu.memref_slice %arg23[%mul3A_8, %dma_start3A_352] : memref<10112x64xf32, #tpu.memory_space<vmem_shared>> -> memref<632x64xf32, #tpu.memory_space<vmem_shared>>
      tpu.enqueue_dma source(%dma_start3A_353 : memref<632x64xf32, #tpu.memory_space<vmem_shared>>) target(%dma_start3A_351 : memref<632x64xf32, #tpu.memory_space<hbm>>) target_semaphore(%run_scoped3A : memref<!tpu.dma_semaphore, #tpu.memory_space<semaphore_mem>>)
      %dma_wait3A = arith.constant 0 : i32
      %dma_wait3A_354 = tpu.memref_slice %arg6[%arg0, %mul3A_8, %dma_wait3A] : memref<2x10112x64xf32, #tpu.memory_space<hbm>> -> memref<1x632x64xf32, #tpu.memory_space<hbm>>
      %dma_wait3A_355 = tpu.memref_squeeze %dma_wait3A_354 : memref<1x632x64xf32, #tpu.memory_space<hbm>> -> memref<632x64xf32, #tpu.memory_space<hbm>>
      %dma_wait3A_356 = arith.constant 0 : i32
      %dma_wait3A_357 = tpu.memref_slice %arg23[%mul3A_8, %dma_wait3A_356] : memref<10112x64xf32, #tpu.memory_space<vmem_shared>> -> memref<632x64xf32, #tpu.memory_space<vmem_shared>>
      tpu.wait_dma2 semaphore(%run_scoped3A : memref<!tpu.dma_semaphore, #tpu.memory_space<semaphore_mem>>) src(%dma_wait3A_357 : memref<632x64xf32, #tpu.memory_space<vmem_shared>>) dst(%dma_wait3A_355 : memref<632x64xf32, #tpu.memory_space<hbm>>)
      tpu.yield
    }) : () -> ()
    return
  }
}

module attributes {stable_mosaic.version = 14 : i64} {
  func.func @_dense_body(%arg0: i32, %arg1: memref<2x1264x64xf32, #tpu.memory_space<vmem>>, %arg2: memref<2x1264x16xf32, #tpu.memory_space<vmem>>, %arg3: memref<1264x64xf32, #tpu.memory_space<vmem>>, %arg4: memref<1264x64xf32, #tpu.memory_space<vmem>>, %arg5: memref<128x128xf32, #tpu.memory_space<vmem>>, %arg6: memref<128x128xf32, #tpu.memory_space<vmem>>, %arg7: memref<1x128xf32, #tpu.memory_space<vmem>>, %arg8: memref<1264x64xf32, #tpu.memory_space<vmem>>, %arg9: memref<1264x64xf32, #tpu.memory_space<vmem>>) attributes {dimension_semantics = [#tpu.dimension_semantics<arbitrary>], iteration_bounds = array<i64: 8>, scalar_prefetch = 0 : i64, scratch_operands = 0 : i64, tpu.core_type = #tpu.core_type<tc>, window_params = [{transform_indices = @transform_0, window_bounds = array<i64: 2, 1264, 64>}, {transform_indices = @transform_1, window_bounds = array<i64: 2, 1264, 16>}, {transform_indices = @transform_2, window_bounds = array<i64: 1264, 64>}, {transform_indices = @transform_3, window_bounds = array<i64: 1264, 64>}, {pipeline_mode = #tpu.pipeline_mode<synchronous>, transform_indices = @transform_4, window_bounds = array<i64: 128, 128>}, {pipeline_mode = #tpu.pipeline_mode<synchronous>, transform_indices = @transform_5, window_bounds = array<i64: 128, 128>}, {pipeline_mode = #tpu.pipeline_mode<synchronous>, transform_indices = @transform_6, window_bounds = array<i64: 1, 128>}, {transform_indices = @transform_7, window_bounds = array<i64: 1264, 64>}, {transform_indices = @transform_8, window_bounds = array<i64: 1264, 64>}]} {
    %get3A = arith.constant 0 : index
    %get3A_0 = arith.constant 0 : index
    %get3A_1 = arith.constant 0 : index
    %get3A_2 = vector.load %arg1[%get3A, %get3A_0, %get3A_1] : memref<2x1264x64xf32, #tpu.memory_space<vmem>>, vector<1x1264x64xf32>
    %get3A_3 = vector.shape_cast %get3A_2 : vector<1x1264x64xf32> to vector<1264x64xf32>
    %get3A_4 = arith.constant 1 : index
    %get3A_5 = arith.constant 0 : index
    %get3A_6 = arith.constant 0 : index
    %get3A_7 = vector.load %arg1[%get3A_4, %get3A_5, %get3A_6] : memref<2x1264x64xf32, #tpu.memory_space<vmem>>, vector<1x1264x64xf32>
    %get3A_8 = vector.shape_cast %get3A_7 : vector<1x1264x64xf32> to vector<1264x64xf32>
    %concatenate3A = tpu.concatenate %get3A_3, %get3A_8 in 1 : vector<1264x64xf32>, vector<1264x64xf32> -> vector<1264x128xf32>
    %get3A_9 = arith.constant 0 : index
    %get3A_10 = arith.constant 0 : index
    %get3A_11 = arith.constant 0 : index
    %get3A_12 = vector.load %arg2[%get3A_9, %get3A_10, %get3A_11] : memref<2x1264x16xf32, #tpu.memory_space<vmem>>, vector<1x1264x1xf32>
    %get3A_13 = vector.shape_cast %get3A_12 : vector<1x1264x1xf32> to vector<1264x1xf32>
    %get3A_14 = arith.constant 1 : index
    %get3A_15 = arith.constant 0 : index
    %get3A_16 = arith.constant 0 : index
    %get3A_17 = vector.load %arg2[%get3A_14, %get3A_15, %get3A_16] : memref<2x1264x16xf32, #tpu.memory_space<vmem>>, vector<1x1264x1xf32>
    %get3A_18 = vector.shape_cast %get3A_17 : vector<1x1264x1xf32> to vector<1264x1xf32>
    %add3A = arith.addf %get3A_13, %get3A_18 : vector<1264x1xf32>
    %max3A = arith.constant 1.000000e+00 : f32
    %max3A_19 = vector.broadcast %max3A : f32 to vector<1264x1xf32>
    %max3A_20 = arith.maximumf %add3A, %max3A_19 : vector<1264x1xf32>
    %div3A = vector.broadcast %max3A_20 : vector<1264x1xf32> to vector<1264x128xf32>
    %div3A_21 = arith.divf %concatenate3A, %div3A : vector<1264x128xf32>
    %get3A_22 = arith.constant 0 : index
    %get3A_23 = arith.constant 0 : index
    %get3A_24 = vector.load %arg3[%get3A_22, %get3A_23] : memref<1264x64xf32, #tpu.memory_space<vmem>>, vector<1264x64xf32>
    %get3A_25 = arith.constant 0 : index
    %get3A_26 = arith.constant 0 : index
    %get3A_27 = vector.load %arg4[%get3A_25, %get3A_26] : memref<1264x64xf32, #tpu.memory_space<vmem>>, vector<1264x64xf32>
    %concatenate3A_28 = tpu.concatenate %get3A_24, %get3A_27 in 1 : vector<1264x64xf32>, vector<1264x64xf32> -> vector<1264x128xf32>
    %get3A_29 = arith.constant 0 : index
    %get3A_30 = arith.constant 0 : index
    %get3A_31 = vector.load %arg5[%get3A_29, %get3A_30] : memref<128x128xf32, #tpu.memory_space<vmem>>, vector<128x128xf32>
    %dot_general3A = arith.constant dense<0.000000e+00> : vector<1264x128xf32>
    %dot_general3A_32 = tpu.matmul %div3A_21, %get3A_31, %dot_general3A {dimension_numbers = #tpu.dot_dimension_numbers<[1], [0], [0], [1], [0, 0, 1, 1], [], []>, transpose_lhs_hint = false} : vector<1264x128xf32>, vector<128x128xf32>, vector<1264x128xf32> -> vector<1264x128xf32>
    %get3A_33 = arith.constant 0 : index
    %get3A_34 = arith.constant 0 : index
    %get3A_35 = vector.load %arg6[%get3A_33, %get3A_34] : memref<128x128xf32, #tpu.memory_space<vmem>>, vector<128x128xf32>
    %dot_general3A_36 = arith.constant dense<0.000000e+00> : vector<1264x128xf32>
    %dot_general3A_37 = tpu.matmul %concatenate3A_28, %get3A_35, %dot_general3A_36 {dimension_numbers = #tpu.dot_dimension_numbers<[1], [0], [0], [1], [0, 0, 1, 1], [], []>, transpose_lhs_hint = false} : vector<1264x128xf32>, vector<128x128xf32>, vector<1264x128xf32> -> vector<1264x128xf32>
    %add3A_38 = arith.addf %dot_general3A_32, %dot_general3A_37 : vector<1264x128xf32>
    %get3A_39 = arith.constant 0 : index
    %get3A_40 = arith.constant 0 : index
    %get3A_41 = vector.load %arg7[%get3A_39, %get3A_40] : memref<1x128xf32, #tpu.memory_space<vmem>>, vector<1x128xf32>
    %add3A_42 = vector.broadcast %get3A_41 : vector<1x128xf32> to vector<1264x128xf32>
    %add3A_43 = arith.addf %add3A_38, %add3A_42 : vector<1264x128xf32>
    %gt3A = arith.constant 0.000000e+00 : f32
    %gt3A_44 = vector.broadcast %gt3A : f32 to vector<1264x128xf32>
    %gt3A_45 = arith.cmpf ogt, %add3A_43, %gt3A_44 : vector<1264x128xf32>
    %min3A = arith.constant 0.000000e+00 : f32
    %min3A_46 = vector.broadcast %min3A : f32 to vector<1264x128xf32>
    %min3A_47 = arith.minimumf %add3A_43, %min3A_46 : vector<1264x128xf32>
    %exp3A = math.exp %min3A_47 : vector<1264x128xf32>
    %sub3A = arith.constant 1.000000e+00 : f32
    %sub3A_48 = vector.broadcast %sub3A : f32 to vector<1264x128xf32>
    %sub3A_49 = arith.subf %exp3A, %sub3A_48 : vector<1264x128xf32>
    %select_n3A = arith.select %gt3A_45, %add3A_43, %sub3A_49 : vector<1264x128xi1>, vector<1264x128xf32>
    %slice3A = vector.extract_strided_slice %select_n3A {offsets = [0, 0], sizes = [1264, 64], strides = [1, 1]} : vector<1264x128xf32> to vector<1264x64xf32>
    %swap3A = arith.constant 0 : index
    %swap3A_50 = arith.constant 0 : index
    %swap3A_51 = vector.load %arg8[%swap3A, %swap3A_50] : memref<1264x64xf32, #tpu.memory_space<vmem>>, vector<1264x64xf32>
    tpu.vector_store %arg8[%swap3A, %swap3A_50], %slice3A {strides = array<i32>} : memref<1264x64xf32, #tpu.memory_space<vmem>>, vector<1264x64xf32>,
    %slice3A_52 = vector.extract_strided_slice %select_n3A {offsets = [0, 64], sizes = [1264, 64], strides = [1, 1]} : vector<1264x128xf32> to vector<1264x64xf32>
    %swap3A_53 = arith.constant 0 : index
    %swap3A_54 = arith.constant 0 : index
    %swap3A_55 = vector.load %arg9[%swap3A_53, %swap3A_54] : memref<1264x64xf32, #tpu.memory_space<vmem>>, vector<1264x64xf32>
    tpu.vector_store %arg9[%swap3A_53, %swap3A_54], %slice3A_52 {strides = array<i32>} : memref<1264x64xf32, #tpu.memory_space<vmem>>, vector<1264x64xf32>,
    return
  }
  func.func @transform_0(%arg0: i32) -> (i32, i32, i32) {
    %c0_i32 = arith.constant 0 : i32
    %c0_i32_0 = arith.constant 0 : i32
    %c0_i32_1 = arith.constant 0 : i32
    return %c0_i32, %arg0, %c0_i32_0 : i32, i32, i32
  }
  func.func @transform_1(%arg0: i32) -> (i32, i32, i32) {
    %c0_i32 = arith.constant 0 : i32
    %c0_i32_0 = arith.constant 0 : i32
    %c0_i32_1 = arith.constant 0 : i32
    return %c0_i32, %arg0, %c0_i32_0 : i32, i32, i32
  }
  func.func @transform_2(%arg0: i32) -> (i32, i32) {
    %c0_i32 = arith.constant 0 : i32
    %c0_i32_0 = arith.constant 0 : i32
    return %arg0, %c0_i32 : i32, i32
  }
  func.func @transform_3(%arg0: i32) -> (i32, i32) {
    %c0_i32 = arith.constant 0 : i32
    %c0_i32_0 = arith.constant 0 : i32
    return %arg0, %c0_i32 : i32, i32
  }
  func.func @transform_4(%arg0: i32) -> (i32, i32) {
    %c0_i32 = arith.constant 0 : i32
    %c0_i32_0 = arith.constant 0 : i32
    %c0_i32_1 = arith.constant 0 : i32
    return %c0_i32, %c0_i32_0 : i32, i32
  }
  func.func @transform_5(%arg0: i32) -> (i32, i32) {
    %c0_i32 = arith.constant 0 : i32
    %c0_i32_0 = arith.constant 0 : i32
    %c0_i32_1 = arith.constant 0 : i32
    return %c0_i32, %c0_i32_0 : i32, i32
  }
  func.func @transform_6(%arg0: i32) -> (i32, i32) {
    %c0_i32 = arith.constant 0 : i32
    %c0_i32_0 = arith.constant 0 : i32
    %c0_i32_1 = arith.constant 0 : i32
    return %c0_i32, %c0_i32_0 : i32, i32
  }
  func.func @transform_7(%arg0: i32) -> (i32, i32) {
    %c0_i32 = arith.constant 0 : i32
    %c0_i32_0 = arith.constant 0 : i32
    return %arg0, %c0_i32 : i32, i32
  }
  func.func @transform_8(%arg0: i32) -> (i32, i32) {
    %c0_i32 = arith.constant 0 : i32
    %c0_i32_0 = arith.constant 0 : i32
    return %arg0, %c0_i32 : i32, i32
  }
}

module attributes {stable_mosaic.version = 14 : i64} {
  func.func @_dense_body(%arg0: i32, %arg1: memref<2x1264x64xf32, #tpu.memory_space<vmem>>, %arg2: memref<2x1264x16xf32, #tpu.memory_space<vmem>>, %arg3: memref<1264x64xf32, #tpu.memory_space<vmem>>, %arg4: memref<1264x64xf32, #tpu.memory_space<vmem>>, %arg5: memref<128x128xf32, #tpu.memory_space<vmem>>, %arg6: memref<128x128xf32, #tpu.memory_space<vmem>>, %arg7: memref<1x128xf32, #tpu.memory_space<vmem>>, %arg8: memref<1264x128xf32, #tpu.memory_space<vmem>>) attributes {dimension_semantics = [#tpu.dimension_semantics<arbitrary>], iteration_bounds = array<i64: 8>, scalar_prefetch = 0 : i64, scratch_operands = 0 : i64, tpu.core_type = #tpu.core_type<tc>, window_params = [{transform_indices = @transform_0, window_bounds = array<i64: 2, 1264, 64>}, {transform_indices = @transform_1, window_bounds = array<i64: 2, 1264, 16>}, {transform_indices = @transform_2, window_bounds = array<i64: 1264, 64>}, {transform_indices = @transform_3, window_bounds = array<i64: 1264, 64>}, {pipeline_mode = #tpu.pipeline_mode<synchronous>, transform_indices = @transform_4, window_bounds = array<i64: 128, 128>}, {pipeline_mode = #tpu.pipeline_mode<synchronous>, transform_indices = @transform_5, window_bounds = array<i64: 128, 128>}, {pipeline_mode = #tpu.pipeline_mode<synchronous>, transform_indices = @transform_6, window_bounds = array<i64: 1, 128>}, {transform_indices = @transform_7, window_bounds = array<i64: 1264, 128>}]} {
    %get3A = arith.constant 0 : index
    %get3A_0 = arith.constant 0 : index
    %get3A_1 = arith.constant 0 : index
    %get3A_2 = vector.load %arg1[%get3A, %get3A_0, %get3A_1] : memref<2x1264x64xf32, #tpu.memory_space<vmem>>, vector<1x1264x64xf32>
    %get3A_3 = vector.shape_cast %get3A_2 : vector<1x1264x64xf32> to vector<1264x64xf32>
    %get3A_4 = arith.constant 1 : index
    %get3A_5 = arith.constant 0 : index
    %get3A_6 = arith.constant 0 : index
    %get3A_7 = vector.load %arg1[%get3A_4, %get3A_5, %get3A_6] : memref<2x1264x64xf32, #tpu.memory_space<vmem>>, vector<1x1264x64xf32>
    %get3A_8 = vector.shape_cast %get3A_7 : vector<1x1264x64xf32> to vector<1264x64xf32>
    %concatenate3A = tpu.concatenate %get3A_3, %get3A_8 in 1 : vector<1264x64xf32>, vector<1264x64xf32> -> vector<1264x128xf32>
    %get3A_9 = arith.constant 0 : index
    %get3A_10 = arith.constant 0 : index
    %get3A_11 = arith.constant 0 : index
    %get3A_12 = vector.load %arg2[%get3A_9, %get3A_10, %get3A_11] : memref<2x1264x16xf32, #tpu.memory_space<vmem>>, vector<1x1264x1xf32>
    %get3A_13 = vector.shape_cast %get3A_12 : vector<1x1264x1xf32> to vector<1264x1xf32>
    %get3A_14 = arith.constant 1 : index
    %get3A_15 = arith.constant 0 : index
    %get3A_16 = arith.constant 0 : index
    %get3A_17 = vector.load %arg2[%get3A_14, %get3A_15, %get3A_16] : memref<2x1264x16xf32, #tpu.memory_space<vmem>>, vector<1x1264x1xf32>
    %get3A_18 = vector.shape_cast %get3A_17 : vector<1x1264x1xf32> to vector<1264x1xf32>
    %add3A = arith.addf %get3A_13, %get3A_18 : vector<1264x1xf32>
    %max3A = arith.constant 1.000000e+00 : f32
    %max3A_19 = vector.broadcast %max3A : f32 to vector<1264x1xf32>
    %max3A_20 = arith.maximumf %add3A, %max3A_19 : vector<1264x1xf32>
    %div3A = vector.broadcast %max3A_20 : vector<1264x1xf32> to vector<1264x128xf32>
    %div3A_21 = arith.divf %concatenate3A, %div3A : vector<1264x128xf32>
    %get3A_22 = arith.constant 0 : index
    %get3A_23 = arith.constant 0 : index
    %get3A_24 = vector.load %arg3[%get3A_22, %get3A_23] : memref<1264x64xf32, #tpu.memory_space<vmem>>, vector<1264x64xf32>
    %get3A_25 = arith.constant 0 : index
    %get3A_26 = arith.constant 0 : index
    %get3A_27 = vector.load %arg4[%get3A_25, %get3A_26] : memref<1264x64xf32, #tpu.memory_space<vmem>>, vector<1264x64xf32>
    %concatenate3A_28 = tpu.concatenate %get3A_24, %get3A_27 in 1 : vector<1264x64xf32>, vector<1264x64xf32> -> vector<1264x128xf32>
    %get3A_29 = arith.constant 0 : index
    %get3A_30 = arith.constant 0 : index
    %get3A_31 = vector.load %arg5[%get3A_29, %get3A_30] : memref<128x128xf32, #tpu.memory_space<vmem>>, vector<128x128xf32>
    %dot_general3A = arith.constant dense<0.000000e+00> : vector<1264x128xf32>
    %dot_general3A_32 = tpu.matmul %div3A_21, %get3A_31, %dot_general3A {dimension_numbers = #tpu.dot_dimension_numbers<[1], [0], [0], [1], [0, 0, 1, 1], [], []>, transpose_lhs_hint = false} : vector<1264x128xf32>, vector<128x128xf32>, vector<1264x128xf32> -> vector<1264x128xf32>
    %get3A_33 = arith.constant 0 : index
    %get3A_34 = arith.constant 0 : index
    %get3A_35 = vector.load %arg6[%get3A_33, %get3A_34] : memref<128x128xf32, #tpu.memory_space<vmem>>, vector<128x128xf32>
    %dot_general3A_36 = arith.constant dense<0.000000e+00> : vector<1264x128xf32>
    %dot_general3A_37 = tpu.matmul %concatenate3A_28, %get3A_35, %dot_general3A_36 {dimension_numbers = #tpu.dot_dimension_numbers<[1], [0], [0], [1], [0, 0, 1, 1], [], []>, transpose_lhs_hint = false} : vector<1264x128xf32>, vector<128x128xf32>, vector<1264x128xf32> -> vector<1264x128xf32>
    %add3A_38 = arith.addf %dot_general3A_32, %dot_general3A_37 : vector<1264x128xf32>
    %get3A_39 = arith.constant 0 : index
    %get3A_40 = arith.constant 0 : index
    %get3A_41 = vector.load %arg7[%get3A_39, %get3A_40] : memref<1x128xf32, #tpu.memory_space<vmem>>, vector<1x128xf32>
    %add3A_42 = vector.broadcast %get3A_41 : vector<1x128xf32> to vector<1264x128xf32>
    %add3A_43 = arith.addf %add3A_38, %add3A_42 : vector<1264x128xf32>
    %reduce_max3A = arith.constant dense<0xFF800000> : vector<1264xf32>
    %reduce_max3A_44 = vector.multi_reduction <maximumf>, %add3A_43, %reduce_max3A [1] : vector<1264x128xf32> to vector<1264xf32>
    %broadcast_in_dim3A = vector.shape_cast %reduce_max3A_44 : vector<1264xf32> to vector<1264x1xf32>
    %sub3A = vector.broadcast %broadcast_in_dim3A : vector<1264x1xf32> to vector<1264x128xf32>
    %sub3A_45 = arith.subf %add3A_43, %sub3A : vector<1264x128xf32>
    %exp3A = math.exp %sub3A_45 : vector<1264x128xf32>
    %reduce_sum3A = arith.constant dense<0.000000e+00> : vector<1264xf32>
    %reduce_sum3A_46 = vector.multi_reduction <add>, %exp3A, %reduce_sum3A [1] : vector<1264x128xf32> to vector<1264xf32>
    %broadcast_in_dim3A_47 = vector.shape_cast %reduce_sum3A_46 : vector<1264xf32> to vector<1264x1xf32>
    %log3A = math.log %broadcast_in_dim3A_47 : vector<1264x1xf32>
    %add3A_48 = arith.addf %log3A, %broadcast_in_dim3A : vector<1264x1xf32>
    %sub3A_49 = vector.broadcast %add3A_48 : vector<1264x1xf32> to vector<1264x128xf32>
    %sub3A_50 = arith.subf %add3A_43, %sub3A_49 : vector<1264x128xf32>
    %swap3A = arith.constant 0 : index
    %swap3A_51 = arith.constant 0 : index
    %swap3A_52 = vector.load %arg8[%swap3A, %swap3A_51] : memref<1264x128xf32, #tpu.memory_space<vmem>>, vector<1264x128xf32>
    tpu.vector_store %arg8[%swap3A, %swap3A_51], %sub3A_50 {strides = array<i32>} : memref<1264x128xf32, #tpu.memory_space<vmem>>, vector<1264x128xf32>,
    return
  }
  func.func @transform_0(%arg0: i32) -> (i32, i32, i32) {
    %c0_i32 = arith.constant 0 : i32
    %c0_i32_0 = arith.constant 0 : i32
    %c0_i32_1 = arith.constant 0 : i32
    return %c0_i32, %arg0, %c0_i32_0 : i32, i32, i32
  }
  func.func @transform_1(%arg0: i32) -> (i32, i32, i32) {
    %c0_i32 = arith.constant 0 : i32
    %c0_i32_0 = arith.constant 0 : i32
    %c0_i32_1 = arith.constant 0 : i32
    return %c0_i32, %arg0, %c0_i32_0 : i32, i32, i32
  }
  func.func @transform_2(%arg0: i32) -> (i32, i32) {
    %c0_i32 = arith.constant 0 : i32
    %c0_i32_0 = arith.constant 0 : i32
    return %arg0, %c0_i32 : i32, i32
  }
  func.func @transform_3(%arg0: i32) -> (i32, i32) {
    %c0_i32 = arith.constant 0 : i32
    %c0_i32_0 = arith.constant 0 : i32
    return %arg0, %c0_i32 : i32, i32
  }
  func.func @transform_4(%arg0: i32) -> (i32, i32) {
    %c0_i32 = arith.constant 0 : i32
    %c0_i32_0 = arith.constant 0 : i32
    %c0_i32_1 = arith.constant 0 : i32
    return %c0_i32, %c0_i32_0 : i32, i32
  }
  func.func @transform_5(%arg0: i32) -> (i32, i32) {
    %c0_i32 = arith.constant 0 : i32
    %c0_i32_0 = arith.constant 0 : i32
    %c0_i32_1 = arith.constant 0 : i32
    return %c0_i32, %c0_i32_0 : i32, i32
  }
  func.func @transform_6(%arg0: i32) -> (i32, i32) {
    %c0_i32 = arith.constant 0 : i32
    %c0_i32_0 = arith.constant 0 : i32
    %c0_i32_1 = arith.constant 0 : i32
    return %c0_i32, %c0_i32_0 : i32, i32
  }
  func.func @transform_7(%arg0: i32) -> (i32, i32) {
    %c0_i32 = arith.constant 0 : i32
    %c0_i32_0 = arith.constant 0 : i32
    return %arg0, %c0_i32 : i32, i32
  }
}

</mosaic_0001>

<sc_bundles>
// kernel: kernel.6.cloned.1.call-start
scs
__scs_entry_jumppad:
0x0: {  	(pc) =	sbr.rel $0x88, $3  }
0x1: {  	(tag) =	ssettag $0x0;
	lr =	simm.s32 $0x1  }
0x2: {  	[smem:$0x3F99] =	sst lr;
	_ =	strace $0xD0000000  }
0x3: {  	_ = 	snop  }
0x4: {  	_ = 	snop  }
0x5: {  	_ = 	snop  }
0x6: {  	_ = 	snop  }
0x7: {  	_ = 	snop  }
__scs_overlays_trampoline_lowered:
0x8: {  	[smem:$0x3FA8] =	sst s0  }
0x9: {  	[smem:$0x3FA9] =	sst s1  }
0xa: {  	[smem:$0x3FAA] =	sst s2  }
0xb: {  	[smem:$0x3FAB] =	sst s3  }
0xc: {  	[smem:$0x3FAC] =	sst s4  }
0xd: {  	[smem:$0x3FAD] =	sst s5  }
0xe: {  	[smem:$0x3FAE] =	sst s6  }
0xf: {  	[smem:$0x3FAF] =	sst s7  }
0x10: {  	[smem:$0x3FB0] =	sst s8  }
0x11: {  	[smem:$0x3FB1] =	sst s9;
	s0 =	simm.s32 @!p0 $0x0  }
0x12: {  	s1 =	sld [smem:$0x3F97];
	s0 =	simm.s32 @p0 $0x1  }
0x13: {  	[smem:$0x3FB2] =	sst s0;
	s0 =	simm.s32 @!p1 $0x0  }
0x14: {  	s2 =	sld [smem:$0x3F96];
	s0 =	simm.s32 @p1 $0x1  }
0x15: {  	[smem:$0x3FB3] =	sst s0;
	s0 =	simm.s32 @!p2 $0x0  }
0x16: {  	s3 =	sld [smem:$0x3FDB];
	s0 =	simm.s32 @p2 $0x1  }
0x17: {  	s4 =	simm.s32 $0x1BF5;
	[smem:$0x3FB5] =	sst s0  }
0x18: {  	s0 =	sld [smem:$0x3F98];
	_ =	swait.ge [sflag:s4], $0x0  }
0x19: {  	s7 =	sld [smem:$0x3F99]  }
0x1a: {  	s8 =	sadd.s32 $0xFFFFE003, lr  }
0x1b: {  	s9 =	sadd.s32 $0xFFFFFEF7, lr;
	s5 =	simm.s32 $0xFFFFFFFF;
	p2 =	slt.u32 s8, $0xFFFFF086  }
0x1c: {  	p1 =	slt.u32 s9, $0xF7A;
	s5 =	simm.s32 @!p2 $0x0  }
0x1d: {  	s5 =	simm.s32 @p1 $0x1;
	p0 =	seq.s32 s7, s2  }
0x1e: {  	s7 =	smul.u32 @!p0 $0xF7A, s2;
	p2 =	seq.s32 @!p0 s5, $0x0  }
0x1f: {  	s9 =	smul.u32 $0xF7A, s1;
	s8 =	simm.s32 @!p0 $0x1BF5;
	p2 =	por !p2, p0  }
0x20: {  	[sflag:s8] =	ssyncset.s32 @!p0 $0xFFFFF086;
	s6 =	sadd.s32 @!p0 s3, s7;
	s7 =	simm.s32 @!p0 $0x108  }
0x21: {  	s3 =	sadd.s32 s3, s9;
	s6 =	sadd.s32 @!p0 $0x88, s6;
	s7 =	simm.s32 @p2 $0x1082  }
0x22: {  	[simem:s7], [sflag:s8] =	dma.local @!p0 [hbm:s6], $0xF7A  }
0x23: {  	s9 =	sor.u32 $0xD0000000, s2;
	s6 =	simm.s32 $0x108;
	_ =	swait.ge @!p0 [sflag:s8], $0x0  }
0x24: {  	s3 =	sadd.s32 $0x88, s3;
	s6 =	simm.s32 @!p1 $0x1082;
	[sflag:s4] =	ssyncset.s32 $0xFFFFF086  }
0x25: {  	[simem:s6], [sflag:s4] =	dma.local [hbm:s3], $0xF7A  }
0x26: {  	[smem:$0x3F99] =	sst s1;
	(tag) =	ssettag s2;
	_ =	strace s9  }
0x27: {  	s1 =	sld [smem:$0x3FA9]  }
0x28: {  	s2 =	sld [smem:$0x3FAA]  }
0x29: {  	s4 =	sld [smem:$0x3FAC]  }
0x2a: {  	p0 =	seq.s32 s5, $0x0;
	s5 =	sld [smem:$0x3FAD]  }
0x2b: {  	s6 =	sld [smem:$0x3FAE]  }
0x2c: {  	s7 =	sld [smem:$0x3FAF]  }
0x2d: {  	s3 =	simm.s32 $0x108;
	s8 =	sld [smem:$0x3FB0]  }
0x2e: {  	s3 =	simm.s32 @!p0 $0x1082;
	s9 =	sld [smem:$0x3FB1]  }
0x2f: {  	lr =	sadd.s32 s0, s3;
	s0 =	sld [smem:$0x3FA8]  }
0x30: {  	s3 =	sld [smem:$0x3FAB]  }
0x31: {  	[smem:$0x3FB4] =	sst s10  }
0x32: {  	s10 =	sld [smem:$0x3FB2];
	_ =	sdelay $0x3  }
0x33: {  	p0 =	seq.s32 s10, $0x1;
	s10 =	sld [smem:$0x3FB4];
	_ =	sdelay $0x3  }
0x34: {  	[smem:$0x3FB4] =	sst s10  }
0x35: {  	s10 =	sld [smem:$0x3FB3];
	_ =	sdelay $0x3  }
0x36: {  	p1 =	seq.s32 s10, $0x1;
	s10 =	sld [smem:$0x3FB4];
	_ =	sdelay $0x3  }
0x37: {  	[smem:$0x3FB4] =	sst s10  }
0x38: {  	s10 =	sld [smem:$0x3FB5]  }
0x39: {  	_ = 	snop;
	(pc) =	sbr.ind lr, $3  }
0x3a: {  	_ = 	snop  }
0x3b: {  	_ = 	snop  }
0x3c: {  	p2 =	seq.s32 s10, $0x1;
	s10 =	sld [smem:$0x3FB4]  }
0x3d: {  	_ =	shalt  }
0x3e: {  	_ =	shalt  }
0x3f: {  	_ =	shalt  }
0x40: {  	_ =	shalt  }
0x41: {  	_ =	shalt  }
0x42: {  	_ =	shalt  }
0x43: {  	_ =	shalt  }
0x44: {  	_ =	shalt  }
0x45: {  	_ =	shalt  }
0x46: {  	_ =	shalt  }
0x47: {  	_ =	shalt  }
0x48: {  	_ =	shalt  }
0x49: {  	_ =	shalt  }
0x4a: {  	_ =	shalt  }
0x4b: {  	_ =	shalt  }
0x4c: {  	_ =	shalt  }
0x4d: {  	_ =	shalt  }
0x4e: {  	_ =	shalt  }
0x4f: {  	_ =	shalt  }
0x50: {  	_ =	shalt  }
0x51: {  	_ =	shalt  }
0x52: {  	_ =	shalt  }
0x53: {  	_ =	shalt  }
0x54: {  	_ =	shalt  }
0x55: {  	_ =	shalt  }
0x56: {  	_ =	shalt  }
0x57: {  	_ =	shalt  }
0x58: {  	_ =	shalt  }
0x59: {  	_ =	shalt  }
0x5a: {  	_ =	shalt  }
0x5b: {  	_ =	shalt  }
0x5c: {  	_ =	shalt  }
0x5d: {  	_ =	shalt  }
0x5e: {  	_ =	shalt  }
0x5f: {  	_ =	shalt  }
0x60: {  	_ =	shalt  }
0x61: {  	_ =	shalt  }
0x62: {  	_ =	shalt  }
0x63: {  	_ =	shalt  }
0x64: {  	_ =	shalt  }
0x65: {  	_ =	shalt  }
0x66: {  	_ =	shalt  }
0x67: {  	_ =	shalt  }
0x68: {  	_ =	shalt  }
0x69: {  	_ =	shalt  }
0x6a: {  	_ =	shalt  }
0x6b: {  	_ =	shalt  }
0x6c: {  	_ =	shalt  }
0x6d: {  	_ =	shalt  }
0x6e: {  	_ =	shalt  }
0x6f: {  	_ =	shalt  }
0x70: {  	_ =	shalt  }
0x71: {  	_ =	shalt  }
0x72: {  	_ =	shalt  }
0x73: {  	_ =	shalt  }
0x74: {  	_ =	shalt  }
0x75: {  	_ =	shalt  }
0x76: {  	_ =	shalt  }
0x77: {  	_ =	shalt  }
0x78: {  	_ =	shalt  }
0x79: {  	_ =	shalt  }
0x7a: {  	_ =	shalt  }
0x7b: {  	_ =	shalt  }
0x7c: {  	_ =	shalt  }
0x7d: {  	_ =	shalt  }
0x7e: {  	_ =	shalt  }
0x7f: {  	_ =	shalt  }
0x80: {  	_ =	shalt  }
0x81: {  	_ =	shalt  }
0x82: {  	_ =	shalt  }
0x83: {  	_ =	shalt  }
0x84: {  	_ =	shalt  }
0x85: {  	_ =	shalt  }
0x86: {  	_ =	shalt  }
0x87: {  	_ =	shalt  }
.Lfunc_end0:
.L_simem_size_0:
called_computation_lowered:
.L_overlay_start_0:
0x88: {  	s2 =	sld [smem:$0x3FD9]  }
0x89: {  	s3 =	sld [smem:$0x3FFE];
	_ =	sdelay $0x1  }
0x8a: {  	s1 =	srdreg.scid  }
0x8b: {  	s0 =	sand.u32 $0x1, s1  }
0x8c: {  	s17 =	sshll.u32 s0, $0xA;
	s2 =	sadd.s32 s3, s2  }
0x8d: {  	s2 =	sadd.s32 s2, s17  }
0x8e: {  	[smem:$0x3FC0] =	sst s2  }
0x8f: {  	_ = 	snop  }
0x90: {  	s2 =	sld [smem:$0x3FD0];
	(tm) =	ssettm $0x1  }
0x91: {  	s18 =	sld [smem:$0x3FFB];
	_ =	sdelay $0x3  }
0x92: {  	_ =	strace s18  }
0x93: {  	s3 =	sld [smem:$0x3FFC];
	_ =	sdelay $0x3  }
0x94: {  	_ =	strace s3  }
0x95: {  	s3 =	sld [smem:$0x3FFD];
	_ =	sdelay $0x3  }
0x96: {  	_ =	strace s3  }
0x97: {  	_ =	strace $0x8FFFFFFF  }
0x98: {  	s19 =	sld [smem:$0x3FDB];
	_ =	sdelay $0x1  }
0x99: {  	s4 =	simm.s32 $_scs_section_size  }
0x9a: {  	s5 =	simm.s32 $_size__tile_overlayer_lowered;
	s6 =	simm.s32 $_tile_overlayer_lowered  }
0x9b: {  	s22 =	simm.s32 $0x1BFF;
	s21 =	sshll.u32 s6, $0x1;
	s3 =	sadd.s32 s4, s19  }
0x9c: {  	s7 =	simm.s32 $0x0;
	s20 =	sshll.u32 s5, $0x1;
	s5 =	sadd.s32 s21, s3  }
0x9d: {  	[timem:s7], [sflag:s22] =	dma.local [hbm:s5], s20  }
0x9e: {  	_ =	swait.ge [sflag:s22], s20  }
0x9f: {  	s4 =	ssub.s32 $0x0, s20;
	[sflag:s22] =	ssyncset.done $0x0  }
0xa0: {  	[sflag:s22] =	ssyncadd.s32 s4;
	_ =	sdelay $0x1  }
0xa1: {  	s23 =	simm.s32 $0x1B8B  }
0xa2: {  	_ =	swait.ge [sflag:s23], $0x1  }
0xa3: {  	[sflag:s23] =	ssyncset.done $0x0  }
0xa4: {  	s25 =	simm.s32 $0x1B8E;
	s24 =	sld [smem:$0x3FFE];
	[sflag:s23] =	ssyncadd.s32 $0xFFFFFFFF  }
0xa5: {  	s26 =	simm.s32 $execute0_lowered;
	[smem:$0x3FD2] =	sst s25  }
0xa6: {  	s5 =	sshll.u32 s26, $0x1;
	_ =	strace $0x80000046;
	[dreg:$0x1] =	wrdreg $0xFFFFFFFF  }
0xa7: {  	s28 =	simm.s32 $_size_execute0_lowered;
	s3 =	sadd.s32 s3, s5;
	[dreg:$0x0] =	wrdreg $0x0  }
0xa8: {  	s5 =	sshll.u32 s28, $0x1;
	[dreg:$0x2] =	wrdreg s3  }
0xa9: {  	[dreg:$0x3] =	wrdreg s5  }
0xaa: {  	[dreg:$0x4] =	wrdreg $0xC0  }
0xab: {  	_ =	task [dreg:s7], $0x5FFFF  }
0xac: {  	[dreg:$0x1] =	wrdreg $0xFFFFFFFF  }
0xad: {  	[dreg:$0x0] =	wrdreg $0x60  }
0xae: {  	[dreg:$0x2] =	wrdreg s2  }
0xaf: {  	[dreg:$0x3] =	wrdreg s24  }
0xb0: {  	[dreg:$0x4] =	wrdreg $0x134000  }
0xb1: {  	[dreg:$0x5] =	wrdreg $0x1D2000  }
0xb2: {  	[dreg:$0x6] =	wrdreg $0x9  }
0xb3: {  	_ =	task.clear_ibuf [dreg:s7], $0x7FFFF;
	_ =	strace $0x90000046  }
0xb4: {  	s29 =	simm.s32 $0x9;
	_ =	strace $0x80000048  }
0xb5: {  	_ =	swait.ge [sflag:s29], $0x1  }
0xb6: {  	[sflag:s29] =	ssyncadd.s32 $0xFFFFFFFF  }
0xb7: {  	_ =	strace $0x90000048  }
0xb8: {  	_ =	sfence  }
0xb9: {  	s30 =	sld [smem:$0x0];
	_ =	sdelay $0x2  }
0xba: {  	s31 =	sshll.u32 s1, $0xD;
	s1 =	sshrl.u32 s1, $0x2  }
0xbb: {  	s3 =	sand.u32 $0x4000, s31;
	s1 =	sadd.s32 s1, s30  }
0xbc: {  	s0 =	sor.u32 s3, s0;
	s1 =	sshll.u32 s1, $0x11  }
0xbd: {  	s0 =	sor.u32 s1, s0  }
0xbe: {  	s0 =	sadd.s32 $0x8F2B, s0  }
0xbf: {  	[sflag:s0] =	ssyncadd.remote.s32 $0x1  }
0xc0: {  	_ =	sfence.sel $0xFFFF  }
0xc1: {  	[dreg:$0x0] =	wrdreg $0xFFFFFFFF;
	(pc) =	sbr.abs _section_cstart, $3  }
0xc2: {  	[dreg:$0x1] =	wrdreg $0xFFFFFFFF  }
0xc3: {  	_ =	task.clear_ibuf [dreg:s7], $0x2FFFF;
	_ =	strace $0x9FFFFFFF  }
0xc4: {  	(tm) =	ssettm $0x7FFFFFFF  }
0xc5: {  	_ =	shalt  }
tec
execute0_lowered:
.L_overlay_start_1:
0x0: {  	(tag) =	ssettag $0x1  }
0x1: {  	s0 =	rddreg [dreg:$0x0];
	s14 =	stileid.u32  }
0x2: {  	s1 =	rddreg [dreg:$0x1];
	s4 =	smul.u32 $0xA00, s14  }
0x3: {  	s3 =	srdreg.scid;
	s8 =	smul.u32 $0x9E00, s14  }
0x4: {  	s2 =	rddreg [dreg:$0x2];
	s5 =	simm.s32 $0x0;
	s10 =	smul.u32 $0x2780, s14  }
0x5: {  	s28 =	simm.s32 $0x80;
	s31 =	simm.s32 $0xC400;
	s11 =	smul.u32 $0x278, s14  }
0x6: {  	s29 =	simm.s32 $0xA180;
	s6 =	sand.u32 $0x1, s3;
	s26 =	smul.u32 $0x27800, s14  }
0x7: {  	s30 =	simm.s32 $0x10400;
	s3 =	rddreg [dreg:$0x3];
	s7 =	smul.u32 $0x9E000, s6  }
0x8: {  	[smem:$0x7FF] =	sst s5;
	s5 =	sadd.s32 $0x1800, s1;
	s9 =	smul.u32 $0x27800, s6  }
0x9: {  	_ =	strace $0x80000047;
	s12 =	ssub.s32 $0x2, s6;
	p0 =	seq.s32 s6, $0x0  }
0xa: {  	s6 =	simm.s32 $0xA280;
	s4 =	sadd.s32 s4, s1;
	s21 =	sshrl.u32 s12, $0x1  }
0xb: {  	s13 =	sadd.s32 $0x200, s11;
	s14 =	sadd.s32 s10, s3;
	s16 =	sshrl.u32 s8, $0x2  }
0xc: {  	s17 =	sadd.s32 $0x80, s11;
	s19 =	sadd.s32 $0x100, s11;
	s5 =	smov.u32 @p0 s0  }
0xd: {  	s0 =	simm.s32 $0xA200;
	s7 =	sadd.s32 s8, s7;
	s9 =	sadd.s32 s10, s9  }
0xe: {  	s22 =	sadd.s32 $0x1F400, s4;
	s23 =	sshll.u32 s13, $0x6;
	s4 =	sadd.s32 $0x15400, s4  }
0xf: {  	s25 =	sshll.u32 s13, $0x4;
	s13 =	sadd.s32 s8, s2;
	s18 =	sshll.u32 s17, $0x6  }
0x10: {  	s20 =	sshll.u32 s17, $0x4;
	s8 =	simm.s32 $0xA300;
	s10 =	simm.s32 $0xA380  }
0x11: {  	s7 =	sshrl.u32 s7, $0x3;
	s9 =	sshrl.u32 s9, $0x3;
	[dreg:$0x5] =	wrdreg s22  }
0x12: {  	[dreg:$0x6] =	wrdreg s4;
	s24 =	sadd.s32 s23, s2;
	s4 =	sadd.s32 s25, s3  }
0x13: {  	s23 =	sadd.s32 $0x180, s11;
	s11 =	simm.s32 $0x0;
	s7 =	sadd.s32 s7, s1  }
0x14: {  	s1 =	sadd.s32 s9, s1;
	s9 =	ssub.s32 s12, s21;
	[dreg:$0x7] =	wrdreg s24  }
0x15: {  	[dreg:$0x8] =	wrdreg s4;
	s4 =	sshrl.u32 s26, $0x2;
	s12 =	sadd.s32 $0x29400, s7  }
0x16: {  	s21 =	sshll.u32 s19, $0x6;
	s1 =	sadd.s32 $0x50C00, s1;
	[dreg:$0x9] =	wrdreg s12  }
0x17: {  	s24 =	sshll.u32 s19, $0x4;
	s15 =	smax.u32 s9, $0x1;
	[dreg:$0xa] =	wrdreg s1  }
0x18: {  	s25 =	sshll.u32 s23, $0x6;
	s4 =	sadd.s32 s4, s2;
	[dreg:$0xb] =	wrdreg s15  }
0x19: {  	s22 =	sadd.s32 s21, s2;
	s7 =	sadd.s32 s24, s3;
	[dreg:$0xc] =	wrdreg s4  }
0x1a: {  	s26 =	sadd.s32 s25, s2;
	s21 =	simm.s32 $0x5;
	[dreg:$0x10] =	wrdreg s22  }
0x1b: {  	s24 =	sshrl.u32 s13, $0x3;
	s25 =	sshrl.u32 s14, $0x3;
	[dreg:$0x11] =	wrdreg s7  }
0x1c: {  	s9 =	simm.s32 $0x4;
	s4 =	sadd.s32 s16, s3;
	[dreg:$0x12] =	wrdreg s26  }
.Ltmp0:
0x1d: {  	[dreg:$0xd] =	wrdreg s4;
	s4 =	sadd.s32 s18, s2;
	(pc) =	sbr.rel .LBB2_1-.Ltmp0, $4  }
0x1e: {  	s26 =	simm.s32 $0x12C00;
	[dreg:$0xe] =	wrdreg s4;
	s4 =	sadd.s32 s20, s3  }
0x1f: {  	s22 =	simm.s32 $0xE400;
	[dreg:$0xf] =	wrdreg s4;
	s4 =	sshll.u32 s23, $0x4  }
0x20: {  	s1 =	simm.s32 $0x1;
	s7 =	simm.s32 $0x3;
	s4 =	sadd.s32 s4, s3  }
0x21: {  	v0 =	vimm.f32 $0.0e+00;
	v1 =	vimm.f32 $1.000000000e+00;
	s23 =	simm.s32 $0xA400;
	[dreg:$0x13] =	wrdreg s4;
	s4 =	simm.s32 $0x2  }
.LBB2_6:
0x22: {  	s12 =	stileid.u32  }
0x23: {  	[bflag:$0x0] =	sbarrier.arrive $0xFFFF;
	s12 =	sshll.u32 s12, $0x6  }
0x24: {  	s13 =	rddreg [dreg:$0x9];
	s12 =	sor.u32 $0x1C05, s12  }
0x25: {  	[hbm:s13], [sflag:s12] =	dma.local [spmem:s24], $0x13C0  }
0x26: {  	_ =	swait.ge [sflag:s21], $0x13C0  }
0x27: {  	[sflag:s21] =	ssyncset.done $0x0  }
0x28: {  	s19 =	rddreg [dreg:$0xa];
	[sflag:s21] =	ssyncadd.s32 $0xFFFFEC40  }
0x29: {  	[hbm:s19], [sflag:s12] =	dma.local [spmem:s25], $0x4F0  }
0x2a: {  	_ =	swait.ge [sflag:s21], $0x4F0  }
0x2b: {  	s11 =	sadd.s32 $0x1, s11;
	s20 =	rddreg [dreg:$0xb]  }
0x2c: {  	p1 =	sne.s32 s11, s20  }
.Ltmp1:
0x2d: {  	_ = 	snop;
	(pc) =	sbr.rel @!p1 .LBB2_7-.Ltmp1, $3  }
0x2e: {  	_ =	sdelay $0x1  }
0x2f: {  	[sflag:s21] =	ssyncset.done $0x0  }
0x30: {  	[sflag:s21] =	ssyncadd.s32 $0xFFFFFB10  }
.LBB2_1:
0x31: {  	s12 =	simm.s32 $0x0;
	s13 =	rddreg [dreg:$0x5]  }
0x32: {  	[tilespmem:s12], [sflag:$0x5] =	stream.linear.gather [hbm4b:s13+s12], $0x5000, $0x38;
	[tilespmem:$0x1F980] =	vst v63  }
0x33: {  	_ =	swait.ge [sflag:s21], $0x5000  }
0x34: {  	[sflag:s21] =	ssyncset.done $0x0  }
0x35: {  	s14 =	simm.s32 $0x5000;
	s20 =	rddreg [dreg:$0x6];
	[sflag:s21] =	ssyncadd.s32 $0xFFFFB000  }
0x36: {  	[tilespmem:s14], [sflag:$0x5] =	stream.linear.gather [hbm4b:s20+s12], $0x5000, $0x38;
	[tilespmem:$0x1F980] =	vst v63  }
0x37: {  	_ =	swait.ge [sflag:s21], $0x5000  }
0x38: {  	[sflag:s21] =	ssyncset.done $0x0  }
0x39: {  	s12 =	simm.s32 $0xA420;
	[sflag:s21] =	ssyncadd.s32 $0xFFFFB000  }
0x3a: {  	[tilespmem:s12+$0xFFFFFFE0] =	vst v0  }
0x3b: {  	[tilespmem:s12+$0x10] =	vst v0  }
0x3c: {  	[tilespmem:s12+$0x0] =	vst v0  }
0x3d: {  	s13 =	simm.s32 $0x40;
	s14 =	simm.s32 $0x0;
	[tilespmem:s12+$0xFFFFFFF0] =	vst v0  }
.LBB2_2:
0x3e: {  	p1 =	sne.s32 s13, $0x1FC0  }
0x3f: {  	[tilespmem:s14+$0x12400] =	vst v1;
	s12 =	sadd.s32 $0x40, s12;
	s15 =	smov.u32 s13;
	s13 =	sadd.s32 $0x40, s13  }
.Ltmp2:
0x40: {  	[tilespmem:s14+$0x12C00] =	vst v0;
	(pc) =	sbr.rel @p1 .LBB2_2-.Ltmp2, $4  }
0x41: {  	[tilespmem:s12+$0xFFFFFFE0] =	vst v0  }
0x42: {  	[tilespmem:s12+$0x10] =	vst v0  }
0x43: {  	[tilespmem:s12+$0x0] =	vst v0  }
0x44: {  	s14 =	sshra.s32 s15, $0x2;
	[tilespmem:s12+$0xFFFFFFF0] =	vst v0  }
0x45: {  	[tilespmem:s14+$0x12400] =	vst v1  }
0x46: {  	[tilespmem:s14+$0x12C00] =	vst v0;
	s12 =	rddreg [dreg:$0xc]  }
0x47: {  	[spmem:s12] =	stream.linear.scatter [tilespmem:s23], [sflag:$0x5], $0x2000, $0x38;
	[tilespmem:$0x1F980] =	vst v63  }
0x48: {  	_ =	swait.ge [sflag:s21], $0x2000  }
0x49: {  	[sflag:s21] =	ssyncset.done $0x0  }
0x4a: {  	s17 =	rddreg [dreg:$0xd];
	[sflag:s21] =	ssyncadd.s32 $0xFFFFE000  }
0x4b: {  	[spmem:s17] =	stream.linear.scatter [tilespmem:s26], [sflag:$0x5], $0x800, $0x38;
	[tilespmem:$0x1F980] =	vst v63  }
0x4c: {  	_ =	swait.ge [sflag:s21], $0x800  }
0x4d: {  	[sflag:s21] =	ssyncset.done $0x0  }
0x4e: {  	s18 =	rddreg [dreg:$0xe];
	[sflag:s21] =	ssyncadd.s32 $0xFFFFF800  }
0x4f: {  	[spmem:s18] =	stream.linear.scatter [tilespmem:s23], [sflag:$0x5], $0x2000, $0x38;
	[tilespmem:$0x1F980] =	vst v63  }
0x50: {  	_ =	swait.ge [sflag:s21], $0x2000  }
0x51: {  	[sflag:s21] =	ssyncset.done $0x0  }
0x52: {  	s19 =	rddreg [dreg:$0xf];
	[sflag:s21] =	ssyncadd.s32 $0xFFFFE000  }
0x53: {  	[spmem:s19] =	stream.linear.scatter [tilespmem:s26], [sflag:$0x5], $0x800, $0x38;
	[tilespmem:$0x1F980] =	vst v63  }
0x54: {  	_ =	swait.ge [sflag:s21], $0x800  }
0x55: {  	[sflag:s21] =	ssyncset.done $0x0  }
0x56: {  	s20 =	rddreg [dreg:$0x10];
	[sflag:s21] =	ssyncadd.s32 $0xFFFFF800  }
0x57: {  	[spmem:s20] =	stream.linear.scatter [tilespmem:s23], [sflag:$0x5], $0x2000, $0x38;
	[tilespmem:$0x1F980] =	vst v63  }
0x58: {  	_ =	swait.ge [sflag:s21], $0x2000  }
0x59: {  	[sflag:s21] =	ssyncset.done $0x0  }
0x5a: {  	s13 =	rddreg [dreg:$0x11];
	[sflag:s21] =	ssyncadd.s32 $0xFFFFE000  }
0x5b: {  	[spmem:s13] =	stream.linear.scatter [tilespmem:s26], [sflag:$0x5], $0x800, $0x38;
	[tilespmem:$0x1F980] =	vst v63  }
0x5c: {  	_ =	swait.ge [sflag:s21], $0x800  }
0x5d: {  	[sflag:s21] =	ssyncset.done $0x0  }
0x5e: {  	s14 =	rddreg [dreg:$0x12];
	[sflag:s21] =	ssyncadd.s32 $0xFFFFF800  }
0x5f: {  	[spmem:s14] =	stream.linear.scatter [tilespmem:s23], [sflag:$0x5], $0x2000, $0x38;
	[tilespmem:$0x1F980] =	vst v63  }
0x60: {  	_ =	swait.ge [sflag:s21], $0x2000  }
0x61: {  	[sflag:s21] =	ssyncset.done $0x0  }
0x62: {  	s15 =	rddreg [dreg:$0x13];
	[sflag:s21] =	ssyncadd.s32 $0xFFFFE000  }
0x63: {  	[spmem:s15] =	stream.linear.scatter [tilespmem:s26], [sflag:$0x5], $0x800, $0x38;
	[tilespmem:$0x1F980] =	vst v63  }
0x64: {  	_ =	swait.ge [sflag:s21], $0x800  }
0x65: {  	[sflag:s21] =	ssyncset.done $0x0  }
0x66: {  	s16 =	rddreg [dreg:$0x7];
	[sflag:s21] =	ssyncadd.s32 $0xFFFFF800  }
0x67: {  	[spmem:s16] =	stream.linear.scatter [tilespmem:s23], [sflag:$0x5], $0x1E00, $0x38;
	[tilespmem:$0x1F980] =	vst v63  }
0x68: {  	_ =	swait.ge [sflag:s21], $0x1E00  }
0x69: {  	[sflag:s21] =	ssyncset.done $0x0  }
0x6a: {  	s17 =	rddreg [dreg:$0x8];
	[sflag:s21] =	ssyncadd.s32 $0xFFFFE200  }
0x6b: {  	[spmem:s17] =	stream.linear.scatter [tilespmem:s26], [sflag:$0x5], $0x780, $0x38;
	[tilespmem:$0x1F980] =	vst v63  }
0x6c: {  	_ =	swait.ge [sflag:s21], $0x780  }
0x6d: {  	[sflag:s21] =	ssyncset.done $0x0  }
0x6e: {  	[sflag:s21] =	ssyncadd.s32 $0xFFFFF880  }
0x6f: {  	[bflag:$0x0] =	sbarrier.arrive $0xFFFF  }
0x70: {  	v2 =	vld [tilespmem:$0x0]  }
0x71: {  	v3 =	vld [tilespmem:$0x10]  }
0x72: {  	v4 =	vld [tilespmem:$0x20]  }
0x73: {  	v5 =	vld [tilespmem:$0x30]  }
0x74: {  	v6 =	vld [tilespmem:$0x40]  }
0x75: {  	v51 =	vld [tilespmem:$0x70];
	[tilespmem:$0xA000] =	vst v2  }
0x76: {  	v2 =	vld [tilespmem:$0x50];
	[tilespmem:$0xA010] =	vst v3  }
0x77: {  	v3 =	vld [tilespmem:$0x60];
	[tilespmem:$0xA020] =	vst v4  }
0x78: {  	[tilespmem:$0xA030] =	vst v5  }
0x79: {  	[tilespmem:$0xA040] =	vst v6  }
0x7a: {  	[tilespmem:$0xA070] =	vst v51  }
0x7b: {  	[tilespmem:$0xA050] =	vst v2  }
0x7c: {  	s18 =	simm.s32 $0xA000;
	[tilespmem:$0xA060] =	vst v3  }
0x7d: {  	[tilespmem:s23], [sflag:$0x1] =	stream.indirect.gather [hbm4b:s5+s28], $0x40, s18, s28, $0xb8;
	[tilespmem:$0x1F980] =	vst v63  }
0x7e: {  	v2 =	vld [tilespmem:$0x80]  }
0x7f: {  	v3 =	vld [tilespmem:$0x90]  }
0x80: {  	v52 =	vld [tilespmem:$0xA0]  }
0x81: {  	v53 =	vld [tilespmem:$0xB0]  }
0x82: {  	v54 =	vld [tilespmem:$0xC0]  }
0x83: {  	v55 =	vld [tilespmem:$0xF0];
	[tilespmem:$0xA080] =	vst v2  }
0x84: {  	v2 =	vld [tilespmem:$0xD0];
	[tilespmem:$0xA090] =	vst v3  }
0x85: {  	v3 =	vld [tilespmem:$0xE0];
	[tilespmem:$0xA0A0] =	vst v52  }
0x86: {  	[tilespmem:$0xA0B0] =	vst v53  }
0x87: {  	[tilespmem:$0xA0C0] =	vst v54  }
0x88: {  	[tilespmem:$0xA0F0] =	vst v55  }
0x89: {  	[tilespmem:$0xA0D0] =	vst v2  }
0x8a: {  	s19 =	simm.s32 $0xA080;
	[tilespmem:$0xA0E0] =	vst v3  }
0x8b: {  	[tilespmem:s31], [sflag:$0x2] =	stream.indirect.gather [hbm4b:s5+s28], $0x40, s19, s28, $0xb8;
	[tilespmem:$0x1F980] =	vst v63  }
0x8c: {  	v2 =	vld [tilespmem:$0x100]  }
0x8d: {  	v3 =	vld [tilespmem:$0x110]  }
0x8e: {  	v56 =	vld [tilespmem:$0x120]  }
0x8f: {  	v57 =	vld [tilespmem:$0x130]  }
0x90: {  	v58 =	vld [tilespmem:$0x140]  }
0x91: {  	v59 =	vld [tilespmem:$0x170];
	[tilespmem:$0xA100] =	vst v2  }
0x92: {  	v2 =	vld [tilespmem:$0x150];
	[tilespmem:$0xA110] =	vst v3  }
0x93: {  	v3 =	vld [tilespmem:$0x160];
	[tilespmem:$0xA120] =	vst v56  }
0x94: {  	[tilespmem:$0xA130] =	vst v57  }
0x95: {  	[tilespmem:$0xA140] =	vst v58  }
0x96: {  	[tilespmem:$0xA170] =	vst v59  }
0x97: {  	[tilespmem:$0xA150] =	vst v2  }
0x98: {  	s20 =	simm.s32 $0xA100;
	[tilespmem:$0xA160] =	vst v3  }
0x99: {  	[tilespmem:s22], [sflag:$0x3] =	stream.indirect.gather [hbm4b:s5+s28], $0x40, s20, s28, $0xb8;
	[tilespmem:$0x1F980] =	vst v63  }
0x9a: {  	v2 =	vld [tilespmem:$0x180]  }
0x9b: {  	v3 =	vld [tilespmem:$0x190]  }
0x9c: {  	v60 =	vld [tilespmem:$0x1A0]  }
0x9d: {  	v61 =	vld [tilespmem:$0x1B0]  }
0x9e: {  	v62 =	vld [tilespmem:$0x1C0]  }
0x9f: {  	v63 =	vld [tilespmem:$0x1F0];
	[tilespmem:$0xA180] =	vst v2  }
0xa0: {  	v2 =	vld [tilespmem:$0x1D0];
	[tilespmem:$0xA190] =	vst v3  }
0xa1: {  	v3 =	vld [tilespmem:$0x1E0];
	[tilespmem:$0xA1A0] =	vst v60  }
0xa2: {  	[tilespmem:$0xA1B0] =	vst v61  }
0xa3: {  	[tilespmem:$0xA1C0] =	vst v62  }
0xa4: {  	[tilespmem:$0xA1F0] =	vst v63  }
0xa5: {  	[tilespmem:$0xA1D0] =	vst v2  }
0xa6: {  	s12 =	simm.s32 $0x0;
	s13 =	simm.s32 $0x5100;
	s14 =	simm.s32 $0x3F0;
	[tilespmem:$0xA1E0] =	vst v3  }
0xa7: {  	[tilespmem:s30], [sflag:$0x4] =	stream.indirect.gather [hbm4b:s5+s28], $0x40, s29, s28, $0xb8;
	[tilespmem:$0x1F980] =	vst v63  }
.LBB2_4:
0xa8: {  	v2 =	vld [tilespmem:s13+$0xFFFFFF00];
	_ =	sdelay $0x4  }
0xa9: {  	[tilespmem:$0xA200] =	vst v2  }
0xaa: {  	v2 =	vld [tilespmem:s13+$0xFFFFFF10];
	_ =	sdelay $0x4  }
0xab: {  	[tilespmem:$0xA210] =	vst v2  }
0xac: {  	v2 =	vld [tilespmem:s13+$0xFFFFFF20];
	_ =	sdelay $0x4  }
0xad: {  	[tilespmem:$0xA220] =	vst v2  }
0xae: {  	v2 =	vld [tilespmem:s13+$0xFFFFFF30];
	_ =	sdelay $0x4  }
0xaf: {  	[tilespmem:$0xA230] =	vst v2  }
0xb0: {  	v2 =	vld [tilespmem:s13+$0xFFFFFF40];
	_ =	sdelay $0x4  }
0xb1: {  	[tilespmem:$0xA240] =	vst v2  }
0xb2: {  	v2 =	vld [tilespmem:s13+$0xFFFFFF50];
	_ =	sdelay $0x4  }
0xb3: {  	[tilespmem:$0xA250] =	vst v2  }
0xb4: {  	v2 =	vld [tilespmem:s13+$0xFFFFFF60];
	_ =	sdelay $0x4  }
0xb5: {  	[tilespmem:$0xA260] =	vst v2  }
0xb6: {  	v2 =	vld [tilespmem:s13+$0xFFFFFF70];
	_ =	sdelay $0x4  }
0xb7: {  	[tilespmem:$0xA270] =	vst v2  }
0xb8: {  	p3 =	sgt.u32 s12, $0x13;
	_ =	swait.ge [sflag:s1], $0x2000  }
0xb9: {  	s15 =	simm.s32 $0x1;
	s16 =	simm.s32 $0x1;
	[sflag:s1] =	ssyncset.done $0x0  }
0xba: {  	s15 =	simm.s32 @!p3 $0x0;
	s16 =	simm.s32 @!p0 $0x0;
	[sflag:s1] =	ssyncadd.s32 $0xFFFFE000  }
0xbb: {  	[spmem:s2] =	stream.indirect.scatter.add.f32 [tilespmem:s23], [sflag:$0x5], $0x40, s0, s28, $0xb8;
	[tilespmem:$0x1F980] =	vst v63  }
0xbc: {  	p1 =	seq.s32 s16, s15;
	_ =	swait.ge [sflag:s21], $0x2000  }
0xbd: {  	s15 =	simm.s32 @!p1 $0x80;
	[sflag:s21] =	ssyncset.done $0x0  }
0xbe: {  	s16 =	simm.s32 @!p1 $0xA200;
	s17 =	simm.s32 @!p1 $0x12400;
	[sflag:s21] =	ssyncadd.s32 $0xFFFFE000  }
0xbf: {  	[spmem:s3] =	stream.indirect.scatter.add.f32 @!p1 [tilespmem:s17], [sflag:$0x5], $0x10, s16, s15, $0xb8;
	[tilespmem:$0x1F980] =	vst v63  }
0xc0: {  	s15 =	simm.s32 @!p1 $0x5  }
0xc1: {  	_ =	swait.ge @!p1 [sflag:s15], $0x800  }
0xc2: {  	[sflag:s15] =	ssyncset.done @!p1 $0x0  }
0xc3: {  	[sflag:s15] =	ssyncadd.s32 @!p1 $0xFFFFF800;
	p1 =	seq.s32 s12, $0x27  }
0xc4: {  	v2 =	vld @!p1 [tilespmem:s14+$0xFFFFFE10];
	_ =	sdelay $0x4  }
0xc5: {  	[tilespmem:$0xA000] =	vst @!p1 v2  }
0xc6: {  	v2 =	vld @!p1 [tilespmem:s14+$0xFFFFFE20];
	_ =	sdelay $0x4  }
0xc7: {  	[tilespmem:$0xA010] =	vst @!p1 v2  }
0xc8: {  	v2 =	vld @!p1 [tilespmem:s14+$0xFFFFFE30];
	_ =	sdelay $0x4  }
0xc9: {  	[tilespmem:$0xA020] =	vst @!p1 v2  }
0xca: {  	v2 =	vld @!p1 [tilespmem:s14+$0xFFFFFE40];
	_ =	sdelay $0x4  }
0xcb: {  	[tilespmem:$0xA030] =	vst @!p1 v2  }
0xcc: {  	v2 =	vld @!p1 [tilespmem:s14+$0xFFFFFE50];
	_ =	sdelay $0x4  }
0xcd: {  	[tilespmem:$0xA040] =	vst @!p1 v2  }
0xce: {  	v2 =	vld @!p1 [tilespmem:s14+$0xFFFFFE60];
	_ =	sdelay $0x4  }
0xcf: {  	[tilespmem:$0xA050] =	vst @!p1 v2  }
0xd0: {  	v2 =	vld @!p1 [tilespmem:s14+$0xFFFFFE70];
	_ =	sdelay $0x4  }
0xd1: {  	[tilespmem:$0xA060] =	vst @!p1 v2  }
0xd2: {  	v2 =	vld @!p1 [tilespmem:s14+$0xFFFFFE80];
	_ =	sdelay $0x4  }
0xd3: {  	s15 =	simm.s32 @!p1 $0x80;
	s16 =	simm.s32 @!p1 $0xA000;
	s17 =	simm.s32 @!p1 $0xA400;
	[tilespmem:$0xA070] =	vst @!p1 v2  }
0xd4: {  	[tilespmem:s17], [sflag:$0x1] =	stream.indirect.gather @!p1 [hbm4b:s5+s15], $0x40, s16, s15, $0xb8;
	[tilespmem:$0x1F980] =	vst v63  }
0xd5: {  	v2 =	vld [tilespmem:s13+$0xFFFFFF80];
	_ =	sdelay $0x4  }
0xd6: {  	[tilespmem:$0xA280] =	vst v2  }
0xd7: {  	v2 =	vld [tilespmem:s13+$0xFFFFFF90];
	_ =	sdelay $0x4  }
0xd8: {  	[tilespmem:$0xA290] =	vst v2  }
0xd9: {  	v2 =	vld [tilespmem:s13+$0xFFFFFFA0];
	_ =	sdelay $0x4  }
0xda: {  	[tilespmem:$0xA2A0] =	vst v2  }
0xdb: {  	v2 =	vld [tilespmem:s13+$0xFFFFFFB0];
	_ =	sdelay $0x4  }
0xdc: {  	[tilespmem:$0xA2B0] =	vst v2  }
0xdd: {  	v2 =	vld [tilespmem:s13+$0xFFFFFFC0];
	_ =	sdelay $0x4  }
0xde: {  	[tilespmem:$0xA2C0] =	vst v2  }
0xdf: {  	v2 =	vld [tilespmem:s13+$0xFFFFFFD0];
	_ =	sdelay $0x4  }
0xe0: {  	[tilespmem:$0xA2D0] =	vst v2  }
0xe1: {  	v2 =	vld [tilespmem:s13+$0xFFFFFFE0];
	_ =	sdelay $0x4  }
0xe2: {  	[tilespmem:$0xA2E0] =	vst v2  }
0xe3: {  	v2 =	vld [tilespmem:s13+$0xFFFFFFF0];
	_ =	sdelay $0x4  }
0xe4: {  	[tilespmem:$0xA2F0] =	vst v2  }
0xe5: {  	_ =	swait.ge [sflag:s4], $0x2000  }
0xe6: {  	[sflag:s4] =	ssyncset.done $0x0  }
0xe7: {  	p2 =	por !p3, !p3;
	[sflag:s4] =	ssyncadd.s32 $0xFFFFE000  }
0xe8: {  	[spmem:s2] =	stream.indirect.scatter.add.f32 [tilespmem:s31], [sflag:$0x5], $0x40, s6, s28, $0xb8;
	[tilespmem:$0x1F980] =	vst v63  }
0xe9: {  	p2 =	por @!p0 p3, p3;
	_ =	swait.ge [sflag:s21], $0x2000  }
0xea: {  	s18 =	simm.s32 @p2 $0x12400;
	[sflag:s21] =	ssyncset.done $0x0  }
0xeb: {  	s16 =	simm.s32 @p2 $0x80;
	s17 =	simm.s32 @p2 $0xA280;
	[sflag:s21] =	ssyncadd.s32 $0xFFFFE000  }
0xec: {  	[spmem:s3] =	stream.indirect.scatter.add.f32 @p2 [tilespmem:s18], [sflag:$0x5], $0x10, s17, s16, $0xb8;
	[tilespmem:$0x1F980] =	vst v63  }
0xed: {  	s17 =	simm.s32 @p2 $0x5  }
0xee: {  	_ =	swait.ge @p2 [sflag:s17], $0x800  }
0xef: {  	[sflag:s17] =	ssyncset.done @p2 $0x0  }
0xf0: {  	[sflag:s17] =	ssyncadd.s32 @p2 $0xFFFFF800  }
0xf1: {  	v2 =	vld @!p1 [tilespmem:s14+$0xFFFFFE90];
	_ =	sdelay $0x4  }
0xf2: {  	[tilespmem:$0xA080] =	vst @!p1 v2  }
0xf3: {  	v2 =	vld @!p1 [tilespmem:s14+$0xFFFFFEA0];
	_ =	sdelay $0x4  }
0xf4: {  	[tilespmem:$0xA090] =	vst @!p1 v2  }
0xf5: {  	v2 =	vld @!p1 [tilespmem:s14+$0xFFFFFEB0];
	_ =	sdelay $0x4  }
0xf6: {  	[tilespmem:$0xA0A0] =	vst @!p1 v2  }
0xf7: {  	v2 =	vld @!p1 [tilespmem:s14+$0xFFFFFEC0];
	_ =	sdelay $0x4  }
0xf8: {  	[tilespmem:$0xA0B0] =	vst @!p1 v2  }
0xf9: {  	v2 =	vld @!p1 [tilespmem:s14+$0xFFFFFED0];
	_ =	sdelay $0x4  }
0xfa: {  	[tilespmem:$0xA0C0] =	vst @!p1 v2  }
0xfb: {  	v2 =	vld @!p1 [tilespmem:s14+$0xFFFFFEE0];
	_ =	sdelay $0x4  }
0xfc: {  	[tilespmem:$0xA0D0] =	vst @!p1 v2  }
0xfd: {  	v2 =	vld @!p1 [tilespmem:s14+$0xFFFFFEF0];
	_ =	sdelay $0x4  }
0xfe: {  	[tilespmem:$0xA0E0] =	vst @!p1 v2  }
0xff: {  	v2 =	vld @!p1 [tilespmem:s14+$0xFFFFFF00];
	_ =	sdelay $0x4  }
0x100: {  	s19 =	simm.s32 @!p1 $0xA080;
	s20 =	simm.s32 @!p1 $0xC400;
	[tilespmem:$0xA0F0] =	vst @!p1 v2  }
0x101: {  	[tilespmem:s20], [sflag:$0x2] =	stream.indirect.gather @!p1 [hbm4b:s5+s15], $0x40, s19, s15, $0xb8;
	[tilespmem:$0x1F980] =	vst v63  }
0x102: {  	v2 =	vld [tilespmem:s13+$0x0];
	_ =	sdelay $0x4  }
0x103: {  	[tilespmem:$0xA300] =	vst v2  }
0x104: {  	v2 =	vld [tilespmem:s13+$0x10];
	_ =	sdelay $0x4  }
0x105: {  	[tilespmem:$0xA310] =	vst v2  }
0x106: {  	v2 =	vld [tilespmem:s13+$0x20];
	_ =	sdelay $0x4  }
0x107: {  	[tilespmem:$0xA320] =	vst v2  }
0x108: {  	v2 =	vld [tilespmem:s13+$0x30];
	_ =	sdelay $0x4  }
0x109: {  	[tilespmem:$0xA330] =	vst v2  }
0x10a: {  	v2 =	vld [tilespmem:s13+$0x40];
	_ =	sdelay $0x4  }
0x10b: {  	[tilespmem:$0xA340] =	vst v2  }
0x10c: {  	v2 =	vld [tilespmem:s13+$0x50];
	_ =	sdelay $0x4  }
0x10d: {  	[tilespmem:$0xA350] =	vst v2  }
0x10e: {  	v2 =	vld [tilespmem:s13+$0x60];
	_ =	sdelay $0x4  }
0x10f: {  	[tilespmem:$0xA360] =	vst v2  }
0x110: {  	v2 =	vld [tilespmem:s13+$0x70];
	_ =	sdelay $0x4  }
0x111: {  	[tilespmem:$0xA370] =	vst v2  }
0x112: {  	_ =	swait.ge [sflag:s7], $0x2000  }
0x113: {  	[sflag:s7] =	ssyncset.done $0x0  }
0x114: {  	[sflag:s7] =	ssyncadd.s32 $0xFFFFE000  }
0x115: {  	[spmem:s2] =	stream.indirect.scatter.add.f32 [tilespmem:s22], [sflag:$0x5], $0x40, s8, s28, $0xb8;
	[tilespmem:$0x1F980] =	vst v63  }
0x116: {  	_ =	swait.ge [sflag:s21], $0x2000  }
0x117: {  	[sflag:s21] =	ssyncset.done $0x0  }
0x118: {  	s19 =	simm.s32 @p2 $0xA300;
	[sflag:s21] =	ssyncadd.s32 $0xFFFFE000  }
0x119: {  	[spmem:s3] =	stream.indirect.scatter.add.f32 @p2 [tilespmem:s18], [sflag:$0x5], $0x10, s19, s16, $0xb8;
	[tilespmem:$0x1F980] =	vst v63  }
0x11a: {  	_ =	swait.ge @p2 [sflag:s17], $0x800  }
0x11b: {  	[sflag:s17] =	ssyncset.done @p2 $0x0  }
0x11c: {  	[sflag:s17] =	ssyncadd.s32 @p2 $0xFFFFF800  }
0x11d: {  	v2 =	vld @!p1 [tilespmem:s14+$0xFFFFFF10];
	_ =	sdelay $0x4  }
0x11e: {  	[tilespmem:$0xA100] =	vst @!p1 v2  }
0x11f: {  	v2 =	vld @!p1 [tilespmem:s14+$0xFFFFFF20];
	_ =	sdelay $0x4  }
0x120: {  	[tilespmem:$0xA110] =	vst @!p1 v2  }
0x121: {  	v2 =	vld @!p1 [tilespmem:s14+$0xFFFFFF30];
	_ =	sdelay $0x4  }
0x122: {  	[tilespmem:$0xA120] =	vst @!p1 v2  }
0x123: {  	v2 =	vld @!p1 [tilespmem:s14+$0xFFFFFF40];
	_ =	sdelay $0x4  }
0x124: {  	[tilespmem:$0xA130] =	vst @!p1 v2  }
0x125: {  	v2 =	vld @!p1 [tilespmem:s14+$0xFFFFFF50];
	_ =	sdelay $0x4  }
0x126: {  	[tilespmem:$0xA140] =	vst @!p1 v2  }
0x127: {  	v2 =	vld @!p1 [tilespmem:s14+$0xFFFFFF60];
	_ =	sdelay $0x4  }
0x128: {  	[tilespmem:$0xA150] =	vst @!p1 v2  }
0x129: {  	v2 =	vld @!p1 [tilespmem:s14+$0xFFFFFF70];
	_ =	sdelay $0x4  }
0x12a: {  	[tilespmem:$0xA160] =	vst @!p1 v2  }
0x12b: {  	v2 =	vld @!p1 [tilespmem:s14+$0xFFFFFF80];
	_ =	sdelay $0x4  }
0x12c: {  	s20 =	simm.s32 @!p1 $0xE400;
	s19 =	simm.s32 @!p1 $0xA100;
	[tilespmem:$0xA170] =	vst @!p1 v2  }
0x12d: {  	[tilespmem:s20], [sflag:$0x3] =	stream.indirect.gather @!p1 [hbm4b:s5+s15], $0x40, s19, s15, $0xb8;
	[tilespmem:$0x1F980] =	vst v63  }
0x12e: {  	v2 =	vld [tilespmem:s13+$0x80];
	_ =	sdelay $0x4  }
0x12f: {  	[tilespmem:$0xA380] =	vst v2  }
0x130: {  	v2 =	vld [tilespmem:s13+$0x90];
	_ =	sdelay $0x4  }
0x131: {  	[tilespmem:$0xA390] =	vst v2  }
0x132: {  	v2 =	vld [tilespmem:s13+$0xA0];
	_ =	sdelay $0x4  }
0x133: {  	[tilespmem:$0xA3A0] =	vst v2  }
0x134: {  	v2 =	vld [tilespmem:s13+$0xB0];
	_ =	sdelay $0x4  }
0x135: {  	[tilespmem:$0xA3B0] =	vst v2  }
0x136: {  	v2 =	vld [tilespmem:s13+$0xC0];
	_ =	sdelay $0x4  }
0x137: {  	[tilespmem:$0xA3C0] =	vst v2  }
0x138: {  	v2 =	vld [tilespmem:s13+$0xD0];
	_ =	sdelay $0x4  }
0x139: {  	[tilespmem:$0xA3D0] =	vst v2  }
0x13a: {  	v2 =	vld [tilespmem:s13+$0xE0];
	_ =	sdelay $0x4  }
0x13b: {  	[tilespmem:$0xA3E0] =	vst v2  }
0x13c: {  	v2 =	vld [tilespmem:s13+$0xF0];
	_ =	sdelay $0x4  }
0x13d: {  	[tilespmem:$0xA3F0] =	vst v2  }
0x13e: {  	_ =	swait.ge [sflag:s9], $0x2000  }
0x13f: {  	[sflag:s9] =	ssyncset.done $0x0  }
0x140: {  	[sflag:s9] =	ssyncadd.s32 $0xFFFFE000  }
0x141: {  	[spmem:s2] =	stream.indirect.scatter.add.f32 [tilespmem:s30], [sflag:$0x5], $0x40, s10, s28, $0xb8;
	[tilespmem:$0x1F980] =	vst v63  }
0x142: {  	_ =	swait.ge [sflag:s21], $0x2000  }
0x143: {  	[sflag:s21] =	ssyncset.done $0x0  }
.Ltmp3:
0x144: {  	s15 =	simm.s32 @p2 $0xA380;
	[sflag:s21] =	ssyncadd.s32 $0xFFFFE000;
	(pc) =	sbr.rel @p1 .LBB2_6-.Ltmp3, $4  }
0x145: {  	[spmem:s3] =	stream.indirect.scatter.add.f32 @p2 [tilespmem:s18], [sflag:$0x5], $0x10, s15, s16, $0xb8;
	[tilespmem:$0x1F980] =	vst v63  }
0x146: {  	_ =	swait.ge @p2 [sflag:s17], $0x800  }
0x147: {  	[sflag:s17] =	ssyncset.done @p2 $0x0  }
0x148: {  	[sflag:s17] =	ssyncadd.s32 @p2 $0xFFFFF800  }
0x149: {  	v2 =	vld [tilespmem:s14+$0xFFFFFF90];
	_ =	sdelay $0x4  }
0x14a: {  	[tilespmem:$0xA180] =	vst v2  }
0x14b: {  	v2 =	vld [tilespmem:s14+$0xFFFFFFA0];
	_ =	sdelay $0x4  }
0x14c: {  	[tilespmem:$0xA190] =	vst v2  }
0x14d: {  	v2 =	vld [tilespmem:s14+$0xFFFFFFB0];
	_ =	sdelay $0x4  }
0x14e: {  	[tilespmem:$0xA1A0] =	vst v2  }
0x14f: {  	v2 =	vld [tilespmem:s14+$0xFFFFFFC0];
	_ =	sdelay $0x4  }
0x150: {  	[tilespmem:$0xA1B0] =	vst v2  }
0x151: {  	v2 =	vld [tilespmem:s14+$0xFFFFFFD0];
	_ =	sdelay $0x4  }
0x152: {  	[tilespmem:$0xA1C0] =	vst v2  }
0x153: {  	v2 =	vld [tilespmem:s14+$0xFFFFFFE0];
	_ =	sdelay $0x4  }
0x154: {  	[tilespmem:$0xA1D0] =	vst v2  }
0x155: {  	v2 =	vld [tilespmem:s14+$0xFFFFFFF0];
	_ =	sdelay $0x4  }
0x156: {  	[tilespmem:$0xA1E0] =	vst v2  }
0x157: {  	v2 =	vld [tilespmem:s14+$0x0];
	_ =	sdelay $0x1  }
.Ltmp4:
0x158: {  	_ = 	snop;
	(pc) =	sbr.rel .LBB2_4-.Ltmp4, $3  }
0x159: {  	_ =	sdelay $0x1  }
0x15a: {  	s12 =	sadd.s32 $0x1, s12;
	s13 =	sadd.s32 $0x200, s13;
	s14 =	sadd.s32 $0x200, s14;
	[tilespmem:$0xA1F0] =	vst v2  }
0x15b: {  	[tilespmem:s30], [sflag:$0x4] =	stream.indirect.gather [hbm4b:s5+s28], $0x40, s29, s28, $0xb8;
	[tilespmem:$0x1F980] =	vst v63  }
.LBB2_7:
0x15c: {  	_ =	sfence.sel $0x180000  }
0x15d: {  	[bflag:$0x0] =	sbarrier.arrive $0xFFFF  }
0x15e: {  	_ =	strace $0x90000047  }
0x15f: {  	s0 =	stileid.u32;
	[bflag:$0x2] =	sbarrier.arrive $0xFFFF  }
0x160: {  	p0 =	sne.s32 s0, $0x0;
	s0 =	rddreg [dreg:$0x4]  }
0x161: {  	s0 =	sadd.s32 @!p0 $0x100000, s0  }
0x162: {  	[sflag:s0] =	ssyncadd.tile.s32 @!p0 $0x1;
	_ =	shalt  }
.Lfunc_end2:
_tile_overlayer_lowered:
.L_overlay_start_2:
0x163: {  	(tag) =	ssettag $0x2  }
0x164: {  	s0 =	rddreg [dreg:$0x0];
	s2 =	stileid.u32  }
0x165: {  	s1 =	rddreg [dreg:$0x1];
	p0 =	sne.s32 s2, $0x0  }
0x166: {  	s3 =	rddreg [dreg:$0x2];
	[bflag:$0x3] =	sbarrier.arrive $0xFFFF;
	s2 =	simm.s32 @!p0 $0x1C05  }
0x167: {  	[timem:s3], [sflag:s2] =	dma.local @!p0 [hbm:s0], s1  }
0x168: {  	s0 =	simm.s32 @!p0 $0x5  }
0x169: {  	_ =	swait.ge @!p0 [sflag:s0], s1  }
0x16a: {  	s1 =	ssub.s32 @!p0 $0x0, s1;
	[sflag:s0] =	ssyncset.done @!p0 $0x0  }
0x16b: {  	[sflag:s0] =	ssyncadd.s32 @!p0 s1  }
0x16c: {  	[bflag:$0x3] =	sbarrier.arrive $0xFFFF  }
0x16d: {  	_ =	shalt  }

// kernel: kernel.9.cloned.1.call-start
scs
__scs_entry_jumppad:
0x0: {  	(pc) =	sbr.rel $0x88, $3  }
0x1: {  	(tag) =	ssettag $0x0;
	lr =	simm.s32 $0x1  }
0x2: {  	[smem:$0x3F99] =	sst lr;
	_ =	strace $0xD0000000  }
0x3: {  	_ = 	snop  }
0x4: {  	_ = 	snop  }
0x5: {  	_ = 	snop  }
0x6: {  	_ = 	snop  }
0x7: {  	_ = 	snop  }
__scs_overlays_trampoline_lowered:
0x8: {  	[smem:$0x3FA8] =	sst s0  }
0x9: {  	[smem:$0x3FA9] =	sst s1  }
0xa: {  	[smem:$0x3FAA] =	sst s2  }
0xb: {  	[smem:$0x3FAB] =	sst s3  }
0xc: {  	[smem:$0x3FAC] =	sst s4  }
0xd: {  	[smem:$0x3FAD] =	sst s5  }
0xe: {  	[smem:$0x3FAE] =	sst s6  }
0xf: {  	[smem:$0x3FAF] =	sst s7  }
0x10: {  	[smem:$0x3FB0] =	sst s8  }
0x11: {  	[smem:$0x3FB1] =	sst s9;
	s0 =	simm.s32 @!p0 $0x0  }
0x12: {  	s1 =	sld [smem:$0x3F97];
	s0 =	simm.s32 @p0 $0x1  }
0x13: {  	[smem:$0x3FB2] =	sst s0;
	s0 =	simm.s32 @!p1 $0x0  }
0x14: {  	s2 =	sld [smem:$0x3F96];
	s0 =	simm.s32 @p1 $0x1  }
0x15: {  	[smem:$0x3FB3] =	sst s0;
	s0 =	simm.s32 @!p2 $0x0  }
0x16: {  	s3 =	sld [smem:$0x3FDB];
	s0 =	simm.s32 @p2 $0x1  }
0x17: {  	s4 =	simm.s32 $0x1BF5;
	[smem:$0x3FB5] =	sst s0  }
0x18: {  	s0 =	sld [smem:$0x3F98];
	_ =	swait.ge [sflag:s4], $0x0  }
0x19: {  	s7 =	sld [smem:$0x3F99]  }
0x1a: {  	s8 =	sadd.s32 $0xFFFFE003, lr  }
0x1b: {  	s9 =	sadd.s32 $0xFFFFFEF7, lr;
	s5 =	simm.s32 $0xFFFFFFFF;
	p2 =	slt.u32 s8, $0xFFFFF086  }
0x1c: {  	p1 =	slt.u32 s9, $0xF7A;
	s5 =	simm.s32 @!p2 $0x0  }
0x1d: {  	s5 =	simm.s32 @p1 $0x1;
	p0 =	seq.s32 s7, s2  }
0x1e: {  	s7 =	smul.u32 @!p0 $0xF7A, s2;
	p2 =	seq.s32 @!p0 s5, $0x0  }
0x1f: {  	s9 =	smul.u32 $0xF7A, s1;
	s8 =	simm.s32 @!p0 $0x1BF5;
	p2 =	por !p2, p0  }
0x20: {  	[sflag:s8] =	ssyncset.s32 @!p0 $0xFFFFF086;
	s6 =	sadd.s32 @!p0 s3, s7;
	s7 =	simm.s32 @!p0 $0x108  }
0x21: {  	s3 =	sadd.s32 s3, s9;
	s6 =	sadd.s32 @!p0 $0x88, s6;
	s7 =	simm.s32 @p2 $0x1082  }
0x22: {  	[simem:s7], [sflag:s8] =	dma.local @!p0 [hbm:s6], $0xF7A  }
0x23: {  	s9 =	sor.u32 $0xD0000000, s2;
	s6 =	simm.s32 $0x108;
	_ =	swait.ge @!p0 [sflag:s8], $0x0  }
0x24: {  	s3 =	sadd.s32 $0x88, s3;
	s6 =	simm.s32 @!p1 $0x1082;
	[sflag:s4] =	ssyncset.s32 $0xFFFFF086  }
0x25: {  	[simem:s6], [sflag:s4] =	dma.local [hbm:s3], $0xF7A  }
0x26: {  	[smem:$0x3F99] =	sst s1;
	(tag) =	ssettag s2;
	_ =	strace s9  }
0x27: {  	s1 =	sld [smem:$0x3FA9]  }
0x28: {  	s2 =	sld [smem:$0x3FAA]  }
0x29: {  	s4 =	sld [smem:$0x3FAC]  }
0x2a: {  	p0 =	seq.s32 s5, $0x0;
	s5 =	sld [smem:$0x3FAD]  }
0x2b: {  	s6 =	sld [smem:$0x3FAE]  }
0x2c: {  	s7 =	sld [smem:$0x3FAF]  }
0x2d: {  	s3 =	simm.s32 $0x108;
	s8 =	sld [smem:$0x3FB0]  }
0x2e: {  	s3 =	simm.s32 @!p0 $0x1082;
	s9 =	sld [smem:$0x3FB1]  }
0x2f: {  	lr =	sadd.s32 s0, s3;
	s0 =	sld [smem:$0x3FA8]  }
0x30: {  	s3 =	sld [smem:$0x3FAB]  }
0x31: {  	[smem:$0x3FB4] =	sst s10  }
0x32: {  	s10 =	sld [smem:$0x3FB2];
	_ =	sdelay $0x3  }
0x33: {  	p0 =	seq.s32 s10, $0x1;
	s10 =	sld [smem:$0x3FB4];
	_ =	sdelay $0x3  }
0x34: {  	[smem:$0x3FB4] =	sst s10  }
0x35: {  	s10 =	sld [smem:$0x3FB3];
	_ =	sdelay $0x3  }
0x36: {  	p1 =	seq.s32 s10, $0x1;
	s10 =	sld [smem:$0x3FB4];
	_ =	sdelay $0x3  }
0x37: {  	[smem:$0x3FB4] =	sst s10  }
0x38: {  	s10 =	sld [smem:$0x3FB5]  }
0x39: {  	_ = 	snop;
	(pc) =	sbr.ind lr, $3  }
0x3a: {  	_ = 	snop  }
0x3b: {  	_ = 	snop  }
0x3c: {  	p2 =	seq.s32 s10, $0x1;
	s10 =	sld [smem:$0x3FB4]  }
0x3d: {  	_ =	shalt  }
0x3e: {  	_ =	shalt  }
0x3f: {  	_ =	shalt  }
0x40: {  	_ =	shalt  }
0x41: {  	_ =	shalt  }
0x42: {  	_ =	shalt  }
0x43: {  	_ =	shalt  }
0x44: {  	_ =	shalt  }
0x45: {  	_ =	shalt  }
0x46: {  	_ =	shalt  }
0x47: {  	_ =	shalt  }
0x48: {  	_ =	shalt  }
0x49: {  	_ =	shalt  }
0x4a: {  	_ =	shalt  }
0x4b: {  	_ =	shalt  }
0x4c: {  	_ =	shalt  }
0x4d: {  	_ =	shalt  }
0x4e: {  	_ =	shalt  }
0x4f: {  	_ =	shalt  }
0x50: {  	_ =	shalt  }
0x51: {  	_ =	shalt  }
0x52: {  	_ =	shalt  }
0x53: {  	_ =	shalt  }
0x54: {  	_ =	shalt  }
0x55: {  	_ =	shalt  }
0x56: {  	_ =	shalt  }
0x57: {  	_ =	shalt  }
0x58: {  	_ =	shalt  }
0x59: {  	_ =	shalt  }
0x5a: {  	_ =	shalt  }
0x5b: {  	_ =	shalt  }
0x5c: {  	_ =	shalt  }
0x5d: {  	_ =	shalt  }
0x5e: {  	_ =	shalt  }
0x5f: {  	_ =	shalt  }
0x60: {  	_ =	shalt  }
0x61: {  	_ =	shalt  }
0x62: {  	_ =	shalt  }
0x63: {  	_ =	shalt  }
0x64: {  	_ =	shalt  }
0x65: {  	_ =	shalt  }
0x66: {  	_ =	shalt  }
0x67: {  	_ =	shalt  }
0x68: {  	_ =	shalt  }
0x69: {  	_ =	shalt  }
0x6a: {  	_ =	shalt  }
0x6b: {  	_ =	shalt  }
0x6c: {  	_ =	shalt  }
0x6d: {  	_ =	shalt  }
0x6e: {  	_ =	shalt  }
0x6f: {  	_ =	shalt  }
0x70: {  	_ =	shalt  }
0x71: {  	_ =	shalt  }
0x72: {  	_ =	shalt  }
0x73: {  	_ =	shalt  }
0x74: {  	_ =	shalt  }
0x75: {  	_ =	shalt  }
0x76: {  	_ =	shalt  }
0x77: {  	_ =	shalt  }
0x78: {  	_ =	shalt  }
0x79: {  	_ =	shalt  }
0x7a: {  	_ =	shalt  }
0x7b: {  	_ =	shalt  }
0x7c: {  	_ =	shalt  }
0x7d: {  	_ =	shalt  }
0x7e: {  	_ =	shalt  }
0x7f: {  	_ =	shalt  }
0x80: {  	_ =	shalt  }
0x81: {  	_ =	shalt  }
0x82: {  	_ =	shalt  }
0x83: {  	_ =	shalt  }
0x84: {  	_ =	shalt  }
0x85: {  	_ =	shalt  }
0x86: {  	_ =	shalt  }
0x87: {  	_ =	shalt  }
.Lfunc_end0:
.L_simem_size_0:
called_computation.1_lowered:
.L_overlay_start_0:
0x88: {  	s2 =	sld [smem:$0x3FD9]  }
0x89: {  	s3 =	sld [smem:$0x3FFE];
	_ =	sdelay $0x1  }
0x8a: {  	s1 =	srdreg.scid  }
0x8b: {  	s0 =	sand.u32 $0x1, s1  }
0x8c: {  	s17 =	sshll.u32 s0, $0xA;
	s2 =	sadd.s32 s3, s2  }
0x8d: {  	s2 =	sadd.s32 s2, s17  }
0x8e: {  	[smem:$0x3FC0] =	sst s2  }
0x8f: {  	_ = 	snop  }
0x90: {  	s2 =	sld [smem:$0x3FD0];
	(tm) =	ssettm $0x1  }
0x91: {  	s18 =	sld [smem:$0x3FFB];
	_ =	sdelay $0x3  }
0x92: {  	_ =	strace s18  }
0x93: {  	s3 =	sld [smem:$0x3FFC];
	_ =	sdelay $0x3  }
0x94: {  	_ =	strace s3  }
0x95: {  	s3 =	sld [smem:$0x3FFD];
	_ =	sdelay $0x3  }
0x96: {  	_ =	strace s3  }
0x97: {  	_ =	strace $0x8FFFFFFF  }
0x98: {  	s19 =	sld [smem:$0x3FDB];
	_ =	sdelay $0x1  }
0x99: {  	s4 =	simm.s32 $_scs_section_size  }
0x9a: {  	s5 =	simm.s32 $_size__tile_overlayer_lowered;
	s6 =	simm.s32 $_tile_overlayer_lowered  }
0x9b: {  	s22 =	simm.s32 $0x1BFF;
	s21 =	sshll.u32 s6, $0x1;
	s3 =	sadd.s32 s4, s19  }
0x9c: {  	s7 =	simm.s32 $0x0;
	s20 =	sshll.u32 s5, $0x1;
	s5 =	sadd.s32 s21, s3  }
0x9d: {  	[timem:s7], [sflag:s22] =	dma.local [hbm:s5], s20  }
0x9e: {  	_ =	swait.ge [sflag:s22], s20  }
0x9f: {  	s4 =	ssub.s32 $0x0, s20;
	[sflag:s22] =	ssyncset.done $0x0  }
0xa0: {  	[sflag:s22] =	ssyncadd.s32 s4;
	_ =	sdelay $0x1  }
0xa1: {  	s23 =	simm.s32 $0x1B8B  }
0xa2: {  	_ =	swait.ge [sflag:s23], $0x1  }
0xa3: {  	[sflag:s23] =	ssyncset.done $0x0  }
0xa4: {  	s25 =	simm.s32 $0x1B8E;
	s24 =	sld [smem:$0x3FFE];
	[sflag:s23] =	ssyncadd.s32 $0xFFFFFFFF  }
0xa5: {  	s26 =	simm.s32 $execute0_lowered;
	[smem:$0x3FD2] =	sst s25  }
0xa6: {  	s5 =	sshll.u32 s26, $0x1;
	_ =	strace $0x80000049;
	[dreg:$0x1] =	wrdreg $0xFFFFFFFF  }
0xa7: {  	s28 =	simm.s32 $_size_execute0_lowered;
	s3 =	sadd.s32 s3, s5;
	[dreg:$0x0] =	wrdreg $0x0  }
0xa8: {  	s5 =	sshll.u32 s28, $0x1;
	[dreg:$0x2] =	wrdreg s3  }
0xa9: {  	[dreg:$0x3] =	wrdreg s5  }
0xaa: {  	[dreg:$0x4] =	wrdreg $0xC0  }
0xab: {  	_ =	task [dreg:s7], $0x5FFFF  }
0xac: {  	[dreg:$0x1] =	wrdreg $0xFFFFFFFF  }
0xad: {  	[dreg:$0x0] =	wrdreg $0x60  }
0xae: {  	[dreg:$0x2] =	wrdreg s2  }
0xaf: {  	[dreg:$0x3] =	wrdreg s24  }
0xb0: {  	[dreg:$0x4] =	wrdreg $0x134000  }
0xb1: {  	[dreg:$0x5] =	wrdreg $0x1D2000  }
0xb2: {  	[dreg:$0x6] =	wrdreg $0x9  }
0xb3: {  	_ =	task.clear_ibuf [dreg:s7], $0x7FFFF;
	_ =	strace $0x90000049  }
0xb4: {  	s29 =	simm.s32 $0x9;
	_ =	strace $0x8000004B  }
0xb5: {  	_ =	swait.ge [sflag:s29], $0x1  }
0xb6: {  	[sflag:s29] =	ssyncadd.s32 $0xFFFFFFFF  }
0xb7: {  	_ =	strace $0x9000004B  }
0xb8: {  	_ =	sfence  }
0xb9: {  	s30 =	sld [smem:$0x0];
	_ =	sdelay $0x2  }
0xba: {  	s31 =	sshll.u32 s1, $0xD;
	s1 =	sshrl.u32 s1, $0x2  }
0xbb: {  	s3 =	sand.u32 $0x4000, s31;
	s1 =	sadd.s32 s1, s30  }
0xbc: {  	s0 =	sor.u32 s3, s0;
	s1 =	sshll.u32 s1, $0x11  }
0xbd: {  	s0 =	sor.u32 s1, s0  }
0xbe: {  	s0 =	sadd.s32 $0x8F2B, s0  }
0xbf: {  	[sflag:s0] =	ssyncadd.remote.s32 $0x1  }
0xc0: {  	_ =	sfence.sel $0xFFFF  }
0xc1: {  	[dreg:$0x0] =	wrdreg $0xFFFFFFFF;
	(pc) =	sbr.abs _section_cstart, $3  }
0xc2: {  	[dreg:$0x1] =	wrdreg $0xFFFFFFFF  }
0xc3: {  	_ =	task.clear_ibuf [dreg:s7], $0x2FFFF;
	_ =	strace $0x9FFFFFFF  }
0xc4: {  	(tm) =	ssettm $0x7FFFFFFF  }
0xc5: {  	_ =	shalt  }
tec
execute0_lowered:
.L_overlay_start_1:
0x0: {  	(tag) =	ssettag $0x1  }
0x1: {  	s0 =	rddreg [dreg:$0x0]  }
0x2: {  	s2 =	rddreg [dreg:$0x1]  }
0x3: {  	s1 =	rddreg [dreg:$0x2]  }
0x4: {  	s3 =	rddreg [dreg:$0x3];
	s12 =	stileid.u32  }
0x5: {  	s4 =	srdreg.scid;
	s7 =	smul.u32 $0x9E00, s12  }
0x6: {  	s23 =	simm.s32 $0x0;
	s28 =	simm.s32 $0xC400;
	s8 =	smul.u32 $0xA00, s12  }
0x7: {  	s30 =	simm.s32 $0xE400;
	s31 =	simm.s32 $0xA180;
	s9 =	smul.u32 $0x278, s12  }
0x8: {  	s29 =	simm.s32 $0x3;
	s5 =	sand.u32 $0x1, s4;
	s12 =	smul.u32 $0x27800, s12  }
0x9: {  	[smem:$0x7FF] =	sst s23;
	s4 =	sadd.s32 $0x1800, s2;
	s6 =	smul.u32 $0x9E000, s5  }
0xa: {  	_ =	strace $0x8000004A;
	s10 =	ssub.s32 $0x2, s5;
	p0 =	seq.s32 s5, $0x0  }
0xb: {  	s8 =	sadd.s32 s8, s2;
	s24 =	sshrl.u32 s10, $0x1;
	s11 =	sadd.s32 $0x200, s9  }
0xc: {  	s13 =	sadd.s32 s7, s1;
	s5 =	sshrl.u32 s12, $0x2;
	s16 =	sshrl.u32 s7, $0x2  }
0xd: {  	s17 =	sadd.s32 $0x80, s9;
	s21 =	sadd.s32 $0x100, s9;
	s23 =	sadd.s32 $0x180, s9  }
0xe: {  	s4 =	smov.u32 @p0 s0;
	s0 =	simm.s32 $0x10400;
	s6 =	sadd.s32 s7, s6  }
0xf: {  	s25 =	sadd.s32 $0x1F400, s8;
	s26 =	sshll.u32 s11, $0x6;
	s8 =	sadd.s32 $0x15400, s8  }
0x10: {  	s11 =	sshll.u32 s11, $0x4;
	s5 =	sadd.s32 s5, s1;
	s18 =	sadd.s32 s16, s3  }
0x11: {  	s19 =	sshll.u32 s17, $0x6;
	s20 =	sshll.u32 s17, $0x4;
	[dreg:$0x5] =	wrdreg s25  }
0x12: {  	s22 =	sshll.u32 s21, $0x6;
	s7 =	simm.s32 $0x0;
	[dreg:$0x6] =	wrdreg s8  }
0x13: {  	s6 =	sshrl.u32 s6, $0x3;
	s8 =	sadd.s32 s11, s3;
	[dreg:$0xb] =	wrdreg s5  }
0x14: {  	[dreg:$0xc] =	wrdreg s18;
	s5 =	sadd.s32 s19, s1;
	s14 =	sadd.s32 s20, s3  }
0x15: {  	s15 =	sadd.s32 s22, s1;
	s25 =	sshll.u32 s23, $0x6;
	s19 =	simm.s32 $0x5  }
0x16: {  	s22 =	simm.s32 $0x12C00;
	s20 =	simm.s32 $0x1;
	s2 =	sadd.s32 s6, s2  }
0x17: {  	s6 =	ssub.s32 s10, s24;
	s10 =	sadd.s32 s26, s1;
	[dreg:$0x8] =	wrdreg s8  }
0x18: {  	[dreg:$0xd] =	wrdreg s5;
	s24 =	sshll.u32 s21, $0x4;
	s17 =	sadd.s32 s25, s1  }
0x19: {  	s26 =	sshll.u32 s23, $0x4;
	s21 =	simm.s32 $0xA400;
	s23 =	simm.s32 $0x80  }
.Ltmp0:
0x1a: {  	s25 =	sshrl.u32 s13, $0x3;
	s5 =	simm.s32 $0x4;
	(pc) =	sbr.rel .LBB2_1-.Ltmp0, $4  }
0x1b: {  	[dreg:$0x7] =	wrdreg s10;
	s2 =	sadd.s32 $0x29400, s2;
	s6 =	smax.u32 s6, $0x1  }
0x1c: {  	s16 =	sadd.s32 s24, s3;
	s18 =	sadd.s32 s26, s3;
	s24 =	simm.s32 $0xA200  }
0x1d: {  	s26 =	simm.s32 $0xA280;
	s3 =	simm.s32 $0xA300;
	[dreg:$0x9] =	wrdreg s2  }
0x1e: {  	v0 =	vimm.f32 $0.0e+00;
	v1 =	vimm.f32 $1.000000000e+00;
	[dreg:$0xa] =	wrdreg s6;
	s2 =	simm.s32 $0x2;
	s6 =	simm.s32 $0xA380  }
.LBB2_6:
0x1f: {  	s8 =	stileid.u32  }
0x20: {  	[bflag:$0x0] =	sbarrier.arrive $0xFFFF;
	s8 =	sshll.u32 s8, $0x6  }
0x21: {  	s9 =	rddreg [dreg:$0x9];
	s8 =	sor.u32 $0x1C05, s8  }
0x22: {  	[hbm:s9], [sflag:s8] =	dma.local [spmem:s25], $0x13C0  }
0x23: {  	_ =	swait.ge [sflag:s19], $0x13C0  }
0x24: {  	s7 =	sadd.s32 $0x1, s7;
	s13 =	rddreg [dreg:$0xa]  }
0x25: {  	p0 =	sne.s32 s7, s13  }
.Ltmp1:
0x26: {  	_ = 	snop;
	(pc) =	sbr.rel @!p0 .LBB2_7-.Ltmp1, $3  }
0x27: {  	_ =	sdelay $0x1  }
0x28: {  	[sflag:s19] =	ssyncset.done $0x0  }
0x29: {  	[sflag:s19] =	ssyncadd.s32 $0xFFFFEC40  }
.LBB2_1:
0x2a: {  	s8 =	simm.s32 $0x0;
	s9 =	rddreg [dreg:$0x5]  }
0x2b: {  	[tilespmem:s8], [sflag:$0x5] =	stream.linear.gather [hbm4b:s9+s8], $0x5000, $0x38;
	[tilespmem:$0x1F980] =	vst v63  }
0x2c: {  	_ =	swait.ge [sflag:s19], $0x5000  }
0x2d: {  	[sflag:s19] =	ssyncset.done $0x0  }
0x2e: {  	s10 =	simm.s32 $0x5000;
	s13 =	rddreg [dreg:$0x6];
	[sflag:s19] =	ssyncadd.s32 $0xFFFFB000  }
0x2f: {  	[tilespmem:s10], [sflag:$0x5] =	stream.linear.gather [hbm4b:s13+s8], $0x5000, $0x38;
	[tilespmem:$0x1F980] =	vst v63  }
0x30: {  	_ =	swait.ge [sflag:s19], $0x5000  }
0x31: {  	[sflag:s19] =	ssyncset.done $0x0  }
0x32: {  	s8 =	simm.s32 $0xA420;
	[sflag:s19] =	ssyncadd.s32 $0xFFFFB000  }
0x33: {  	[tilespmem:s8+$0xFFFFFFE0] =	vst v0  }
0x34: {  	[tilespmem:s8+$0x10] =	vst v0  }
0x35: {  	[tilespmem:s8+$0x0] =	vst v0  }
0x36: {  	s9 =	simm.s32 $0x40;
	s10 =	simm.s32 $0x0;
	[tilespmem:s8+$0xFFFFFFF0] =	vst v0  }
.LBB2_2:
0x37: {  	p0 =	sne.s32 s9, $0x1FC0  }
0x38: {  	[tilespmem:s10+$0x12400] =	vst v1;
	s8 =	sadd.s32 $0x40, s8;
	s11 =	smov.u32 s9;
	s9 =	sadd.s32 $0x40, s9  }
.Ltmp2:
0x39: {  	[tilespmem:s10+$0x12C00] =	vst v0;
	(pc) =	sbr.rel @p0 .LBB2_2-.Ltmp2, $4  }
0x3a: {  	[tilespmem:s8+$0xFFFFFFE0] =	vst v0  }
0x3b: {  	[tilespmem:s8+$0x10] =	vst v0  }
0x3c: {  	[tilespmem:s8+$0x0] =	vst v0  }
0x3d: {  	s10 =	sshra.s32 s11, $0x2;
	[tilespmem:s8+$0xFFFFFFF0] =	vst v0  }
0x3e: {  	[tilespmem:s10+$0x12400] =	vst v1  }
0x3f: {  	[tilespmem:s10+$0x12C00] =	vst v0;
	s8 =	rddreg [dreg:$0xb]  }
0x40: {  	[spmem:s8] =	stream.linear.scatter [tilespmem:s21], [sflag:$0x5], $0x2000, $0x38;
	[tilespmem:$0x1F980] =	vst v63  }
0x41: {  	_ =	swait.ge [sflag:s19], $0x2000  }
0x42: {  	[sflag:s19] =	ssyncset.done $0x0  }
0x43: {  	s12 =	rddreg [dreg:$0xc];
	[sflag:s19] =	ssyncadd.s32 $0xFFFFE000  }
0x44: {  	[spmem:s12] =	stream.linear.scatter [tilespmem:s22], [sflag:$0x5], $0x800, $0x38;
	[tilespmem:$0x1F980] =	vst v63  }
0x45: {  	_ =	swait.ge [sflag:s19], $0x800  }
0x46: {  	[sflag:s19] =	ssyncset.done $0x0  }
0x47: {  	s13 =	rddreg [dreg:$0xd];
	[sflag:s19] =	ssyncadd.s32 $0xFFFFF800  }
0x48: {  	[spmem:s13] =	stream.linear.scatter [tilespmem:s21], [sflag:$0x5], $0x2000, $0x38;
	[tilespmem:$0x1F980] =	vst v63  }
0x49: {  	_ =	swait.ge [sflag:s19], $0x2000  }
0x4a: {  	[sflag:s19] =	ssyncset.done $0x0  }
0x4b: {  	[sflag:s19] =	ssyncadd.s32 $0xFFFFE000  }
0x4c: {  	[spmem:s14] =	stream.linear.scatter [tilespmem:s22], [sflag:$0x5], $0x800, $0x38;
	[tilespmem:$0x1F980] =	vst v63  }
0x4d: {  	_ =	swait.ge [sflag:s19], $0x800  }
0x4e: {  	[sflag:s19] =	ssyncset.done $0x0  }
0x4f: {  	[sflag:s19] =	ssyncadd.s32 $0xFFFFF800  }
0x50: {  	[spmem:s15] =	stream.linear.scatter [tilespmem:s21], [sflag:$0x5], $0x2000, $0x38;
	[tilespmem:$0x1F980] =	vst v63  }
0x51: {  	_ =	swait.ge [sflag:s19], $0x2000  }
0x52: {  	[sflag:s19] =	ssyncset.done $0x0  }
0x53: {  	[sflag:s19] =	ssyncadd.s32 $0xFFFFE000  }
0x54: {  	[spmem:s16] =	stream.linear.scatter [tilespmem:s22], [sflag:$0x5], $0x800, $0x38;
	[tilespmem:$0x1F980] =	vst v63  }
0x55: {  	_ =	swait.ge [sflag:s19], $0x800  }
0x56: {  	[sflag:s19] =	ssyncset.done $0x0  }
0x57: {  	[sflag:s19] =	ssyncadd.s32 $0xFFFFF800  }
0x58: {  	[spmem:s17] =	stream.linear.scatter [tilespmem:s21], [sflag:$0x5], $0x2000, $0x38;
	[tilespmem:$0x1F980] =	vst v63  }
0x59: {  	_ =	swait.ge [sflag:s19], $0x2000  }
0x5a: {  	[sflag:s19] =	ssyncset.done $0x0  }
0x5b: {  	[sflag:s19] =	ssyncadd.s32 $0xFFFFE000  }
0x5c: {  	[spmem:s18] =	stream.linear.scatter [tilespmem:s22], [sflag:$0x5], $0x800, $0x38;
	[tilespmem:$0x1F980] =	vst v63  }
0x5d: {  	_ =	swait.ge [sflag:s19], $0x800  }
0x5e: {  	[sflag:s19] =	ssyncset.done $0x0  }
0x5f: {  	s9 =	rddreg [dreg:$0x7];
	[sflag:s19] =	ssyncadd.s32 $0xFFFFF800  }
0x60: {  	[spmem:s9] =	stream.linear.scatter [tilespmem:s21], [sflag:$0x5], $0x1E00, $0x38;
	[tilespmem:$0x1F980] =	vst v63  }
0x61: {  	_ =	swait.ge [sflag:s19], $0x1E00  }
0x62: {  	[sflag:s19] =	ssyncset.done $0x0  }
0x63: {  	s10 =	rddreg [dreg:$0x8];
	[sflag:s19] =	ssyncadd.s32 $0xFFFFE200  }
0x64: {  	[spmem:s10] =	stream.linear.scatter [tilespmem:s22], [sflag:$0x5], $0x780, $0x38;
	[tilespmem:$0x1F980] =	vst v63  }
0x65: {  	_ =	swait.ge [sflag:s19], $0x780  }
0x66: {  	[sflag:s19] =	ssyncset.done $0x0  }
0x67: {  	[sflag:s19] =	ssyncadd.s32 $0xFFFFF880  }
0x68: {  	[bflag:$0x0] =	sbarrier.arrive $0xFFFF  }
0x69: {  	v2 =	vld [tilespmem:$0x0]  }
0x6a: {  	v3 =	vld [tilespmem:$0x10]  }
0x6b: {  	v4 =	vld [tilespmem:$0x20]  }
0x6c: {  	v5 =	vld [tilespmem:$0x30]  }
0x6d: {  	v6 =	vld [tilespmem:$0x40]  }
0x6e: {  	v51 =	vld [tilespmem:$0x70];
	[tilespmem:$0xA000] =	vst v2  }
0x6f: {  	v2 =	vld [tilespmem:$0x50];
	[tilespmem:$0xA010] =	vst v3  }
0x70: {  	v3 =	vld [tilespmem:$0x60];
	[tilespmem:$0xA020] =	vst v4  }
0x71: {  	[tilespmem:$0xA030] =	vst v5  }
0x72: {  	[tilespmem:$0xA040] =	vst v6  }
0x73: {  	[tilespmem:$0xA070] =	vst v51  }
0x74: {  	[tilespmem:$0xA050] =	vst v2  }
0x75: {  	s11 =	simm.s32 $0xA000;
	[tilespmem:$0xA060] =	vst v3  }
0x76: {  	[tilespmem:s21], [sflag:$0x1] =	stream.indirect.gather [hbm4b:s4+s23], $0x40, s11, s23, $0xb8;
	[tilespmem:$0x1F980] =	vst v63  }
0x77: {  	v2 =	vld [tilespmem:$0x80]  }
0x78: {  	v3 =	vld [tilespmem:$0x90]  }
0x79: {  	v52 =	vld [tilespmem:$0xA0]  }
0x7a: {  	v53 =	vld [tilespmem:$0xB0]  }
0x7b: {  	v54 =	vld [tilespmem:$0xC0]  }
0x7c: {  	v55 =	vld [tilespmem:$0xF0];
	[tilespmem:$0xA080] =	vst v2  }
0x7d: {  	v2 =	vld [tilespmem:$0xD0];
	[tilespmem:$0xA090] =	vst v3  }
0x7e: {  	v3 =	vld [tilespmem:$0xE0];
	[tilespmem:$0xA0A0] =	vst v52  }
0x7f: {  	[tilespmem:$0xA0B0] =	vst v53  }
0x80: {  	[tilespmem:$0xA0C0] =	vst v54  }
0x81: {  	[tilespmem:$0xA0F0] =	vst v55  }
0x82: {  	[tilespmem:$0xA0D0] =	vst v2  }
0x83: {  	s12 =	simm.s32 $0xA080;
	[tilespmem:$0xA0E0] =	vst v3  }
0x84: {  	[tilespmem:s28], [sflag:$0x2] =	stream.indirect.gather [hbm4b:s4+s23], $0x40, s12, s23, $0xb8;
	[tilespmem:$0x1F980] =	vst v63  }
0x85: {  	v2 =	vld [tilespmem:$0x100]  }
0x86: {  	v3 =	vld [tilespmem:$0x110]  }
0x87: {  	v56 =	vld [tilespmem:$0x120]  }
0x88: {  	v57 =	vld [tilespmem:$0x130]  }
0x89: {  	v58 =	vld [tilespmem:$0x140]  }
0x8a: {  	v59 =	vld [tilespmem:$0x170];
	[tilespmem:$0xA100] =	vst v2  }
0x8b: {  	v2 =	vld [tilespmem:$0x150];
	[tilespmem:$0xA110] =	vst v3  }
0x8c: {  	v3 =	vld [tilespmem:$0x160];
	[tilespmem:$0xA120] =	vst v56  }
0x8d: {  	[tilespmem:$0xA130] =	vst v57  }
0x8e: {  	[tilespmem:$0xA140] =	vst v58  }
0x8f: {  	[tilespmem:$0xA170] =	vst v59  }
0x90: {  	[tilespmem:$0xA150] =	vst v2  }
0x91: {  	s13 =	simm.s32 $0xA100;
	[tilespmem:$0xA160] =	vst v3  }
0x92: {  	[tilespmem:s30], [sflag:$0x3] =	stream.indirect.gather [hbm4b:s4+s23], $0x40, s13, s23, $0xb8;
	[tilespmem:$0x1F980] =	vst v63  }
0x93: {  	v2 =	vld [tilespmem:$0x180]  }
0x94: {  	v3 =	vld [tilespmem:$0x190]  }
0x95: {  	v60 =	vld [tilespmem:$0x1A0]  }
0x96: {  	v61 =	vld [tilespmem:$0x1B0]  }
0x97: {  	v62 =	vld [tilespmem:$0x1C0]  }
0x98: {  	v63 =	vld [tilespmem:$0x1F0];
	[tilespmem:$0xA180] =	vst v2  }
0x99: {  	v2 =	vld [tilespmem:$0x1D0];
	[tilespmem:$0xA190] =	vst v3  }
0x9a: {  	v3 =	vld [tilespmem:$0x1E0];
	[tilespmem:$0xA1A0] =	vst v60  }
0x9b: {  	[tilespmem:$0xA1B0] =	vst v61  }
0x9c: {  	[tilespmem:$0xA1C0] =	vst v62  }
0x9d: {  	[tilespmem:$0xA1F0] =	vst v63  }
0x9e: {  	[tilespmem:$0xA1D0] =	vst v2  }
0x9f: {  	s8 =	simm.s32 $0x0;
	[tilespmem:$0xA1E0] =	vst v3  }
0xa0: {  	[tilespmem:s0], [sflag:$0x4] =	stream.indirect.gather [hbm4b:s4+s23], $0x40, s31, s23, $0xb8;
	[tilespmem:$0x1F980] =	vst v63  }
.LBB2_4:
0xa1: {  	s9 =	sshra.s32 s8, $0x2  }
0xa2: {  	v2 =	vld [tilespmem:s9+$0x5000];
	_ =	sdelay $0x4  }
0xa3: {  	[tilespmem:$0xA200] =	vst v2  }
0xa4: {  	v2 =	vld [tilespmem:s9+$0x5010];
	_ =	sdelay $0x4  }
0xa5: {  	[tilespmem:$0xA210] =	vst v2  }
0xa6: {  	v2 =	vld [tilespmem:s9+$0x5020];
	_ =	sdelay $0x4  }
0xa7: {  	[tilespmem:$0xA220] =	vst v2  }
0xa8: {  	v2 =	vld [tilespmem:s9+$0x5030];
	_ =	sdelay $0x4  }
0xa9: {  	[tilespmem:$0xA230] =	vst v2  }
0xaa: {  	v2 =	vld [tilespmem:s9+$0x5040];
	_ =	sdelay $0x4  }
0xab: {  	[tilespmem:$0xA240] =	vst v2  }
0xac: {  	v2 =	vld [tilespmem:s9+$0x5050];
	_ =	sdelay $0x4  }
0xad: {  	[tilespmem:$0xA250] =	vst v2  }
0xae: {  	v2 =	vld [tilespmem:s9+$0x5060];
	_ =	sdelay $0x4  }
0xaf: {  	[tilespmem:$0xA260] =	vst v2  }
0xb0: {  	v2 =	vld [tilespmem:s9+$0x5070];
	_ =	sdelay $0x4  }
0xb1: {  	[tilespmem:$0xA270] =	vst v2  }
0xb2: {  	_ =	swait.ge [sflag:s20], $0x2000  }
0xb3: {  	[sflag:s20] =	ssyncset.done $0x0  }
0xb4: {  	[sflag:s20] =	ssyncadd.s32 $0xFFFFE000  }
0xb5: {  	[spmem:s1] =	stream.indirect.scatter.add.f32 [tilespmem:s21], [sflag:$0x5], $0x40, s24, s23, $0xb8;
	[tilespmem:$0x1F980] =	vst v63  }
0xb6: {  	_ =	swait.ge [sflag:s19], $0x2000  }
0xb7: {  	p0 =	seq.s32 s8, $0x13800;
	[sflag:s19] =	ssyncset.done $0x0  }
0xb8: {  	s10 =	sshra.s32 @!p0 s8, $0x2;
	[sflag:s19] =	ssyncadd.s32 $0xFFFFE000  }
0xb9: {  	v2 =	vld @!p0 [tilespmem:s10+$0x200];
	_ =	sdelay $0x4  }
0xba: {  	[tilespmem:$0xA000] =	vst @!p0 v2  }
0xbb: {  	v2 =	vld @!p0 [tilespmem:s10+$0x210];
	_ =	sdelay $0x4  }
0xbc: {  	[tilespmem:$0xA010] =	vst @!p0 v2  }
0xbd: {  	v2 =	vld @!p0 [tilespmem:s10+$0x220];
	_ =	sdelay $0x4  }
0xbe: {  	[tilespmem:$0xA020] =	vst @!p0 v2  }
0xbf: {  	v2 =	vld @!p0 [tilespmem:s10+$0x230];
	_ =	sdelay $0x4  }
0xc0: {  	[tilespmem:$0xA030] =	vst @!p0 v2  }
0xc1: {  	v2 =	vld @!p0 [tilespmem:s10+$0x240];
	_ =	sdelay $0x4  }
0xc2: {  	[tilespmem:$0xA040] =	vst @!p0 v2  }
0xc3: {  	v2 =	vld @!p0 [tilespmem:s10+$0x250];
	_ =	sdelay $0x4  }
0xc4: {  	[tilespmem:$0xA050] =	vst @!p0 v2  }
0xc5: {  	v2 =	vld @!p0 [tilespmem:s10+$0x260];
	_ =	sdelay $0x4  }
0xc6: {  	[tilespmem:$0xA060] =	vst @!p0 v2  }
0xc7: {  	v2 =	vld @!p0 [tilespmem:s10+$0x270];
	_ =	sdelay $0x4  }
0xc8: {  	s11 =	simm.s32 @!p0 $0x80;
	s12 =	simm.s32 @!p0 $0xA000;
	s13 =	simm.s32 @!p0 $0xA400;
	[tilespmem:$0xA070] =	vst @!p0 v2  }
0xc9: {  	[tilespmem:s13], [sflag:$0x1] =	stream.indirect.gather @!p0 [hbm4b:s4+s11], $0x40, s12, s11, $0xb8;
	[tilespmem:$0x1F980] =	vst v63  }
0xca: {  	v2 =	vld [tilespmem:s9+$0x5080];
	_ =	sdelay $0x4  }
0xcb: {  	[tilespmem:$0xA280] =	vst v2  }
0xcc: {  	v2 =	vld [tilespmem:s9+$0x5090];
	_ =	sdelay $0x4  }
0xcd: {  	[tilespmem:$0xA290] =	vst v2  }
0xce: {  	v2 =	vld [tilespmem:s9+$0x50A0];
	_ =	sdelay $0x4  }
0xcf: {  	[tilespmem:$0xA2A0] =	vst v2  }
0xd0: {  	v2 =	vld [tilespmem:s9+$0x50B0];
	_ =	sdelay $0x4  }
0xd1: {  	[tilespmem:$0xA2B0] =	vst v2  }
0xd2: {  	v2 =	vld [tilespmem:s9+$0x50C0];
	_ =	sdelay $0x4  }
0xd3: {  	[tilespmem:$0xA2C0] =	vst v2  }
0xd4: {  	v2 =	vld [tilespmem:s9+$0x50D0];
	_ =	sdelay $0x4  }
0xd5: {  	[tilespmem:$0xA2D0] =	vst v2  }
0xd6: {  	v2 =	vld [tilespmem:s9+$0x50E0];
	_ =	sdelay $0x4  }
0xd7: {  	[tilespmem:$0xA2E0] =	vst v2  }
0xd8: {  	v2 =	vld [tilespmem:s9+$0x50F0];
	_ =	sdelay $0x4  }
0xd9: {  	[tilespmem:$0xA2F0] =	vst v2  }
0xda: {  	_ =	swait.ge [sflag:s2], $0x2000  }
0xdb: {  	[sflag:s2] =	ssyncset.done $0x0  }
0xdc: {  	[sflag:s2] =	ssyncadd.s32 $0xFFFFE000  }
0xdd: {  	[spmem:s1] =	stream.indirect.scatter.add.f32 [tilespmem:s28], [sflag:$0x5], $0x40, s26, s23, $0xb8;
	[tilespmem:$0x1F980] =	vst v63  }
0xde: {  	_ =	swait.ge [sflag:s19], $0x2000  }
0xdf: {  	[sflag:s19] =	ssyncset.done $0x0  }
0xe0: {  	[sflag:s19] =	ssyncadd.s32 $0xFFFFE000  }
0xe1: {  	v2 =	vld @!p0 [tilespmem:s10+$0x280];
	_ =	sdelay $0x4  }
0xe2: {  	[tilespmem:$0xA080] =	vst @!p0 v2  }
0xe3: {  	v2 =	vld @!p0 [tilespmem:s10+$0x290];
	_ =	sdelay $0x4  }
0xe4: {  	[tilespmem:$0xA090] =	vst @!p0 v2  }
0xe5: {  	v2 =	vld @!p0 [tilespmem:s10+$0x2A0];
	_ =	sdelay $0x4  }
0xe6: {  	[tilespmem:$0xA0A0] =	vst @!p0 v2  }
0xe7: {  	v2 =	vld @!p0 [tilespmem:s10+$0x2B0];
	_ =	sdelay $0x4  }
0xe8: {  	[tilespmem:$0xA0B0] =	vst @!p0 v2  }
0xe9: {  	v2 =	vld @!p0 [tilespmem:s10+$0x2C0];
	_ =	sdelay $0x4  }
0xea: {  	[tilespmem:$0xA0C0] =	vst @!p0 v2  }
0xeb: {  	v2 =	vld @!p0 [tilespmem:s10+$0x2D0];
	_ =	sdelay $0x4  }
0xec: {  	[tilespmem:$0xA0D0] =	vst @!p0 v2  }
0xed: {  	v2 =	vld @!p0 [tilespmem:s10+$0x2E0];
	_ =	sdelay $0x4  }
0xee: {  	[tilespmem:$0xA0E0] =	vst @!p0 v2  }
0xef: {  	v2 =	vld @!p0 [tilespmem:s10+$0x2F0];
	_ =	sdelay $0x4  }
0xf0: {  	s12 =	simm.s32 @!p0 $0xA080;
	s13 =	simm.s32 @!p0 $0xC400;
	[tilespmem:$0xA0F0] =	vst @!p0 v2  }
0xf1: {  	[tilespmem:s13], [sflag:$0x2] =	stream.indirect.gather @!p0 [hbm4b:s4+s11], $0x40, s12, s11, $0xb8;
	[tilespmem:$0x1F980] =	vst v63  }
0xf2: {  	v2 =	vld [tilespmem:s9+$0x5100];
	_ =	sdelay $0x4  }
0xf3: {  	[tilespmem:$0xA300] =	vst v2  }
0xf4: {  	v2 =	vld [tilespmem:s9+$0x5110];
	_ =	sdelay $0x4  }
0xf5: {  	[tilespmem:$0xA310] =	vst v2  }
0xf6: {  	v2 =	vld [tilespmem:s9+$0x5120];
	_ =	sdelay $0x4  }
0xf7: {  	[tilespmem:$0xA320] =	vst v2  }
0xf8: {  	v2 =	vld [tilespmem:s9+$0x5130];
	_ =	sdelay $0x4  }
0xf9: {  	[tilespmem:$0xA330] =	vst v2  }
0xfa: {  	v2 =	vld [tilespmem:s9+$0x5140];
	_ =	sdelay $0x4  }
0xfb: {  	[tilespmem:$0xA340] =	vst v2  }
0xfc: {  	v2 =	vld [tilespmem:s9+$0x5150];
	_ =	sdelay $0x4  }
0xfd: {  	[tilespmem:$0xA350] =	vst v2  }
0xfe: {  	v2 =	vld [tilespmem:s9+$0x5160];
	_ =	sdelay $0x4  }
0xff: {  	[tilespmem:$0xA360] =	vst v2  }
0x100: {  	v2 =	vld [tilespmem:s9+$0x5170];
	_ =	sdelay $0x4  }
0x101: {  	[tilespmem:$0xA370] =	vst v2  }
0x102: {  	_ =	swait.ge [sflag:s29], $0x2000  }
0x103: {  	[sflag:s29] =	ssyncset.done $0x0  }
0x104: {  	[sflag:s29] =	ssyncadd.s32 $0xFFFFE000  }
0x105: {  	[spmem:s1] =	stream.indirect.scatter.add.f32 [tilespmem:s30], [sflag:$0x5], $0x40, s3, s23, $0xb8;
	[tilespmem:$0x1F980] =	vst v63  }
0x106: {  	_ =	swait.ge [sflag:s19], $0x2000  }
0x107: {  	[sflag:s19] =	ssyncset.done $0x0  }
0x108: {  	[sflag:s19] =	ssyncadd.s32 $0xFFFFE000  }
0x109: {  	v2 =	vld @!p0 [tilespmem:s10+$0x300];
	_ =	sdelay $0x4  }
0x10a: {  	[tilespmem:$0xA100] =	vst @!p0 v2  }
0x10b: {  	v2 =	vld @!p0 [tilespmem:s10+$0x310];
	_ =	sdelay $0x4  }
0x10c: {  	[tilespmem:$0xA110] =	vst @!p0 v2  }
0x10d: {  	v2 =	vld @!p0 [tilespmem:s10+$0x320];
	_ =	sdelay $0x4  }
0x10e: {  	[tilespmem:$0xA120] =	vst @!p0 v2  }
0x10f: {  	v2 =	vld @!p0 [tilespmem:s10+$0x330];
	_ =	sdelay $0x4  }
0x110: {  	[tilespmem:$0xA130] =	vst @!p0 v2  }
0x111: {  	v2 =	vld @!p0 [tilespmem:s10+$0x340];
	_ =	sdelay $0x4  }
0x112: {  	[tilespmem:$0xA140] =	vst @!p0 v2  }
0x113: {  	v2 =	vld @!p0 [tilespmem:s10+$0x350];
	_ =	sdelay $0x4  }
0x114: {  	[tilespmem:$0xA150] =	vst @!p0 v2  }
0x115: {  	v2 =	vld @!p0 [tilespmem:s10+$0x360];
	_ =	sdelay $0x4  }
0x116: {  	[tilespmem:$0xA160] =	vst @!p0 v2  }
0x117: {  	v2 =	vld @!p0 [tilespmem:s10+$0x370];
	_ =	sdelay $0x4  }
0x118: {  	s12 =	simm.s32 @!p0 $0xE400;
	s10 =	simm.s32 @!p0 $0xA100;
	[tilespmem:$0xA170] =	vst @!p0 v2  }
0x119: {  	[tilespmem:s12], [sflag:$0x3] =	stream.indirect.gather @!p0 [hbm4b:s4+s11], $0x40, s10, s11, $0xb8;
	[tilespmem:$0x1F980] =	vst v63  }
0x11a: {  	v2 =	vld [tilespmem:s9+$0x5180];
	_ =	sdelay $0x4  }
0x11b: {  	[tilespmem:$0xA380] =	vst v2  }
0x11c: {  	v2 =	vld [tilespmem:s9+$0x5190];
	_ =	sdelay $0x4  }
0x11d: {  	[tilespmem:$0xA390] =	vst v2  }
0x11e: {  	v2 =	vld [tilespmem:s9+$0x51A0];
	_ =	sdelay $0x4  }
0x11f: {  	[tilespmem:$0xA3A0] =	vst v2  }
0x120: {  	v2 =	vld [tilespmem:s9+$0x51B0];
	_ =	sdelay $0x4  }
0x121: {  	[tilespmem:$0xA3B0] =	vst v2  }
0x122: {  	v2 =	vld [tilespmem:s9+$0x51C0];
	_ =	sdelay $0x4  }
0x123: {  	[tilespmem:$0xA3C0] =	vst v2  }
0x124: {  	v2 =	vld [tilespmem:s9+$0x51D0];
	_ =	sdelay $0x4  }
0x125: {  	[tilespmem:$0xA3D0] =	vst v2  }
0x126: {  	v2 =	vld [tilespmem:s9+$0x51E0];
	_ =	sdelay $0x4  }
0x127: {  	[tilespmem:$0xA3E0] =	vst v2  }
0x128: {  	v2 =	vld [tilespmem:s9+$0x51F0];
	_ =	sdelay $0x4  }
0x129: {  	[tilespmem:$0xA3F0] =	vst v2  }
0x12a: {  	_ =	swait.ge [sflag:s5], $0x2000  }
0x12b: {  	[sflag:s5] =	ssyncset.done $0x0  }
.Ltmp3:
0x12c: {  	[sflag:s5] =	ssyncadd.s32 $0xFFFFE000;
	(pc) =	sbr.rel @p0 .LBB2_6-.Ltmp3, $4  }
0x12d: {  	[spmem:s1] =	stream.indirect.scatter.add.f32 [tilespmem:s0], [sflag:$0x5], $0x40, s6, s23, $0xb8;
	[tilespmem:$0x1F980] =	vst v63  }
0x12e: {  	_ =	swait.ge [sflag:s19], $0x2000  }
0x12f: {  	[sflag:s19] =	ssyncset.done $0x0  }
0x130: {  	[sflag:s19] =	ssyncadd.s32 $0xFFFFE000  }
0x131: {  	v2 =	vld [tilespmem:s9+$0x380];
	_ =	sdelay $0x4  }
0x132: {  	[tilespmem:$0xA180] =	vst v2  }
0x133: {  	v2 =	vld [tilespmem:s9+$0x390];
	_ =	sdelay $0x4  }
0x134: {  	[tilespmem:$0xA190] =	vst v2  }
0x135: {  	v2 =	vld [tilespmem:s9+$0x3A0];
	_ =	sdelay $0x4  }
0x136: {  	[tilespmem:$0xA1A0] =	vst v2  }
0x137: {  	v2 =	vld [tilespmem:s9+$0x3B0];
	_ =	sdelay $0x4  }
0x138: {  	[tilespmem:$0xA1B0] =	vst v2  }
0x139: {  	v2 =	vld [tilespmem:s9+$0x3C0];
	_ =	sdelay $0x4  }
0x13a: {  	[tilespmem:$0xA1C0] =	vst v2  }
0x13b: {  	v2 =	vld [tilespmem:s9+$0x3D0];
	_ =	sdelay $0x4  }
0x13c: {  	[tilespmem:$0xA1D0] =	vst v2  }
0x13d: {  	v2 =	vld [tilespmem:s9+$0x3E0];
	_ =	sdelay $0x4  }
0x13e: {  	[tilespmem:$0xA1E0] =	vst v2  }
0x13f: {  	v2 =	vld [tilespmem:s9+$0x3F0];
	_ =	sdelay $0x1  }
.Ltmp4:
0x140: {  	_ = 	snop;
	(pc) =	sbr.rel .LBB2_4-.Ltmp4, $3  }
0x141: {  	_ =	sdelay $0x1  }
0x142: {  	s8 =	sadd.s32 $0x800, s8;
	[tilespmem:$0xA1F0] =	vst v2  }
0x143: {  	[tilespmem:s0], [sflag:$0x4] =	stream.indirect.gather [hbm4b:s4+s23], $0x40, s31, s23, $0xb8;
	[tilespmem:$0x1F980] =	vst v63  }
.LBB2_7:
0x144: {  	_ =	sfence.sel $0x180000  }
0x145: {  	[bflag:$0x0] =	sbarrier.arrive $0xFFFF  }
0x146: {  	_ =	strace $0x9000004A  }
0x147: {  	s0 =	stileid.u32;
	[bflag:$0x2] =	sbarrier.arrive $0xFFFF  }
0x148: {  	p0 =	sne.s32 s0, $0x0;
	s0 =	rddreg [dreg:$0x4]  }
0x149: {  	s0 =	sadd.s32 @!p0 $0x100000, s0  }
0x14a: {  	[sflag:s0] =	ssyncadd.tile.s32 @!p0 $0x1;
	_ =	shalt  }
.Lfunc_end2:
_tile_overlayer_lowered:
.L_overlay_start_2:
0x14b: {  	(tag) =	ssettag $0x2  }
0x14c: {  	s0 =	rddreg [dreg:$0x0];
	s2 =	stileid.u32  }
0x14d: {  	s1 =	rddreg [dreg:$0x1];
	p0 =	sne.s32 s2, $0x0  }
0x14e: {  	s3 =	rddreg [dreg:$0x2];
	[bflag:$0x3] =	sbarrier.arrive $0xFFFF;
	s2 =	simm.s32 @!p0 $0x1C05  }
0x14f: {  	[timem:s3], [sflag:s2] =	dma.local @!p0 [hbm:s0], s1  }
0x150: {  	s0 =	simm.s32 @!p0 $0x5  }
0x151: {  	_ =	swait.ge @!p0 [sflag:s0], s1  }
0x152: {  	s1 =	ssub.s32 @!p0 $0x0, s1;
	[sflag:s0] =	ssyncset.done @!p0 $0x0  }
0x153: {  	[sflag:s0] =	ssyncadd.s32 @!p0 s1  }
0x154: {  	[bflag:$0x3] =	sbarrier.arrive $0xFFFF  }
0x155: {  	_ =	shalt  }

</sc_bundles>
